<compile_context>
chip_gen: v7x
topology: tpu7x:2x2x1
jax: 0.10.2.dev20260603
libtpu: 0.0.44.dev20260713+nightly
codegen_flags: <defaults>
</compile_context>

<pallas_src>
import functools

import jax
import jax.numpy as jnp
from jax import lax
from jax.experimental import pallas as pl
from jax.experimental.pallas import tpu as pltpu
from jax.experimental.pallas import tpu_sc as plsc

VOCAB = 1000000
EMBED = 64
B = 16384
L = 50
HID = 50
NCLS = 2

NC = 2
NS = 16
NW = NC * NS
ROWS_W = B // NW
NV = EMBED // 16
NBUF = 4


def _sc_body(text_hbm, table_hbm, out_hbm, idx_v, bufs, out_v, sems):
    wid = lax.axis_index("s") * NC + lax.axis_index("c")
    pltpu.sync_copy(text_hbm.at[pl.ds(wid * ROWS_W, ROWS_W)], idx_v)

    def accumulate(buf, b):
        accs = [buf[0, pl.ds(k * 16, 16)] for k in range(NV)]
        for l in range(1, L):
            for k in range(NV):
                accs[k] = accs[k] + buf[l, pl.ds(k * 16, 16)]
        for k in range(NV):
            out_v[b, pl.ds(k * 16, 16)] = accs[k] * (1.0 / L)

    for j in range(NBUF):
        pltpu.async_copy(table_hbm.at[idx_v.at[j]], bufs[j], sems[j])

    def body(gp, _):
        for j in range(NBUF):
            b = gp * NBUF + j
            pltpu.make_async_copy(table_hbm.at[idx_v.at[b]], bufs[j], sems[j]).wait()
            accumulate(bufs[j], b)
            nxt = b + NBUF

            @pl.when(nxt < ROWS_W)
            def _():
                pltpu.async_copy(table_hbm.at[idx_v.at[nxt]], bufs[j], sems[j])

        return 0

    lax.fori_loop(0, ROWS_W // NBUF, body, 0)

    pltpu.sync_copy(out_v, out_hbm.at[pl.ds(wid * ROWS_W, ROWS_W)])


def _sc_pool(text, table):
    mesh = plsc.VectorSubcoreMesh(core_axis_name="c", subcore_axis_name="s")
    return pl.kernel(
        _sc_body,
        out_type=jax.ShapeDtypeStruct((B, EMBED), jnp.float32),
        mesh=mesh,
        scratch_types=[
            pltpu.VMEM((ROWS_W, L), jnp.int32),
            [pltpu.VMEM((L, EMBED), jnp.float32) for _ in range(NBUF)],
            pltpu.VMEM((ROWS_W, EMBED), jnp.float32),
            [pltpu.SemaphoreType.DMA for _ in range(NBUF)],
        ],
        compiler_params=pltpu.CompilerParams(use_tc_tiling_on_sc=False),
    )(text, table)


def _mlp_body(pooled_ref, len_ref, w1t_ref, b1_ref, w2t_ref, b2_ref, out_ref):
    feat = jnp.concatenate([pooled_ref[...], len_ref[...]], axis=1)
    h = jnp.dot(feat, w1t_ref[...], preferred_element_type=jnp.float32)
    h = jnp.maximum(h + b1_ref[...], 0.0)
    out_ref[...] = jnp.dot(h, w2t_ref[...], preferred_element_type=jnp.float32) + b2_ref[...]


def _mlp(pooled, len_col, w1t, b1r, w2t, b2r):
    return pl.pallas_call(
        _mlp_body,
        out_shape=jax.ShapeDtypeStruct((B, NCLS), jnp.float32),
    )(pooled, len_col, w1t, b1r, w2t, b2r)


def kernel(text, text_len, table, W1, b1, W2, b2):
    pooled = _sc_pool(text, table)

    len_col = text_len.astype(jnp.float32).reshape(B, 1)
    out = _mlp(pooled, len_col, W1.T, b1.reshape(1, HID), W2.T, b2.reshape(1, NCLS))
    return out

# --- scband reference (transcript-rebuilt; emitter-appended) ---
"""Pipeline reference for scband-density-ratio-model-13786845020358 (READ-ONLY COPY).

The authoritative reference and input builder live on the scoring server;
editing this copy changes nothing except your own understanding.
"""

import jax, jax.numpy as jnp
import numpy as np

VOCAB = 1000000
EMBED = 64
B = 16384
L = 50
HID = 50
NCLS = 2


def setup_inputs(seed: int = 0) -> dict:
    key = jax.random.key(seed)
    ks = jax.random.split(key, 7)
    text = jax.random.randint(ks[0], (B, L), 0, VOCAB, dtype=jnp.int64 if jax.config.jax_enable_x64 else jnp.int32).astype(jnp.int32)
    text_len = jax.random.randint(ks[1], (B,), 0, L).astype(jnp.int32)
    table = jax.random.normal(ks[2], (VOCAB, EMBED), dtype=jnp.float32) * 0.02
    W1 = jax.random.normal(ks[3], (HID, EMBED + 1), dtype=jnp.float32) * (1.0 / np.sqrt(EMBED + 1))
    b1 = jnp.zeros((HID,), dtype=jnp.float32)
    W2 = jax.random.normal(ks[4], (NCLS, HID), dtype=jnp.float32) * (1.0 / np.sqrt(HID))
    b2 = jnp.zeros((NCLS,), dtype=jnp.float32)
    return {"text": text, "text_len": text_len, "table": table, "W1": W1, "b1": b1, "W2": W2, "b2": b2}


def reference(text, text_len, table, W1, b1, W2, b2):
    # nn.EmbeddingBag with 2D input: mean pooling over dim 1 (default mode='mean')
    emb = jnp.take(table, text, axis=0)          # [B, L, EMBED] gather
    emb = jnp.mean(emb, axis=1)                  # [B, EMBED] bag-mean
    emb = emb[:, :EMBED]                         # slice to embed_dim (no-op here, faithful)
    len_col = text_len.reshape((text_len.shape[0], 1)).astype(jnp.float32)
    feat = jnp.concatenate([emb, len_col], axis=1)   # [B, EMBED+1]
    hidden = jax.nn.relu(feat @ W1.T + b1)            # fc1 + relu
    out = hidden @ W2.T + b2                          # fc2
    return out

if __name__ == "__main__":
    import jax
    _d = setup_inputs()
    print(jax.jit(kernel)(*tuple(_d.values())))

</pallas_src>

<mosaic_0001>
#map = affine_map<(d0, d1) -> (0, 0)>
module attributes {stable_mosaic.version = 14 : i64} {
  func.func @_sc_body(%arg0: i32, %arg1: i32, %arg2: memref<16384x50xi32, #tpu.memory_space<hbm>>, %arg3: memref<1000000x64xf32, #tpu.memory_space<hbm>>, %arg4: memref<16384x64xf32, #tpu.memory_space<hbm>>, %arg5: memref<512x50xi32, #tpu.memory_space<vmem>>, %arg6: memref<50x64xf32, #tpu.memory_space<vmem>>, %arg7: memref<50x64xf32, #tpu.memory_space<vmem>>, %arg8: memref<50x64xf32, #tpu.memory_space<vmem>>, %arg9: memref<50x64xf32, #tpu.memory_space<vmem>>, %arg10: memref<512x64xf32, #tpu.memory_space<vmem>>, %arg11: memref<!tpu.dma_semaphore, #tpu.memory_space<semaphore_mem>>, %arg12: memref<!tpu.dma_semaphore, #tpu.memory_space<semaphore_mem>>, %arg13: memref<!tpu.dma_semaphore, #tpu.memory_space<semaphore_mem>>, %arg14: memref<!tpu.dma_semaphore, #tpu.memory_space<semaphore_mem>>) attributes {dimension_semantics = [#tpu.dimension_semantics<core_parallel>, #tpu.dimension_semantics<subcore_parallel>], iteration_bounds = array<i64: 2, 16>, scalar_prefetch = 0 : i64, scratch_operands = 10 : i64, tpu.core_type = #tpu.core_type<sc_vector_subcore>, window_params = [{transform_indices = #map}, {transform_indices = #map}, {transform_indices = #map}]} {
    %mul3A = arith.constant 2 : i32
    %mul3A_0 = arith.muli %arg1, %mul3A : i32
    %add3A = arith.addi %mul3A_0, %arg0 : i32
    %mul3A_1 = arith.constant 512 : i32
    %mul3A_2 = arith.muli %add3A, %mul3A_1 : i32
    "tpu.region"() ({
      %run_scoped3A = tpu.sem_alloc : memref<!tpu.dma_semaphore, #tpu.memory_space<semaphore_mem>>
      %dma_start3A_38 = arith.constant 0 : i32
      %dma_start3A_39 = tpu.memref_slice %arg2[%mul3A_2, %dma_start3A_38] : memref<16384x50xi32, #tpu.memory_space<hbm>> -> memref<512x50xi32, #tpu.memory_space<hbm>>
      %dma_start3A_40 = arith.constant 0 : i32
      %dma_start3A_41 = tpu.memref_slice %arg2[%mul3A_2, %dma_start3A_40] : memref<16384x50xi32, #tpu.memory_space<hbm>> -> memref<512x50xi32, #tpu.memory_space<hbm>>
      tpu.enqueue_dma source(%dma_start3A_41 : memref<512x50xi32, #tpu.memory_space<hbm>>) target(%arg5 : memref<512x50xi32, #tpu.memory_space<vmem>>) target_semaphore(%run_scoped3A : memref<!tpu.dma_semaphore, #tpu.memory_space<semaphore_mem>>)
      %dma_wait3A = arith.constant 0 : i32
      %dma_wait3A_42 = tpu.memref_slice %arg2[%mul3A_2, %dma_wait3A] : memref<16384x50xi32, #tpu.memory_space<hbm>> -> memref<512x50xi32, #tpu.memory_space<hbm>>
      %dma_wait3A_43 = arith.constant 0 : i32
      %dma_wait3A_44 = tpu.memref_slice %arg2[%mul3A_2, %dma_wait3A_43] : memref<16384x50xi32, #tpu.memory_space<hbm>> -> memref<512x50xi32, #tpu.memory_space<hbm>>
      tpu.wait_dma2 semaphore(%run_scoped3A : memref<!tpu.dma_semaphore, #tpu.memory_space<semaphore_mem>>) src(%dma_wait3A_44 : memref<512x50xi32, #tpu.memory_space<hbm>>) dst(%arg5 : memref<512x50xi32, #tpu.memory_space<vmem>>)
      tpu.yield
    }) : () -> ()
    %dma_start3A = arith.constant 0 : i32
    %dma_start3A_3 = arith.constant 0 : i32
    %dma_start3A_4 = tpu.memref_slice %arg5[%dma_start3A, %dma_start3A_3] : memref<512x50xi32, #tpu.memory_space<vmem>> -> memref<1x50xi32, #tpu.memory_space<vmem>>
    %dma_start3A_5 = tpu.memref_squeeze %dma_start3A_4 : memref<1x50xi32, #tpu.memory_space<vmem>> -> memref<50xi32, #tpu.memory_space<vmem>>
    %dma_start3A_6 = arith.constant 0 : i32
    %dma_start3A_7 = arith.constant 0 : i32
    %dma_start3A_8 = tpu.memref_slice %arg3[%dma_start3A_6, %dma_start3A_7] : memref<1000000x64xf32, #tpu.memory_space<hbm>> -> memref<1000000x64xf32, #tpu.memory_space<hbm>>
    tpu.enqueue_indirect_dma source(%dma_start3A_8 : memref<1000000x64xf32, #tpu.memory_space<hbm>>) target(%arg6 : memref<50x64xf32, #tpu.memory_space<vmem>>) offsets(%dma_start3A_5 : memref<50xi32, #tpu.memory_space<vmem>>) semaphore(%arg11 : memref<!tpu.dma_semaphore, #tpu.memory_space<semaphore_mem>>)
    %dma_start3A_9 = arith.constant 1 : i32
    %dma_start3A_10 = arith.constant 0 : i32
    %dma_start3A_11 = tpu.memref_slice %arg5[%dma_start3A_9, %dma_start3A_10] : memref<512x50xi32, #tpu.memory_space<vmem>> -> memref<1x50xi32, #tpu.memory_space<vmem>>
    %dma_start3A_12 = tpu.memref_squeeze %dma_start3A_11 : memref<1x50xi32, #tpu.memory_space<vmem>> -> memref<50xi32, #tpu.memory_space<vmem>>
    %dma_start3A_13 = arith.constant 0 : i32
    %dma_start3A_14 = arith.constant 0 : i32
    %dma_start3A_15 = tpu.memref_slice %arg3[%dma_start3A_13, %dma_start3A_14] : memref<1000000x64xf32, #tpu.memory_space<hbm>> -> memref<1000000x64xf32, #tpu.memory_space<hbm>>
    tpu.enqueue_indirect_dma source(%dma_start3A_15 : memref<1000000x64xf32, #tpu.memory_space<hbm>>) target(%arg7 : memref<50x64xf32, #tpu.memory_space<vmem>>) offsets(%dma_start3A_12 : memref<50xi32, #tpu.memory_space<vmem>>) semaphore(%arg12 : memref<!tpu.dma_semaphore, #tpu.memory_space<semaphore_mem>>)
    %dma_start3A_16 = arith.constant 2 : i32
    %dma_start3A_17 = arith.constant 0 : i32
    %dma_start3A_18 = tpu.memref_slice %arg5[%dma_start3A_16, %dma_start3A_17] : memref<512x50xi32, #tpu.memory_space<vmem>> -> memref<1x50xi32, #tpu.memory_space<vmem>>
    %dma_start3A_19 = tpu.memref_squeeze %dma_start3A_18 : memref<1x50xi32, #tpu.memory_space<vmem>> -> memref<50xi32, #tpu.memory_space<vmem>>
    %dma_start3A_20 = arith.constant 0 : i32
    %dma_start3A_21 = arith.constant 0 : i32
    %dma_start3A_22 = tpu.memref_slice %arg3[%dma_start3A_20, %dma_start3A_21] : memref<1000000x64xf32, #tpu.memory_space<hbm>> -> memref<1000000x64xf32, #tpu.memory_space<hbm>>
    tpu.enqueue_indirect_dma source(%dma_start3A_22 : memref<1000000x64xf32, #tpu.memory_space<hbm>>) target(%arg8 : memref<50x64xf32, #tpu.memory_space<vmem>>) offsets(%dma_start3A_19 : memref<50xi32, #tpu.memory_space<vmem>>) semaphore(%arg13 : memref<!tpu.dma_semaphore, #tpu.memory_space<semaphore_mem>>)
    %dma_start3A_23 = arith.constant 3 : i32
    %dma_start3A_24 = arith.constant 0 : i32
    %dma_start3A_25 = tpu.memref_slice %arg5[%dma_start3A_23, %dma_start3A_24] : memref<512x50xi32, #tpu.memory_space<vmem>> -> memref<1x50xi32, #tpu.memory_space<vmem>>
    %dma_start3A_26 = tpu.memref_squeeze %dma_start3A_25 : memref<1x50xi32, #tpu.memory_space<vmem>> -> memref<50xi32, #tpu.memory_space<vmem>>
    %dma_start3A_27 = arith.constant 0 : i32
    %dma_start3A_28 = arith.constant 0 : i32
    %dma_start3A_29 = tpu.memref_slice %arg3[%dma_start3A_27, %dma_start3A_28] : memref<1000000x64xf32, #tpu.memory_space<hbm>> -> memref<1000000x64xf32, #tpu.memory_space<hbm>>
    tpu.enqueue_indirect_dma source(%dma_start3A_29 : memref<1000000x64xf32, #tpu.memory_space<hbm>>) target(%arg9 : memref<50x64xf32, #tpu.memory_space<vmem>>) offsets(%dma_start3A_26 : memref<50xi32, #tpu.memory_space<vmem>>) semaphore(%arg14 : memref<!tpu.dma_semaphore, #tpu.memory_space<semaphore_mem>>)
    %scan3A = arith.constant 0 : i32
    %scan3A_30 = arith.constant 0 : i32
    %scan3A_31 = arith.constant 128 : i32
    %scan3A_32 = arith.addi %scan3A_30, %scan3A_31 : i32
    %scan3A_33 = arith.constant 1 : i32
    %scan3A_34 = scf.for %scan3A_38 = %scan3A_30 to %scan3A_32 step %scan3A_33 iter_args(%scan3A_39 = %scan3A) -> (i32)  : i32 {
      %mul3A_40 = arith.constant 4 : i32
      %mul3A_41 = arith.muli %scan3A_38, %mul3A_40 : i32
      %add3A_42 = arith.constant 0 : i32
      %add3A_43 = arith.addi %mul3A_41, %add3A_42 : i32
      %dma_wait3A = arith.constant 0 : i32
      %dma_wait3A_44 = tpu.memref_slice %arg5[%add3A_43, %dma_wait3A] : memref<512x50xi32, #tpu.memory_space<vmem>> -> memref<1x50xi32, #tpu.memory_space<vmem>>
      %dma_wait3A_45 = tpu.memref_squeeze %dma_wait3A_44 : memref<1x50xi32, #tpu.memory_space<vmem>> -> memref<50xi32, #tpu.memory_space<vmem>>
      %dma_wait3A_46 = arith.constant 0 : i32
      %dma_wait3A_47 = arith.constant 0 : i32
      %dma_wait3A_48 = tpu.memref_slice %arg3[%dma_wait3A_46, %dma_wait3A_47] : memref<1000000x64xf32, #tpu.memory_space<hbm>> -> memref<1000000x64xf32, #tpu.memory_space<hbm>>
      tpu.wait_indirect_dma semaphore(%arg11 : memref<!tpu.dma_semaphore, #tpu.memory_space<semaphore_mem>>) src(%dma_wait3A_48 : memref<1000000x64xf32, #tpu.memory_space<hbm>>) dst(%arg6 : memref<50x64xf32, #tpu.memory_space<vmem>>)
      %get3A = arith.constant 0 : i32
      %get3A_49 = arith.index_cast %get3A : i32 to index
      %get3A_50 = arith.constant 0 : index
      %get3A_51 = tpu.vector_load %arg6[%get3A_49, %get3A_50] {strides = array<i32>} : memref<50x64xf32, #tpu.memory_space<vmem>>, vector<1x16xf32>,
      %get3A_52 = vector.shape_cast %get3A_51 : vector<1x16xf32> to vector<16xf32>
      %get3A_53 = arith.constant 0 : i32
      %get3A_54 = arith.index_cast %get3A_53 : i32 to index
      %get3A_55 = arith.constant 16 : index
      %get3A_56 = tpu.vector_load %arg6[%get3A_54, %get3A_55] {strides = array<i32>} : memref<50x64xf32, #tpu.memory_space<vmem>>, vector<1x16xf32>,
      %get3A_57 = vector.shape_cast %get3A_56 : vector<1x16xf32> to vector<16xf32>
      %get3A_58 = arith.constant 0 : i32
      %get3A_59 = arith.index_cast %get3A_58 : i32 to index
      %get3A_60 = arith.constant 32 : index
      %get3A_61 = tpu.vector_load %arg6[%get3A_59, %get3A_60] {strides = array<i32>} : memref<50x64xf32, #tpu.memory_space<vmem>>, vector<1x16xf32>,
      %get3A_62 = vector.shape_cast %get3A_61 : vector<1x16xf32> to vector<16xf32>
      %get3A_63 = arith.constant 0 : i32
      %get3A_64 = arith.index_cast %get3A_63 : i32 to index
      %get3A_65 = arith.constant 48 : index
      %get3A_66 = tpu.vector_load %arg6[%get3A_64, %get3A_65] {strides = array<i32>} : memref<50x64xf32, #tpu.memory_space<vmem>>, vector<1x16xf32>,
      %get3A_67 = vector.shape_cast %get3A_66 : vector<1x16xf32> to vector<16xf32>
      %get3A_68 = arith.constant 1 : i32
      %get3A_69 = arith.index_cast %get3A_68 : i32 to index
      %get3A_70 = arith.constant 0 : index
      %get3A_71 = tpu.vector_load %arg6[%get3A_69, %get3A_70] {strides = array<i32>} : memref<50x64xf32, #tpu.memory_space<vmem>>, vector<1x16xf32>,
      %get3A_72 = vector.shape_cast %get3A_71 : vector<1x16xf32> to vector<16xf32>
      %add3A_73 = arith.addf %get3A_52, %get3A_72 : vector<16xf32>
      %get3A_74 = arith.constant 1 : i32
      %get3A_75 = arith.index_cast %get3A_74 : i32 to index
      %get3A_76 = arith.constant 16 : index
      %get3A_77 = tpu.vector_load %arg6[%get3A_75, %get3A_76] {strides = array<i32>} : memref<50x64xf32, #tpu.memory_space<vmem>>, vector<1x16xf32>,
      %get3A_78 = vector.shape_cast %get3A_77 : vector<1x16xf32> to vector<16xf32>
      %add3A_79 = arith.addf %get3A_57, %get3A_78 : vector<16xf32>
      %get3A_80 = arith.constant 1 : i32
      %get3A_81 = arith.index_cast %get3A_80 : i32 to index
      %get3A_82 = arith.constant 32 : index
      %get3A_83 = tpu.vector_load %arg6[%get3A_81, %get3A_82] {strides = array<i32>} : memref<50x64xf32, #tpu.memory_space<vmem>>, vector<1x16xf32>,
      %get3A_84 = vector.shape_cast %get3A_83 : vector<1x16xf32> to vector<16xf32>
      %add3A_85 = arith.addf %get3A_62, %get3A_84 : vector<16xf32>
      %get3A_86 = arith.constant 1 : i32
      %get3A_87 = arith.index_cast %get3A_86 : i32 to index
      %get3A_88 = arith.constant 48 : index
      %get3A_89 = tpu.vector_load %arg6[%get3A_87, %get3A_88] {strides = array<i32>} : memref<50x64xf32, #tpu.memory_space<vmem>>, vector<1x16xf32>,
      %get3A_90 = vector.shape_cast %get3A_89 : vector<1x16xf32> to vector<16xf32>
      %add3A_91 = arith.addf %get3A_67, %get3A_90 : vector<16xf32>
      %get3A_92 = arith.constant 2 : i32
      %get3A_93 = arith.index_cast %get3A_92 : i32 to index
      %get3A_94 = arith.constant 0 : index
      %get3A_95 = tpu.vector_load %arg6[%get3A_93, %get3A_94] {strides = array<i32>} : memref<50x64xf32, #tpu.memory_space<vmem>>, vector<1x16xf32>,
      %get3A_96 = vector.shape_cast %get3A_95 : vector<1x16xf32> to vector<16xf32>
      %add3A_97 = arith.addf %add3A_73, %get3A_96 : vector<16xf32>
      %get3A_98 = arith.constant 2 : i32
      %get3A_99 = arith.index_cast %get3A_98 : i32 to index
      %get3A_100 = arith.constant 16 : index
      %get3A_101 = tpu.vector_load %arg6[%get3A_99, %get3A_100] {strides = array<i32>} : memref<50x64xf32, #tpu.memory_space<vmem>>, vector<1x16xf32>,
      %get3A_102 = vector.shape_cast %get3A_101 : vector<1x16xf32> to vector<16xf32>
      %add3A_103 = arith.addf %add3A_79, %get3A_102 : vector<16xf32>
      %get3A_104 = arith.constant 2 : i32
      %get3A_105 = arith.index_cast %get3A_104 : i32 to index
      %get3A_106 = arith.constant 32 : index
      %get3A_107 = tpu.vector_load %arg6[%get3A_105, %get3A_106] {strides = array<i32>} : memref<50x64xf32, #tpu.memory_space<vmem>>, vector<1x16xf32>,
      %get3A_108 = vector.shape_cast %get3A_107 : vector<1x16xf32> to vector<16xf32>
      %add3A_109 = arith.addf %add3A_85, %get3A_108 : vector<16xf32>
      %get3A_110 = arith.constant 2 : i32
      %get3A_111 = arith.index_cast %get3A_110 : i32 to index
      %get3A_112 = arith.constant 48 : index
      %get3A_113 = tpu.vector_load %arg6[%get3A_111, %get3A_112] {strides = array<i32>} : memref<50x64xf32, #tpu.memory_space<vmem>>, vector<1x16xf32>,
      %get3A_114 = vector.shape_cast %get3A_113 : vector<1x16xf32> to vector<16xf32>
      %add3A_115 = arith.addf %add3A_91, %get3A_114 : vector<16xf32>
      %get3A_116 = arith.constant 3 : i32
      %get3A_117 = arith.index_cast %get3A_116 : i32 to index
      %get3A_118 = arith.constant 0 : index
      %get3A_119 = tpu.vector_load %arg6[%get3A_117, %get3A_118] {strides = array<i32>} : memref<50x64xf32, #tpu.memory_space<vmem>>, vector<1x16xf32>,
      %get3A_120 = vector.shape_cast %get3A_119 : vector<1x16xf32> to vector<16xf32>
      %add3A_121 = arith.addf %add3A_97, %get3A_120 : vector<16xf32>
      %get3A_122 = arith.constant 3 : i32
      %get3A_123 = arith.index_cast %get3A_122 : i32 to index
      %get3A_124 = arith.constant 16 : index
      %get3A_125 = tpu.vector_load %arg6[%get3A_123, %get3A_124] {strides = array<i32>} : memref<50x64xf32, #tpu.memory_space<vmem>>, vector<1x16xf32>,
      %get3A_126 = vector.shape_cast %get3A_125 : vector<1x16xf32> to vector<16xf32>
      %add3A_127 = arith.addf %add3A_103, %get3A_126 : vector<16xf32>
      %get3A_128 = arith.constant 3 : i32
      %get3A_129 = arith.index_cast %get3A_128 : i32 to index
      %get3A_130 = arith.constant 32 : index
      %get3A_131 = tpu.vector_load %arg6[%get3A_129, %get3A_130] {strides = array<i32>} : memref<50x64xf32, #tpu.memory_space<vmem>>, vector<1x16xf32>,
      %get3A_132 = vector.shape_cast %get3A_131 : vector<1x16xf32> to vector<16xf32>
      %add3A_133 = arith.addf %add3A_109, %get3A_132 : vector<16xf32>
      %get3A_134 = arith.constant 3 : i32
      %get3A_135 = arith.index_cast %get3A_134 : i32 to index
      %get3A_136 = arith.constant 48 : index
      %get3A_137 = tpu.vector_load %arg6[%get3A_135, %get3A_136] {strides = array<i32>} : memref<50x64xf32, #tpu.memory_space<vmem>>, vector<1x16xf32>,
      %get3A_138 = vector.shape_cast %get3A_137 : vector<1x16xf32> to vector<16xf32>
      %add3A_139 = arith.addf %add3A_115, %get3A_138 : vector<16xf32>
      %get3A_140 = arith.constant 4 : i32
      %get3A_141 = arith.index_cast %get3A_140 : i32 to index
      %get3A_142 = arith.constant 0 : index
      %get3A_143 = tpu.vector_load %arg6[%get3A_141, %get3A_142] {strides = array<i32>} : memref<50x64xf32, #tpu.memory_space<vmem>>, vector<1x16xf32>,
      %get3A_144 = vector.shape_cast %get3A_143 : vector<1x16xf32> to vector<16xf32>
      %add3A_145 = arith.addf %add3A_121, %get3A_144 : vector<16xf32>
      %get3A_146 = arith.constant 4 : i32
      %get3A_147 = arith.index_cast %get3A_146 : i32 to index
      %get3A_148 = arith.constant 16 : index
      %get3A_149 = tpu.vector_load %arg6[%get3A_147, %get3A_148] {strides = array<i32>} : memref<50x64xf32, #tpu.memory_space<vmem>>, vector<1x16xf32>,
      %get3A_150 = vector.shape_cast %get3A_149 : vector<1x16xf32> to vector<16xf32>
      %add3A_151 = arith.addf %add3A_127, %get3A_150 : vector<16xf32>
      %get3A_152 = arith.constant 4 : i32
      %get3A_153 = arith.index_cast %get3A_152 : i32 to index
      %get3A_154 = arith.constant 32 : index
      %get3A_155 = tpu.vector_load %arg6[%get3A_153, %get3A_154] {strides = array<i32>} : memref<50x64xf32, #tpu.memory_space<vmem>>, vector<1x16xf32>,
      %get3A_156 = vector.shape_cast %get3A_155 : vector<1x16xf32> to vector<16xf32>
      %add3A_157 = arith.addf %add3A_133, %get3A_156 : vector<16xf32>
      %get3A_158 = arith.constant 4 : i32
      %get3A_159 = arith.index_cast %get3A_158 : i32 to index
      %get3A_160 = arith.constant 48 : index
      %get3A_161 = tpu.vector_load %arg6[%get3A_159, %get3A_160] {strides = array<i32>} : memref<50x64xf32, #tpu.memory_space<vmem>>, vector<1x16xf32>,
      %get3A_162 = vector.shape_cast %get3A_161 : vector<1x16xf32> to vector<16xf32>
      %add3A_163 = arith.addf %add3A_139, %get3A_162 : vector<16xf32>
      %get3A_164 = arith.constant 5 : i32
      %get3A_165 = arith.index_cast %get3A_164 : i32 to index
      %get3A_166 = arith.constant 0 : index
      %get3A_167 = tpu.vector_load %arg6[%get3A_165, %get3A_166] {strides = array<i32>} : memref<50x64xf32, #tpu.memory_space<vmem>>, vector<1x16xf32>,
      %get3A_168 = vector.shape_cast %get3A_167 : vector<1x16xf32> to vector<16xf32>
      %add3A_169 = arith.addf %add3A_145, %get3A_168 : vector<16xf32>
      %get3A_170 = arith.constant 5 : i32
      %get3A_171 = arith.index_cast %get3A_170 : i32 to index
      %get3A_172 = arith.constant 16 : index
      %get3A_173 = tpu.vector_load %arg6[%get3A_171, %get3A_172] {strides = array<i32>} : memref<50x64xf32, #tpu.memory_space<vmem>>, vector<1x16xf32>,
      %get3A_174 = vector.shape_cast %get3A_173 : vector<1x16xf32> to vector<16xf32>
      %add3A_175 = arith.addf %add3A_151, %get3A_174 : vector<16xf32>
      %get3A_176 = arith.constant 5 : i32
      %get3A_177 = arith.index_cast %get3A_176 : i32 to index
      %get3A_178 = arith.constant 32 : index
      %get3A_179 = tpu.vector_load %arg6[%get3A_177, %get3A_178] {strides = array<i32>} : memref<50x64xf32, #tpu.memory_space<vmem>>, vector<1x16xf32>,
      %get3A_180 = vector.shape_cast %get3A_179 : vector<1x16xf32> to vector<16xf32>
      %add3A_181 = arith.addf %add3A_157, %get3A_180 : vector<16xf32>
      %get3A_182 = arith.constant 5 : i32
      %get3A_183 = arith.index_cast %get3A_182 : i32 to index
      %get3A_184 = arith.constant 48 : index
      %get3A_185 = tpu.vector_load %arg6[%get3A_183, %get3A_184] {strides = array<i32>} : memref<50x64xf32, #tpu.memory_space<vmem>>, vector<1x16xf32>,
      %get3A_186 = vector.shape_cast %get3A_185 : vector<1x16xf32> to vector<16xf32>
      %add3A_187 = arith.addf %add3A_163, %get3A_186 : vector<16xf32>
      %get3A_188 = arith.constant 6 : i32
      %get3A_189 = arith.index_cast %get3A_188 : i32 to index
      %get3A_190 = arith.constant 0 : index
      %get3A_191 = tpu.vector_load %arg6[%get3A_189, %get3A_190] {strides = array<i32>} : memref<50x64xf32, #tpu.memory_space<vmem>>, vector<1x16xf32>,
      %get3A_192 = vector.shape_cast %get3A_191 : vector<1x16xf32> to vector<16xf32>
      %add3A_193 = arith.addf %add3A_169, %get3A_192 : vector<16xf32>
      %get3A_194 = arith.constant 6 : i32
      %get3A_195 = arith.index_cast %get3A_194 : i32 to index
      %get3A_196 = arith.constant 16 : index
      %get3A_197 = tpu.vector_load %arg6[%get3A_195, %get3A_196] {strides = array<i32>} : memref<50x64xf32, #tpu.memory_space<vmem>>, vector<1x16xf32>,
      %get3A_198 = vector.shape_cast %get3A_197 : vector<1x16xf32> to vector<16xf32>
      %add3A_199 = arith.addf %add3A_175, %get3A_198 : vector<16xf32>
      %get3A_200 = arith.constant 6 : i32
      %get3A_201 = arith.index_cast %get3A_200 : i32 to index
      %get3A_202 = arith.constant 32 : index
      %get3A_203 = tpu.vector_load %arg6[%get3A_201, %get3A_202] {strides = array<i32>} : memref<50x64xf32, #tpu.memory_space<vmem>>, vector<1x16xf32>,
      %get3A_204 = vector.shape_cast %get3A_203 : vector<1x16xf32> to vector<16xf32>
      %add3A_205 = arith.addf %add3A_181, %get3A_204 : vector<16xf32>
      %get3A_206 = arith.constant 6 : i32
      %get3A_207 = arith.index_cast %get3A_206 : i32 to index
      %get3A_208 = arith.constant 48 : index
      %get3A_209 = tpu.vector_load %arg6[%get3A_207, %get3A_208] {strides = array<i32>} : memref<50x64xf32, #tpu.memory_space<vmem>>, vector<1x16xf32>,
      %get3A_210 = vector.shape_cast %get3A_209 : vector<1x16xf32> to vector<16xf32>
      %add3A_211 = arith.addf %add3A_187, %get3A_210 : vector<16xf32>
      %get3A_212 = arith.constant 7 : i32
      %get3A_213 = arith.index_cast %get3A_212 : i32 to index
      %get3A_214 = arith.constant 0 : index
      %get3A_215 = tpu.vector_load %arg6[%get3A_213, %get3A_214] {strides = array<i32>} : memref<50x64xf32, #tpu.memory_space<vmem>>, vector<1x16xf32>,
      %get3A_216 = vector.shape_cast %get3A_215 : vector<1x16xf32> to vector<16xf32>
      %add3A_217 = arith.addf %add3A_193, %get3A_216 : vector<16xf32>
      %get3A_218 = arith.constant 7 : i32
      %get3A_219 = arith.index_cast %get3A_218 : i32 to index
      %get3A_220 = arith.constant 16 : index
      %get3A_221 = tpu.vector_load %arg6[%get3A_219, %get3A_220] {strides = array<i32>} : memref<50x64xf32, #tpu.memory_space<vmem>>, vector<1x16xf32>,
      %get3A_222 = vector.shape_cast %get3A_221 : vector<1x16xf32> to vector<16xf32>
      %add3A_223 = arith.addf %add3A_199, %get3A_222 : vector<16xf32>
      %get3A_224 = arith.constant 7 : i32
      %get3A_225 = arith.index_cast %get3A_224 : i32 to index
      %get3A_226 = arith.constant 32 : index
      %get3A_227 = tpu.vector_load %arg6[%get3A_225, %get3A_226] {strides = array<i32>} : memref<50x64xf32, #tpu.memory_space<vmem>>, vector<1x16xf32>,
      %get3A_228 = vector.shape_cast %get3A_227 : vector<1x16xf32> to vector<16xf32>
      %add3A_229 = arith.addf %add3A_205, %get3A_228 : vector<16xf32>
      %get3A_230 = arith.constant 7 : i32
      %get3A_231 = arith.index_cast %get3A_230 : i32 to index
      %get3A_232 = arith.constant 48 : index
      %get3A_233 = tpu.vector_load %arg6[%get3A_231, %get3A_232] {strides = array<i32>} : memref<50x64xf32, #tpu.memory_space<vmem>>, vector<1x16xf32>,
      %get3A_234 = vector.shape_cast %get3A_233 : vector<1x16xf32> to vector<16xf32>
      %add3A_235 = arith.addf %add3A_211, %get3A_234 : vector<16xf32>
      %get3A_236 = arith.constant 8 : i32
      %get3A_237 = arith.index_cast %get3A_236 : i32 to index
      %get3A_238 = arith.constant 0 : index
      %get3A_239 = tpu.vector_load %arg6[%get3A_237, %get3A_238] {strides = array<i32>} : memref<50x64xf32, #tpu.memory_space<vmem>>, vector<1x16xf32>,
      %get3A_240 = vector.shape_cast %get3A_239 : vector<1x16xf32> to vector<16xf32>
      %add3A_241 = arith.addf %add3A_217, %get3A_240 : vector<16xf32>
      %get3A_242 = arith.constant 8 : i32
      %get3A_243 = arith.index_cast %get3A_242 : i32 to index
      %get3A_244 = arith.constant 16 : index
      %get3A_245 = tpu.vector_load %arg6[%get3A_243, %get3A_244] {strides = array<i32>} : memref<50x64xf32, #tpu.memory_space<vmem>>, vector<1x16xf32>,
      %get3A_246 = vector.shape_cast %get3A_245 : vector<1x16xf32> to vector<16xf32>
      %add3A_247 = arith.addf %add3A_223, %get3A_246 : vector<16xf32>
      %get3A_248 = arith.constant 8 : i32
      %get3A_249 = arith.index_cast %get3A_248 : i32 to index
      %get3A_250 = arith.constant 32 : index
      %get3A_251 = tpu.vector_load %arg6[%get3A_249, %get3A_250] {strides = array<i32>} : memref<50x64xf32, #tpu.memory_space<vmem>>, vector<1x16xf32>,
      %get3A_252 = vector.shape_cast %get3A_251 : vector<1x16xf32> to vector<16xf32>
      %add3A_253 = arith.addf %add3A_229, %get3A_252 : vector<16xf32>
      %get3A_254 = arith.constant 8 : i32
      %get3A_255 = arith.index_cast %get3A_254 : i32 to index
      %get3A_256 = arith.constant 48 : index
      %get3A_257 = tpu.vector_load %arg6[%get3A_255, %get3A_256] {strides = array<i32>} : memref<50x64xf32, #tpu.memory_space<vmem>>, vector<1x16xf32>,
      %get3A_258 = vector.shape_cast %get3A_257 : vector<1x16xf32> to vector<16xf32>
      %add3A_259 = arith.addf %add3A_235, %get3A_258 : vector<16xf32>
      %get3A_260 = arith.constant 9 : i32
      %get3A_261 = arith.index_cast %get3A_260 : i32 to index
      %get3A_262 = arith.constant 0 : index
      %get3A_263 = tpu.vector_load %arg6[%get3A_261, %get3A_262] {strides = array<i32>} : memref<50x64xf32, #tpu.memory_space<vmem>>, vector<1x16xf32>,
      %get3A_264 = vector.shape_cast %get3A_263 : vector<1x16xf32> to vector<16xf32>
      %add3A_265 = arith.addf %add3A_241, %get3A_264 : vector<16xf32>
      %get3A_266 = arith.constant 9 : i32
      %get3A_267 = arith.index_cast %get3A_266 : i32 to index
      %get3A_268 = arith.constant 16 : index
      %get3A_269 = tpu.vector_load %arg6[%get3A_267, %get3A_268] {strides = array<i32>} : memref<50x64xf32, #tpu.memory_space<vmem>>, vector<1x16xf32>,
      %get3A_270 = vector.shape_cast %get3A_269 : vector<1x16xf32> to vector<16xf32>
      %add3A_271 = arith.addf %add3A_247, %get3A_270 : vector<16xf32>
      %get3A_272 = arith.constant 9 : i32
      %get3A_273 = arith.index_cast %get3A_272 : i32 to index
      %get3A_274 = arith.constant 32 : index
      %get3A_275 = tpu.vector_load %arg6[%get3A_273, %get3A_274] {strides = array<i32>} : memref<50x64xf32, #tpu.memory_space<vmem>>, vector<1x16xf32>,
      %get3A_276 = vector.shape_cast %get3A_275 : vector<1x16xf32> to vector<16xf32>
      %add3A_277 = arith.addf %add3A_253, %get3A_276 : vector<16xf32>
      %get3A_278 = arith.constant 9 : i32
      %get3A_279 = arith.index_cast %get3A_278 : i32 to index
      %get3A_280 = arith.constant 48 : index
      %get3A_281 = tpu.vector_load %arg6[%get3A_279, %get3A_280] {strides = array<i32>} : memref<50x64xf32, #tpu.memory_space<vmem>>, vector<1x16xf32>,
      %get3A_282 = vector.shape_cast %get3A_281 : vector<1x16xf32> to vector<16xf32>
      %add3A_283 = arith.addf %add3A_259, %get3A_282 : vector<16xf32>
      %get3A_284 = arith.constant 10 : i32
      %get3A_285 = arith.index_cast %get3A_284 : i32 to index
      %get3A_286 = arith.constant 0 : index
      %get3A_287 = tpu.vector_load %arg6[%get3A_285, %get3A_286] {strides = array<i32>} : memref<50x64xf32, #tpu.memory_space<vmem>>, vector<1x16xf32>,
      %get3A_288 = vector.shape_cast %get3A_287 : vector<1x16xf32> to vector<16xf32>
      %add3A_289 = arith.addf %add3A_265, %get3A_288 : vector<16xf32>
      %get3A_290 = arith.constant 10 : i32
      %get3A_291 = arith.index_cast %get3A_290 : i32 to index
      %get3A_292 = arith.constant 16 : index
      %get3A_293 = tpu.vector_load %arg6[%get3A_291, %get3A_292] {strides = array<i32>} : memref<50x64xf32, #tpu.memory_space<vmem>>, vector<1x16xf32>,
      %get3A_294 = vector.shape_cast %get3A_293 : vector<1x16xf32> to vector<16xf32>
      %add3A_295 = arith.addf %add3A_271, %get3A_294 : vector<16xf32>
      %get3A_296 = arith.constant 10 : i32
      %get3A_297 = arith.index_cast %get3A_296 : i32 to index
      %get3A_298 = arith.constant 32 : index
      %get3A_299 = tpu.vector_load %arg6[%get3A_297, %get3A_298] {strides = array<i32>} : memref<50x64xf32, #tpu.memory_space<vmem>>, vector<1x16xf32>,
      %get3A_300 = vector.shape_cast %get3A_299 : vector<1x16xf32> to vector<16xf32>
      %add3A_301 = arith.addf %add3A_277, %get3A_300 : vector<16xf32>
      %get3A_302 = arith.constant 10 : i32
      %get3A_303 = arith.index_cast %get3A_302 : i32 to index
      %get3A_304 = arith.constant 48 : index
      %get3A_305 = tpu.vector_load %arg6[%get3A_303, %get3A_304] {strides = array<i32>} : memref<50x64xf32, #tpu.memory_space<vmem>>, vector<1x16xf32>,
      %get3A_306 = vector.shape_cast %get3A_305 : vector<1x16xf32> to vector<16xf32>
      %add3A_307 = arith.addf %add3A_283, %get3A_306 : vector<16xf32>
      %get3A_308 = arith.constant 11 : i32
      %get3A_309 = arith.index_cast %get3A_308 : i32 to index
      %get3A_310 = arith.constant 0 : index
      %get3A_311 = tpu.vector_load %arg6[%get3A_309, %get3A_310] {strides = array<i32>} : memref<50x64xf32, #tpu.memory_space<vmem>>, vector<1x16xf32>,
      %get3A_312 = vector.shape_cast %get3A_311 : vector<1x16xf32> to vector<16xf32>
      %add3A_313 = arith.addf %add3A_289, %get3A_312 : vector<16xf32>
      %get3A_314 = arith.constant 11 : i32
      %get3A_315 = arith.index_cast %get3A_314 : i32 to index
      %get3A_316 = arith.constant 16 : index
      %get3A_317 = tpu.vector_load %arg6[%get3A_315, %get3A_316] {strides = array<i32>} : memref<50x64xf32, #tpu.memory_space<vmem>>, vector<1x16xf32>,
      %get3A_318 = vector.shape_cast %get3A_317 : vector<1x16xf32> to vector<16xf32>
      %add3A_319 = arith.addf %add3A_295, %get3A_318 : vector<16xf32>
      %get3A_320 = arith.constant 11 : i32
      %get3A_321 = arith.index_cast %get3A_320 : i32 to index
      %get3A_322 = arith.constant 32 : index
      %get3A_323 = tpu.vector_load %arg6[%get3A_321, %get3A_322] {strides = array<i32>} : memref<50x64xf32, #tpu.memory_space<vmem>>, vector<1x16xf32>,
      %get3A_324 = vector.shape_cast %get3A_323 : vector<1x16xf32> to vector<16xf32>
      %add3A_325 = arith.addf %add3A_301, %get3A_324 : vector<16xf32>
      %get3A_326 = arith.constant 11 : i32
      %get3A_327 = arith.index_cast %get3A_326 : i32 to index
      %get3A_328 = arith.constant 48 : index
      %get3A_329 = tpu.vector_load %arg6[%get3A_327, %get3A_328] {strides = array<i32>} : memref<50x64xf32, #tpu.memory_space<vmem>>, vector<1x16xf32>,
      %get3A_330 = vector.shape_cast %get3A_329 : vector<1x16xf32> to vector<16xf32>
      %add3A_331 = arith.addf %add3A_307, %get3A_330 : vector<16xf32>
      %get3A_332 = arith.constant 12 : i32
      %get3A_333 = arith.index_cast %get3A_332 : i32 to index
      %get3A_334 = arith.constant 0 : index
      %get3A_335 = tpu.vector_load %arg6[%get3A_333, %get3A_334] {strides = array<i32>} : memref<50x64xf32, #tpu.memory_space<vmem>>, vector<1x16xf32>,
      %get3A_336 = vector.shape_cast %get3A_335 : vector<1x16xf32> to vector<16xf32>
      %add3A_337 = arith.addf %add3A_313, %get3A_336 : vector<16xf32>
      %get3A_338 = arith.constant 12 : i32
      %get3A_339 = arith.index_cast %get3A_338 : i32 to index
      %get3A_340 = arith.constant 16 : index
      %get3A_341 = tpu.vector_load %arg6[%get3A_339, %get3A_340] {strides = array<i32>} : memref<50x64xf32, #tpu.memory_space<vmem>>, vector<1x16xf32>,
      %get3A_342 = vector.shape_cast %get3A_341 : vector<1x16xf32> to vector<16xf32>
      %add3A_343 = arith.addf %add3A_319, %get3A_342 : vector<16xf32>
      %get3A_344 = arith.constant 12 : i32
      %get3A_345 = arith.index_cast %get3A_344 : i32 to index
      %get3A_346 = arith.constant 32 : index
      %get3A_347 = tpu.vector_load %arg6[%get3A_345, %get3A_346] {strides = array<i32>} : memref<50x64xf32, #tpu.memory_space<vmem>>, vector<1x16xf32>,
      %get3A_348 = vector.shape_cast %get3A_347 : vector<1x16xf32> to vector<16xf32>
      %add3A_349 = arith.addf %add3A_325, %get3A_348 : vector<16xf32>
      %get3A_350 = arith.constant 12 : i32
      %get3A_351 = arith.index_cast %get3A_350 : i32 to index
      %get3A_352 = arith.constant 48 : index
      %get3A_353 = tpu.vector_load %arg6[%get3A_351, %get3A_352] {strides = array<i32>} : memref<50x64xf32, #tpu.memory_space<vmem>>, vector<1x16xf32>,
      %get3A_354 = vector.shape_cast %get3A_353 : vector<1x16xf32> to vector<16xf32>
      %add3A_355 = arith.addf %add3A_331, %get3A_354 : vector<16xf32>
      %get3A_356 = arith.constant 13 : i32
      %get3A_357 = arith.index_cast %get3A_356 : i32 to index
      %get3A_358 = arith.constant 0 : index
      %get3A_359 = tpu.vector_load %arg6[%get3A_357, %get3A_358] {strides = array<i32>} : memref<50x64xf32, #tpu.memory_space<vmem>>, vector<1x16xf32>,
      %get3A_360 = vector.shape_cast %get3A_359 : vector<1x16xf32> to vector<16xf32>
      %add3A_361 = arith.addf %add3A_337, %get3A_360 : vector<16xf32>
      %get3A_362 = arith.constant 13 : i32
      %get3A_363 = arith.index_cast %get3A_362 : i32 to index
      %get3A_364 = arith.constant 16 : index
      %get3A_365 = tpu.vector_load %arg6[%get3A_363, %get3A_364] {strides = array<i32>} : memref<50x64xf32, #tpu.memory_space<vmem>>, vector<1x16xf32>,
      %get3A_366 = vector.shape_cast %get3A_365 : vector<1x16xf32> to vector<16xf32>
      %add3A_367 = arith.addf %add3A_343, %get3A_366 : vector<16xf32>
      %get3A_368 = arith.constant 13 : i32
      %get3A_369 = arith.index_cast %get3A_368 : i32 to index
      %get3A_370 = arith.constant 32 : index
      %get3A_371 = tpu.vector_load %arg6[%get3A_369, %get3A_370] {strides = array<i32>} : memref<50x64xf32, #tpu.memory_space<vmem>>, vector<1x16xf32>,
      %get3A_372 = vector.shape_cast %get3A_371 : vector<1x16xf32> to vector<16xf32>
      %add3A_373 = arith.addf %add3A_349, %get3A_372 : vector<16xf32>
      %get3A_374 = arith.constant 13 : i32
      %get3A_375 = arith.index_cast %get3A_374 : i32 to index
      %get3A_376 = arith.constant 48 : index
      %get3A_377 = tpu.vector_load %arg6[%get3A_375, %get3A_376] {strides = array<i32>} : memref<50x64xf32, #tpu.memory_space<vmem>>, vector<1x16xf32>,
      %get3A_378 = vector.shape_cast %get3A_377 : vector<1x16xf32> to vector<16xf32>
      %add3A_379 = arith.addf %add3A_355, %get3A_378 : vector<16xf32>
      %get3A_380 = arith.constant 14 : i32
      %get3A_381 = arith.index_cast %get3A_380 : i32 to index
      %get3A_382 = arith.constant 0 : index
      %get3A_383 = tpu.vector_load %arg6[%get3A_381, %get3A_382] {strides = array<i32>} : memref<50x64xf32, #tpu.memory_space<vmem>>, vector<1x16xf32>,
      %get3A_384 = vector.shape_cast %get3A_383 : vector<1x16xf32> to vector<16xf32>
      %add3A_385 = arith.addf %add3A_361, %get3A_384 : vector<16xf32>
      %get3A_386 = arith.constant 14 : i32
      %get3A_387 = arith.index_cast %get3A_386 : i32 to index
      %get3A_388 = arith.constant 16 : index
      %get3A_389 = tpu.vector_load %arg6[%get3A_387, %get3A_388] {strides = array<i32>} : memref<50x64xf32, #tpu.memory_space<vmem>>, vector<1x16xf32>,
      %get3A_390 = vector.shape_cast %get3A_389 : vector<1x16xf32> to vector<16xf32>
      %add3A_391 = arith.addf %add3A_367, %get3A_390 : vector<16xf32>
      %get3A_392 = arith.constant 14 : i32
      %get3A_393 = arith.index_cast %get3A_392 : i32 to index
      %get3A_394 = arith.constant 32 : index
      %get3A_395 = tpu.vector_load %arg6[%get3A_393, %get3A_394] {strides = array<i32>} : memref<50x64xf32, #tpu.memory_space<vmem>>, vector<1x16xf32>,
      %get3A_396 = vector.shape_cast %get3A_395 : vector<1x16xf32> to vector<16xf32>
      %add3A_397 = arith.addf %add3A_373, %get3A_396 : vector<16xf32>
      %get3A_398 = arith.constant 14 : i32
      %get3A_399 = arith.index_cast %get3A_398 : i32 to index
      %get3A_400 = arith.constant 48 : index
      %get3A_401 = tpu.vector_load %arg6[%get3A_399, %get3A_400] {strides = array<i32>} : memref<50x64xf32, #tpu.memory_space<vmem>>, vector<1x16xf32>,
      %get3A_402 = vector.shape_cast %get3A_401 : vector<1x16xf32> to vector<16xf32>
      %add3A_403 = arith.addf %add3A_379, %get3A_402 : vector<16xf32>
      %get3A_404 = arith.constant 15 : i32
      %get3A_405 = arith.index_cast %get3A_404 : i32 to index
      %get3A_406 = arith.constant 0 : index
      %get3A_407 = tpu.vector_load %arg6[%get3A_405, %get3A_406] {strides = array<i32>} : memref<50x64xf32, #tpu.memory_space<vmem>>, vector<1x16xf32>,
      %get3A_408 = vector.shape_cast %get3A_407 : vector<1x16xf32> to vector<16xf32>
      %add3A_409 = arith.addf %add3A_385, %get3A_408 : vector<16xf32>
      %get3A_410 = arith.constant 15 : i32
      %get3A_411 = arith.index_cast %get3A_410 : i32 to index
      %get3A_412 = arith.constant 16 : index
      %get3A_413 = tpu.vector_load %arg6[%get3A_411, %get3A_412] {strides = array<i32>} : memref<50x64xf32, #tpu.memory_space<vmem>>, vector<1x16xf32>,
      %get3A_414 = vector.shape_cast %get3A_413 : vector<1x16xf32> to vector<16xf32>
      %add3A_415 = arith.addf %add3A_391, %get3A_414 : vector<16xf32>
      %get3A_416 = arith.constant 15 : i32
      %get3A_417 = arith.index_cast %get3A_416 : i32 to index
      %get3A_418 = arith.constant 32 : index
      %get3A_419 = tpu.vector_load %arg6[%get3A_417, %get3A_418] {strides = array<i32>} : memref<50x64xf32, #tpu.memory_space<vmem>>, vector<1x16xf32>,
      %get3A_420 = vector.shape_cast %get3A_419 : vector<1x16xf32> to vector<16xf32>
      %add3A_421 = arith.addf %add3A_397, %get3A_420 : vector<16xf32>
      %get3A_422 = arith.constant 15 : i32
      %get3A_423 = arith.index_cast %get3A_422 : i32 to index
      %get3A_424 = arith.constant 48 : index
      %get3A_425 = tpu.vector_load %arg6[%get3A_423, %get3A_424] {strides = array<i32>} : memref<50x64xf32, #tpu.memory_space<vmem>>, vector<1x16xf32>,
      %get3A_426 = vector.shape_cast %get3A_425 : vector<1x16xf32> to vector<16xf32>
      %add3A_427 = arith.addf %add3A_403, %get3A_426 : vector<16xf32>
      %get3A_428 = arith.constant 16 : i32
      %get3A_429 = arith.index_cast %get3A_428 : i32 to index
      %get3A_430 = arith.constant 0 : index
      %get3A_431 = tpu.vector_load %arg6[%get3A_429, %get3A_430] {strides = array<i32>} : memref<50x64xf32, #tpu.memory_space<vmem>>, vector<1x16xf32>,
      %get3A_432 = vector.shape_cast %get3A_431 : vector<1x16xf32> to vector<16xf32>
      %add3A_433 = arith.addf %add3A_409, %get3A_432 : vector<16xf32>
      %get3A_434 = arith.constant 16 : i32
      %get3A_435 = arith.index_cast %get3A_434 : i32 to index
      %get3A_436 = arith.constant 16 : index
      %get3A_437 = tpu.vector_load %arg6[%get3A_435, %get3A_436] {strides = array<i32>} : memref<50x64xf32, #tpu.memory_space<vmem>>, vector<1x16xf32>,
      %get3A_438 = vector.shape_cast %get3A_437 : vector<1x16xf32> to vector<16xf32>
      %add3A_439 = arith.addf %add3A_415, %get3A_438 : vector<16xf32>
      %get3A_440 = arith.constant 16 : i32
      %get3A_441 = arith.index_cast %get3A_440 : i32 to index
      %get3A_442 = arith.constant 32 : index
      %get3A_443 = tpu.vector_load %arg6[%get3A_441, %get3A_442] {strides = array<i32>} : memref<50x64xf32, #tpu.memory_space<vmem>>, vector<1x16xf32>,
      %get3A_444 = vector.shape_cast %get3A_443 : vector<1x16xf32> to vector<16xf32>
      %add3A_445 = arith.addf %add3A_421, %get3A_444 : vector<16xf32>
      %get3A_446 = arith.constant 16 : i32
      %get3A_447 = arith.index_cast %get3A_446 : i32 to index
      %get3A_448 = arith.constant 48 : index
      %get3A_449 = tpu.vector_load %arg6[%get3A_447, %get3A_448] {strides = array<i32>} : memref<50x64xf32, #tpu.memory_space<vmem>>, vector<1x16xf32>,
      %get3A_450 = vector.shape_cast %get3A_449 : vector<1x16xf32> to vector<16xf32>
      %add3A_451 = arith.addf %add3A_427, %get3A_450 : vector<16xf32>
      %get3A_452 = arith.constant 17 : i32
      %get3A_453 = arith.index_cast %get3A_452 : i32 to index
      %get3A_454 = arith.constant 0 : index
      %get3A_455 = tpu.vector_load %arg6[%get3A_453, %get3A_454] {strides = array<i32>} : memref<50x64xf32, #tpu.memory_space<vmem>>, vector<1x16xf32>,
      %get3A_456 = vector.shape_cast %get3A_455 : vector<1x16xf32> to vector<16xf32>
      %add3A_457 = arith.addf %add3A_433, %get3A_456 : vector<16xf32>
      %get3A_458 = arith.constant 17 : i32
      %get3A_459 = arith.index_cast %get3A_458 : i32 to index
      %get3A_460 = arith.constant 16 : index
      %get3A_461 = tpu.vector_load %arg6[%get3A_459, %get3A_460] {strides = array<i32>} : memref<50x64xf32, #tpu.memory_space<vmem>>, vector<1x16xf32>,
      %get3A_462 = vector.shape_cast %get3A_461 : vector<1x16xf32> to vector<16xf32>
      %add3A_463 = arith.addf %add3A_439, %get3A_462 : vector<16xf32>
      %get3A_464 = arith.constant 17 : i32
      %get3A_465 = arith.index_cast %get3A_464 : i32 to index
      %get3A_466 = arith.constant 32 : index
      %get3A_467 = tpu.vector_load %arg6[%get3A_465, %get3A_466] {strides = array<i32>} : memref<50x64xf32, #tpu.memory_space<vmem>>, vector<1x16xf32>,
      %get3A_468 = vector.shape_cast %get3A_467 : vector<1x16xf32> to vector<16xf32>
      %add3A_469 = arith.addf %add3A_445, %get3A_468 : vector<16xf32>
      %get3A_470 = arith.constant 17 : i32
      %get3A_471 = arith.index_cast %get3A_470 : i32 to index
      %get3A_472 = arith.constant 48 : index
      %get3A_473 = tpu.vector_load %arg6[%get3A_471, %get3A_472] {strides = array<i32>} : memref<50x64xf32, #tpu.memory_space<vmem>>, vector<1x16xf32>,
      %get3A_474 = vector.shape_cast %get3A_473 : vector<1x16xf32> to vector<16xf32>
      %add3A_475 = arith.addf %add3A_451, %get3A_474 : vector<16xf32>
      %get3A_476 = arith.constant 18 : i32
      %get3A_477 = arith.index_cast %get3A_476 : i32 to index
      %get3A_478 = arith.constant 0 : index
      %get3A_479 = tpu.vector_load %arg6[%get3A_477, %get3A_478] {strides = array<i32>} : memref<50x64xf32, #tpu.memory_space<vmem>>, vector<1x16xf32>,
      %get3A_480 = vector.shape_cast %get3A_479 : vector<1x16xf32> to vector<16xf32>
      %add3A_481 = arith.addf %add3A_457, %get3A_480 : vector<16xf32>
      %get3A_482 = arith.constant 18 : i32
      %get3A_483 = arith.index_cast %get3A_482 : i32 to index
      %get3A_484 = arith.constant 16 : index
      %get3A_485 = tpu.vector_load %arg6[%get3A_483, %get3A_484] {strides = array<i32>} : memref<50x64xf32, #tpu.memory_space<vmem>>, vector<1x16xf32>,
      %get3A_486 = vector.shape_cast %get3A_485 : vector<1x16xf32> to vector<16xf32>
      %add3A_487 = arith.addf %add3A_463, %get3A_486 : vector<16xf32>
      %get3A_488 = arith.constant 18 : i32
      %get3A_489 = arith.index_cast %get3A_488 : i32 to index
      %get3A_490 = arith.constant 32 : index
      %get3A_491 = tpu.vector_load %arg6[%get3A_489, %get3A_490] {strides = array<i32>} : memref<50x64xf32, #tpu.memory_space<vmem>>, vector<1x16xf32>,
      %get3A_492 = vector.shape_cast %get3A_491 : vector<1x16xf32> to vector<16xf32>
      %add3A_493 = arith.addf %add3A_469, %get3A_492 : vector<16xf32>
      %get3A_494 = arith.constant 18 : i32
      %get3A_495 = arith.index_cast %get3A_494 : i32 to index
      %get3A_496 = arith.constant 48 : index
      %get3A_497 = tpu.vector_load %arg6[%get3A_495, %get3A_496] {strides = array<i32>} : memref<50x64xf32, #tpu.memory_space<vmem>>, vector<1x16xf32>,
      %get3A_498 = vector.shape_cast %get3A_497 : vector<1x16xf32> to vector<16xf32>
      %add3A_499 = arith.addf %add3A_475, %get3A_498 : vector<16xf32>
      %get3A_500 = arith.constant 19 : i32
      %get3A_501 = arith.index_cast %get3A_500 : i32 to index
      %get3A_502 = arith.constant 0 : index
      %get3A_503 = tpu.vector_load %arg6[%get3A_501, %get3A_502] {strides = array<i32>} : memref<50x64xf32, #tpu.memory_space<vmem>>, vector<1x16xf32>,
      %get3A_504 = vector.shape_cast %get3A_503 : vector<1x16xf32> to vector<16xf32>
      %add3A_505 = arith.addf %add3A_481, %get3A_504 : vector<16xf32>
      %get3A_506 = arith.constant 19 : i32
      %get3A_507 = arith.index_cast %get3A_506 : i32 to index
      %get3A_508 = arith.constant 16 : index
      %get3A_509 = tpu.vector_load %arg6[%get3A_507, %get3A_508] {strides = array<i32>} : memref<50x64xf32, #tpu.memory_space<vmem>>, vector<1x16xf32>,
      %get3A_510 = vector.shape_cast %get3A_509 : vector<1x16xf32> to vector<16xf32>
      %add3A_511 = arith.addf %add3A_487, %get3A_510 : vector<16xf32>
      %get3A_512 = arith.constant 19 : i32
      %get3A_513 = arith.index_cast %get3A_512 : i32 to index
      %get3A_514 = arith.constant 32 : index
      %get3A_515 = tpu.vector_load %arg6[%get3A_513, %get3A_514] {strides = array<i32>} : memref<50x64xf32, #tpu.memory_space<vmem>>, vector<1x16xf32>,
      %get3A_516 = vector.shape_cast %get3A_515 : vector<1x16xf32> to vector<16xf32>
      %add3A_517 = arith.addf %add3A_493, %get3A_516 : vector<16xf32>
      %get3A_518 = arith.constant 19 : i32
      %get3A_519 = arith.index_cast %get3A_518 : i32 to index
      %get3A_520 = arith.constant 48 : index
      %get3A_521 = tpu.vector_load %arg6[%get3A_519, %get3A_520] {strides = array<i32>} : memref<50x64xf32, #tpu.memory_space<vmem>>, vector<1x16xf32>,
      %get3A_522 = vector.shape_cast %get3A_521 : vector<1x16xf32> to vector<16xf32>
      %add3A_523 = arith.addf %add3A_499, %get3A_522 : vector<16xf32>
      %get3A_524 = arith.constant 20 : i32
      %get3A_525 = arith.index_cast %get3A_524 : i32 to index
      %get3A_526 = arith.constant 0 : index
      %get3A_527 = tpu.vector_load %arg6[%get3A_525, %get3A_526] {strides = array<i32>} : memref<50x64xf32, #tpu.memory_space<vmem>>, vector<1x16xf32>,
      %get3A_528 = vector.shape_cast %get3A_527 : vector<1x16xf32> to vector<16xf32>
      %add3A_529 = arith.addf %add3A_505, %get3A_528 : vector<16xf32>
      %get3A_530 = arith.constant 20 : i32
      %get3A_531 = arith.index_cast %get3A_530 : i32 to index
      %get3A_532 = arith.constant 16 : index
      %get3A_533 = tpu.vector_load %arg6[%get3A_531, %get3A_532] {strides = array<i32>} : memref<50x64xf32, #tpu.memory_space<vmem>>, vector<1x16xf32>,
      %get3A_534 = vector.shape_cast %get3A_533 : vector<1x16xf32> to vector<16xf32>
      %add3A_535 = arith.addf %add3A_511, %get3A_534 : vector<16xf32>
      %get3A_536 = arith.constant 20 : i32
      %get3A_537 = arith.index_cast %get3A_536 : i32 to index
      %get3A_538 = arith.constant 32 : index
      %get3A_539 = tpu.vector_load %arg6[%get3A_537, %get3A_538] {strides = array<i32>} : memref<50x64xf32, #tpu.memory_space<vmem>>, vector<1x16xf32>,
      %get3A_540 = vector.shape_cast %get3A_539 : vector<1x16xf32> to vector<16xf32>
      %add3A_541 = arith.addf %add3A_517, %get3A_540 : vector<16xf32>
      %get3A_542 = arith.constant 20 : i32
      %get3A_543 = arith.index_cast %get3A_542 : i32 to index
      %get3A_544 = arith.constant 48 : index
      %get3A_545 = tpu.vector_load %arg6[%get3A_543, %get3A_544] {strides = array<i32>} : memref<50x64xf32, #tpu.memory_space<vmem>>, vector<1x16xf32>,
      %get3A_546 = vector.shape_cast %get3A_545 : vector<1x16xf32> to vector<16xf32>
      %add3A_547 = arith.addf %add3A_523, %get3A_546 : vector<16xf32>
      %get3A_548 = arith.constant 21 : i32
      %get3A_549 = arith.index_cast %get3A_548 : i32 to index
      %get3A_550 = arith.constant 0 : index
      %get3A_551 = tpu.vector_load %arg6[%get3A_549, %get3A_550] {strides = array<i32>} : memref<50x64xf32, #tpu.memory_space<vmem>>, vector<1x16xf32>,
      %get3A_552 = vector.shape_cast %get3A_551 : vector<1x16xf32> to vector<16xf32>
      %add3A_553 = arith.addf %add3A_529, %get3A_552 : vector<16xf32>
      %get3A_554 = arith.constant 21 : i32
      %get3A_555 = arith.index_cast %get3A_554 : i32 to index
      %get3A_556 = arith.constant 16 : index
      %get3A_557 = tpu.vector_load %arg6[%get3A_555, %get3A_556] {strides = array<i32>} : memref<50x64xf32, #tpu.memory_space<vmem>>, vector<1x16xf32>,
      %get3A_558 = vector.shape_cast %get3A_557 : vector<1x16xf32> to vector<16xf32>
      %add3A_559 = arith.addf %add3A_535, %get3A_558 : vector<16xf32>
      %get3A_560 = arith.constant 21 : i32
      %get3A_561 = arith.index_cast %get3A_560 : i32 to index
      %get3A_562 = arith.constant 32 : index
      %get3A_563 = tpu.vector_load %arg6[%get3A_561, %get3A_562] {strides = array<i32>} : memref<50x64xf32, #tpu.memory_space<vmem>>, vector<1x16xf32>,
      %get3A_564 = vector.shape_cast %get3A_563 : vector<1x16xf32> to vector<16xf32>
      %add3A_565 = arith.addf %add3A_541, %get3A_564 : vector<16xf32>
      %get3A_566 = arith.constant 21 : i32
      %get3A_567 = arith.index_cast %get3A_566 : i32 to index
      %get3A_568 = arith.constant 48 : index
      %get3A_569 = tpu.vector_load %arg6[%get3A_567, %get3A_568] {strides = array<i32>} : memref<50x64xf32, #tpu.memory_space<vmem>>, vector<1x16xf32>,
      %get3A_570 = vector.shape_cast %get3A_569 : vector<1x16xf32> to vector<16xf32>
      %add3A_571 = arith.addf %add3A_547, %get3A_570 : vector<16xf32>
      %get3A_572 = arith.constant 22 : i32
      %get3A_573 = arith.index_cast %get3A_572 : i32 to index
      %get3A_574 = arith.constant 0 : index
      %get3A_575 = tpu.vector_load %arg6[%get3A_573, %get3A_574] {strides = array<i32>} : memref<50x64xf32, #tpu.memory_space<vmem>>, vector<1x16xf32>,
      %get3A_576 = vector.shape_cast %get3A_575 : vector<1x16xf32> to vector<16xf32>
      %add3A_577 = arith.addf %add3A_553, %get3A_576 : vector<16xf32>
      %get3A_578 = arith.constant 22 : i32
      %get3A_579 = arith.index_cast %get3A_578 : i32 to index
      %get3A_580 = arith.constant 16 : index
      %get3A_581 = tpu.vector_load %arg6[%get3A_579, %get3A_580] {strides = array<i32>} : memref<50x64xf32, #tpu.memory_space<vmem>>, vector<1x16xf32>,
      %get3A_582 = vector.shape_cast %get3A_581 : vector<1x16xf32> to vector<16xf32>
      %add3A_583 = arith.addf %add3A_559, %get3A_582 : vector<16xf32>
      %get3A_584 = arith.constant 22 : i32
      %get3A_585 = arith.index_cast %get3A_584 : i32 to index
      %get3A_586 = arith.constant 32 : index
      %get3A_587 = tpu.vector_load %arg6[%get3A_585, %get3A_586] {strides = array<i32>} : memref<50x64xf32, #tpu.memory_space<vmem>>, vector<1x16xf32>,
      %get3A_588 = vector.shape_cast %get3A_587 : vector<1x16xf32> to vector<16xf32>
      %add3A_589 = arith.addf %add3A_565, %get3A_588 : vector<16xf32>
      %get3A_590 = arith.constant 22 : i32
      %get3A_591 = arith.index_cast %get3A_590 : i32 to index
      %get3A_592 = arith.constant 48 : index
      %get3A_593 = tpu.vector_load %arg6[%get3A_591, %get3A_592] {strides = array<i32>} : memref<50x64xf32, #tpu.memory_space<vmem>>, vector<1x16xf32>,
      %get3A_594 = vector.shape_cast %get3A_593 : vector<1x16xf32> to vector<16xf32>
      %add3A_595 = arith.addf %add3A_571, %get3A_594 : vector<16xf32>
      %get3A_596 = arith.constant 23 : i32
      %get3A_597 = arith.index_cast %get3A_596 : i32 to index
      %get3A_598 = arith.constant 0 : index
      %get3A_599 = tpu.vector_load %arg6[%get3A_597, %get3A_598] {strides = array<i32>} : memref<50x64xf32, #tpu.memory_space<vmem>>, vector<1x16xf32>,
      %get3A_600 = vector.shape_cast %get3A_599 : vector<1x16xf32> to vector<16xf32>
      %add3A_601 = arith.addf %add3A_577, %get3A_600 : vector<16xf32>
      %get3A_602 = arith.constant 23 : i32
      %get3A_603 = arith.index_cast %get3A_602 : i32 to index
      %get3A_604 = arith.constant 16 : index
      %get3A_605 = tpu.vector_load %arg6[%get3A_603, %get3A_604] {strides = array<i32>} : memref<50x64xf32, #tpu.memory_space<vmem>>, vector<1x16xf32>,
      %get3A_606 = vector.shape_cast %get3A_605 : vector<1x16xf32> to vector<16xf32>
      %add3A_607 = arith.addf %add3A_583, %get3A_606 : vector<16xf32>
      %get3A_608 = arith.constant 23 : i32
      %get3A_609 = arith.index_cast %get3A_608 : i32 to index
      %get3A_610 = arith.constant 32 : index
      %get3A_611 = tpu.vector_load %arg6[%get3A_609, %get3A_610] {strides = array<i32>} : memref<50x64xf32, #tpu.memory_space<vmem>>, vector<1x16xf32>,
      %get3A_612 = vector.shape_cast %get3A_611 : vector<1x16xf32> to vector<16xf32>
      %add3A_613 = arith.addf %add3A_589, %get3A_612 : vector<16xf32>
      %get3A_614 = arith.constant 23 : i32
      %get3A_615 = arith.index_cast %get3A_614 : i32 to index
      %get3A_616 = arith.constant 48 : index
      %get3A_617 = tpu.vector_load %arg6[%get3A_615, %get3A_616] {strides = array<i32>} : memref<50x64xf32, #tpu.memory_space<vmem>>, vector<1x16xf32>,
      %get3A_618 = vector.shape_cast %get3A_617 : vector<1x16xf32> to vector<16xf32>
      %add3A_619 = arith.addf %add3A_595, %get3A_618 : vector<16xf32>
      %get3A_620 = arith.constant 24 : i32
      %get3A_621 = arith.index_cast %get3A_620 : i32 to index
      %get3A_622 = arith.constant 0 : index
      %get3A_623 = tpu.vector_load %arg6[%get3A_621, %get3A_622] {strides = array<i32>} : memref<50x64xf32, #tpu.memory_space<vmem>>, vector<1x16xf32>,
      %get3A_624 = vector.shape_cast %get3A_623 : vector<1x16xf32> to vector<16xf32>
      %add3A_625 = arith.addf %add3A_601, %get3A_624 : vector<16xf32>
      %get3A_626 = arith.constant 24 : i32
      %get3A_627 = arith.index_cast %get3A_626 : i32 to index
      %get3A_628 = arith.constant 16 : index
      %get3A_629 = tpu.vector_load %arg6[%get3A_627, %get3A_628] {strides = array<i32>} : memref<50x64xf32, #tpu.memory_space<vmem>>, vector<1x16xf32>,
      %get3A_630 = vector.shape_cast %get3A_629 : vector<1x16xf32> to vector<16xf32>
      %add3A_631 = arith.addf %add3A_607, %get3A_630 : vector<16xf32>
      %get3A_632 = arith.constant 24 : i32
      %get3A_633 = arith.index_cast %get3A_632 : i32 to index
      %get3A_634 = arith.constant 32 : index
      %get3A_635 = tpu.vector_load %arg6[%get3A_633, %get3A_634] {strides = array<i32>} : memref<50x64xf32, #tpu.memory_space<vmem>>, vector<1x16xf32>,
      %get3A_636 = vector.shape_cast %get3A_635 : vector<1x16xf32> to vector<16xf32>
      %add3A_637 = arith.addf %add3A_613, %get3A_636 : vector<16xf32>
      %get3A_638 = arith.constant 24 : i32
      %get3A_639 = arith.index_cast %get3A_638 : i32 to index
      %get3A_640 = arith.constant 48 : index
      %get3A_641 = tpu.vector_load %arg6[%get3A_639, %get3A_640] {strides = array<i32>} : memref<50x64xf32, #tpu.memory_space<vmem>>, vector<1x16xf32>,
      %get3A_642 = vector.shape_cast %get3A_641 : vector<1x16xf32> to vector<16xf32>
      %add3A_643 = arith.addf %add3A_619, %get3A_642 : vector<16xf32>
      %get3A_644 = arith.constant 25 : i32
      %get3A_645 = arith.index_cast %get3A_644 : i32 to index
      %get3A_646 = arith.constant 0 : index
      %get3A_647 = tpu.vector_load %arg6[%get3A_645, %get3A_646] {strides = array<i32>} : memref<50x64xf32, #tpu.memory_space<vmem>>, vector<1x16xf32>,
      %get3A_648 = vector.shape_cast %get3A_647 : vector<1x16xf32> to vector<16xf32>
      %add3A_649 = arith.addf %add3A_625, %get3A_648 : vector<16xf32>
      %get3A_650 = arith.constant 25 : i32
      %get3A_651 = arith.index_cast %get3A_650 : i32 to index
      %get3A_652 = arith.constant 16 : index
      %get3A_653 = tpu.vector_load %arg6[%get3A_651, %get3A_652] {strides = array<i32>} : memref<50x64xf32, #tpu.memory_space<vmem>>, vector<1x16xf32>,
      %get3A_654 = vector.shape_cast %get3A_653 : vector<1x16xf32> to vector<16xf32>
      %add3A_655 = arith.addf %add3A_631, %get3A_654 : vector<16xf32>
      %get3A_656 = arith.constant 25 : i32
      %get3A_657 = arith.index_cast %get3A_656 : i32 to index
      %get3A_658 = arith.constant 32 : index
      %get3A_659 = tpu.vector_load %arg6[%get3A_657, %get3A_658] {strides = array<i32>} : memref<50x64xf32, #tpu.memory_space<vmem>>, vector<1x16xf32>,
      %get3A_660 = vector.shape_cast %get3A_659 : vector<1x16xf32> to vector<16xf32>
      %add3A_661 = arith.addf %add3A_637, %get3A_660 : vector<16xf32>
      %get3A_662 = arith.constant 25 : i32
      %get3A_663 = arith.index_cast %get3A_662 : i32 to index
      %get3A_664 = arith.constant 48 : index
      %get3A_665 = tpu.vector_load %arg6[%get3A_663, %get3A_664] {strides = array<i32>} : memref<50x64xf32, #tpu.memory_space<vmem>>, vector<1x16xf32>,
      %get3A_666 = vector.shape_cast %get3A_665 : vector<1x16xf32> to vector<16xf32>
      %add3A_667 = arith.addf %add3A_643, %get3A_666 : vector<16xf32>
      %get3A_668 = arith.constant 26 : i32
      %get3A_669 = arith.index_cast %get3A_668 : i32 to index
      %get3A_670 = arith.constant 0 : index
      %get3A_671 = tpu.vector_load %arg6[%get3A_669, %get3A_670] {strides = array<i32>} : memref<50x64xf32, #tpu.memory_space<vmem>>, vector<1x16xf32>,
      %get3A_672 = vector.shape_cast %get3A_671 : vector<1x16xf32> to vector<16xf32>
      %add3A_673 = arith.addf %add3A_649, %get3A_672 : vector<16xf32>
      %get3A_674 = arith.constant 26 : i32
      %get3A_675 = arith.index_cast %get3A_674 : i32 to index
      %get3A_676 = arith.constant 16 : index
      %get3A_677 = tpu.vector_load %arg6[%get3A_675, %get3A_676] {strides = array<i32>} : memref<50x64xf32, #tpu.memory_space<vmem>>, vector<1x16xf32>,
      %get3A_678 = vector.shape_cast %get3A_677 : vector<1x16xf32> to vector<16xf32>
      %add3A_679 = arith.addf %add3A_655, %get3A_678 : vector<16xf32>
      %get3A_680 = arith.constant 26 : i32
      %get3A_681 = arith.index_cast %get3A_680 : i32 to index
      %get3A_682 = arith.constant 32 : index
      %get3A_683 = tpu.vector_load %arg6[%get3A_681, %get3A_682] {strides = array<i32>} : memref<50x64xf32, #tpu.memory_space<vmem>>, vector<1x16xf32>,
      %get3A_684 = vector.shape_cast %get3A_683 : vector<1x16xf32> to vector<16xf32>
      %add3A_685 = arith.addf %add3A_661, %get3A_684 : vector<16xf32>
      %get3A_686 = arith.constant 26 : i32
      %get3A_687 = arith.index_cast %get3A_686 : i32 to index
      %get3A_688 = arith.constant 48 : index
      %get3A_689 = tpu.vector_load %arg6[%get3A_687, %get3A_688] {strides = array<i32>} : memref<50x64xf32, #tpu.memory_space<vmem>>, vector<1x16xf32>,
      %get3A_690 = vector.shape_cast %get3A_689 : vector<1x16xf32> to vector<16xf32>
      %add3A_691 = arith.addf %add3A_667, %get3A_690 : vector<16xf32>
      %get3A_692 = arith.constant 27 : i32
      %get3A_693 = arith.index_cast %get3A_692 : i32 to index
      %get3A_694 = arith.constant 0 : index
      %get3A_695 = tpu.vector_load %arg6[%get3A_693, %get3A_694] {strides = array<i32>} : memref<50x64xf32, #tpu.memory_space<vmem>>, vector<1x16xf32>,
      %get3A_696 = vector.shape_cast %get3A_695 : vector<1x16xf32> to vector<16xf32>
      %add3A_697 = arith.addf %add3A_673, %get3A_696 : vector<16xf32>
      %get3A_698 = arith.constant 27 : i32
      %get3A_699 = arith.index_cast %get3A_698 : i32 to index
      %get3A_700 = arith.constant 16 : index
      %get3A_701 = tpu.vector_load %arg6[%get3A_699, %get3A_700] {strides = array<i32>} : memref<50x64xf32, #tpu.memory_space<vmem>>, vector<1x16xf32>,
      %get3A_702 = vector.shape_cast %get3A_701 : vector<1x16xf32> to vector<16xf32>
      %add3A_703 = arith.addf %add3A_679, %get3A_702 : vector<16xf32>
      %get3A_704 = arith.constant 27 : i32
      %get3A_705 = arith.index_cast %get3A_704 : i32 to index
      %get3A_706 = arith.constant 32 : index
      %get3A_707 = tpu.vector_load %arg6[%get3A_705, %get3A_706] {strides = array<i32>} : memref<50x64xf32, #tpu.memory_space<vmem>>, vector<1x16xf32>,
      %get3A_708 = vector.shape_cast %get3A_707 : vector<1x16xf32> to vector<16xf32>
      %add3A_709 = arith.addf %add3A_685, %get3A_708 : vector<16xf32>
      %get3A_710 = arith.constant 27 : i32
      %get3A_711 = arith.index_cast %get3A_710 : i32 to index
      %get3A_712 = arith.constant 48 : index
      %get3A_713 = tpu.vector_load %arg6[%get3A_711, %get3A_712] {strides = array<i32>} : memref<50x64xf32, #tpu.memory_space<vmem>>, vector<1x16xf32>,
      %get3A_714 = vector.shape_cast %get3A_713 : vector<1x16xf32> to vector<16xf32>
      %add3A_715 = arith.addf %add3A_691, %get3A_714 : vector<16xf32>
      %get3A_716 = arith.constant 28 : i32
      %get3A_717 = arith.index_cast %get3A_716 : i32 to index
      %get3A_718 = arith.constant 0 : index
      %get3A_719 = tpu.vector_load %arg6[%get3A_717, %get3A_718] {strides = array<i32>} : memref<50x64xf32, #tpu.memory_space<vmem>>, vector<1x16xf32>,
      %get3A_720 = vector.shape_cast %get3A_719 : vector<1x16xf32> to vector<16xf32>
      %add3A_721 = arith.addf %add3A_697, %get3A_720 : vector<16xf32>
      %get3A_722 = arith.constant 28 : i32
      %get3A_723 = arith.index_cast %get3A_722 : i32 to index
      %get3A_724 = arith.constant 16 : index
      %get3A_725 = tpu.vector_load %arg6[%get3A_723, %get3A_724] {strides = array<i32>} : memref<50x64xf32, #tpu.memory_space<vmem>>, vector<1x16xf32>,
      %get3A_726 = vector.shape_cast %get3A_725 : vector<1x16xf32> to vector<16xf32>
      %add3A_727 = arith.addf %add3A_703, %get3A_726 : vector<16xf32>
      %get3A_728 = arith.constant 28 : i32
      %get3A_729 = arith.index_cast %get3A_728 : i32 to index
      %get3A_730 = arith.constant 32 : index
      %get3A_731 = tpu.vector_load %arg6[%get3A_729, %get3A_730] {strides = array<i32>} : memref<50x64xf32, #tpu.memory_space<vmem>>, vector<1x16xf32>,
      %get3A_732 = vector.shape_cast %get3A_731 : vector<1x16xf32> to vector<16xf32>
      %add3A_733 = arith.addf %add3A_709, %get3A_732 : vector<16xf32>
      %get3A_734 = arith.constant 28 : i32
      %get3A_735 = arith.index_cast %get3A_734 : i32 to index
      %get3A_736 = arith.constant 48 : index
      %get3A_737 = tpu.vector_load %arg6[%get3A_735, %get3A_736] {strides = array<i32>} : memref<50x64xf32, #tpu.memory_space<vmem>>, vector<1x16xf32>,
      %get3A_738 = vector.shape_cast %get3A_737 : vector<1x16xf32> to vector<16xf32>
      %add3A_739 = arith.addf %add3A_715, %get3A_738 : vector<16xf32>
      %get3A_740 = arith.constant 29 : i32
      %get3A_741 = arith.index_cast %get3A_740 : i32 to index
      %get3A_742 = arith.constant 0 : index
      %get3A_743 = tpu.vector_load %arg6[%get3A_741, %get3A_742] {strides = array<i32>} : memref<50x64xf32, #tpu.memory_space<vmem>>, vector<1x16xf32>,
      %get3A_744 = vector.shape_cast %get3A_743 : vector<1x16xf32> to vector<16xf32>
      %add3A_745 = arith.addf %add3A_721, %get3A_744 : vector<16xf32>
      %get3A_746 = arith.constant 29 : i32
      %get3A_747 = arith.index_cast %get3A_746 : i32 to index
      %get3A_748 = arith.constant 16 : index
      %get3A_749 = tpu.vector_load %arg6[%get3A_747, %get3A_748] {strides = array<i32>} : memref<50x64xf32, #tpu.memory_space<vmem>>, vector<1x16xf32>,
      %get3A_750 = vector.shape_cast %get3A_749 : vector<1x16xf32> to vector<16xf32>
      %add3A_751 = arith.addf %add3A_727, %get3A_750 : vector<16xf32>
      %get3A_752 = arith.constant 29 : i32
      %get3A_753 = arith.index_cast %get3A_752 : i32 to index
      %get3A_754 = arith.constant 32 : index
      %get3A_755 = tpu.vector_load %arg6[%get3A_753, %get3A_754] {strides = array<i32>} : memref<50x64xf32, #tpu.memory_space<vmem>>, vector<1x16xf32>,
      %get3A_756 = vector.shape_cast %get3A_755 : vector<1x16xf32> to vector<16xf32>
      %add3A_757 = arith.addf %add3A_733, %get3A_756 : vector<16xf32>
      %get3A_758 = arith.constant 29 : i32
      %get3A_759 = arith.index_cast %get3A_758 : i32 to index
      %get3A_760 = arith.constant 48 : index
      %get3A_761 = tpu.vector_load %arg6[%get3A_759, %get3A_760] {strides = array<i32>} : memref<50x64xf32, #tpu.memory_space<vmem>>, vector<1x16xf32>,
      %get3A_762 = vector.shape_cast %get3A_761 : vector<1x16xf32> to vector<16xf32>
      %add3A_763 = arith.addf %add3A_739, %get3A_762 : vector<16xf32>
      %get3A_764 = arith.constant 30 : i32
      %get3A_765 = arith.index_cast %get3A_764 : i32 to index
      %get3A_766 = arith.constant 0 : index
      %get3A_767 = tpu.vector_load %arg6[%get3A_765, %get3A_766] {strides = array<i32>} : memref<50x64xf32, #tpu.memory_space<vmem>>, vector<1x16xf32>,
      %get3A_768 = vector.shape_cast %get3A_767 : vector<1x16xf32> to vector<16xf32>
      %add3A_769 = arith.addf %add3A_745, %get3A_768 : vector<16xf32>
      %get3A_770 = arith.constant 30 : i32
      %get3A_771 = arith.index_cast %get3A_770 : i32 to index
      %get3A_772 = arith.constant 16 : index
      %get3A_773 = tpu.vector_load %arg6[%get3A_771, %get3A_772] {strides = array<i32>} : memref<50x64xf32, #tpu.memory_space<vmem>>, vector<1x16xf32>,
      %get3A_774 = vector.shape_cast %get3A_773 : vector<1x16xf32> to vector<16xf32>
      %add3A_775 = arith.addf %add3A_751, %get3A_774 : vector<16xf32>
      %get3A_776 = arith.constant 30 : i32
      %get3A_777 = arith.index_cast %get3A_776 : i32 to index
      %get3A_778 = arith.constant 32 : index
      %get3A_779 = tpu.vector_load %arg6[%get3A_777, %get3A_778] {strides = array<i32>} : memref<50x64xf32, #tpu.memory_space<vmem>>, vector<1x16xf32>,
      %get3A_780 = vector.shape_cast %get3A_779 : vector<1x16xf32> to vector<16xf32>
      %add3A_781 = arith.addf %add3A_757, %get3A_780 : vector<16xf32>
      %get3A_782 = arith.constant 30 : i32
      %get3A_783 = arith.index_cast %get3A_782 : i32 to index
      %get3A_784 = arith.constant 48 : index
      %get3A_785 = tpu.vector_load %arg6[%get3A_783, %get3A_784] {strides = array<i32>} : memref<50x64xf32, #tpu.memory_space<vmem>>, vector<1x16xf32>,
      %get3A_786 = vector.shape_cast %get3A_785 : vector<1x16xf32> to vector<16xf32>
      %add3A_787 = arith.addf %add3A_763, %get3A_786 : vector<16xf32>
      %get3A_788 = arith.constant 31 : i32
      %get3A_789 = arith.index_cast %get3A_788 : i32 to index
      %get3A_790 = arith.constant 0 : index
      %get3A_791 = tpu.vector_load %arg6[%get3A_789, %get3A_790] {strides = array<i32>} : memref<50x64xf32, #tpu.memory_space<vmem>>, vector<1x16xf32>,
      %get3A_792 = vector.shape_cast %get3A_791 : vector<1x16xf32> to vector<16xf32>
      %add3A_793 = arith.addf %add3A_769, %get3A_792 : vector<16xf32>
      %get3A_794 = arith.constant 31 : i32
      %get3A_795 = arith.index_cast %get3A_794 : i32 to index
      %get3A_796 = arith.constant 16 : index
      %get3A_797 = tpu.vector_load %arg6[%get3A_795, %get3A_796] {strides = array<i32>} : memref<50x64xf32, #tpu.memory_space<vmem>>, vector<1x16xf32>,
      %get3A_798 = vector.shape_cast %get3A_797 : vector<1x16xf32> to vector<16xf32>
      %add3A_799 = arith.addf %add3A_775, %get3A_798 : vector<16xf32>
      %get3A_800 = arith.constant 31 : i32
      %get3A_801 = arith.index_cast %get3A_800 : i32 to index
      %get3A_802 = arith.constant 32 : index
      %get3A_803 = tpu.vector_load %arg6[%get3A_801, %get3A_802] {strides = array<i32>} : memref<50x64xf32, #tpu.memory_space<vmem>>, vector<1x16xf32>,
      %get3A_804 = vector.shape_cast %get3A_803 : vector<1x16xf32> to vector<16xf32>
      %add3A_805 = arith.addf %add3A_781, %get3A_804 : vector<16xf32>
      %get3A_806 = arith.constant 31 : i32
      %get3A_807 = arith.index_cast %get3A_806 : i32 to index
      %get3A_808 = arith.constant 48 : index
      %get3A_809 = tpu.vector_load %arg6[%get3A_807, %get3A_808] {strides = array<i32>} : memref<50x64xf32, #tpu.memory_space<vmem>>, vector<1x16xf32>,
      %get3A_810 = vector.shape_cast %get3A_809 : vector<1x16xf32> to vector<16xf32>
      %add3A_811 = arith.addf %add3A_787, %get3A_810 : vector<16xf32>
      %get3A_812 = arith.constant 32 : i32
      %get3A_813 = arith.index_cast %get3A_812 : i32 to index
      %get3A_814 = arith.constant 0 : index
      %get3A_815 = tpu.vector_load %arg6[%get3A_813, %get3A_814] {strides = array<i32>} : memref<50x64xf32, #tpu.memory_space<vmem>>, vector<1x16xf32>,
      %get3A_816 = vector.shape_cast %get3A_815 : vector<1x16xf32> to vector<16xf32>
      %add3A_817 = arith.addf %add3A_793, %get3A_816 : vector<16xf32>
      %get3A_818 = arith.constant 32 : i32
      %get3A_819 = arith.index_cast %get3A_818 : i32 to index
      %get3A_820 = arith.constant 16 : index
      %get3A_821 = tpu.vector_load %arg6[%get3A_819, %get3A_820] {strides = array<i32>} : memref<50x64xf32, #tpu.memory_space<vmem>>, vector<1x16xf32>,
      %get3A_822 = vector.shape_cast %get3A_821 : vector<1x16xf32> to vector<16xf32>
      %add3A_823 = arith.addf %add3A_799, %get3A_822 : vector<16xf32>
      %get3A_824 = arith.constant 32 : i32
      %get3A_825 = arith.index_cast %get3A_824 : i32 to index
      %get3A_826 = arith.constant 32 : index
      %get3A_827 = tpu.vector_load %arg6[%get3A_825, %get3A_826] {strides = array<i32>} : memref<50x64xf32, #tpu.memory_space<vmem>>, vector<1x16xf32>,
      %get3A_828 = vector.shape_cast %get3A_827 : vector<1x16xf32> to vector<16xf32>
      %add3A_829 = arith.addf %add3A_805, %get3A_828 : vector<16xf32>
      %get3A_830 = arith.constant 32 : i32
      %get3A_831 = arith.index_cast %get3A_830 : i32 to index
      %get3A_832 = arith.constant 48 : index
      %get3A_833 = tpu.vector_load %arg6[%get3A_831, %get3A_832] {strides = array<i32>} : memref<50x64xf32, #tpu.memory_space<vmem>>, vector<1x16xf32>,
      %get3A_834 = vector.shape_cast %get3A_833 : vector<1x16xf32> to vector<16xf32>
      %add3A_835 = arith.addf %add3A_811, %get3A_834 : vector<16xf32>
      %get3A_836 = arith.constant 33 : i32
      %get3A_837 = arith.index_cast %get3A_836 : i32 to index
      %get3A_838 = arith.constant 0 : index
      %get3A_839 = tpu.vector_load %arg6[%get3A_837, %get3A_838] {strides = array<i32>} : memref<50x64xf32, #tpu.memory_space<vmem>>, vector<1x16xf32>,
      %get3A_840 = vector.shape_cast %get3A_839 : vector<1x16xf32> to vector<16xf32>
      %add3A_841 = arith.addf %add3A_817, %get3A_840 : vector<16xf32>
      %get3A_842 = arith.constant 33 : i32
      %get3A_843 = arith.index_cast %get3A_842 : i32 to index
      %get3A_844 = arith.constant 16 : index
      %get3A_845 = tpu.vector_load %arg6[%get3A_843, %get3A_844] {strides = array<i32>} : memref<50x64xf32, #tpu.memory_space<vmem>>, vector<1x16xf32>,
      %get3A_846 = vector.shape_cast %get3A_845 : vector<1x16xf32> to vector<16xf32>
      %add3A_847 = arith.addf %add3A_823, %get3A_846 : vector<16xf32>
      %get3A_848 = arith.constant 33 : i32
      %get3A_849 = arith.index_cast %get3A_848 : i32 to index
      %get3A_850 = arith.constant 32 : index
      %get3A_851 = tpu.vector_load %arg6[%get3A_849, %get3A_850] {strides = array<i32>} : memref<50x64xf32, #tpu.memory_space<vmem>>, vector<1x16xf32>,
      %get3A_852 = vector.shape_cast %get3A_851 : vector<1x16xf32> to vector<16xf32>
      %add3A_853 = arith.addf %add3A_829, %get3A_852 : vector<16xf32>
      %get3A_854 = arith.constant 33 : i32
      %get3A_855 = arith.index_cast %get3A_854 : i32 to index
      %get3A_856 = arith.constant 48 : index
      %get3A_857 = tpu.vector_load %arg6[%get3A_855, %get3A_856] {strides = array<i32>} : memref<50x64xf32, #tpu.memory_space<vmem>>, vector<1x16xf32>,
      %get3A_858 = vector.shape_cast %get3A_857 : vector<1x16xf32> to vector<16xf32>
      %add3A_859 = arith.addf %add3A_835, %get3A_858 : vector<16xf32>
      %get3A_860 = arith.constant 34 : i32
      %get3A_861 = arith.index_cast %get3A_860 : i32 to index
      %get3A_862 = arith.constant 0 : index
      %get3A_863 = tpu.vector_load %arg6[%get3A_861, %get3A_862] {strides = array<i32>} : memref<50x64xf32, #tpu.memory_space<vmem>>, vector<1x16xf32>,
      %get3A_864 = vector.shape_cast %get3A_863 : vector<1x16xf32> to vector<16xf32>
      %add3A_865 = arith.addf %add3A_841, %get3A_864 : vector<16xf32>
      %get3A_866 = arith.constant 34 : i32
      %get3A_867 = arith.index_cast %get3A_866 : i32 to index
      %get3A_868 = arith.constant 16 : index
      %get3A_869 = tpu.vector_load %arg6[%get3A_867, %get3A_868] {strides = array<i32>} : memref<50x64xf32, #tpu.memory_space<vmem>>, vector<1x16xf32>,
      %get3A_870 = vector.shape_cast %get3A_869 : vector<1x16xf32> to vector<16xf32>
      %add3A_871 = arith.addf %add3A_847, %get3A_870 : vector<16xf32>
      %get3A_872 = arith.constant 34 : i32
      %get3A_873 = arith.index_cast %get3A_872 : i32 to index
      %get3A_874 = arith.constant 32 : index
      %get3A_875 = tpu.vector_load %arg6[%get3A_873, %get3A_874] {strides = array<i32>} : memref<50x64xf32, #tpu.memory_space<vmem>>, vector<1x16xf32>,
      %get3A_876 = vector.shape_cast %get3A_875 : vector<1x16xf32> to vector<16xf32>
      %add3A_877 = arith.addf %add3A_853, %get3A_876 : vector<16xf32>
      %get3A_878 = arith.constant 34 : i32
      %get3A_879 = arith.index_cast %get3A_878 : i32 to index
      %get3A_880 = arith.constant 48 : index
      %get3A_881 = tpu.vector_load %arg6[%get3A_879, %get3A_880] {strides = array<i32>} : memref<50x64xf32, #tpu.memory_space<vmem>>, vector<1x16xf32>,
      %get3A_882 = vector.shape_cast %get3A_881 : vector<1x16xf32> to vector<16xf32>
      %add3A_883 = arith.addf %add3A_859, %get3A_882 : vector<16xf32>
      %get3A_884 = arith.constant 35 : i32
      %get3A_885 = arith.index_cast %get3A_884 : i32 to index
      %get3A_886 = arith.constant 0 : index
      %get3A_887 = tpu.vector_load %arg6[%get3A_885, %get3A_886] {strides = array<i32>} : memref<50x64xf32, #tpu.memory_space<vmem>>, vector<1x16xf32>,
      %get3A_888 = vector.shape_cast %get3A_887 : vector<1x16xf32> to vector<16xf32>
      %add3A_889 = arith.addf %add3A_865, %get3A_888 : vector<16xf32>
      %get3A_890 = arith.constant 35 : i32
      %get3A_891 = arith.index_cast %get3A_890 : i32 to index
      %get3A_892 = arith.constant 16 : index
      %get3A_893 = tpu.vector_load %arg6[%get3A_891, %get3A_892] {strides = array<i32>} : memref<50x64xf32, #tpu.memory_space<vmem>>, vector<1x16xf32>,
      %get3A_894 = vector.shape_cast %get3A_893 : vector<1x16xf32> to vector<16xf32>
      %add3A_895 = arith.addf %add3A_871, %get3A_894 : vector<16xf32>
      %get3A_896 = arith.constant 35 : i32
      %get3A_897 = arith.index_cast %get3A_896 : i32 to index
      %get3A_898 = arith.constant 32 : index
      %get3A_899 = tpu.vector_load %arg6[%get3A_897, %get3A_898] {strides = array<i32>} : memref<50x64xf32, #tpu.memory_space<vmem>>, vector<1x16xf32>,
      %get3A_900 = vector.shape_cast %get3A_899 : vector<1x16xf32> to vector<16xf32>
      %add3A_901 = arith.addf %add3A_877, %get3A_900 : vector<16xf32>
      %get3A_902 = arith.constant 35 : i32
      %get3A_903 = arith.index_cast %get3A_902 : i32 to index
      %get3A_904 = arith.constant 48 : index
      %get3A_905 = tpu.vector_load %arg6[%get3A_903, %get3A_904] {strides = array<i32>} : memref<50x64xf32, #tpu.memory_space<vmem>>, vector<1x16xf32>,
      %get3A_906 = vector.shape_cast %get3A_905 : vector<1x16xf32> to vector<16xf32>
      %add3A_907 = arith.addf %add3A_883, %get3A_906 : vector<16xf32>
      %get3A_908 = arith.constant 36 : i32
      %get3A_909 = arith.index_cast %get3A_908 : i32 to index
      %get3A_910 = arith.constant 0 : index
      %get3A_911 = tpu.vector_load %arg6[%get3A_909, %get3A_910] {strides = array<i32>} : memref<50x64xf32, #tpu.memory_space<vmem>>, vector<1x16xf32>,
      %get3A_912 = vector.shape_cast %get3A_911 : vector<1x16xf32> to vector<16xf32>
      %add3A_913 = arith.addf %add3A_889, %get3A_912 : vector<16xf32>
      %get3A_914 = arith.constant 36 : i32
      %get3A_915 = arith.index_cast %get3A_914 : i32 to index
      %get3A_916 = arith.constant 16 : index
      %get3A_917 = tpu.vector_load %arg6[%get3A_915, %get3A_916] {strides = array<i32>} : memref<50x64xf32, #tpu.memory_space<vmem>>, vector<1x16xf32>,
      %get3A_918 = vector.shape_cast %get3A_917 : vector<1x16xf32> to vector<16xf32>
      %add3A_919 = arith.addf %add3A_895, %get3A_918 : vector<16xf32>
      %get3A_920 = arith.constant 36 : i32
      %get3A_921 = arith.index_cast %get3A_920 : i32 to index
      %get3A_922 = arith.constant 32 : index
      %get3A_923 = tpu.vector_load %arg6[%get3A_921, %get3A_922] {strides = array<i32>} : memref<50x64xf32, #tpu.memory_space<vmem>>, vector<1x16xf32>,
      %get3A_924 = vector.shape_cast %get3A_923 : vector<1x16xf32> to vector<16xf32>
      %add3A_925 = arith.addf %add3A_901, %get3A_924 : vector<16xf32>
      %get3A_926 = arith.constant 36 : i32
      %get3A_927 = arith.index_cast %get3A_926 : i32 to index
      %get3A_928 = arith.constant 48 : index
      %get3A_929 = tpu.vector_load %arg6[%get3A_927, %get3A_928] {strides = array<i32>} : memref<50x64xf32, #tpu.memory_space<vmem>>, vector<1x16xf32>,
      %get3A_930 = vector.shape_cast %get3A_929 : vector<1x16xf32> to vector<16xf32>
      %add3A_931 = arith.addf %add3A_907, %get3A_930 : vector<16xf32>
      %get3A_932 = arith.constant 37 : i32
      %get3A_933 = arith.index_cast %get3A_932 : i32 to index
      %get3A_934 = arith.constant 0 : index
      %get3A_935 = tpu.vector_load %arg6[%get3A_933, %get3A_934] {strides = array<i32>} : memref<50x64xf32, #tpu.memory_space<vmem>>, vector<1x16xf32>,
      %get3A_936 = vector.shape_cast %get3A_935 : vector<1x16xf32> to vector<16xf32>
      %add3A_937 = arith.addf %add3A_913, %get3A_936 : vector<16xf32>
      %get3A_938 = arith.constant 37 : i32
      %get3A_939 = arith.index_cast %get3A_938 : i32 to index
      %get3A_940 = arith.constant 16 : index
      %get3A_941 = tpu.vector_load %arg6[%get3A_939, %get3A_940] {strides = array<i32>} : memref<50x64xf32, #tpu.memory_space<vmem>>, vector<1x16xf32>,
      %get3A_942 = vector.shape_cast %get3A_941 : vector<1x16xf32> to vector<16xf32>
      %add3A_943 = arith.addf %add3A_919, %get3A_942 : vector<16xf32>
      %get3A_944 = arith.constant 37 : i32
      %get3A_945 = arith.index_cast %get3A_944 : i32 to index
      %get3A_946 = arith.constant 32 : index
      %get3A_947 = tpu.vector_load %arg6[%get3A_945, %get3A_946] {strides = array<i32>} : memref<50x64xf32, #tpu.memory_space<vmem>>, vector<1x16xf32>,
      %get3A_948 = vector.shape_cast %get3A_947 : vector<1x16xf32> to vector<16xf32>
      %add3A_949 = arith.addf %add3A_925, %get3A_948 : vector<16xf32>
      %get3A_950 = arith.constant 37 : i32
      %get3A_951 = arith.index_cast %get3A_950 : i32 to index
      %get3A_952 = arith.constant 48 : index
      %get3A_953 = tpu.vector_load %arg6[%get3A_951, %get3A_952] {strides = array<i32>} : memref<50x64xf32, #tpu.memory_space<vmem>>, vector<1x16xf32>,
      %get3A_954 = vector.shape_cast %get3A_953 : vector<1x16xf32> to vector<16xf32>
      %add3A_955 = arith.addf %add3A_931, %get3A_954 : vector<16xf32>
      %get3A_956 = arith.constant 38 : i32
      %get3A_957 = arith.index_cast %get3A_956 : i32 to index
      %get3A_958 = arith.constant 0 : index
      %get3A_959 = tpu.vector_load %arg6[%get3A_957, %get3A_958] {strides = array<i32>} : memref<50x64xf32, #tpu.memory_space<vmem>>, vector<1x16xf32>,
      %get3A_960 = vector.shape_cast %get3A_959 : vector<1x16xf32> to vector<16xf32>
      %add3A_961 = arith.addf %add3A_937, %get3A_960 : vector<16xf32>
      %get3A_962 = arith.constant 38 : i32
      %get3A_963 = arith.index_cast %get3A_962 : i32 to index
      %get3A_964 = arith.constant 16 : index
      %get3A_965 = tpu.vector_load %arg6[%get3A_963, %get3A_964] {strides = array<i32>} : memref<50x64xf32, #tpu.memory_space<vmem>>, vector<1x16xf32>,
      %get3A_966 = vector.shape_cast %get3A_965 : vector<1x16xf32> to vector<16xf32>
      %add3A_967 = arith.addf %add3A_943, %get3A_966 : vector<16xf32>
      %get3A_968 = arith.constant 38 : i32
      %get3A_969 = arith.index_cast %get3A_968 : i32 to index
      %get3A_970 = arith.constant 32 : index
      %get3A_971 = tpu.vector_load %arg6[%get3A_969, %get3A_970] {strides = array<i32>} : memref<50x64xf32, #tpu.memory_space<vmem>>, vector<1x16xf32>,
      %get3A_972 = vector.shape_cast %get3A_971 : vector<1x16xf32> to vector<16xf32>
      %add3A_973 = arith.addf %add3A_949, %get3A_972 : vector<16xf32>
      %get3A_974 = arith.constant 38 : i32
      %get3A_975 = arith.index_cast %get3A_974 : i32 to index
      %get3A_976 = arith.constant 48 : index
      %get3A_977 = tpu.vector_load %arg6[%get3A_975, %get3A_976] {strides = array<i32>} : memref<50x64xf32, #tpu.memory_space<vmem>>, vector<1x16xf32>,
      %get3A_978 = vector.shape_cast %get3A_977 : vector<1x16xf32> to vector<16xf32>
      %add3A_979 = arith.addf %add3A_955, %get3A_978 : vector<16xf32>
      %get3A_980 = arith.constant 39 : i32
      %get3A_981 = arith.index_cast %get3A_980 : i32 to index
      %get3A_982 = arith.constant 0 : index
      %get3A_983 = tpu.vector_load %arg6[%get3A_981, %get3A_982] {strides = array<i32>} : memref<50x64xf32, #tpu.memory_space<vmem>>, vector<1x16xf32>,
      %get3A_984 = vector.shape_cast %get3A_983 : vector<1x16xf32> to vector<16xf32>
      %add3A_985 = arith.addf %add3A_961, %get3A_984 : vector<16xf32>
      %get3A_986 = arith.constant 39 : i32
      %get3A_987 = arith.index_cast %get3A_986 : i32 to index
      %get3A_988 = arith.constant 16 : index
      %get3A_989 = tpu.vector_load %arg6[%get3A_987, %get3A_988] {strides = array<i32>} : memref<50x64xf32, #tpu.memory_space<vmem>>, vector<1x16xf32>,
      %get3A_990 = vector.shape_cast %get3A_989 : vector<1x16xf32> to vector<16xf32>
      %add3A_991 = arith.addf %add3A_967, %get3A_990 : vector<16xf32>
      %get3A_992 = arith.constant 39 : i32
      %get3A_993 = arith.index_cast %get3A_992 : i32 to index
      %get3A_994 = arith.constant 32 : index
      %get3A_995 = tpu.vector_load %arg6[%get3A_993, %get3A_994] {strides = array<i32>} : memref<50x64xf32, #tpu.memory_space<vmem>>, vector<1x16xf32>,
      %get3A_996 = vector.shape_cast %get3A_995 : vector<1x16xf32> to vector<16xf32>
      %add3A_997 = arith.addf %add3A_973, %get3A_996 : vector<16xf32>
      %get3A_998 = arith.constant 39 : i32
      %get3A_999 = arith.index_cast %get3A_998 : i32 to index
      %get3A_1000 = arith.constant 48 : index
      %get3A_1001 = tpu.vector_load %arg6[%get3A_999, %get3A_1000] {strides = array<i32>} : memref<50x64xf32, #tpu.memory_space<vmem>>, vector<1x16xf32>,
      %get3A_1002 = vector.shape_cast %get3A_1001 : vector<1x16xf32> to vector<16xf32>
      %add3A_1003 = arith.addf %add3A_979, %get3A_1002 : vector<16xf32>
      %get3A_1004 = arith.constant 40 : i32
      %get3A_1005 = arith.index_cast %get3A_1004 : i32 to index
      %get3A_1006 = arith.constant 0 : index
      %get3A_1007 = tpu.vector_load %arg6[%get3A_1005, %get3A_1006] {strides = array<i32>} : memref<50x64xf32, #tpu.memory_space<vmem>>, vector<1x16xf32>,
      %get3A_1008 = vector.shape_cast %get3A_1007 : vector<1x16xf32> to vector<16xf32>
      %add3A_1009 = arith.addf %add3A_985, %get3A_1008 : vector<16xf32>
      %get3A_1010 = arith.constant 40 : i32
      %get3A_1011 = arith.index_cast %get3A_1010 : i32 to index
      %get3A_1012 = arith.constant 16 : index
      %get3A_1013 = tpu.vector_load %arg6[%get3A_1011, %get3A_1012] {strides = array<i32>} : memref<50x64xf32, #tpu.memory_space<vmem>>, vector<1x16xf32>,
      %get3A_1014 = vector.shape_cast %get3A_1013 : vector<1x16xf32> to vector<16xf32>
      %add3A_1015 = arith.addf %add3A_991, %get3A_1014 : vector<16xf32>
      %get3A_1016 = arith.constant 40 : i32
      %get3A_1017 = arith.index_cast %get3A_1016 : i32 to index
      %get3A_1018 = arith.constant 32 : index
      %get3A_1019 = tpu.vector_load %arg6[%get3A_1017, %get3A_1018] {strides = array<i32>} : memref<50x64xf32, #tpu.memory_space<vmem>>, vector<1x16xf32>,
      %get3A_1020 = vector.shape_cast %get3A_1019 : vector<1x16xf32> to vector<16xf32>
      %add3A_1021 = arith.addf %add3A_997, %get3A_1020 : vector<16xf32>
      %get3A_1022 = arith.constant 40 : i32
      %get3A_1023 = arith.index_cast %get3A_1022 : i32 to index
      %get3A_1024 = arith.constant 48 : index
      %get3A_1025 = tpu.vector_load %arg6[%get3A_1023, %get3A_1024] {strides = array<i32>} : memref<50x64xf32, #tpu.memory_space<vmem>>, vector<1x16xf32>,
      %get3A_1026 = vector.shape_cast %get3A_1025 : vector<1x16xf32> to vector<16xf32>
      %add3A_1027 = arith.addf %add3A_1003, %get3A_1026 : vector<16xf32>
      %get3A_1028 = arith.constant 41 : i32
      %get3A_1029 = arith.index_cast %get3A_1028 : i32 to index
      %get3A_1030 = arith.constant 0 : index
      %get3A_1031 = tpu.vector_load %arg6[%get3A_1029, %get3A_1030] {strides = array<i32>} : memref<50x64xf32, #tpu.memory_space<vmem>>, vector<1x16xf32>,
      %get3A_1032 = vector.shape_cast %get3A_1031 : vector<1x16xf32> to vector<16xf32>
      %add3A_1033 = arith.addf %add3A_1009, %get3A_1032 : vector<16xf32>
      %get3A_1034 = arith.constant 41 : i32
      %get3A_1035 = arith.index_cast %get3A_1034 : i32 to index
      %get3A_1036 = arith.constant 16 : index
      %get3A_1037 = tpu.vector_load %arg6[%get3A_1035, %get3A_1036] {strides = array<i32>} : memref<50x64xf32, #tpu.memory_space<vmem>>, vector<1x16xf32>,
      %get3A_1038 = vector.shape_cast %get3A_1037 : vector<1x16xf32> to vector<16xf32>
      %add3A_1039 = arith.addf %add3A_1015, %get3A_1038 : vector<16xf32>
      %get3A_1040 = arith.constant 41 : i32
      %get3A_1041 = arith.index_cast %get3A_1040 : i32 to index
      %get3A_1042 = arith.constant 32 : index
      %get3A_1043 = tpu.vector_load %arg6[%get3A_1041, %get3A_1042] {strides = array<i32>} : memref<50x64xf32, #tpu.memory_space<vmem>>, vector<1x16xf32>,
      %get3A_1044 = vector.shape_cast %get3A_1043 : vector<1x16xf32> to vector<16xf32>
      %add3A_1045 = arith.addf %add3A_1021, %get3A_1044 : vector<16xf32>
      %get3A_1046 = arith.constant 41 : i32
      %get3A_1047 = arith.index_cast %get3A_1046 : i32 to index
      %get3A_1048 = arith.constant 48 : index
      %get3A_1049 = tpu.vector_load %arg6[%get3A_1047, %get3A_1048] {strides = array<i32>} : memref<50x64xf32, #tpu.memory_space<vmem>>, vector<1x16xf32>,
      %get3A_1050 = vector.shape_cast %get3A_1049 : vector<1x16xf32> to vector<16xf32>
      %add3A_1051 = arith.addf %add3A_1027, %get3A_1050 : vector<16xf32>
      %get3A_1052 = arith.constant 42 : i32
      %get3A_1053 = arith.index_cast %get3A_1052 : i32 to index
      %get3A_1054 = arith.constant 0 : index
      %get3A_1055 = tpu.vector_load %arg6[%get3A_1053, %get3A_1054] {strides = array<i32>} : memref<50x64xf32, #tpu.memory_space<vmem>>, vector<1x16xf32>,
      %get3A_1056 = vector.shape_cast %get3A_1055 : vector<1x16xf32> to vector<16xf32>
      %add3A_1057 = arith.addf %add3A_1033, %get3A_1056 : vector<16xf32>
      %get3A_1058 = arith.constant 42 : i32
      %get3A_1059 = arith.index_cast %get3A_1058 : i32 to index
      %get3A_1060 = arith.constant 16 : index
      %get3A_1061 = tpu.vector_load %arg6[%get3A_1059, %get3A_1060] {strides = array<i32>} : memref<50x64xf32, #tpu.memory_space<vmem>>, vector<1x16xf32>,
      %get3A_1062 = vector.shape_cast %get3A_1061 : vector<1x16xf32> to vector<16xf32>
      %add3A_1063 = arith.addf %add3A_1039, %get3A_1062 : vector<16xf32>
      %get3A_1064 = arith.constant 42 : i32
      %get3A_1065 = arith.index_cast %get3A_1064 : i32 to index
      %get3A_1066 = arith.constant 32 : index
      %get3A_1067 = tpu.vector_load %arg6[%get3A_1065, %get3A_1066] {strides = array<i32>} : memref<50x64xf32, #tpu.memory_space<vmem>>, vector<1x16xf32>,
      %get3A_1068 = vector.shape_cast %get3A_1067 : vector<1x16xf32> to vector<16xf32>
      %add3A_1069 = arith.addf %add3A_1045, %get3A_1068 : vector<16xf32>
      %get3A_1070 = arith.constant 42 : i32
      %get3A_1071 = arith.index_cast %get3A_1070 : i32 to index
      %get3A_1072 = arith.constant 48 : index
      %get3A_1073 = tpu.vector_load %arg6[%get3A_1071, %get3A_1072] {strides = array<i32>} : memref<50x64xf32, #tpu.memory_space<vmem>>, vector<1x16xf32>,
      %get3A_1074 = vector.shape_cast %get3A_1073 : vector<1x16xf32> to vector<16xf32>
      %add3A_1075 = arith.addf %add3A_1051, %get3A_1074 : vector<16xf32>
      %get3A_1076 = arith.constant 43 : i32
      %get3A_1077 = arith.index_cast %get3A_1076 : i32 to index
      %get3A_1078 = arith.constant 0 : index
      %get3A_1079 = tpu.vector_load %arg6[%get3A_1077, %get3A_1078] {strides = array<i32>} : memref<50x64xf32, #tpu.memory_space<vmem>>, vector<1x16xf32>,
      %get3A_1080 = vector.shape_cast %get3A_1079 : vector<1x16xf32> to vector<16xf32>
      %add3A_1081 = arith.addf %add3A_1057, %get3A_1080 : vector<16xf32>
      %get3A_1082 = arith.constant 43 : i32
      %get3A_1083 = arith.index_cast %get3A_1082 : i32 to index
      %get3A_1084 = arith.constant 16 : index
      %get3A_1085 = tpu.vector_load %arg6[%get3A_1083, %get3A_1084] {strides = array<i32>} : memref<50x64xf32, #tpu.memory_space<vmem>>, vector<1x16xf32>,
      %get3A_1086 = vector.shape_cast %get3A_1085 : vector<1x16xf32> to vector<16xf32>
      %add3A_1087 = arith.addf %add3A_1063, %get3A_1086 : vector<16xf32>
      %get3A_1088 = arith.constant 43 : i32
      %get3A_1089 = arith.index_cast %get3A_1088 : i32 to index
      %get3A_1090 = arith.constant 32 : index
      %get3A_1091 = tpu.vector_load %arg6[%get3A_1089, %get3A_1090] {strides = array<i32>} : memref<50x64xf32, #tpu.memory_space<vmem>>, vector<1x16xf32>,
      %get3A_1092 = vector.shape_cast %get3A_1091 : vector<1x16xf32> to vector<16xf32>
      %add3A_1093 = arith.addf %add3A_1069, %get3A_1092 : vector<16xf32>
      %get3A_1094 = arith.constant 43 : i32
      %get3A_1095 = arith.index_cast %get3A_1094 : i32 to index
      %get3A_1096 = arith.constant 48 : index
      %get3A_1097 = tpu.vector_load %arg6[%get3A_1095, %get3A_1096] {strides = array<i32>} : memref<50x64xf32, #tpu.memory_space<vmem>>, vector<1x16xf32>,
      %get3A_1098 = vector.shape_cast %get3A_1097 : vector<1x16xf32> to vector<16xf32>
      %add3A_1099 = arith.addf %add3A_1075, %get3A_1098 : vector<16xf32>
      %get3A_1100 = arith.constant 44 : i32
      %get3A_1101 = arith.index_cast %get3A_1100 : i32 to index
      %get3A_1102 = arith.constant 0 : index
      %get3A_1103 = tpu.vector_load %arg6[%get3A_1101, %get3A_1102] {strides = array<i32>} : memref<50x64xf32, #tpu.memory_space<vmem>>, vector<1x16xf32>,
      %get3A_1104 = vector.shape_cast %get3A_1103 : vector<1x16xf32> to vector<16xf32>
      %add3A_1105 = arith.addf %add3A_1081, %get3A_1104 : vector<16xf32>
      %get3A_1106 = arith.constant 44 : i32
      %get3A_1107 = arith.index_cast %get3A_1106 : i32 to index
      %get3A_1108 = arith.constant 16 : index
      %get3A_1109 = tpu.vector_load %arg6[%get3A_1107, %get3A_1108] {strides = array<i32>} : memref<50x64xf32, #tpu.memory_space<vmem>>, vector<1x16xf32>,
      %get3A_1110 = vector.shape_cast %get3A_1109 : vector<1x16xf32> to vector<16xf32>
      %add3A_1111 = arith.addf %add3A_1087, %get3A_1110 : vector<16xf32>
      %get3A_1112 = arith.constant 44 : i32
      %get3A_1113 = arith.index_cast %get3A_1112 : i32 to index
      %get3A_1114 = arith.constant 32 : index
      %get3A_1115 = tpu.vector_load %arg6[%get3A_1113, %get3A_1114] {strides = array<i32>} : memref<50x64xf32, #tpu.memory_space<vmem>>, vector<1x16xf32>,
      %get3A_1116 = vector.shape_cast %get3A_1115 : vector<1x16xf32> to vector<16xf32>
      %add3A_1117 = arith.addf %add3A_1093, %get3A_1116 : vector<16xf32>
      %get3A_1118 = arith.constant 44 : i32
      %get3A_1119 = arith.index_cast %get3A_1118 : i32 to index
      %get3A_1120 = arith.constant 48 : index
      %get3A_1121 = tpu.vector_load %arg6[%get3A_1119, %get3A_1120] {strides = array<i32>} : memref<50x64xf32, #tpu.memory_space<vmem>>, vector<1x16xf32>,
      %get3A_1122 = vector.shape_cast %get3A_1121 : vector<1x16xf32> to vector<16xf32>
      %add3A_1123 = arith.addf %add3A_1099, %get3A_1122 : vector<16xf32>
      %get3A_1124 = arith.constant 45 : i32
      %get3A_1125 = arith.index_cast %get3A_1124 : i32 to index
      %get3A_1126 = arith.constant 0 : index
      %get3A_1127 = tpu.vector_load %arg6[%get3A_1125, %get3A_1126] {strides = array<i32>} : memref<50x64xf32, #tpu.memory_space<vmem>>, vector<1x16xf32>,
      %get3A_1128 = vector.shape_cast %get3A_1127 : vector<1x16xf32> to vector<16xf32>
      %add3A_1129 = arith.addf %add3A_1105, %get3A_1128 : vector<16xf32>
      %get3A_1130 = arith.constant 45 : i32
      %get3A_1131 = arith.index_cast %get3A_1130 : i32 to index
      %get3A_1132 = arith.constant 16 : index
      %get3A_1133 = tpu.vector_load %arg6[%get3A_1131, %get3A_1132] {strides = array<i32>} : memref<50x64xf32, #tpu.memory_space<vmem>>, vector<1x16xf32>,
      %get3A_1134 = vector.shape_cast %get3A_1133 : vector<1x16xf32> to vector<16xf32>
      %add3A_1135 = arith.addf %add3A_1111, %get3A_1134 : vector<16xf32>
      %get3A_1136 = arith.constant 45 : i32
      %get3A_1137 = arith.index_cast %get3A_1136 : i32 to index
      %get3A_1138 = arith.constant 32 : index
      %get3A_1139 = tpu.vector_load %arg6[%get3A_1137, %get3A_1138] {strides = array<i32>} : memref<50x64xf32, #tpu.memory_space<vmem>>, vector<1x16xf32>,
      %get3A_1140 = vector.shape_cast %get3A_1139 : vector<1x16xf32> to vector<16xf32>
      %add3A_1141 = arith.addf %add3A_1117, %get3A_1140 : vector<16xf32>
      %get3A_1142 = arith.constant 45 : i32
      %get3A_1143 = arith.index_cast %get3A_1142 : i32 to index
      %get3A_1144 = arith.constant 48 : index
      %get3A_1145 = tpu.vector_load %arg6[%get3A_1143, %get3A_1144] {strides = array<i32>} : memref<50x64xf32, #tpu.memory_space<vmem>>, vector<1x16xf32>,
      %get3A_1146 = vector.shape_cast %get3A_1145 : vector<1x16xf32> to vector<16xf32>
      %add3A_1147 = arith.addf %add3A_1123, %get3A_1146 : vector<16xf32>
      %get3A_1148 = arith.constant 46 : i32
      %get3A_1149 = arith.index_cast %get3A_1148 : i32 to index
      %get3A_1150 = arith.constant 0 : index
      %get3A_1151 = tpu.vector_load %arg6[%get3A_1149, %get3A_1150] {strides = array<i32>} : memref<50x64xf32, #tpu.memory_space<vmem>>, vector<1x16xf32>,
      %get3A_1152 = vector.shape_cast %get3A_1151 : vector<1x16xf32> to vector<16xf32>
      %add3A_1153 = arith.addf %add3A_1129, %get3A_1152 : vector<16xf32>
      %get3A_1154 = arith.constant 46 : i32
      %get3A_1155 = arith.index_cast %get3A_1154 : i32 to index
      %get3A_1156 = arith.constant 16 : index
      %get3A_1157 = tpu.vector_load %arg6[%get3A_1155, %get3A_1156] {strides = array<i32>} : memref<50x64xf32, #tpu.memory_space<vmem>>, vector<1x16xf32>,
      %get3A_1158 = vector.shape_cast %get3A_1157 : vector<1x16xf32> to vector<16xf32>
      %add3A_1159 = arith.addf %add3A_1135, %get3A_1158 : vector<16xf32>
      %get3A_1160 = arith.constant 46 : i32
      %get3A_1161 = arith.index_cast %get3A_1160 : i32 to index
      %get3A_1162 = arith.constant 32 : index
      %get3A_1163 = tpu.vector_load %arg6[%get3A_1161, %get3A_1162] {strides = array<i32>} : memref<50x64xf32, #tpu.memory_space<vmem>>, vector<1x16xf32>,
      %get3A_1164 = vector.shape_cast %get3A_1163 : vector<1x16xf32> to vector<16xf32>
      %add3A_1165 = arith.addf %add3A_1141, %get3A_1164 : vector<16xf32>
      %get3A_1166 = arith.constant 46 : i32
      %get3A_1167 = arith.index_cast %get3A_1166 : i32 to index
      %get3A_1168 = arith.constant 48 : index
      %get3A_1169 = tpu.vector_load %arg6[%get3A_1167, %get3A_1168] {strides = array<i32>} : memref<50x64xf32, #tpu.memory_space<vmem>>, vector<1x16xf32>,
      %get3A_1170 = vector.shape_cast %get3A_1169 : vector<1x16xf32> to vector<16xf32>
      %add3A_1171 = arith.addf %add3A_1147, %get3A_1170 : vector<16xf32>
      %get3A_1172 = arith.constant 47 : i32
      %get3A_1173 = arith.index_cast %get3A_1172 : i32 to index
      %get3A_1174 = arith.constant 0 : index
      %get3A_1175 = tpu.vector_load %arg6[%get3A_1173, %get3A_1174] {strides = array<i32>} : memref<50x64xf32, #tpu.memory_space<vmem>>, vector<1x16xf32>,
      %get3A_1176 = vector.shape_cast %get3A_1175 : vector<1x16xf32> to vector<16xf32>
      %add3A_1177 = arith.addf %add3A_1153, %get3A_1176 : vector<16xf32>
      %get3A_1178 = arith.constant 47 : i32
      %get3A_1179 = arith.index_cast %get3A_1178 : i32 to index
      %get3A_1180 = arith.constant 16 : index
      %get3A_1181 = tpu.vector_load %arg6[%get3A_1179, %get3A_1180] {strides = array<i32>} : memref<50x64xf32, #tpu.memory_space<vmem>>, vector<1x16xf32>,
      %get3A_1182 = vector.shape_cast %get3A_1181 : vector<1x16xf32> to vector<16xf32>
      %add3A_1183 = arith.addf %add3A_1159, %get3A_1182 : vector<16xf32>
      %get3A_1184 = arith.constant 47 : i32
      %get3A_1185 = arith.index_cast %get3A_1184 : i32 to index
      %get3A_1186 = arith.constant 32 : index
      %get3A_1187 = tpu.vector_load %arg6[%get3A_1185, %get3A_1186] {strides = array<i32>} : memref<50x64xf32, #tpu.memory_space<vmem>>, vector<1x16xf32>,
      %get3A_1188 = vector.shape_cast %get3A_1187 : vector<1x16xf32> to vector<16xf32>
      %add3A_1189 = arith.addf %add3A_1165, %get3A_1188 : vector<16xf32>
      %get3A_1190 = arith.constant 47 : i32
      %get3A_1191 = arith.index_cast %get3A_1190 : i32 to index
      %get3A_1192 = arith.constant 48 : index
      %get3A_1193 = tpu.vector_load %arg6[%get3A_1191, %get3A_1192] {strides = array<i32>} : memref<50x64xf32, #tpu.memory_space<vmem>>, vector<1x16xf32>,
      %get3A_1194 = vector.shape_cast %get3A_1193 : vector<1x16xf32> to vector<16xf32>
      %add3A_1195 = arith.addf %add3A_1171, %get3A_1194 : vector<16xf32>
      %get3A_1196 = arith.constant 48 : i32
      %get3A_1197 = arith.index_cast %get3A_1196 : i32 to index
      %get3A_1198 = arith.constant 0 : index
      %get3A_1199 = tpu.vector_load %arg6[%get3A_1197, %get3A_1198] {strides = array<i32>} : memref<50x64xf32, #tpu.memory_space<vmem>>, vector<1x16xf32>,
      %get3A_1200 = vector.shape_cast %get3A_1199 : vector<1x16xf32> to vector<16xf32>
      %add3A_1201 = arith.addf %add3A_1177, %get3A_1200 : vector<16xf32>
      %get3A_1202 = arith.constant 48 : i32
      %get3A_1203 = arith.index_cast %get3A_1202 : i32 to index
      %get3A_1204 = arith.constant 16 : index
      %get3A_1205 = tpu.vector_load %arg6[%get3A_1203, %get3A_1204] {strides = array<i32>} : memref<50x64xf32, #tpu.memory_space<vmem>>, vector<1x16xf32>,
      %get3A_1206 = vector.shape_cast %get3A_1205 : vector<1x16xf32> to vector<16xf32>
      %add3A_1207 = arith.addf %add3A_1183, %get3A_1206 : vector<16xf32>
      %get3A_1208 = arith.constant 48 : i32
      %get3A_1209 = arith.index_cast %get3A_1208 : i32 to index
      %get3A_1210 = arith.constant 32 : index
      %get3A_1211 = tpu.vector_load %arg6[%get3A_1209, %get3A_1210] {strides = array<i32>} : memref<50x64xf32, #tpu.memory_space<vmem>>, vector<1x16xf32>,
      %get3A_1212 = vector.shape_cast %get3A_1211 : vector<1x16xf32> to vector<16xf32>
      %add3A_1213 = arith.addf %add3A_1189, %get3A_1212 : vector<16xf32>
      %get3A_1214 = arith.constant 48 : i32
      %get3A_1215 = arith.index_cast %get3A_1214 : i32 to index
      %get3A_1216 = arith.constant 48 : index
      %get3A_1217 = tpu.vector_load %arg6[%get3A_1215, %get3A_1216] {strides = array<i32>} : memref<50x64xf32, #tpu.memory_space<vmem>>, vector<1x16xf32>,
      %get3A_1218 = vector.shape_cast %get3A_1217 : vector<1x16xf32> to vector<16xf32>
      %add3A_1219 = arith.addf %add3A_1195, %get3A_1218 : vector<16xf32>
      %get3A_1220 = arith.constant 49 : i32
      %get3A_1221 = arith.index_cast %get3A_1220 : i32 to index
      %get3A_1222 = arith.constant 0 : index
      %get3A_1223 = tpu.vector_load %arg6[%get3A_1221, %get3A_1222] {strides = array<i32>} : memref<50x64xf32, #tpu.memory_space<vmem>>, vector<1x16xf32>,
      %get3A_1224 = vector.shape_cast %get3A_1223 : vector<1x16xf32> to vector<16xf32>
      %add3A_1225 = arith.addf %add3A_1201, %get3A_1224 : vector<16xf32>
      %get3A_1226 = arith.constant 49 : i32
      %get3A_1227 = arith.index_cast %get3A_1226 : i32 to index
      %get3A_1228 = arith.constant 16 : index
      %get3A_1229 = tpu.vector_load %arg6[%get3A_1227, %get3A_1228] {strides = array<i32>} : memref<50x64xf32, #tpu.memory_space<vmem>>, vector<1x16xf32>,
      %get3A_1230 = vector.shape_cast %get3A_1229 : vector<1x16xf32> to vector<16xf32>
      %add3A_1231 = arith.addf %add3A_1207, %get3A_1230 : vector<16xf32>
      %get3A_1232 = arith.constant 49 : i32
      %get3A_1233 = arith.index_cast %get3A_1232 : i32 to index
      %get3A_1234 = arith.constant 32 : index
      %get3A_1235 = tpu.vector_load %arg6[%get3A_1233, %get3A_1234] {strides = array<i32>} : memref<50x64xf32, #tpu.memory_space<vmem>>, vector<1x16xf32>,
      %get3A_1236 = vector.shape_cast %get3A_1235 : vector<1x16xf32> to vector<16xf32>
      %add3A_1237 = arith.addf %add3A_1213, %get3A_1236 : vector<16xf32>
      %get3A_1238 = arith.constant 49 : i32
      %get3A_1239 = arith.index_cast %get3A_1238 : i32 to index
      %get3A_1240 = arith.constant 48 : index
      %get3A_1241 = tpu.vector_load %arg6[%get3A_1239, %get3A_1240] {strides = array<i32>} : memref<50x64xf32, #tpu.memory_space<vmem>>, vector<1x16xf32>,
      %get3A_1242 = vector.shape_cast %get3A_1241 : vector<1x16xf32> to vector<16xf32>
      %add3A_1243 = arith.addf %add3A_1219, %get3A_1242 : vector<16xf32>
      %mul3A_1244 = arith.constant 2.000000e-02 : f32
      %mul3A_1245 = vector.broadcast %mul3A_1244 : f32 to vector<16xf32>
      %mul3A_1246 = arith.mulf %add3A_1225, %mul3A_1245 : vector<16xf32>
      %swap3A = arith.index_cast %add3A_43 : i32 to index
      %swap3A_1247 = arith.constant 0 : index
      %swap3A_1248 = tpu.vector_load %arg10[%swap3A, %swap3A_1247] {strides = array<i32>} : memref<512x64xf32, #tpu.memory_space<vmem>>, vector<1x16xf32>,
      %swap3A_1249 = vector.shape_cast %swap3A_1248 : vector<1x16xf32> to vector<16xf32>
      %swap3A_1250 = vector.shape_cast %mul3A_1246 : vector<16xf32> to vector<1x16xf32>
      tpu.vector_store %arg10[%swap3A, %swap3A_1247], %swap3A_1250 {strides = array<i32>} : memref<512x64xf32, #tpu.memory_space<vmem>>, vector<1x16xf32>,
      %mul3A_1251 = arith.constant 2.000000e-02 : f32
      %mul3A_1252 = vector.broadcast %mul3A_1251 : f32 to vector<16xf32>
      %mul3A_1253 = arith.mulf %add3A_1231, %mul3A_1252 : vector<16xf32>
      %swap3A_1254 = arith.index_cast %add3A_43 : i32 to index
      %swap3A_1255 = arith.constant 16 : index
      %swap3A_1256 = tpu.vector_load %arg10[%swap3A_1254, %swap3A_1255] {strides = array<i32>} : memref<512x64xf32, #tpu.memory_space<vmem>>, vector<1x16xf32>,
      %swap3A_1257 = vector.shape_cast %swap3A_1256 : vector<1x16xf32> to vector<16xf32>
      %swap3A_1258 = vector.shape_cast %mul3A_1253 : vector<16xf32> to vector<1x16xf32>
      tpu.vector_store %arg10[%swap3A_1254, %swap3A_1255], %swap3A_1258 {strides = array<i32>} : memref<512x64xf32, #tpu.memory_space<vmem>>, vector<1x16xf32>,
      %mul3A_1259 = arith.constant 2.000000e-02 : f32
      %mul3A_1260 = vector.broadcast %mul3A_1259 : f32 to vector<16xf32>
      %mul3A_1261 = arith.mulf %add3A_1237, %mul3A_1260 : vector<16xf32>
      %swap3A_1262 = arith.index_cast %add3A_43 : i32 to index
      %swap3A_1263 = arith.constant 32 : index
      %swap3A_1264 = tpu.vector_load %arg10[%swap3A_1262, %swap3A_1263] {strides = array<i32>} : memref<512x64xf32, #tpu.memory_space<vmem>>, vector<1x16xf32>,
      %swap3A_1265 = vector.shape_cast %swap3A_1264 : vector<1x16xf32> to vector<16xf32>
      %swap3A_1266 = vector.shape_cast %mul3A_1261 : vector<16xf32> to vector<1x16xf32>
      tpu.vector_store %arg10[%swap3A_1262, %swap3A_1263], %swap3A_1266 {strides = array<i32>} : memref<512x64xf32, #tpu.memory_space<vmem>>, vector<1x16xf32>,
      %mul3A_1267 = arith.constant 2.000000e-02 : f32
      %mul3A_1268 = vector.broadcast %mul3A_1267 : f32 to vector<16xf32>
      %mul3A_1269 = arith.mulf %add3A_1243, %mul3A_1268 : vector<16xf32>
      %swap3A_1270 = arith.index_cast %add3A_43 : i32 to index
      %swap3A_1271 = arith.constant 48 : index
      %swap3A_1272 = tpu.vector_load %arg10[%swap3A_1270, %swap3A_1271] {strides = array<i32>} : memref<512x64xf32, #tpu.memory_space<vmem>>, vector<1x16xf32>,
      %swap3A_1273 = vector.shape_cast %swap3A_1272 : vector<1x16xf32> to vector<16xf32>
      %swap3A_1274 = vector.shape_cast %mul3A_1269 : vector<16xf32> to vector<1x16xf32>
      tpu.vector_store %arg10[%swap3A_1270, %swap3A_1271], %swap3A_1274 {strides = array<i32>} : memref<512x64xf32, #tpu.memory_space<vmem>>, vector<1x16xf32>,
      %add3A_1275 = arith.constant 4 : i32
      %add3A_1276 = arith.addi %add3A_43, %add3A_1275 : i32
      %lt3A = arith.constant 512 : i32
      %lt3A_1277 = arith.cmpi slt, %add3A_1276, %lt3A : i32
      %convert_element_type3A = arith.extui %lt3A_1277 : i1 to i32
      %cond3A = arith.constant 0 : i32
      %cond3A_1278 = arith.cmpi ne, %convert_element_type3A, %cond3A : i32
      scf.if %cond3A_1278 {
        %dma_start3A_5015 = arith.constant 0 : i32
        %dma_start3A_5016 = tpu.memref_slice %arg5[%add3A_1276, %dma_start3A_5015] : memref<512x50xi32, #tpu.memory_space<vmem>> -> memref<1x50xi32, #tpu.memory_space<vmem>>
        %dma_start3A_5017 = tpu.memref_squeeze %dma_start3A_5016 : memref<1x50xi32, #tpu.memory_space<vmem>> -> memref<50xi32, #tpu.memory_space<vmem>>
        %dma_start3A_5018 = arith.constant 0 : i32
        %dma_start3A_5019 = arith.constant 0 : i32
        %dma_start3A_5020 = tpu.memref_slice %arg3[%dma_start3A_5018, %dma_start3A_5019] : memref<1000000x64xf32, #tpu.memory_space<hbm>> -> memref<1000000x64xf32, #tpu.memory_space<hbm>>
        tpu.enqueue_indirect_dma source(%dma_start3A_5020 : memref<1000000x64xf32, #tpu.memory_space<hbm>>) target(%arg6 : memref<50x64xf32, #tpu.memory_space<vmem>>) offsets(%dma_start3A_5017 : memref<50xi32, #tpu.memory_space<vmem>>) semaphore(%arg11 : memref<!tpu.dma_semaphore, #tpu.memory_space<semaphore_mem>>)
      } else {
      }
      %mul3A_1279 = arith.constant 4 : i32
      %mul3A_1280 = arith.muli %scan3A_38, %mul3A_1279 : i32
      %add3A_1281 = arith.constant 1 : i32
      %add3A_1282 = arith.addi %mul3A_1280, %add3A_1281 : i32
      %dma_wait3A_1283 = arith.constant 0 : i32
      %dma_wait3A_1284 = tpu.memref_slice %arg5[%add3A_1282, %dma_wait3A_1283] : memref<512x50xi32, #tpu.memory_space<vmem>> -> memref<1x50xi32, #tpu.memory_space<vmem>>
      %dma_wait3A_1285 = tpu.memref_squeeze %dma_wait3A_1284 : memref<1x50xi32, #tpu.memory_space<vmem>> -> memref<50xi32, #tpu.memory_space<vmem>>
      %dma_wait3A_1286 = arith.constant 0 : i32
      %dma_wait3A_1287 = arith.constant 0 : i32
      %dma_wait3A_1288 = tpu.memref_slice %arg3[%dma_wait3A_1286, %dma_wait3A_1287] : memref<1000000x64xf32, #tpu.memory_space<hbm>> -> memref<1000000x64xf32, #tpu.memory_space<hbm>>
      tpu.wait_indirect_dma semaphore(%arg12 : memref<!tpu.dma_semaphore, #tpu.memory_space<semaphore_mem>>) src(%dma_wait3A_1288 : memref<1000000x64xf32, #tpu.memory_space<hbm>>) dst(%arg7 : memref<50x64xf32, #tpu.memory_space<vmem>>)
      %get3A_1289 = arith.constant 0 : i32
      %get3A_1290 = arith.index_cast %get3A_1289 : i32 to index
      %get3A_1291 = arith.constant 0 : index
      %get3A_1292 = tpu.vector_load %arg7[%get3A_1290, %get3A_1291] {strides = array<i32>} : memref<50x64xf32, #tpu.memory_space<vmem>>, vector<1x16xf32>,
      %get3A_1293 = vector.shape_cast %get3A_1292 : vector<1x16xf32> to vector<16xf32>
      %get3A_1294 = arith.constant 0 : i32
      %get3A_1295 = arith.index_cast %get3A_1294 : i32 to index
      %get3A_1296 = arith.constant 16 : index
      %get3A_1297 = tpu.vector_load %arg7[%get3A_1295, %get3A_1296] {strides = array<i32>} : memref<50x64xf32, #tpu.memory_space<vmem>>, vector<1x16xf32>,
      %get3A_1298 = vector.shape_cast %get3A_1297 : vector<1x16xf32> to vector<16xf32>
      %get3A_1299 = arith.constant 0 : i32
      %get3A_1300 = arith.index_cast %get3A_1299 : i32 to index
      %get3A_1301 = arith.constant 32 : index
      %get3A_1302 = tpu.vector_load %arg7[%get3A_1300, %get3A_1301] {strides = array<i32>} : memref<50x64xf32, #tpu.memory_space<vmem>>, vector<1x16xf32>,
      %get3A_1303 = vector.shape_cast %get3A_1302 : vector<1x16xf32> to vector<16xf32>
      %get3A_1304 = arith.constant 0 : i32
      %get3A_1305 = arith.index_cast %get3A_1304 : i32 to index
      %get3A_1306 = arith.constant 48 : index
      %get3A_1307 = tpu.vector_load %arg7[%get3A_1305, %get3A_1306] {strides = array<i32>} : memref<50x64xf32, #tpu.memory_space<vmem>>, vector<1x16xf32>,
      %get3A_1308 = vector.shape_cast %get3A_1307 : vector<1x16xf32> to vector<16xf32>
      %get3A_1309 = arith.constant 1 : i32
      %get3A_1310 = arith.index_cast %get3A_1309 : i32 to index
      %get3A_1311 = arith.constant 0 : index
      %get3A_1312 = tpu.vector_load %arg7[%get3A_1310, %get3A_1311] {strides = array<i32>} : memref<50x64xf32, #tpu.memory_space<vmem>>, vector<1x16xf32>,
      %get3A_1313 = vector.shape_cast %get3A_1312 : vector<1x16xf32> to vector<16xf32>
      %add3A_1314 = arith.addf %get3A_1293, %get3A_1313 : vector<16xf32>
      %get3A_1315 = arith.constant 1 : i32
      %get3A_1316 = arith.index_cast %get3A_1315 : i32 to index
      %get3A_1317 = arith.constant 16 : index
      %get3A_1318 = tpu.vector_load %arg7[%get3A_1316, %get3A_1317] {strides = array<i32>} : memref<50x64xf32, #tpu.memory_space<vmem>>, vector<1x16xf32>,
      %get3A_1319 = vector.shape_cast %get3A_1318 : vector<1x16xf32> to vector<16xf32>
      %add3A_1320 = arith.addf %get3A_1298, %get3A_1319 : vector<16xf32>
      %get3A_1321 = arith.constant 1 : i32
      %get3A_1322 = arith.index_cast %get3A_1321 : i32 to index
      %get3A_1323 = arith.constant 32 : index
      %get3A_1324 = tpu.vector_load %arg7[%get3A_1322, %get3A_1323] {strides = array<i32>} : memref<50x64xf32, #tpu.memory_space<vmem>>, vector<1x16xf32>,
      %get3A_1325 = vector.shape_cast %get3A_1324 : vector<1x16xf32> to vector<16xf32>
      %add3A_1326 = arith.addf %get3A_1303, %get3A_1325 : vector<16xf32>
      %get3A_1327 = arith.constant 1 : i32
      %get3A_1328 = arith.index_cast %get3A_1327 : i32 to index
      %get3A_1329 = arith.constant 48 : index
      %get3A_1330 = tpu.vector_load %arg7[%get3A_1328, %get3A_1329] {strides = array<i32>} : memref<50x64xf32, #tpu.memory_space<vmem>>, vector<1x16xf32>,
      %get3A_1331 = vector.shape_cast %get3A_1330 : vector<1x16xf32> to vector<16xf32>
      %add3A_1332 = arith.addf %get3A_1308, %get3A_1331 : vector<16xf32>
      %get3A_1333 = arith.constant 2 : i32
      %get3A_1334 = arith.index_cast %get3A_1333 : i32 to index
      %get3A_1335 = arith.constant 0 : index
      %get3A_1336 = tpu.vector_load %arg7[%get3A_1334, %get3A_1335] {strides = array<i32>} : memref<50x64xf32, #tpu.memory_space<vmem>>, vector<1x16xf32>,
      %get3A_1337 = vector.shape_cast %get3A_1336 : vector<1x16xf32> to vector<16xf32>
      %add3A_1338 = arith.addf %add3A_1314, %get3A_1337 : vector<16xf32>
      %get3A_1339 = arith.constant 2 : i32
      %get3A_1340 = arith.index_cast %get3A_1339 : i32 to index
      %get3A_1341 = arith.constant 16 : index
      %get3A_1342 = tpu.vector_load %arg7[%get3A_1340, %get3A_1341] {strides = array<i32>} : memref<50x64xf32, #tpu.memory_space<vmem>>, vector<1x16xf32>,
      %get3A_1343 = vector.shape_cast %get3A_1342 : vector<1x16xf32> to vector<16xf32>
      %add3A_1344 = arith.addf %add3A_1320, %get3A_1343 : vector<16xf32>
      %get3A_1345 = arith.constant 2 : i32
      %get3A_1346 = arith.index_cast %get3A_1345 : i32 to index
      %get3A_1347 = arith.constant 32 : index
      %get3A_1348 = tpu.vector_load %arg7[%get3A_1346, %get3A_1347] {strides = array<i32>} : memref<50x64xf32, #tpu.memory_space<vmem>>, vector<1x16xf32>,
      %get3A_1349 = vector.shape_cast %get3A_1348 : vector<1x16xf32> to vector<16xf32>
      %add3A_1350 = arith.addf %add3A_1326, %get3A_1349 : vector<16xf32>
      %get3A_1351 = arith.constant 2 : i32
      %get3A_1352 = arith.index_cast %get3A_1351 : i32 to index
      %get3A_1353 = arith.constant 48 : index
      %get3A_1354 = tpu.vector_load %arg7[%get3A_1352, %get3A_1353] {strides = array<i32>} : memref<50x64xf32, #tpu.memory_space<vmem>>, vector<1x16xf32>,
      %get3A_1355 = vector.shape_cast %get3A_1354 : vector<1x16xf32> to vector<16xf32>
      %add3A_1356 = arith.addf %add3A_1332, %get3A_1355 : vector<16xf32>
      %get3A_1357 = arith.constant 3 : i32
      %get3A_1358 = arith.index_cast %get3A_1357 : i32 to index
      %get3A_1359 = arith.constant 0 : index
      %get3A_1360 = tpu.vector_load %arg7[%get3A_1358, %get3A_1359] {strides = array<i32>} : memref<50x64xf32, #tpu.memory_space<vmem>>, vector<1x16xf32>,
      %get3A_1361 = vector.shape_cast %get3A_1360 : vector<1x16xf32> to vector<16xf32>
      %add3A_1362 = arith.addf %add3A_1338, %get3A_1361 : vector<16xf32>
      %get3A_1363 = arith.constant 3 : i32
      %get3A_1364 = arith.index_cast %get3A_1363 : i32 to index
      %get3A_1365 = arith.constant 16 : index
      %get3A_1366 = tpu.vector_load %arg7[%get3A_1364, %get3A_1365] {strides = array<i32>} : memref<50x64xf32, #tpu.memory_space<vmem>>, vector<1x16xf32>,
      %get3A_1367 = vector.shape_cast %get3A_1366 : vector<1x16xf32> to vector<16xf32>
      %add3A_1368 = arith.addf %add3A_1344, %get3A_1367 : vector<16xf32>
      %get3A_1369 = arith.constant 3 : i32
      %get3A_1370 = arith.index_cast %get3A_1369 : i32 to index
      %get3A_1371 = arith.constant 32 : index
      %get3A_1372 = tpu.vector_load %arg7[%get3A_1370, %get3A_1371] {strides = array<i32>} : memref<50x64xf32, #tpu.memory_space<vmem>>, vector<1x16xf32>,
      %get3A_1373 = vector.shape_cast %get3A_1372 : vector<1x16xf32> to vector<16xf32>
      %add3A_1374 = arith.addf %add3A_1350, %get3A_1373 : vector<16xf32>
      %get3A_1375 = arith.constant 3 : i32
      %get3A_1376 = arith.index_cast %get3A_1375 : i32 to index
      %get3A_1377 = arith.constant 48 : index
      %get3A_1378 = tpu.vector_load %arg7[%get3A_1376, %get3A_1377] {strides = array<i32>} : memref<50x64xf32, #tpu.memory_space<vmem>>, vector<1x16xf32>,
      %get3A_1379 = vector.shape_cast %get3A_1378 : vector<1x16xf32> to vector<16xf32>
      %add3A_1380 = arith.addf %add3A_1356, %get3A_1379 : vector<16xf32>
      %get3A_1381 = arith.constant 4 : i32
      %get3A_1382 = arith.index_cast %get3A_1381 : i32 to index
      %get3A_1383 = arith.constant 0 : index
      %get3A_1384 = tpu.vector_load %arg7[%get3A_1382, %get3A_1383] {strides = array<i32>} : memref<50x64xf32, #tpu.memory_space<vmem>>, vector<1x16xf32>,
      %get3A_1385 = vector.shape_cast %get3A_1384 : vector<1x16xf32> to vector<16xf32>
      %add3A_1386 = arith.addf %add3A_1362, %get3A_1385 : vector<16xf32>
      %get3A_1387 = arith.constant 4 : i32
      %get3A_1388 = arith.index_cast %get3A_1387 : i32 to index
      %get3A_1389 = arith.constant 16 : index
      %get3A_1390 = tpu.vector_load %arg7[%get3A_1388, %get3A_1389] {strides = array<i32>} : memref<50x64xf32, #tpu.memory_space<vmem>>, vector<1x16xf32>,
      %get3A_1391 = vector.shape_cast %get3A_1390 : vector<1x16xf32> to vector<16xf32>
      %add3A_1392 = arith.addf %add3A_1368, %get3A_1391 : vector<16xf32>
      %get3A_1393 = arith.constant 4 : i32
      %get3A_1394 = arith.index_cast %get3A_1393 : i32 to index
      %get3A_1395 = arith.constant 32 : index
      %get3A_1396 = tpu.vector_load %arg7[%get3A_1394, %get3A_1395] {strides = array<i32>} : memref<50x64xf32, #tpu.memory_space<vmem>>, vector<1x16xf32>,
      %get3A_1397 = vector.shape_cast %get3A_1396 : vector<1x16xf32> to vector<16xf32>
      %add3A_1398 = arith.addf %add3A_1374, %get3A_1397 : vector<16xf32>
      %get3A_1399 = arith.constant 4 : i32
      %get3A_1400 = arith.index_cast %get3A_1399 : i32 to index
      %get3A_1401 = arith.constant 48 : index
      %get3A_1402 = tpu.vector_load %arg7[%get3A_1400, %get3A_1401] {strides = array<i32>} : memref<50x64xf32, #tpu.memory_space<vmem>>, vector<1x16xf32>,
      %get3A_1403 = vector.shape_cast %get3A_1402 : vector<1x16xf32> to vector<16xf32>
      %add3A_1404 = arith.addf %add3A_1380, %get3A_1403 : vector<16xf32>
      %get3A_1405 = arith.constant 5 : i32
      %get3A_1406 = arith.index_cast %get3A_1405 : i32 to index
      %get3A_1407 = arith.constant 0 : index
      %get3A_1408 = tpu.vector_load %arg7[%get3A_1406, %get3A_1407] {strides = array<i32>} : memref<50x64xf32, #tpu.memory_space<vmem>>, vector<1x16xf32>,
      %get3A_1409 = vector.shape_cast %get3A_1408 : vector<1x16xf32> to vector<16xf32>
      %add3A_1410 = arith.addf %add3A_1386, %get3A_1409 : vector<16xf32>
      %get3A_1411 = arith.constant 5 : i32
      %get3A_1412 = arith.index_cast %get3A_1411 : i32 to index
      %get3A_1413 = arith.constant 16 : index
      %get3A_1414 = tpu.vector_load %arg7[%get3A_1412, %get3A_1413] {strides = array<i32>} : memref<50x64xf32, #tpu.memory_space<vmem>>, vector<1x16xf32>,
      %get3A_1415 = vector.shape_cast %get3A_1414 : vector<1x16xf32> to vector<16xf32>
      %add3A_1416 = arith.addf %add3A_1392, %get3A_1415 : vector<16xf32>
      %get3A_1417 = arith.constant 5 : i32
      %get3A_1418 = arith.index_cast %get3A_1417 : i32 to index
      %get3A_1419 = arith.constant 32 : index
      %get3A_1420 = tpu.vector_load %arg7[%get3A_1418, %get3A_1419] {strides = array<i32>} : memref<50x64xf32, #tpu.memory_space<vmem>>, vector<1x16xf32>,
      %get3A_1421 = vector.shape_cast %get3A_1420 : vector<1x16xf32> to vector<16xf32>
      %add3A_1422 = arith.addf %add3A_1398, %get3A_1421 : vector<16xf32>
      %get3A_1423 = arith.constant 5 : i32
      %get3A_1424 = arith.index_cast %get3A_1423 : i32 to index
      %get3A_1425 = arith.constant 48 : index
      %get3A_1426 = tpu.vector_load %arg7[%get3A_1424, %get3A_1425] {strides = array<i32>} : memref<50x64xf32, #tpu.memory_space<vmem>>, vector<1x16xf32>,
      %get3A_1427 = vector.shape_cast %get3A_1426 : vector<1x16xf32> to vector<16xf32>
      %add3A_1428 = arith.addf %add3A_1404, %get3A_1427 : vector<16xf32>
      %get3A_1429 = arith.constant 6 : i32
      %get3A_1430 = arith.index_cast %get3A_1429 : i32 to index
      %get3A_1431 = arith.constant 0 : index
      %get3A_1432 = tpu.vector_load %arg7[%get3A_1430, %get3A_1431] {strides = array<i32>} : memref<50x64xf32, #tpu.memory_space<vmem>>, vector<1x16xf32>,
      %get3A_1433 = vector.shape_cast %get3A_1432 : vector<1x16xf32> to vector<16xf32>
      %add3A_1434 = arith.addf %add3A_1410, %get3A_1433 : vector<16xf32>
      %get3A_1435 = arith.constant 6 : i32
      %get3A_1436 = arith.index_cast %get3A_1435 : i32 to index
      %get3A_1437 = arith.constant 16 : index
      %get3A_1438 = tpu.vector_load %arg7[%get3A_1436, %get3A_1437] {strides = array<i32>} : memref<50x64xf32, #tpu.memory_space<vmem>>, vector<1x16xf32>,
      %get3A_1439 = vector.shape_cast %get3A_1438 : vector<1x16xf32> to vector<16xf32>
      %add3A_1440 = arith.addf %add3A_1416, %get3A_1439 : vector<16xf32>
      %get3A_1441 = arith.constant 6 : i32
      %get3A_1442 = arith.index_cast %get3A_1441 : i32 to index
      %get3A_1443 = arith.constant 32 : index
      %get3A_1444 = tpu.vector_load %arg7[%get3A_1442, %get3A_1443] {strides = array<i32>} : memref<50x64xf32, #tpu.memory_space<vmem>>, vector<1x16xf32>,
      %get3A_1445 = vector.shape_cast %get3A_1444 : vector<1x16xf32> to vector<16xf32>
      %add3A_1446 = arith.addf %add3A_1422, %get3A_1445 : vector<16xf32>
      %get3A_1447 = arith.constant 6 : i32
      %get3A_1448 = arith.index_cast %get3A_1447 : i32 to index
      %get3A_1449 = arith.constant 48 : index
      %get3A_1450 = tpu.vector_load %arg7[%get3A_1448, %get3A_1449] {strides = array<i32>} : memref<50x64xf32, #tpu.memory_space<vmem>>, vector<1x16xf32>,
      %get3A_1451 = vector.shape_cast %get3A_1450 : vector<1x16xf32> to vector<16xf32>
      %add3A_1452 = arith.addf %add3A_1428, %get3A_1451 : vector<16xf32>
      %get3A_1453 = arith.constant 7 : i32
      %get3A_1454 = arith.index_cast %get3A_1453 : i32 to index
      %get3A_1455 = arith.constant 0 : index
      %get3A_1456 = tpu.vector_load %arg7[%get3A_1454, %get3A_1455] {strides = array<i32>} : memref<50x64xf32, #tpu.memory_space<vmem>>, vector<1x16xf32>,
      %get3A_1457 = vector.shape_cast %get3A_1456 : vector<1x16xf32> to vector<16xf32>
      %add3A_1458 = arith.addf %add3A_1434, %get3A_1457 : vector<16xf32>
      %get3A_1459 = arith.constant 7 : i32
      %get3A_1460 = arith.index_cast %get3A_1459 : i32 to index
      %get3A_1461 = arith.constant 16 : index
      %get3A_1462 = tpu.vector_load %arg7[%get3A_1460, %get3A_1461] {strides = array<i32>} : memref<50x64xf32, #tpu.memory_space<vmem>>, vector<1x16xf32>,
      %get3A_1463 = vector.shape_cast %get3A_1462 : vector<1x16xf32> to vector<16xf32>
      %add3A_1464 = arith.addf %add3A_1440, %get3A_1463 : vector<16xf32>
      %get3A_1465 = arith.constant 7 : i32
      %get3A_1466 = arith.index_cast %get3A_1465 : i32 to index
      %get3A_1467 = arith.constant 32 : index
      %get3A_1468 = tpu.vector_load %arg7[%get3A_1466, %get3A_1467] {strides = array<i32>} : memref<50x64xf32, #tpu.memory_space<vmem>>, vector<1x16xf32>,
      %get3A_1469 = vector.shape_cast %get3A_1468 : vector<1x16xf32> to vector<16xf32>
      %add3A_1470 = arith.addf %add3A_1446, %get3A_1469 : vector<16xf32>
      %get3A_1471 = arith.constant 7 : i32
      %get3A_1472 = arith.index_cast %get3A_1471 : i32 to index
      %get3A_1473 = arith.constant 48 : index
      %get3A_1474 = tpu.vector_load %arg7[%get3A_1472, %get3A_1473] {strides = array<i32>} : memref<50x64xf32, #tpu.memory_space<vmem>>, vector<1x16xf32>,
      %get3A_1475 = vector.shape_cast %get3A_1474 : vector<1x16xf32> to vector<16xf32>
      %add3A_1476 = arith.addf %add3A_1452, %get3A_1475 : vector<16xf32>
      %get3A_1477 = arith.constant 8 : i32
      %get3A_1478 = arith.index_cast %get3A_1477 : i32 to index
      %get3A_1479 = arith.constant 0 : index
      %get3A_1480 = tpu.vector_load %arg7[%get3A_1478, %get3A_1479] {strides = array<i32>} : memref<50x64xf32, #tpu.memory_space<vmem>>, vector<1x16xf32>,
      %get3A_1481 = vector.shape_cast %get3A_1480 : vector<1x16xf32> to vector<16xf32>
      %add3A_1482 = arith.addf %add3A_1458, %get3A_1481 : vector<16xf32>
      %get3A_1483 = arith.constant 8 : i32
      %get3A_1484 = arith.index_cast %get3A_1483 : i32 to index
      %get3A_1485 = arith.constant 16 : index
      %get3A_1486 = tpu.vector_load %arg7[%get3A_1484, %get3A_1485] {strides = array<i32>} : memref<50x64xf32, #tpu.memory_space<vmem>>, vector<1x16xf32>,
      %get3A_1487 = vector.shape_cast %get3A_1486 : vector<1x16xf32> to vector<16xf32>
      %add3A_1488 = arith.addf %add3A_1464, %get3A_1487 : vector<16xf32>
      %get3A_1489 = arith.constant 8 : i32
      %get3A_1490 = arith.index_cast %get3A_1489 : i32 to index
      %get3A_1491 = arith.constant 32 : index
      %get3A_1492 = tpu.vector_load %arg7[%get3A_1490, %get3A_1491] {strides = array<i32>} : memref<50x64xf32, #tpu.memory_space<vmem>>, vector<1x16xf32>,
      %get3A_1493 = vector.shape_cast %get3A_1492 : vector<1x16xf32> to vector<16xf32>
      %add3A_1494 = arith.addf %add3A_1470, %get3A_1493 : vector<16xf32>
      %get3A_1495 = arith.constant 8 : i32
      %get3A_1496 = arith.index_cast %get3A_1495 : i32 to index
      %get3A_1497 = arith.constant 48 : index
      %get3A_1498 = tpu.vector_load %arg7[%get3A_1496, %get3A_1497] {strides = array<i32>} : memref<50x64xf32, #tpu.memory_space<vmem>>, vector<1x16xf32>,
      %get3A_1499 = vector.shape_cast %get3A_1498 : vector<1x16xf32> to vector<16xf32>
      %add3A_1500 = arith.addf %add3A_1476, %get3A_1499 : vector<16xf32>
      %get3A_1501 = arith.constant 9 : i32
      %get3A_1502 = arith.index_cast %get3A_1501 : i32 to index
      %get3A_1503 = arith.constant 0 : index
      %get3A_1504 = tpu.vector_load %arg7[%get3A_1502, %get3A_1503] {strides = array<i32>} : memref<50x64xf32, #tpu.memory_space<vmem>>, vector<1x16xf32>,
      %get3A_1505 = vector.shape_cast %get3A_1504 : vector<1x16xf32> to vector<16xf32>
      %add3A_1506 = arith.addf %add3A_1482, %get3A_1505 : vector<16xf32>
      %get3A_1507 = arith.constant 9 : i32
      %get3A_1508 = arith.index_cast %get3A_1507 : i32 to index
      %get3A_1509 = arith.constant 16 : index
      %get3A_1510 = tpu.vector_load %arg7[%get3A_1508, %get3A_1509] {strides = array<i32>} : memref<50x64xf32, #tpu.memory_space<vmem>>, vector<1x16xf32>,
      %get3A_1511 = vector.shape_cast %get3A_1510 : vector<1x16xf32> to vector<16xf32>
      %add3A_1512 = arith.addf %add3A_1488, %get3A_1511 : vector<16xf32>
      %get3A_1513 = arith.constant 9 : i32
      %get3A_1514 = arith.index_cast %get3A_1513 : i32 to index
      %get3A_1515 = arith.constant 32 : index
      %get3A_1516 = tpu.vector_load %arg7[%get3A_1514, %get3A_1515] {strides = array<i32>} : memref<50x64xf32, #tpu.memory_space<vmem>>, vector<1x16xf32>,
      %get3A_1517 = vector.shape_cast %get3A_1516 : vector<1x16xf32> to vector<16xf32>
      %add3A_1518 = arith.addf %add3A_1494, %get3A_1517 : vector<16xf32>
      %get3A_1519 = arith.constant 9 : i32
      %get3A_1520 = arith.index_cast %get3A_1519 : i32 to index
      %get3A_1521 = arith.constant 48 : index
      %get3A_1522 = tpu.vector_load %arg7[%get3A_1520, %get3A_1521] {strides = array<i32>} : memref<50x64xf32, #tpu.memory_space<vmem>>, vector<1x16xf32>,
      %get3A_1523 = vector.shape_cast %get3A_1522 : vector<1x16xf32> to vector<16xf32>
      %add3A_1524 = arith.addf %add3A_1500, %get3A_1523 : vector<16xf32>
      %get3A_1525 = arith.constant 10 : i32
      %get3A_1526 = arith.index_cast %get3A_1525 : i32 to index
      %get3A_1527 = arith.constant 0 : index
      %get3A_1528 = tpu.vector_load %arg7[%get3A_1526, %get3A_1527] {strides = array<i32>} : memref<50x64xf32, #tpu.memory_space<vmem>>, vector<1x16xf32>,
      %get3A_1529 = vector.shape_cast %get3A_1528 : vector<1x16xf32> to vector<16xf32>
      %add3A_1530 = arith.addf %add3A_1506, %get3A_1529 : vector<16xf32>
      %get3A_1531 = arith.constant 10 : i32
      %get3A_1532 = arith.index_cast %get3A_1531 : i32 to index
      %get3A_1533 = arith.constant 16 : index
      %get3A_1534 = tpu.vector_load %arg7[%get3A_1532, %get3A_1533] {strides = array<i32>} : memref<50x64xf32, #tpu.memory_space<vmem>>, vector<1x16xf32>,
      %get3A_1535 = vector.shape_cast %get3A_1534 : vector<1x16xf32> to vector<16xf32>
      %add3A_1536 = arith.addf %add3A_1512, %get3A_1535 : vector<16xf32>
      %get3A_1537 = arith.constant 10 : i32
      %get3A_1538 = arith.index_cast %get3A_1537 : i32 to index
      %get3A_1539 = arith.constant 32 : index
      %get3A_1540 = tpu.vector_load %arg7[%get3A_1538, %get3A_1539] {strides = array<i32>} : memref<50x64xf32, #tpu.memory_space<vmem>>, vector<1x16xf32>,
      %get3A_1541 = vector.shape_cast %get3A_1540 : vector<1x16xf32> to vector<16xf32>
      %add3A_1542 = arith.addf %add3A_1518, %get3A_1541 : vector<16xf32>
      %get3A_1543 = arith.constant 10 : i32
      %get3A_1544 = arith.index_cast %get3A_1543 : i32 to index
      %get3A_1545 = arith.constant 48 : index
      %get3A_1546 = tpu.vector_load %arg7[%get3A_1544, %get3A_1545] {strides = array<i32>} : memref<50x64xf32, #tpu.memory_space<vmem>>, vector<1x16xf32>,
      %get3A_1547 = vector.shape_cast %get3A_1546 : vector<1x16xf32> to vector<16xf32>
      %add3A_1548 = arith.addf %add3A_1524, %get3A_1547 : vector<16xf32>
      %get3A_1549 = arith.constant 11 : i32
      %get3A_1550 = arith.index_cast %get3A_1549 : i32 to index
      %get3A_1551 = arith.constant 0 : index
      %get3A_1552 = tpu.vector_load %arg7[%get3A_1550, %get3A_1551] {strides = array<i32>} : memref<50x64xf32, #tpu.memory_space<vmem>>, vector<1x16xf32>,
      %get3A_1553 = vector.shape_cast %get3A_1552 : vector<1x16xf32> to vector<16xf32>
      %add3A_1554 = arith.addf %add3A_1530, %get3A_1553 : vector<16xf32>
      %get3A_1555 = arith.constant 11 : i32
      %get3A_1556 = arith.index_cast %get3A_1555 : i32 to index
      %get3A_1557 = arith.constant 16 : index
      %get3A_1558 = tpu.vector_load %arg7[%get3A_1556, %get3A_1557] {strides = array<i32>} : memref<50x64xf32, #tpu.memory_space<vmem>>, vector<1x16xf32>,
      %get3A_1559 = vector.shape_cast %get3A_1558 : vector<1x16xf32> to vector<16xf32>
      %add3A_1560 = arith.addf %add3A_1536, %get3A_1559 : vector<16xf32>
      %get3A_1561 = arith.constant 11 : i32
      %get3A_1562 = arith.index_cast %get3A_1561 : i32 to index
      %get3A_1563 = arith.constant 32 : index
      %get3A_1564 = tpu.vector_load %arg7[%get3A_1562, %get3A_1563] {strides = array<i32>} : memref<50x64xf32, #tpu.memory_space<vmem>>, vector<1x16xf32>,
      %get3A_1565 = vector.shape_cast %get3A_1564 : vector<1x16xf32> to vector<16xf32>
      %add3A_1566 = arith.addf %add3A_1542, %get3A_1565 : vector<16xf32>
      %get3A_1567 = arith.constant 11 : i32
      %get3A_1568 = arith.index_cast %get3A_1567 : i32 to index
      %get3A_1569 = arith.constant 48 : index
      %get3A_1570 = tpu.vector_load %arg7[%get3A_1568, %get3A_1569] {strides = array<i32>} : memref<50x64xf32, #tpu.memory_space<vmem>>, vector<1x16xf32>,
      %get3A_1571 = vector.shape_cast %get3A_1570 : vector<1x16xf32> to vector<16xf32>
      %add3A_1572 = arith.addf %add3A_1548, %get3A_1571 : vector<16xf32>
      %get3A_1573 = arith.constant 12 : i32
      %get3A_1574 = arith.index_cast %get3A_1573 : i32 to index
      %get3A_1575 = arith.constant 0 : index
      %get3A_1576 = tpu.vector_load %arg7[%get3A_1574, %get3A_1575] {strides = array<i32>} : memref<50x64xf32, #tpu.memory_space<vmem>>, vector<1x16xf32>,
      %get3A_1577 = vector.shape_cast %get3A_1576 : vector<1x16xf32> to vector<16xf32>
      %add3A_1578 = arith.addf %add3A_1554, %get3A_1577 : vector<16xf32>
      %get3A_1579 = arith.constant 12 : i32
      %get3A_1580 = arith.index_cast %get3A_1579 : i32 to index
      %get3A_1581 = arith.constant 16 : index
      %get3A_1582 = tpu.vector_load %arg7[%get3A_1580, %get3A_1581] {strides = array<i32>} : memref<50x64xf32, #tpu.memory_space<vmem>>, vector<1x16xf32>,
      %get3A_1583 = vector.shape_cast %get3A_1582 : vector<1x16xf32> to vector<16xf32>
      %add3A_1584 = arith.addf %add3A_1560, %get3A_1583 : vector<16xf32>
      %get3A_1585 = arith.constant 12 : i32
      %get3A_1586 = arith.index_cast %get3A_1585 : i32 to index
      %get3A_1587 = arith.constant 32 : index
      %get3A_1588 = tpu.vector_load %arg7[%get3A_1586, %get3A_1587] {strides = array<i32>} : memref<50x64xf32, #tpu.memory_space<vmem>>, vector<1x16xf32>,
      %get3A_1589 = vector.shape_cast %get3A_1588 : vector<1x16xf32> to vector<16xf32>
      %add3A_1590 = arith.addf %add3A_1566, %get3A_1589 : vector<16xf32>
      %get3A_1591 = arith.constant 12 : i32
      %get3A_1592 = arith.index_cast %get3A_1591 : i32 to index
      %get3A_1593 = arith.constant 48 : index
      %get3A_1594 = tpu.vector_load %arg7[%get3A_1592, %get3A_1593] {strides = array<i32>} : memref<50x64xf32, #tpu.memory_space<vmem>>, vector<1x16xf32>,
      %get3A_1595 = vector.shape_cast %get3A_1594 : vector<1x16xf32> to vector<16xf32>
      %add3A_1596 = arith.addf %add3A_1572, %get3A_1595 : vector<16xf32>
      %get3A_1597 = arith.constant 13 : i32
      %get3A_1598 = arith.index_cast %get3A_1597 : i32 to index
      %get3A_1599 = arith.constant 0 : index
      %get3A_1600 = tpu.vector_load %arg7[%get3A_1598, %get3A_1599] {strides = array<i32>} : memref<50x64xf32, #tpu.memory_space<vmem>>, vector<1x16xf32>,
      %get3A_1601 = vector.shape_cast %get3A_1600 : vector<1x16xf32> to vector<16xf32>
      %add3A_1602 = arith.addf %add3A_1578, %get3A_1601 : vector<16xf32>
      %get3A_1603 = arith.constant 13 : i32
      %get3A_1604 = arith.index_cast %get3A_1603 : i32 to index
      %get3A_1605 = arith.constant 16 : index
      %get3A_1606 = tpu.vector_load %arg7[%get3A_1604, %get3A_1605] {strides = array<i32>} : memref<50x64xf32, #tpu.memory_space<vmem>>, vector<1x16xf32>,
      %get3A_1607 = vector.shape_cast %get3A_1606 : vector<1x16xf32> to vector<16xf32>
      %add3A_1608 = arith.addf %add3A_1584, %get3A_1607 : vector<16xf32>
      %get3A_1609 = arith.constant 13 : i32
      %get3A_1610 = arith.index_cast %get3A_1609 : i32 to index
      %get3A_1611 = arith.constant 32 : index
      %get3A_1612 = tpu.vector_load %arg7[%get3A_1610, %get3A_1611] {strides = array<i32>} : memref<50x64xf32, #tpu.memory_space<vmem>>, vector<1x16xf32>,
      %get3A_1613 = vector.shape_cast %get3A_1612 : vector<1x16xf32> to vector<16xf32>
      %add3A_1614 = arith.addf %add3A_1590, %get3A_1613 : vector<16xf32>
      %get3A_1615 = arith.constant 13 : i32
      %get3A_1616 = arith.index_cast %get3A_1615 : i32 to index
      %get3A_1617 = arith.constant 48 : index
      %get3A_1618 = tpu.vector_load %arg7[%get3A_1616, %get3A_1617] {strides = array<i32>} : memref<50x64xf32, #tpu.memory_space<vmem>>, vector<1x16xf32>,
      %get3A_1619 = vector.shape_cast %get3A_1618 : vector<1x16xf32> to vector<16xf32>
      %add3A_1620 = arith.addf %add3A_1596, %get3A_1619 : vector<16xf32>
      %get3A_1621 = arith.constant 14 : i32
      %get3A_1622 = arith.index_cast %get3A_1621 : i32 to index
      %get3A_1623 = arith.constant 0 : index
      %get3A_1624 = tpu.vector_load %arg7[%get3A_1622, %get3A_1623] {strides = array<i32>} : memref<50x64xf32, #tpu.memory_space<vmem>>, vector<1x16xf32>,
      %get3A_1625 = vector.shape_cast %get3A_1624 : vector<1x16xf32> to vector<16xf32>
      %add3A_1626 = arith.addf %add3A_1602, %get3A_1625 : vector<16xf32>
      %get3A_1627 = arith.constant 14 : i32
      %get3A_1628 = arith.index_cast %get3A_1627 : i32 to index
      %get3A_1629 = arith.constant 16 : index
      %get3A_1630 = tpu.vector_load %arg7[%get3A_1628, %get3A_1629] {strides = array<i32>} : memref<50x64xf32, #tpu.memory_space<vmem>>, vector<1x16xf32>,
      %get3A_1631 = vector.shape_cast %get3A_1630 : vector<1x16xf32> to vector<16xf32>
      %add3A_1632 = arith.addf %add3A_1608, %get3A_1631 : vector<16xf32>
      %get3A_1633 = arith.constant 14 : i32
      %get3A_1634 = arith.index_cast %get3A_1633 : i32 to index
      %get3A_1635 = arith.constant 32 : index
      %get3A_1636 = tpu.vector_load %arg7[%get3A_1634, %get3A_1635] {strides = array<i32>} : memref<50x64xf32, #tpu.memory_space<vmem>>, vector<1x16xf32>,
      %get3A_1637 = vector.shape_cast %get3A_1636 : vector<1x16xf32> to vector<16xf32>
      %add3A_1638 = arith.addf %add3A_1614, %get3A_1637 : vector<16xf32>
      %get3A_1639 = arith.constant 14 : i32
      %get3A_1640 = arith.index_cast %get3A_1639 : i32 to index
      %get3A_1641 = arith.constant 48 : index
      %get3A_1642 = tpu.vector_load %arg7[%get3A_1640, %get3A_1641] {strides = array<i32>} : memref<50x64xf32, #tpu.memory_space<vmem>>, vector<1x16xf32>,
      %get3A_1643 = vector.shape_cast %get3A_1642 : vector<1x16xf32> to vector<16xf32>
      %add3A_1644 = arith.addf %add3A_1620, %get3A_1643 : vector<16xf32>
      %get3A_1645 = arith.constant 15 : i32
      %get3A_1646 = arith.index_cast %get3A_1645 : i32 to index
      %get3A_1647 = arith.constant 0 : index
      %get3A_1648 = tpu.vector_load %arg7[%get3A_1646, %get3A_1647] {strides = array<i32>} : memref<50x64xf32, #tpu.memory_space<vmem>>, vector<1x16xf32>,
      %get3A_1649 = vector.shape_cast %get3A_1648 : vector<1x16xf32> to vector<16xf32>
      %add3A_1650 = arith.addf %add3A_1626, %get3A_1649 : vector<16xf32>
      %get3A_1651 = arith.constant 15 : i32
      %get3A_1652 = arith.index_cast %get3A_1651 : i32 to index
      %get3A_1653 = arith.constant 16 : index
      %get3A_1654 = tpu.vector_load %arg7[%get3A_1652, %get3A_1653] {strides = array<i32>} : memref<50x64xf32, #tpu.memory_space<vmem>>, vector<1x16xf32>,
      %get3A_1655 = vector.shape_cast %get3A_1654 : vector<1x16xf32> to vector<16xf32>
      %add3A_1656 = arith.addf %add3A_1632, %get3A_1655 : vector<16xf32>
      %get3A_1657 = arith.constant 15 : i32
      %get3A_1658 = arith.index_cast %get3A_1657 : i32 to index
      %get3A_1659 = arith.constant 32 : index
      %get3A_1660 = tpu.vector_load %arg7[%get3A_1658, %get3A_1659] {strides = array<i32>} : memref<50x64xf32, #tpu.memory_space<vmem>>, vector<1x16xf32>,
      %get3A_1661 = vector.shape_cast %get3A_1660 : vector<1x16xf32> to vector<16xf32>
      %add3A_1662 = arith.addf %add3A_1638, %get3A_1661 : vector<16xf32>
      %get3A_1663 = arith.constant 15 : i32
      %get3A_1664 = arith.index_cast %get3A_1663 : i32 to index
      %get3A_1665 = arith.constant 48 : index
      %get3A_1666 = tpu.vector_load %arg7[%get3A_1664, %get3A_1665] {strides = array<i32>} : memref<50x64xf32, #tpu.memory_space<vmem>>, vector<1x16xf32>,
      %get3A_1667 = vector.shape_cast %get3A_1666 : vector<1x16xf32> to vector<16xf32>
      %add3A_1668 = arith.addf %add3A_1644, %get3A_1667 : vector<16xf32>
      %get3A_1669 = arith.constant 16 : i32
      %get3A_1670 = arith.index_cast %get3A_1669 : i32 to index
      %get3A_1671 = arith.constant 0 : index
      %get3A_1672 = tpu.vector_load %arg7[%get3A_1670, %get3A_1671] {strides = array<i32>} : memref<50x64xf32, #tpu.memory_space<vmem>>, vector<1x16xf32>,
      %get3A_1673 = vector.shape_cast %get3A_1672 : vector<1x16xf32> to vector<16xf32>
      %add3A_1674 = arith.addf %add3A_1650, %get3A_1673 : vector<16xf32>
      %get3A_1675 = arith.constant 16 : i32
      %get3A_1676 = arith.index_cast %get3A_1675 : i32 to index
      %get3A_1677 = arith.constant 16 : index
      %get3A_1678 = tpu.vector_load %arg7[%get3A_1676, %get3A_1677] {strides = array<i32>} : memref<50x64xf32, #tpu.memory_space<vmem>>, vector<1x16xf32>,
      %get3A_1679 = vector.shape_cast %get3A_1678 : vector<1x16xf32> to vector<16xf32>
      %add3A_1680 = arith.addf %add3A_1656, %get3A_1679 : vector<16xf32>
      %get3A_1681 = arith.constant 16 : i32
      %get3A_1682 = arith.index_cast %get3A_1681 : i32 to index
      %get3A_1683 = arith.constant 32 : index
      %get3A_1684 = tpu.vector_load %arg7[%get3A_1682, %get3A_1683] {strides = array<i32>} : memref<50x64xf32, #tpu.memory_space<vmem>>, vector<1x16xf32>,
      %get3A_1685 = vector.shape_cast %get3A_1684 : vector<1x16xf32> to vector<16xf32>
      %add3A_1686 = arith.addf %add3A_1662, %get3A_1685 : vector<16xf32>
      %get3A_1687 = arith.constant 16 : i32
      %get3A_1688 = arith.index_cast %get3A_1687 : i32 to index
      %get3A_1689 = arith.constant 48 : index
      %get3A_1690 = tpu.vector_load %arg7[%get3A_1688, %get3A_1689] {strides = array<i32>} : memref<50x64xf32, #tpu.memory_space<vmem>>, vector<1x16xf32>,
      %get3A_1691 = vector.shape_cast %get3A_1690 : vector<1x16xf32> to vector<16xf32>
      %add3A_1692 = arith.addf %add3A_1668, %get3A_1691 : vector<16xf32>
      %get3A_1693 = arith.constant 17 : i32
      %get3A_1694 = arith.index_cast %get3A_1693 : i32 to index
      %get3A_1695 = arith.constant 0 : index
      %get3A_1696 = tpu.vector_load %arg7[%get3A_1694, %get3A_1695] {strides = array<i32>} : memref<50x64xf32, #tpu.memory_space<vmem>>, vector<1x16xf32>,
      %get3A_1697 = vector.shape_cast %get3A_1696 : vector<1x16xf32> to vector<16xf32>
      %add3A_1698 = arith.addf %add3A_1674, %get3A_1697 : vector<16xf32>
      %get3A_1699 = arith.constant 17 : i32
      %get3A_1700 = arith.index_cast %get3A_1699 : i32 to index
      %get3A_1701 = arith.constant 16 : index
      %get3A_1702 = tpu.vector_load %arg7[%get3A_1700, %get3A_1701] {strides = array<i32>} : memref<50x64xf32, #tpu.memory_space<vmem>>, vector<1x16xf32>,
      %get3A_1703 = vector.shape_cast %get3A_1702 : vector<1x16xf32> to vector<16xf32>
      %add3A_1704 = arith.addf %add3A_1680, %get3A_1703 : vector<16xf32>
      %get3A_1705 = arith.constant 17 : i32
      %get3A_1706 = arith.index_cast %get3A_1705 : i32 to index
      %get3A_1707 = arith.constant 32 : index
      %get3A_1708 = tpu.vector_load %arg7[%get3A_1706, %get3A_1707] {strides = array<i32>} : memref<50x64xf32, #tpu.memory_space<vmem>>, vector<1x16xf32>,
      %get3A_1709 = vector.shape_cast %get3A_1708 : vector<1x16xf32> to vector<16xf32>
      %add3A_1710 = arith.addf %add3A_1686, %get3A_1709 : vector<16xf32>
      %get3A_1711 = arith.constant 17 : i32
      %get3A_1712 = arith.index_cast %get3A_1711 : i32 to index
      %get3A_1713 = arith.constant 48 : index
      %get3A_1714 = tpu.vector_load %arg7[%get3A_1712, %get3A_1713] {strides = array<i32>} : memref<50x64xf32, #tpu.memory_space<vmem>>, vector<1x16xf32>,
      %get3A_1715 = vector.shape_cast %get3A_1714 : vector<1x16xf32> to vector<16xf32>
      %add3A_1716 = arith.addf %add3A_1692, %get3A_1715 : vector<16xf32>
      %get3A_1717 = arith.constant 18 : i32
      %get3A_1718 = arith.index_cast %get3A_1717 : i32 to index
      %get3A_1719 = arith.constant 0 : index
      %get3A_1720 = tpu.vector_load %arg7[%get3A_1718, %get3A_1719] {strides = array<i32>} : memref<50x64xf32, #tpu.memory_space<vmem>>, vector<1x16xf32>,
      %get3A_1721 = vector.shape_cast %get3A_1720 : vector<1x16xf32> to vector<16xf32>
      %add3A_1722 = arith.addf %add3A_1698, %get3A_1721 : vector<16xf32>
      %get3A_1723 = arith.constant 18 : i32
      %get3A_1724 = arith.index_cast %get3A_1723 : i32 to index
      %get3A_1725 = arith.constant 16 : index
      %get3A_1726 = tpu.vector_load %arg7[%get3A_1724, %get3A_1725] {strides = array<i32>} : memref<50x64xf32, #tpu.memory_space<vmem>>, vector<1x16xf32>,
      %get3A_1727 = vector.shape_cast %get3A_1726 : vector<1x16xf32> to vector<16xf32>
      %add3A_1728 = arith.addf %add3A_1704, %get3A_1727 : vector<16xf32>
      %get3A_1729 = arith.constant 18 : i32
      %get3A_1730 = arith.index_cast %get3A_1729 : i32 to index
      %get3A_1731 = arith.constant 32 : index
      %get3A_1732 = tpu.vector_load %arg7[%get3A_1730, %get3A_1731] {strides = array<i32>} : memref<50x64xf32, #tpu.memory_space<vmem>>, vector<1x16xf32>,
      %get3A_1733 = vector.shape_cast %get3A_1732 : vector<1x16xf32> to vector<16xf32>
      %add3A_1734 = arith.addf %add3A_1710, %get3A_1733 : vector<16xf32>
      %get3A_1735 = arith.constant 18 : i32
      %get3A_1736 = arith.index_cast %get3A_1735 : i32 to index
      %get3A_1737 = arith.constant 48 : index
      %get3A_1738 = tpu.vector_load %arg7[%get3A_1736, %get3A_1737] {strides = array<i32>} : memref<50x64xf32, #tpu.memory_space<vmem>>, vector<1x16xf32>,
      %get3A_1739 = vector.shape_cast %get3A_1738 : vector<1x16xf32> to vector<16xf32>
      %add3A_1740 = arith.addf %add3A_1716, %get3A_1739 : vector<16xf32>
      %get3A_1741 = arith.constant 19 : i32
      %get3A_1742 = arith.index_cast %get3A_1741 : i32 to index
      %get3A_1743 = arith.constant 0 : index
      %get3A_1744 = tpu.vector_load %arg7[%get3A_1742, %get3A_1743] {strides = array<i32>} : memref<50x64xf32, #tpu.memory_space<vmem>>, vector<1x16xf32>,
      %get3A_1745 = vector.shape_cast %get3A_1744 : vector<1x16xf32> to vector<16xf32>
      %add3A_1746 = arith.addf %add3A_1722, %get3A_1745 : vector<16xf32>
      %get3A_1747 = arith.constant 19 : i32
      %get3A_1748 = arith.index_cast %get3A_1747 : i32 to index
      %get3A_1749 = arith.constant 16 : index
      %get3A_1750 = tpu.vector_load %arg7[%get3A_1748, %get3A_1749] {strides = array<i32>} : memref<50x64xf32, #tpu.memory_space<vmem>>, vector<1x16xf32>,
      %get3A_1751 = vector.shape_cast %get3A_1750 : vector<1x16xf32> to vector<16xf32>
      %add3A_1752 = arith.addf %add3A_1728, %get3A_1751 : vector<16xf32>
      %get3A_1753 = arith.constant 19 : i32
      %get3A_1754 = arith.index_cast %get3A_1753 : i32 to index
      %get3A_1755 = arith.constant 32 : index
      %get3A_1756 = tpu.vector_load %arg7[%get3A_1754, %get3A_1755] {strides = array<i32>} : memref<50x64xf32, #tpu.memory_space<vmem>>, vector<1x16xf32>,
      %get3A_1757 = vector.shape_cast %get3A_1756 : vector<1x16xf32> to vector<16xf32>
      %add3A_1758 = arith.addf %add3A_1734, %get3A_1757 : vector<16xf32>
      %get3A_1759 = arith.constant 19 : i32
      %get3A_1760 = arith.index_cast %get3A_1759 : i32 to index
      %get3A_1761 = arith.constant 48 : index
      %get3A_1762 = tpu.vector_load %arg7[%get3A_1760, %get3A_1761] {strides = array<i32>} : memref<50x64xf32, #tpu.memory_space<vmem>>, vector<1x16xf32>,
      %get3A_1763 = vector.shape_cast %get3A_1762 : vector<1x16xf32> to vector<16xf32>
      %add3A_1764 = arith.addf %add3A_1740, %get3A_1763 : vector<16xf32>
      %get3A_1765 = arith.constant 20 : i32
      %get3A_1766 = arith.index_cast %get3A_1765 : i32 to index
      %get3A_1767 = arith.constant 0 : index
      %get3A_1768 = tpu.vector_load %arg7[%get3A_1766, %get3A_1767] {strides = array<i32>} : memref<50x64xf32, #tpu.memory_space<vmem>>, vector<1x16xf32>,
      %get3A_1769 = vector.shape_cast %get3A_1768 : vector<1x16xf32> to vector<16xf32>
      %add3A_1770 = arith.addf %add3A_1746, %get3A_1769 : vector<16xf32>
      %get3A_1771 = arith.constant 20 : i32
      %get3A_1772 = arith.index_cast %get3A_1771 : i32 to index
      %get3A_1773 = arith.constant 16 : index
      %get3A_1774 = tpu.vector_load %arg7[%get3A_1772, %get3A_1773] {strides = array<i32>} : memref<50x64xf32, #tpu.memory_space<vmem>>, vector<1x16xf32>,
      %get3A_1775 = vector.shape_cast %get3A_1774 : vector<1x16xf32> to vector<16xf32>
      %add3A_1776 = arith.addf %add3A_1752, %get3A_1775 : vector<16xf32>
      %get3A_1777 = arith.constant 20 : i32
      %get3A_1778 = arith.index_cast %get3A_1777 : i32 to index
      %get3A_1779 = arith.constant 32 : index
      %get3A_1780 = tpu.vector_load %arg7[%get3A_1778, %get3A_1779] {strides = array<i32>} : memref<50x64xf32, #tpu.memory_space<vmem>>, vector<1x16xf32>,
      %get3A_1781 = vector.shape_cast %get3A_1780 : vector<1x16xf32> to vector<16xf32>
      %add3A_1782 = arith.addf %add3A_1758, %get3A_1781 : vector<16xf32>
      %get3A_1783 = arith.constant 20 : i32
      %get3A_1784 = arith.index_cast %get3A_1783 : i32 to index
      %get3A_1785 = arith.constant 48 : index
      %get3A_1786 = tpu.vector_load %arg7[%get3A_1784, %get3A_1785] {strides = array<i32>} : memref<50x64xf32, #tpu.memory_space<vmem>>, vector<1x16xf32>,
      %get3A_1787 = vector.shape_cast %get3A_1786 : vector<1x16xf32> to vector<16xf32>
      %add3A_1788 = arith.addf %add3A_1764, %get3A_1787 : vector<16xf32>
      %get3A_1789 = arith.constant 21 : i32
      %get3A_1790 = arith.index_cast %get3A_1789 : i32 to index
      %get3A_1791 = arith.constant 0 : index
      %get3A_1792 = tpu.vector_load %arg7[%get3A_1790, %get3A_1791] {strides = array<i32>} : memref<50x64xf32, #tpu.memory_space<vmem>>, vector<1x16xf32>,
      %get3A_1793 = vector.shape_cast %get3A_1792 : vector<1x16xf32> to vector<16xf32>
      %add3A_1794 = arith.addf %add3A_1770, %get3A_1793 : vector<16xf32>
      %get3A_1795 = arith.constant 21 : i32
      %get3A_1796 = arith.index_cast %get3A_1795 : i32 to index
      %get3A_1797 = arith.constant 16 : index
      %get3A_1798 = tpu.vector_load %arg7[%get3A_1796, %get3A_1797] {strides = array<i32>} : memref<50x64xf32, #tpu.memory_space<vmem>>, vector<1x16xf32>,
      %get3A_1799 = vector.shape_cast %get3A_1798 : vector<1x16xf32> to vector<16xf32>
      %add3A_1800 = arith.addf %add3A_1776, %get3A_1799 : vector<16xf32>
      %get3A_1801 = arith.constant 21 : i32
      %get3A_1802 = arith.index_cast %get3A_1801 : i32 to index
      %get3A_1803 = arith.constant 32 : index
      %get3A_1804 = tpu.vector_load %arg7[%get3A_1802, %get3A_1803] {strides = array<i32>} : memref<50x64xf32, #tpu.memory_space<vmem>>, vector<1x16xf32>,
      %get3A_1805 = vector.shape_cast %get3A_1804 : vector<1x16xf32> to vector<16xf32>
      %add3A_1806 = arith.addf %add3A_1782, %get3A_1805 : vector<16xf32>
      %get3A_1807 = arith.constant 21 : i32
      %get3A_1808 = arith.index_cast %get3A_1807 : i32 to index
      %get3A_1809 = arith.constant 48 : index
      %get3A_1810 = tpu.vector_load %arg7[%get3A_1808, %get3A_1809] {strides = array<i32>} : memref<50x64xf32, #tpu.memory_space<vmem>>, vector<1x16xf32>,
      %get3A_1811 = vector.shape_cast %get3A_1810 : vector<1x16xf32> to vector<16xf32>
      %add3A_1812 = arith.addf %add3A_1788, %get3A_1811 : vector<16xf32>
      %get3A_1813 = arith.constant 22 : i32
      %get3A_1814 = arith.index_cast %get3A_1813 : i32 to index
      %get3A_1815 = arith.constant 0 : index
      %get3A_1816 = tpu.vector_load %arg7[%get3A_1814, %get3A_1815] {strides = array<i32>} : memref<50x64xf32, #tpu.memory_space<vmem>>, vector<1x16xf32>,
      %get3A_1817 = vector.shape_cast %get3A_1816 : vector<1x16xf32> to vector<16xf32>
      %add3A_1818 = arith.addf %add3A_1794, %get3A_1817 : vector<16xf32>
      %get3A_1819 = arith.constant 22 : i32
      %get3A_1820 = arith.index_cast %get3A_1819 : i32 to index
      %get3A_1821 = arith.constant 16 : index
      %get3A_1822 = tpu.vector_load %arg7[%get3A_1820, %get3A_1821] {strides = array<i32>} : memref<50x64xf32, #tpu.memory_space<vmem>>, vector<1x16xf32>,
      %get3A_1823 = vector.shape_cast %get3A_1822 : vector<1x16xf32> to vector<16xf32>
      %add3A_1824 = arith.addf %add3A_1800, %get3A_1823 : vector<16xf32>
      %get3A_1825 = arith.constant 22 : i32
      %get3A_1826 = arith.index_cast %get3A_1825 : i32 to index
      %get3A_1827 = arith.constant 32 : index
      %get3A_1828 = tpu.vector_load %arg7[%get3A_1826, %get3A_1827] {strides = array<i32>} : memref<50x64xf32, #tpu.memory_space<vmem>>, vector<1x16xf32>,
      %get3A_1829 = vector.shape_cast %get3A_1828 : vector<1x16xf32> to vector<16xf32>
      %add3A_1830 = arith.addf %add3A_1806, %get3A_1829 : vector<16xf32>
      %get3A_1831 = arith.constant 22 : i32
      %get3A_1832 = arith.index_cast %get3A_1831 : i32 to index
      %get3A_1833 = arith.constant 48 : index
      %get3A_1834 = tpu.vector_load %arg7[%get3A_1832, %get3A_1833] {strides = array<i32>} : memref<50x64xf32, #tpu.memory_space<vmem>>, vector<1x16xf32>,
      %get3A_1835 = vector.shape_cast %get3A_1834 : vector<1x16xf32> to vector<16xf32>
      %add3A_1836 = arith.addf %add3A_1812, %get3A_1835 : vector<16xf32>
      %get3A_1837 = arith.constant 23 : i32
      %get3A_1838 = arith.index_cast %get3A_1837 : i32 to index
      %get3A_1839 = arith.constant 0 : index
      %get3A_1840 = tpu.vector_load %arg7[%get3A_1838, %get3A_1839] {strides = array<i32>} : memref<50x64xf32, #tpu.memory_space<vmem>>, vector<1x16xf32>,
      %get3A_1841 = vector.shape_cast %get3A_1840 : vector<1x16xf32> to vector<16xf32>
      %add3A_1842 = arith.addf %add3A_1818, %get3A_1841 : vector<16xf32>
      %get3A_1843 = arith.constant 23 : i32
      %get3A_1844 = arith.index_cast %get3A_1843 : i32 to index
      %get3A_1845 = arith.constant 16 : index
      %get3A_1846 = tpu.vector_load %arg7[%get3A_1844, %get3A_1845] {strides = array<i32>} : memref<50x64xf32, #tpu.memory_space<vmem>>, vector<1x16xf32>,
      %get3A_1847 = vector.shape_cast %get3A_1846 : vector<1x16xf32> to vector<16xf32>
      %add3A_1848 = arith.addf %add3A_1824, %get3A_1847 : vector<16xf32>
      %get3A_1849 = arith.constant 23 : i32
      %get3A_1850 = arith.index_cast %get3A_1849 : i32 to index
      %get3A_1851 = arith.constant 32 : index
      %get3A_1852 = tpu.vector_load %arg7[%get3A_1850, %get3A_1851] {strides = array<i32>} : memref<50x64xf32, #tpu.memory_space<vmem>>, vector<1x16xf32>,
      %get3A_1853 = vector.shape_cast %get3A_1852 : vector<1x16xf32> to vector<16xf32>
      %add3A_1854 = arith.addf %add3A_1830, %get3A_1853 : vector<16xf32>
      %get3A_1855 = arith.constant 23 : i32
      %get3A_1856 = arith.index_cast %get3A_1855 : i32 to index
      %get3A_1857 = arith.constant 48 : index
      %get3A_1858 = tpu.vector_load %arg7[%get3A_1856, %get3A_1857] {strides = array<i32>} : memref<50x64xf32, #tpu.memory_space<vmem>>, vector<1x16xf32>,
      %get3A_1859 = vector.shape_cast %get3A_1858 : vector<1x16xf32> to vector<16xf32>
      %add3A_1860 = arith.addf %add3A_1836, %get3A_1859 : vector<16xf32>
      %get3A_1861 = arith.constant 24 : i32
      %get3A_1862 = arith.index_cast %get3A_1861 : i32 to index
      %get3A_1863 = arith.constant 0 : index
      %get3A_1864 = tpu.vector_load %arg7[%get3A_1862, %get3A_1863] {strides = array<i32>} : memref<50x64xf32, #tpu.memory_space<vmem>>, vector<1x16xf32>,
      %get3A_1865 = vector.shape_cast %get3A_1864 : vector<1x16xf32> to vector<16xf32>
      %add3A_1866 = arith.addf %add3A_1842, %get3A_1865 : vector<16xf32>
      %get3A_1867 = arith.constant 24 : i32
      %get3A_1868 = arith.index_cast %get3A_1867 : i32 to index
      %get3A_1869 = arith.constant 16 : index
      %get3A_1870 = tpu.vector_load %arg7[%get3A_1868, %get3A_1869] {strides = array<i32>} : memref<50x64xf32, #tpu.memory_space<vmem>>, vector<1x16xf32>,
      %get3A_1871 = vector.shape_cast %get3A_1870 : vector<1x16xf32> to vector<16xf32>
      %add3A_1872 = arith.addf %add3A_1848, %get3A_1871 : vector<16xf32>
      %get3A_1873 = arith.constant 24 : i32
      %get3A_1874 = arith.index_cast %get3A_1873 : i32 to index
      %get3A_1875 = arith.constant 32 : index
      %get3A_1876 = tpu.vector_load %arg7[%get3A_1874, %get3A_1875] {strides = array<i32>} : memref<50x64xf32, #tpu.memory_space<vmem>>, vector<1x16xf32>,
      %get3A_1877 = vector.shape_cast %get3A_1876 : vector<1x16xf32> to vector<16xf32>
      %add3A_1878 = arith.addf %add3A_1854, %get3A_1877 : vector<16xf32>
      %get3A_1879 = arith.constant 24 : i32
      %get3A_1880 = arith.index_cast %get3A_1879 : i32 to index
      %get3A_1881 = arith.constant 48 : index
      %get3A_1882 = tpu.vector_load %arg7[%get3A_1880, %get3A_1881] {strides = array<i32>} : memref<50x64xf32, #tpu.memory_space<vmem>>, vector<1x16xf32>,
      %get3A_1883 = vector.shape_cast %get3A_1882 : vector<1x16xf32> to vector<16xf32>
      %add3A_1884 = arith.addf %add3A_1860, %get3A_1883 : vector<16xf32>
      %get3A_1885 = arith.constant 25 : i32
      %get3A_1886 = arith.index_cast %get3A_1885 : i32 to index
      %get3A_1887 = arith.constant 0 : index
      %get3A_1888 = tpu.vector_load %arg7[%get3A_1886, %get3A_1887] {strides = array<i32>} : memref<50x64xf32, #tpu.memory_space<vmem>>, vector<1x16xf32>,
      %get3A_1889 = vector.shape_cast %get3A_1888 : vector<1x16xf32> to vector<16xf32>
      %add3A_1890 = arith.addf %add3A_1866, %get3A_1889 : vector<16xf32>
      %get3A_1891 = arith.constant 25 : i32
      %get3A_1892 = arith.index_cast %get3A_1891 : i32 to index
      %get3A_1893 = arith.constant 16 : index
      %get3A_1894 = tpu.vector_load %arg7[%get3A_1892, %get3A_1893] {strides = array<i32>} : memref<50x64xf32, #tpu.memory_space<vmem>>, vector<1x16xf32>,
      %get3A_1895 = vector.shape_cast %get3A_1894 : vector<1x16xf32> to vector<16xf32>
      %add3A_1896 = arith.addf %add3A_1872, %get3A_1895 : vector<16xf32>
      %get3A_1897 = arith.constant 25 : i32
      %get3A_1898 = arith.index_cast %get3A_1897 : i32 to index
      %get3A_1899 = arith.constant 32 : index
      %get3A_1900 = tpu.vector_load %arg7[%get3A_1898, %get3A_1899] {strides = array<i32>} : memref<50x64xf32, #tpu.memory_space<vmem>>, vector<1x16xf32>,
      %get3A_1901 = vector.shape_cast %get3A_1900 : vector<1x16xf32> to vector<16xf32>
      %add3A_1902 = arith.addf %add3A_1878, %get3A_1901 : vector<16xf32>
      %get3A_1903 = arith.constant 25 : i32
      %get3A_1904 = arith.index_cast %get3A_1903 : i32 to index
      %get3A_1905 = arith.constant 48 : index
      %get3A_1906 = tpu.vector_load %arg7[%get3A_1904, %get3A_1905] {strides = array<i32>} : memref<50x64xf32, #tpu.memory_space<vmem>>, vector<1x16xf32>,
      %get3A_1907 = vector.shape_cast %get3A_1906 : vector<1x16xf32> to vector<16xf32>
      %add3A_1908 = arith.addf %add3A_1884, %get3A_1907 : vector<16xf32>
      %get3A_1909 = arith.constant 26 : i32
      %get3A_1910 = arith.index_cast %get3A_1909 : i32 to index
      %get3A_1911 = arith.constant 0 : index
      %get3A_1912 = tpu.vector_load %arg7[%get3A_1910, %get3A_1911] {strides = array<i32>} : memref<50x64xf32, #tpu.memory_space<vmem>>, vector<1x16xf32>,
      %get3A_1913 = vector.shape_cast %get3A_1912 : vector<1x16xf32> to vector<16xf32>
      %add3A_1914 = arith.addf %add3A_1890, %get3A_1913 : vector<16xf32>
      %get3A_1915 = arith.constant 26 : i32
      %get3A_1916 = arith.index_cast %get3A_1915 : i32 to index
      %get3A_1917 = arith.constant 16 : index
      %get3A_1918 = tpu.vector_load %arg7[%get3A_1916, %get3A_1917] {strides = array<i32>} : memref<50x64xf32, #tpu.memory_space<vmem>>, vector<1x16xf32>,
      %get3A_1919 = vector.shape_cast %get3A_1918 : vector<1x16xf32> to vector<16xf32>
      %add3A_1920 = arith.addf %add3A_1896, %get3A_1919 : vector<16xf32>
      %get3A_1921 = arith.constant 26 : i32
      %get3A_1922 = arith.index_cast %get3A_1921 : i32 to index
      %get3A_1923 = arith.constant 32 : index
      %get3A_1924 = tpu.vector_load %arg7[%get3A_1922, %get3A_1923] {strides = array<i32>} : memref<50x64xf32, #tpu.memory_space<vmem>>, vector<1x16xf32>,
      %get3A_1925 = vector.shape_cast %get3A_1924 : vector<1x16xf32> to vector<16xf32>
      %add3A_1926 = arith.addf %add3A_1902, %get3A_1925 : vector<16xf32>
      %get3A_1927 = arith.constant 26 : i32
      %get3A_1928 = arith.index_cast %get3A_1927 : i32 to index
      %get3A_1929 = arith.constant 48 : index
      %get3A_1930 = tpu.vector_load %arg7[%get3A_1928, %get3A_1929] {strides = array<i32>} : memref<50x64xf32, #tpu.memory_space<vmem>>, vector<1x16xf32>,
      %get3A_1931 = vector.shape_cast %get3A_1930 : vector<1x16xf32> to vector<16xf32>
      %add3A_1932 = arith.addf %add3A_1908, %get3A_1931 : vector<16xf32>
      %get3A_1933 = arith.constant 27 : i32
      %get3A_1934 = arith.index_cast %get3A_1933 : i32 to index
      %get3A_1935 = arith.constant 0 : index
      %get3A_1936 = tpu.vector_load %arg7[%get3A_1934, %get3A_1935] {strides = array<i32>} : memref<50x64xf32, #tpu.memory_space<vmem>>, vector<1x16xf32>,
      %get3A_1937 = vector.shape_cast %get3A_1936 : vector<1x16xf32> to vector<16xf32>
      %add3A_1938 = arith.addf %add3A_1914, %get3A_1937 : vector<16xf32>
      %get3A_1939 = arith.constant 27 : i32
      %get3A_1940 = arith.index_cast %get3A_1939 : i32 to index
      %get3A_1941 = arith.constant 16 : index
      %get3A_1942 = tpu.vector_load %arg7[%get3A_1940, %get3A_1941] {strides = array<i32>} : memref<50x64xf32, #tpu.memory_space<vmem>>, vector<1x16xf32>,
      %get3A_1943 = vector.shape_cast %get3A_1942 : vector<1x16xf32> to vector<16xf32>
      %add3A_1944 = arith.addf %add3A_1920, %get3A_1943 : vector<16xf32>
      %get3A_1945 = arith.constant 27 : i32
      %get3A_1946 = arith.index_cast %get3A_1945 : i32 to index
      %get3A_1947 = arith.constant 32 : index
      %get3A_1948 = tpu.vector_load %arg7[%get3A_1946, %get3A_1947] {strides = array<i32>} : memref<50x64xf32, #tpu.memory_space<vmem>>, vector<1x16xf32>,
      %get3A_1949 = vector.shape_cast %get3A_1948 : vector<1x16xf32> to vector<16xf32>
      %add3A_1950 = arith.addf %add3A_1926, %get3A_1949 : vector<16xf32>
      %get3A_1951 = arith.constant 27 : i32
      %get3A_1952 = arith.index_cast %get3A_1951 : i32 to index
      %get3A_1953 = arith.constant 48 : index
      %get3A_1954 = tpu.vector_load %arg7[%get3A_1952, %get3A_1953] {strides = array<i32>} : memref<50x64xf32, #tpu.memory_space<vmem>>, vector<1x16xf32>,
      %get3A_1955 = vector.shape_cast %get3A_1954 : vector<1x16xf32> to vector<16xf32>
      %add3A_1956 = arith.addf %add3A_1932, %get3A_1955 : vector<16xf32>
      %get3A_1957 = arith.constant 28 : i32
      %get3A_1958 = arith.index_cast %get3A_1957 : i32 to index
      %get3A_1959 = arith.constant 0 : index
      %get3A_1960 = tpu.vector_load %arg7[%get3A_1958, %get3A_1959] {strides = array<i32>} : memref<50x64xf32, #tpu.memory_space<vmem>>, vector<1x16xf32>,
      %get3A_1961 = vector.shape_cast %get3A_1960 : vector<1x16xf32> to vector<16xf32>
      %add3A_1962 = arith.addf %add3A_1938, %get3A_1961 : vector<16xf32>
      %get3A_1963 = arith.constant 28 : i32
      %get3A_1964 = arith.index_cast %get3A_1963 : i32 to index
      %get3A_1965 = arith.constant 16 : index
      %get3A_1966 = tpu.vector_load %arg7[%get3A_1964, %get3A_1965] {strides = array<i32>} : memref<50x64xf32, #tpu.memory_space<vmem>>, vector<1x16xf32>,
      %get3A_1967 = vector.shape_cast %get3A_1966 : vector<1x16xf32> to vector<16xf32>
      %add3A_1968 = arith.addf %add3A_1944, %get3A_1967 : vector<16xf32>
      %get3A_1969 = arith.constant 28 : i32
      %get3A_1970 = arith.index_cast %get3A_1969 : i32 to index
      %get3A_1971 = arith.constant 32 : index
      %get3A_1972 = tpu.vector_load %arg7[%get3A_1970, %get3A_1971] {strides = array<i32>} : memref<50x64xf32, #tpu.memory_space<vmem>>, vector<1x16xf32>,
      %get3A_1973 = vector.shape_cast %get3A_1972 : vector<1x16xf32> to vector<16xf32>
      %add3A_1974 = arith.addf %add3A_1950, %get3A_1973 : vector<16xf32>
      %get3A_1975 = arith.constant 28 : i32
      %get3A_1976 = arith.index_cast %get3A_1975 : i32 to index
      %get3A_1977 = arith.constant 48 : index
      %get3A_1978 = tpu.vector_load %arg7[%get3A_1976, %get3A_1977] {strides = array<i32>} : memref<50x64xf32, #tpu.memory_space<vmem>>, vector<1x16xf32>,
      %get3A_1979 = vector.shape_cast %get3A_1978 : vector<1x16xf32> to vector<16xf32>
      %add3A_1980 = arith.addf %add3A_1956, %get3A_1979 : vector<16xf32>
      %get3A_1981 = arith.constant 29 : i32
      %get3A_1982 = arith.index_cast %get3A_1981 : i32 to index
      %get3A_1983 = arith.constant 0 : index
      %get3A_1984 = tpu.vector_load %arg7[%get3A_1982, %get3A_1983] {strides = array<i32>} : memref<50x64xf32, #tpu.memory_space<vmem>>, vector<1x16xf32>,
      %get3A_1985 = vector.shape_cast %get3A_1984 : vector<1x16xf32> to vector<16xf32>
      %add3A_1986 = arith.addf %add3A_1962, %get3A_1985 : vector<16xf32>
      %get3A_1987 = arith.constant 29 : i32
      %get3A_1988 = arith.index_cast %get3A_1987 : i32 to index
      %get3A_1989 = arith.constant 16 : index
      %get3A_1990 = tpu.vector_load %arg7[%get3A_1988, %get3A_1989] {strides = array<i32>} : memref<50x64xf32, #tpu.memory_space<vmem>>, vector<1x16xf32>,
      %get3A_1991 = vector.shape_cast %get3A_1990 : vector<1x16xf32> to vector<16xf32>
      %add3A_1992 = arith.addf %add3A_1968, %get3A_1991 : vector<16xf32>
      %get3A_1993 = arith.constant 29 : i32
      %get3A_1994 = arith.index_cast %get3A_1993 : i32 to index
      %get3A_1995 = arith.constant 32 : index
      %get3A_1996 = tpu.vector_load %arg7[%get3A_1994, %get3A_1995] {strides = array<i32>} : memref<50x64xf32, #tpu.memory_space<vmem>>, vector<1x16xf32>,
      %get3A_1997 = vector.shape_cast %get3A_1996 : vector<1x16xf32> to vector<16xf32>
      %add3A_1998 = arith.addf %add3A_1974, %get3A_1997 : vector<16xf32>
      %get3A_1999 = arith.constant 29 : i32
      %get3A_2000 = arith.index_cast %get3A_1999 : i32 to index
      %get3A_2001 = arith.constant 48 : index
      %get3A_2002 = tpu.vector_load %arg7[%get3A_2000, %get3A_2001] {strides = array<i32>} : memref<50x64xf32, #tpu.memory_space<vmem>>, vector<1x16xf32>,
      %get3A_2003 = vector.shape_cast %get3A_2002 : vector<1x16xf32> to vector<16xf32>
      %add3A_2004 = arith.addf %add3A_1980, %get3A_2003 : vector<16xf32>
      %get3A_2005 = arith.constant 30 : i32
      %get3A_2006 = arith.index_cast %get3A_2005 : i32 to index
      %get3A_2007 = arith.constant 0 : index
      %get3A_2008 = tpu.vector_load %arg7[%get3A_2006, %get3A_2007] {strides = array<i32>} : memref<50x64xf32, #tpu.memory_space<vmem>>, vector<1x16xf32>,
      %get3A_2009 = vector.shape_cast %get3A_2008 : vector<1x16xf32> to vector<16xf32>
      %add3A_2010 = arith.addf %add3A_1986, %get3A_2009 : vector<16xf32>
      %get3A_2011 = arith.constant 30 : i32
      %get3A_2012 = arith.index_cast %get3A_2011 : i32 to index
      %get3A_2013 = arith.constant 16 : index
      %get3A_2014 = tpu.vector_load %arg7[%get3A_2012, %get3A_2013] {strides = array<i32>} : memref<50x64xf32, #tpu.memory_space<vmem>>, vector<1x16xf32>,
      %get3A_2015 = vector.shape_cast %get3A_2014 : vector<1x16xf32> to vector<16xf32>
      %add3A_2016 = arith.addf %add3A_1992, %get3A_2015 : vector<16xf32>
      %get3A_2017 = arith.constant 30 : i32
      %get3A_2018 = arith.index_cast %get3A_2017 : i32 to index
      %get3A_2019 = arith.constant 32 : index
      %get3A_2020 = tpu.vector_load %arg7[%get3A_2018, %get3A_2019] {strides = array<i32>} : memref<50x64xf32, #tpu.memory_space<vmem>>, vector<1x16xf32>,
      %get3A_2021 = vector.shape_cast %get3A_2020 : vector<1x16xf32> to vector<16xf32>
      %add3A_2022 = arith.addf %add3A_1998, %get3A_2021 : vector<16xf32>
      %get3A_2023 = arith.constant 30 : i32
      %get3A_2024 = arith.index_cast %get3A_2023 : i32 to index
      %get3A_2025 = arith.constant 48 : index
      %get3A_2026 = tpu.vector_load %arg7[%get3A_2024, %get3A_2025] {strides = array<i32>} : memref<50x64xf32, #tpu.memory_space<vmem>>, vector<1x16xf32>,
      %get3A_2027 = vector.shape_cast %get3A_2026 : vector<1x16xf32> to vector<16xf32>
      %add3A_2028 = arith.addf %add3A_2004, %get3A_2027 : vector<16xf32>
      %get3A_2029 = arith.constant 31 : i32
      %get3A_2030 = arith.index_cast %get3A_2029 : i32 to index
      %get3A_2031 = arith.constant 0 : index
      %get3A_2032 = tpu.vector_load %arg7[%get3A_2030, %get3A_2031] {strides = array<i32>} : memref<50x64xf32, #tpu.memory_space<vmem>>, vector<1x16xf32>,
      %get3A_2033 = vector.shape_cast %get3A_2032 : vector<1x16xf32> to vector<16xf32>
      %add3A_2034 = arith.addf %add3A_2010, %get3A_2033 : vector<16xf32>
      %get3A_2035 = arith.constant 31 : i32
      %get3A_2036 = arith.index_cast %get3A_2035 : i32 to index
      %get3A_2037 = arith.constant 16 : index
      %get3A_2038 = tpu.vector_load %arg7[%get3A_2036, %get3A_2037] {strides = array<i32>} : memref<50x64xf32, #tpu.memory_space<vmem>>, vector<1x16xf32>,
      %get3A_2039 = vector.shape_cast %get3A_2038 : vector<1x16xf32> to vector<16xf32>
      %add3A_2040 = arith.addf %add3A_2016, %get3A_2039 : vector<16xf32>
      %get3A_2041 = arith.constant 31 : i32
      %get3A_2042 = arith.index_cast %get3A_2041 : i32 to index
      %get3A_2043 = arith.constant 32 : index
      %get3A_2044 = tpu.vector_load %arg7[%get3A_2042, %get3A_2043] {strides = array<i32>} : memref<50x64xf32, #tpu.memory_space<vmem>>, vector<1x16xf32>,
      %get3A_2045 = vector.shape_cast %get3A_2044 : vector<1x16xf32> to vector<16xf32>
      %add3A_2046 = arith.addf %add3A_2022, %get3A_2045 : vector<16xf32>
      %get3A_2047 = arith.constant 31 : i32
      %get3A_2048 = arith.index_cast %get3A_2047 : i32 to index
      %get3A_2049 = arith.constant 48 : index
      %get3A_2050 = tpu.vector_load %arg7[%get3A_2048, %get3A_2049] {strides = array<i32>} : memref<50x64xf32, #tpu.memory_space<vmem>>, vector<1x16xf32>,
      %get3A_2051 = vector.shape_cast %get3A_2050 : vector<1x16xf32> to vector<16xf32>
      %add3A_2052 = arith.addf %add3A_2028, %get3A_2051 : vector<16xf32>
      %get3A_2053 = arith.constant 32 : i32
      %get3A_2054 = arith.index_cast %get3A_2053 : i32 to index
      %get3A_2055 = arith.constant 0 : index
      %get3A_2056 = tpu.vector_load %arg7[%get3A_2054, %get3A_2055] {strides = array<i32>} : memref<50x64xf32, #tpu.memory_space<vmem>>, vector<1x16xf32>,
      %get3A_2057 = vector.shape_cast %get3A_2056 : vector<1x16xf32> to vector<16xf32>
      %add3A_2058 = arith.addf %add3A_2034, %get3A_2057 : vector<16xf32>
      %get3A_2059 = arith.constant 32 : i32
      %get3A_2060 = arith.index_cast %get3A_2059 : i32 to index
      %get3A_2061 = arith.constant 16 : index
      %get3A_2062 = tpu.vector_load %arg7[%get3A_2060, %get3A_2061] {strides = array<i32>} : memref<50x64xf32, #tpu.memory_space<vmem>>, vector<1x16xf32>,
      %get3A_2063 = vector.shape_cast %get3A_2062 : vector<1x16xf32> to vector<16xf32>
      %add3A_2064 = arith.addf %add3A_2040, %get3A_2063 : vector<16xf32>
      %get3A_2065 = arith.constant 32 : i32
      %get3A_2066 = arith.index_cast %get3A_2065 : i32 to index
      %get3A_2067 = arith.constant 32 : index
      %get3A_2068 = tpu.vector_load %arg7[%get3A_2066, %get3A_2067] {strides = array<i32>} : memref<50x64xf32, #tpu.memory_space<vmem>>, vector<1x16xf32>,
      %get3A_2069 = vector.shape_cast %get3A_2068 : vector<1x16xf32> to vector<16xf32>
      %add3A_2070 = arith.addf %add3A_2046, %get3A_2069 : vector<16xf32>
      %get3A_2071 = arith.constant 32 : i32
      %get3A_2072 = arith.index_cast %get3A_2071 : i32 to index
      %get3A_2073 = arith.constant 48 : index
      %get3A_2074 = tpu.vector_load %arg7[%get3A_2072, %get3A_2073] {strides = array<i32>} : memref<50x64xf32, #tpu.memory_space<vmem>>, vector<1x16xf32>,
      %get3A_2075 = vector.shape_cast %get3A_2074 : vector<1x16xf32> to vector<16xf32>
      %add3A_2076 = arith.addf %add3A_2052, %get3A_2075 : vector<16xf32>
      %get3A_2077 = arith.constant 33 : i32
      %get3A_2078 = arith.index_cast %get3A_2077 : i32 to index
      %get3A_2079 = arith.constant 0 : index
      %get3A_2080 = tpu.vector_load %arg7[%get3A_2078, %get3A_2079] {strides = array<i32>} : memref<50x64xf32, #tpu.memory_space<vmem>>, vector<1x16xf32>,
      %get3A_2081 = vector.shape_cast %get3A_2080 : vector<1x16xf32> to vector<16xf32>
      %add3A_2082 = arith.addf %add3A_2058, %get3A_2081 : vector<16xf32>
      %get3A_2083 = arith.constant 33 : i32
      %get3A_2084 = arith.index_cast %get3A_2083 : i32 to index
      %get3A_2085 = arith.constant 16 : index
      %get3A_2086 = tpu.vector_load %arg7[%get3A_2084, %get3A_2085] {strides = array<i32>} : memref<50x64xf32, #tpu.memory_space<vmem>>, vector<1x16xf32>,
      %get3A_2087 = vector.shape_cast %get3A_2086 : vector<1x16xf32> to vector<16xf32>
      %add3A_2088 = arith.addf %add3A_2064, %get3A_2087 : vector<16xf32>
      %get3A_2089 = arith.constant 33 : i32
      %get3A_2090 = arith.index_cast %get3A_2089 : i32 to index
      %get3A_2091 = arith.constant 32 : index
      %get3A_2092 = tpu.vector_load %arg7[%get3A_2090, %get3A_2091] {strides = array<i32>} : memref<50x64xf32, #tpu.memory_space<vmem>>, vector<1x16xf32>,
      %get3A_2093 = vector.shape_cast %get3A_2092 : vector<1x16xf32> to vector<16xf32>
      %add3A_2094 = arith.addf %add3A_2070, %get3A_2093 : vector<16xf32>
      %get3A_2095 = arith.constant 33 : i32
      %get3A_2096 = arith.index_cast %get3A_2095 : i32 to index
      %get3A_2097 = arith.constant 48 : index
      %get3A_2098 = tpu.vector_load %arg7[%get3A_2096, %get3A_2097] {strides = array<i32>} : memref<50x64xf32, #tpu.memory_space<vmem>>, vector<1x16xf32>,
      %get3A_2099 = vector.shape_cast %get3A_2098 : vector<1x16xf32> to vector<16xf32>
      %add3A_2100 = arith.addf %add3A_2076, %get3A_2099 : vector<16xf32>
      %get3A_2101 = arith.constant 34 : i32
      %get3A_2102 = arith.index_cast %get3A_2101 : i32 to index
      %get3A_2103 = arith.constant 0 : index
      %get3A_2104 = tpu.vector_load %arg7[%get3A_2102, %get3A_2103] {strides = array<i32>} : memref<50x64xf32, #tpu.memory_space<vmem>>, vector<1x16xf32>,
      %get3A_2105 = vector.shape_cast %get3A_2104 : vector<1x16xf32> to vector<16xf32>
      %add3A_2106 = arith.addf %add3A_2082, %get3A_2105 : vector<16xf32>
      %get3A_2107 = arith.constant 34 : i32
      %get3A_2108 = arith.index_cast %get3A_2107 : i32 to index
      %get3A_2109 = arith.constant 16 : index
      %get3A_2110 = tpu.vector_load %arg7[%get3A_2108, %get3A_2109] {strides = array<i32>} : memref<50x64xf32, #tpu.memory_space<vmem>>, vector<1x16xf32>,
      %get3A_2111 = vector.shape_cast %get3A_2110 : vector<1x16xf32> to vector<16xf32>
      %add3A_2112 = arith.addf %add3A_2088, %get3A_2111 : vector<16xf32>
      %get3A_2113 = arith.constant 34 : i32
      %get3A_2114 = arith.index_cast %get3A_2113 : i32 to index
      %get3A_2115 = arith.constant 32 : index
      %get3A_2116 = tpu.vector_load %arg7[%get3A_2114, %get3A_2115] {strides = array<i32>} : memref<50x64xf32, #tpu.memory_space<vmem>>, vector<1x16xf32>,
      %get3A_2117 = vector.shape_cast %get3A_2116 : vector<1x16xf32> to vector<16xf32>
      %add3A_2118 = arith.addf %add3A_2094, %get3A_2117 : vector<16xf32>
      %get3A_2119 = arith.constant 34 : i32
      %get3A_2120 = arith.index_cast %get3A_2119 : i32 to index
      %get3A_2121 = arith.constant 48 : index
      %get3A_2122 = tpu.vector_load %arg7[%get3A_2120, %get3A_2121] {strides = array<i32>} : memref<50x64xf32, #tpu.memory_space<vmem>>, vector<1x16xf32>,
      %get3A_2123 = vector.shape_cast %get3A_2122 : vector<1x16xf32> to vector<16xf32>
      %add3A_2124 = arith.addf %add3A_2100, %get3A_2123 : vector<16xf32>
      %get3A_2125 = arith.constant 35 : i32
      %get3A_2126 = arith.index_cast %get3A_2125 : i32 to index
      %get3A_2127 = arith.constant 0 : index
      %get3A_2128 = tpu.vector_load %arg7[%get3A_2126, %get3A_2127] {strides = array<i32>} : memref<50x64xf32, #tpu.memory_space<vmem>>, vector<1x16xf32>,
      %get3A_2129 = vector.shape_cast %get3A_2128 : vector<1x16xf32> to vector<16xf32>
      %add3A_2130 = arith.addf %add3A_2106, %get3A_2129 : vector<16xf32>
      %get3A_2131 = arith.constant 35 : i32
      %get3A_2132 = arith.index_cast %get3A_2131 : i32 to index
      %get3A_2133 = arith.constant 16 : index
      %get3A_2134 = tpu.vector_load %arg7[%get3A_2132, %get3A_2133] {strides = array<i32>} : memref<50x64xf32, #tpu.memory_space<vmem>>, vector<1x16xf32>,
      %get3A_2135 = vector.shape_cast %get3A_2134 : vector<1x16xf32> to vector<16xf32>
      %add3A_2136 = arith.addf %add3A_2112, %get3A_2135 : vector<16xf32>
      %get3A_2137 = arith.constant 35 : i32
      %get3A_2138 = arith.index_cast %get3A_2137 : i32 to index
      %get3A_2139 = arith.constant 32 : index
      %get3A_2140 = tpu.vector_load %arg7[%get3A_2138, %get3A_2139] {strides = array<i32>} : memref<50x64xf32, #tpu.memory_space<vmem>>, vector<1x16xf32>,
      %get3A_2141 = vector.shape_cast %get3A_2140 : vector<1x16xf32> to vector<16xf32>
      %add3A_2142 = arith.addf %add3A_2118, %get3A_2141 : vector<16xf32>
      %get3A_2143 = arith.constant 35 : i32
      %get3A_2144 = arith.index_cast %get3A_2143 : i32 to index
      %get3A_2145 = arith.constant 48 : index
      %get3A_2146 = tpu.vector_load %arg7[%get3A_2144, %get3A_2145] {strides = array<i32>} : memref<50x64xf32, #tpu.memory_space<vmem>>, vector<1x16xf32>,
      %get3A_2147 = vector.shape_cast %get3A_2146 : vector<1x16xf32> to vector<16xf32>
      %add3A_2148 = arith.addf %add3A_2124, %get3A_2147 : vector<16xf32>
      %get3A_2149 = arith.constant 36 : i32
      %get3A_2150 = arith.index_cast %get3A_2149 : i32 to index
      %get3A_2151 = arith.constant 0 : index
      %get3A_2152 = tpu.vector_load %arg7[%get3A_2150, %get3A_2151] {strides = array<i32>} : memref<50x64xf32, #tpu.memory_space<vmem>>, vector<1x16xf32>,
      %get3A_2153 = vector.shape_cast %get3A_2152 : vector<1x16xf32> to vector<16xf32>
      %add3A_2154 = arith.addf %add3A_2130, %get3A_2153 : vector<16xf32>
      %get3A_2155 = arith.constant 36 : i32
      %get3A_2156 = arith.index_cast %get3A_2155 : i32 to index
      %get3A_2157 = arith.constant 16 : index
      %get3A_2158 = tpu.vector_load %arg7[%get3A_2156, %get3A_2157] {strides = array<i32>} : memref<50x64xf32, #tpu.memory_space<vmem>>, vector<1x16xf32>,
      %get3A_2159 = vector.shape_cast %get3A_2158 : vector<1x16xf32> to vector<16xf32>
      %add3A_2160 = arith.addf %add3A_2136, %get3A_2159 : vector<16xf32>
      %get3A_2161 = arith.constant 36 : i32
      %get3A_2162 = arith.index_cast %get3A_2161 : i32 to index
      %get3A_2163 = arith.constant 32 : index
      %get3A_2164 = tpu.vector_load %arg7[%get3A_2162, %get3A_2163] {strides = array<i32>} : memref<50x64xf32, #tpu.memory_space<vmem>>, vector<1x16xf32>,
      %get3A_2165 = vector.shape_cast %get3A_2164 : vector<1x16xf32> to vector<16xf32>
      %add3A_2166 = arith.addf %add3A_2142, %get3A_2165 : vector<16xf32>
      %get3A_2167 = arith.constant 36 : i32
      %get3A_2168 = arith.index_cast %get3A_2167 : i32 to index
      %get3A_2169 = arith.constant 48 : index
      %get3A_2170 = tpu.vector_load %arg7[%get3A_2168, %get3A_2169] {strides = array<i32>} : memref<50x64xf32, #tpu.memory_space<vmem>>, vector<1x16xf32>,
      %get3A_2171 = vector.shape_cast %get3A_2170 : vector<1x16xf32> to vector<16xf32>
      %add3A_2172 = arith.addf %add3A_2148, %get3A_2171 : vector<16xf32>
      %get3A_2173 = arith.constant 37 : i32
      %get3A_2174 = arith.index_cast %get3A_2173 : i32 to index
      %get3A_2175 = arith.constant 0 : index
      %get3A_2176 = tpu.vector_load %arg7[%get3A_2174, %get3A_2175] {strides = array<i32>} : memref<50x64xf32, #tpu.memory_space<vmem>>, vector<1x16xf32>,
      %get3A_2177 = vector.shape_cast %get3A_2176 : vector<1x16xf32> to vector<16xf32>
      %add3A_2178 = arith.addf %add3A_2154, %get3A_2177 : vector<16xf32>
      %get3A_2179 = arith.constant 37 : i32
      %get3A_2180 = arith.index_cast %get3A_2179 : i32 to index
      %get3A_2181 = arith.constant 16 : index
      %get3A_2182 = tpu.vector_load %arg7[%get3A_2180, %get3A_2181] {strides = array<i32>} : memref<50x64xf32, #tpu.memory_space<vmem>>, vector<1x16xf32>,
      %get3A_2183 = vector.shape_cast %get3A_2182 : vector<1x16xf32> to vector<16xf32>
      %add3A_2184 = arith.addf %add3A_2160, %get3A_2183 : vector<16xf32>
      %get3A_2185 = arith.constant 37 : i32
      %get3A_2186 = arith.index_cast %get3A_2185 : i32 to index
      %get3A_2187 = arith.constant 32 : index
      %get3A_2188 = tpu.vector_load %arg7[%get3A_2186, %get3A_2187] {strides = array<i32>} : memref<50x64xf32, #tpu.memory_space<vmem>>, vector<1x16xf32>,
      %get3A_2189 = vector.shape_cast %get3A_2188 : vector<1x16xf32> to vector<16xf32>
      %add3A_2190 = arith.addf %add3A_2166, %get3A_2189 : vector<16xf32>
      %get3A_2191 = arith.constant 37 : i32
      %get3A_2192 = arith.index_cast %get3A_2191 : i32 to index
      %get3A_2193 = arith.constant 48 : index
      %get3A_2194 = tpu.vector_load %arg7[%get3A_2192, %get3A_2193] {strides = array<i32>} : memref<50x64xf32, #tpu.memory_space<vmem>>, vector<1x16xf32>,
      %get3A_2195 = vector.shape_cast %get3A_2194 : vector<1x16xf32> to vector<16xf32>
      %add3A_2196 = arith.addf %add3A_2172, %get3A_2195 : vector<16xf32>
      %get3A_2197 = arith.constant 38 : i32
      %get3A_2198 = arith.index_cast %get3A_2197 : i32 to index
      %get3A_2199 = arith.constant 0 : index
      %get3A_2200 = tpu.vector_load %arg7[%get3A_2198, %get3A_2199] {strides = array<i32>} : memref<50x64xf32, #tpu.memory_space<vmem>>, vector<1x16xf32>,
      %get3A_2201 = vector.shape_cast %get3A_2200 : vector<1x16xf32> to vector<16xf32>
      %add3A_2202 = arith.addf %add3A_2178, %get3A_2201 : vector<16xf32>
      %get3A_2203 = arith.constant 38 : i32
      %get3A_2204 = arith.index_cast %get3A_2203 : i32 to index
      %get3A_2205 = arith.constant 16 : index
      %get3A_2206 = tpu.vector_load %arg7[%get3A_2204, %get3A_2205] {strides = array<i32>} : memref<50x64xf32, #tpu.memory_space<vmem>>, vector<1x16xf32>,
      %get3A_2207 = vector.shape_cast %get3A_2206 : vector<1x16xf32> to vector<16xf32>
      %add3A_2208 = arith.addf %add3A_2184, %get3A_2207 : vector<16xf32>
      %get3A_2209 = arith.constant 38 : i32
      %get3A_2210 = arith.index_cast %get3A_2209 : i32 to index
      %get3A_2211 = arith.constant 32 : index
      %get3A_2212 = tpu.vector_load %arg7[%get3A_2210, %get3A_2211] {strides = array<i32>} : memref<50x64xf32, #tpu.memory_space<vmem>>, vector<1x16xf32>,
      %get3A_2213 = vector.shape_cast %get3A_2212 : vector<1x16xf32> to vector<16xf32>
      %add3A_2214 = arith.addf %add3A_2190, %get3A_2213 : vector<16xf32>
      %get3A_2215 = arith.constant 38 : i32
      %get3A_2216 = arith.index_cast %get3A_2215 : i32 to index
      %get3A_2217 = arith.constant 48 : index
      %get3A_2218 = tpu.vector_load %arg7[%get3A_2216, %get3A_2217] {strides = array<i32>} : memref<50x64xf32, #tpu.memory_space<vmem>>, vector<1x16xf32>,
      %get3A_2219 = vector.shape_cast %get3A_2218 : vector<1x16xf32> to vector<16xf32>
      %add3A_2220 = arith.addf %add3A_2196, %get3A_2219 : vector<16xf32>
      %get3A_2221 = arith.constant 39 : i32
      %get3A_2222 = arith.index_cast %get3A_2221 : i32 to index
      %get3A_2223 = arith.constant 0 : index
      %get3A_2224 = tpu.vector_load %arg7[%get3A_2222, %get3A_2223] {strides = array<i32>} : memref<50x64xf32, #tpu.memory_space<vmem>>, vector<1x16xf32>,
      %get3A_2225 = vector.shape_cast %get3A_2224 : vector<1x16xf32> to vector<16xf32>
      %add3A_2226 = arith.addf %add3A_2202, %get3A_2225 : vector<16xf32>
      %get3A_2227 = arith.constant 39 : i32
      %get3A_2228 = arith.index_cast %get3A_2227 : i32 to index
      %get3A_2229 = arith.constant 16 : index
      %get3A_2230 = tpu.vector_load %arg7[%get3A_2228, %get3A_2229] {strides = array<i32>} : memref<50x64xf32, #tpu.memory_space<vmem>>, vector<1x16xf32>,
      %get3A_2231 = vector.shape_cast %get3A_2230 : vector<1x16xf32> to vector<16xf32>
      %add3A_2232 = arith.addf %add3A_2208, %get3A_2231 : vector<16xf32>
      %get3A_2233 = arith.constant 39 : i32
      %get3A_2234 = arith.index_cast %get3A_2233 : i32 to index
      %get3A_2235 = arith.constant 32 : index
      %get3A_2236 = tpu.vector_load %arg7[%get3A_2234, %get3A_2235] {strides = array<i32>} : memref<50x64xf32, #tpu.memory_space<vmem>>, vector<1x16xf32>,
      %get3A_2237 = vector.shape_cast %get3A_2236 : vector<1x16xf32> to vector<16xf32>
      %add3A_2238 = arith.addf %add3A_2214, %get3A_2237 : vector<16xf32>
      %get3A_2239 = arith.constant 39 : i32
      %get3A_2240 = arith.index_cast %get3A_2239 : i32 to index
      %get3A_2241 = arith.constant 48 : index
      %get3A_2242 = tpu.vector_load %arg7[%get3A_2240, %get3A_2241] {strides = array<i32>} : memref<50x64xf32, #tpu.memory_space<vmem>>, vector<1x16xf32>,
      %get3A_2243 = vector.shape_cast %get3A_2242 : vector<1x16xf32> to vector<16xf32>
      %add3A_2244 = arith.addf %add3A_2220, %get3A_2243 : vector<16xf32>
      %get3A_2245 = arith.constant 40 : i32
      %get3A_2246 = arith.index_cast %get3A_2245 : i32 to index
      %get3A_2247 = arith.constant 0 : index
      %get3A_2248 = tpu.vector_load %arg7[%get3A_2246, %get3A_2247] {strides = array<i32>} : memref<50x64xf32, #tpu.memory_space<vmem>>, vector<1x16xf32>,
      %get3A_2249 = vector.shape_cast %get3A_2248 : vector<1x16xf32> to vector<16xf32>
      %add3A_2250 = arith.addf %add3A_2226, %get3A_2249 : vector<16xf32>
      %get3A_2251 = arith.constant 40 : i32
      %get3A_2252 = arith.index_cast %get3A_2251 : i32 to index
      %get3A_2253 = arith.constant 16 : index
      %get3A_2254 = tpu.vector_load %arg7[%get3A_2252, %get3A_2253] {strides = array<i32>} : memref<50x64xf32, #tpu.memory_space<vmem>>, vector<1x16xf32>,
      %get3A_2255 = vector.shape_cast %get3A_2254 : vector<1x16xf32> to vector<16xf32>
      %add3A_2256 = arith.addf %add3A_2232, %get3A_2255 : vector<16xf32>
      %get3A_2257 = arith.constant 40 : i32
      %get3A_2258 = arith.index_cast %get3A_2257 : i32 to index
      %get3A_2259 = arith.constant 32 : index
      %get3A_2260 = tpu.vector_load %arg7[%get3A_2258, %get3A_2259] {strides = array<i32>} : memref<50x64xf32, #tpu.memory_space<vmem>>, vector<1x16xf32>,
      %get3A_2261 = vector.shape_cast %get3A_2260 : vector<1x16xf32> to vector<16xf32>
      %add3A_2262 = arith.addf %add3A_2238, %get3A_2261 : vector<16xf32>
      %get3A_2263 = arith.constant 40 : i32
      %get3A_2264 = arith.index_cast %get3A_2263 : i32 to index
      %get3A_2265 = arith.constant 48 : index
      %get3A_2266 = tpu.vector_load %arg7[%get3A_2264, %get3A_2265] {strides = array<i32>} : memref<50x64xf32, #tpu.memory_space<vmem>>, vector<1x16xf32>,
      %get3A_2267 = vector.shape_cast %get3A_2266 : vector<1x16xf32> to vector<16xf32>
      %add3A_2268 = arith.addf %add3A_2244, %get3A_2267 : vector<16xf32>
      %get3A_2269 = arith.constant 41 : i32
      %get3A_2270 = arith.index_cast %get3A_2269 : i32 to index
      %get3A_2271 = arith.constant 0 : index
      %get3A_2272 = tpu.vector_load %arg7[%get3A_2270, %get3A_2271] {strides = array<i32>} : memref<50x64xf32, #tpu.memory_space<vmem>>, vector<1x16xf32>,
      %get3A_2273 = vector.shape_cast %get3A_2272 : vector<1x16xf32> to vector<16xf32>
      %add3A_2274 = arith.addf %add3A_2250, %get3A_2273 : vector<16xf32>
      %get3A_2275 = arith.constant 41 : i32
      %get3A_2276 = arith.index_cast %get3A_2275 : i32 to index
      %get3A_2277 = arith.constant 16 : index
      %get3A_2278 = tpu.vector_load %arg7[%get3A_2276, %get3A_2277] {strides = array<i32>} : memref<50x64xf32, #tpu.memory_space<vmem>>, vector<1x16xf32>,
      %get3A_2279 = vector.shape_cast %get3A_2278 : vector<1x16xf32> to vector<16xf32>
      %add3A_2280 = arith.addf %add3A_2256, %get3A_2279 : vector<16xf32>
      %get3A_2281 = arith.constant 41 : i32
      %get3A_2282 = arith.index_cast %get3A_2281 : i32 to index
      %get3A_2283 = arith.constant 32 : index
      %get3A_2284 = tpu.vector_load %arg7[%get3A_2282, %get3A_2283] {strides = array<i32>} : memref<50x64xf32, #tpu.memory_space<vmem>>, vector<1x16xf32>,
      %get3A_2285 = vector.shape_cast %get3A_2284 : vector<1x16xf32> to vector<16xf32>
      %add3A_2286 = arith.addf %add3A_2262, %get3A_2285 : vector<16xf32>
      %get3A_2287 = arith.constant 41 : i32
      %get3A_2288 = arith.index_cast %get3A_2287 : i32 to index
      %get3A_2289 = arith.constant 48 : index
      %get3A_2290 = tpu.vector_load %arg7[%get3A_2288, %get3A_2289] {strides = array<i32>} : memref<50x64xf32, #tpu.memory_space<vmem>>, vector<1x16xf32>,
      %get3A_2291 = vector.shape_cast %get3A_2290 : vector<1x16xf32> to vector<16xf32>
      %add3A_2292 = arith.addf %add3A_2268, %get3A_2291 : vector<16xf32>
      %get3A_2293 = arith.constant 42 : i32
      %get3A_2294 = arith.index_cast %get3A_2293 : i32 to index
      %get3A_2295 = arith.constant 0 : index
      %get3A_2296 = tpu.vector_load %arg7[%get3A_2294, %get3A_2295] {strides = array<i32>} : memref<50x64xf32, #tpu.memory_space<vmem>>, vector<1x16xf32>,
      %get3A_2297 = vector.shape_cast %get3A_2296 : vector<1x16xf32> to vector<16xf32>
      %add3A_2298 = arith.addf %add3A_2274, %get3A_2297 : vector<16xf32>
      %get3A_2299 = arith.constant 42 : i32
      %get3A_2300 = arith.index_cast %get3A_2299 : i32 to index
      %get3A_2301 = arith.constant 16 : index
      %get3A_2302 = tpu.vector_load %arg7[%get3A_2300, %get3A_2301] {strides = array<i32>} : memref<50x64xf32, #tpu.memory_space<vmem>>, vector<1x16xf32>,
      %get3A_2303 = vector.shape_cast %get3A_2302 : vector<1x16xf32> to vector<16xf32>
      %add3A_2304 = arith.addf %add3A_2280, %get3A_2303 : vector<16xf32>
      %get3A_2305 = arith.constant 42 : i32
      %get3A_2306 = arith.index_cast %get3A_2305 : i32 to index
      %get3A_2307 = arith.constant 32 : index
      %get3A_2308 = tpu.vector_load %arg7[%get3A_2306, %get3A_2307] {strides = array<i32>} : memref<50x64xf32, #tpu.memory_space<vmem>>, vector<1x16xf32>,
      %get3A_2309 = vector.shape_cast %get3A_2308 : vector<1x16xf32> to vector<16xf32>
      %add3A_2310 = arith.addf %add3A_2286, %get3A_2309 : vector<16xf32>
      %get3A_2311 = arith.constant 42 : i32
      %get3A_2312 = arith.index_cast %get3A_2311 : i32 to index
      %get3A_2313 = arith.constant 48 : index
      %get3A_2314 = tpu.vector_load %arg7[%get3A_2312, %get3A_2313] {strides = array<i32>} : memref<50x64xf32, #tpu.memory_space<vmem>>, vector<1x16xf32>,
      %get3A_2315 = vector.shape_cast %get3A_2314 : vector<1x16xf32> to vector<16xf32>
      %add3A_2316 = arith.addf %add3A_2292, %get3A_2315 : vector<16xf32>
      %get3A_2317 = arith.constant 43 : i32
      %get3A_2318 = arith.index_cast %get3A_2317 : i32 to index
      %get3A_2319 = arith.constant 0 : index
      %get3A_2320 = tpu.vector_load %arg7[%get3A_2318, %get3A_2319] {strides = array<i32>} : memref<50x64xf32, #tpu.memory_space<vmem>>, vector<1x16xf32>,
      %get3A_2321 = vector.shape_cast %get3A_2320 : vector<1x16xf32> to vector<16xf32>
      %add3A_2322 = arith.addf %add3A_2298, %get3A_2321 : vector<16xf32>
      %get3A_2323 = arith.constant 43 : i32
      %get3A_2324 = arith.index_cast %get3A_2323 : i32 to index
      %get3A_2325 = arith.constant 16 : index
      %get3A_2326 = tpu.vector_load %arg7[%get3A_2324, %get3A_2325] {strides = array<i32>} : memref<50x64xf32, #tpu.memory_space<vmem>>, vector<1x16xf32>,
      %get3A_2327 = vector.shape_cast %get3A_2326 : vector<1x16xf32> to vector<16xf32>
      %add3A_2328 = arith.addf %add3A_2304, %get3A_2327 : vector<16xf32>
      %get3A_2329 = arith.constant 43 : i32
      %get3A_2330 = arith.index_cast %get3A_2329 : i32 to index
      %get3A_2331 = arith.constant 32 : index
      %get3A_2332 = tpu.vector_load %arg7[%get3A_2330, %get3A_2331] {strides = array<i32>} : memref<50x64xf32, #tpu.memory_space<vmem>>, vector<1x16xf32>,
      %get3A_2333 = vector.shape_cast %get3A_2332 : vector<1x16xf32> to vector<16xf32>
      %add3A_2334 = arith.addf %add3A_2310, %get3A_2333 : vector<16xf32>
      %get3A_2335 = arith.constant 43 : i32
      %get3A_2336 = arith.index_cast %get3A_2335 : i32 to index
      %get3A_2337 = arith.constant 48 : index
      %get3A_2338 = tpu.vector_load %arg7[%get3A_2336, %get3A_2337] {strides = array<i32>} : memref<50x64xf32, #tpu.memory_space<vmem>>, vector<1x16xf32>,
      %get3A_2339 = vector.shape_cast %get3A_2338 : vector<1x16xf32> to vector<16xf32>
      %add3A_2340 = arith.addf %add3A_2316, %get3A_2339 : vector<16xf32>
      %get3A_2341 = arith.constant 44 : i32
      %get3A_2342 = arith.index_cast %get3A_2341 : i32 to index
      %get3A_2343 = arith.constant 0 : index
      %get3A_2344 = tpu.vector_load %arg7[%get3A_2342, %get3A_2343] {strides = array<i32>} : memref<50x64xf32, #tpu.memory_space<vmem>>, vector<1x16xf32>,
      %get3A_2345 = vector.shape_cast %get3A_2344 : vector<1x16xf32> to vector<16xf32>
      %add3A_2346 = arith.addf %add3A_2322, %get3A_2345 : vector<16xf32>
      %get3A_2347 = arith.constant 44 : i32
      %get3A_2348 = arith.index_cast %get3A_2347 : i32 to index
      %get3A_2349 = arith.constant 16 : index
      %get3A_2350 = tpu.vector_load %arg7[%get3A_2348, %get3A_2349] {strides = array<i32>} : memref<50x64xf32, #tpu.memory_space<vmem>>, vector<1x16xf32>,
      %get3A_2351 = vector.shape_cast %get3A_2350 : vector<1x16xf32> to vector<16xf32>
      %add3A_2352 = arith.addf %add3A_2328, %get3A_2351 : vector<16xf32>
      %get3A_2353 = arith.constant 44 : i32
      %get3A_2354 = arith.index_cast %get3A_2353 : i32 to index
      %get3A_2355 = arith.constant 32 : index
      %get3A_2356 = tpu.vector_load %arg7[%get3A_2354, %get3A_2355] {strides = array<i32>} : memref<50x64xf32, #tpu.memory_space<vmem>>, vector<1x16xf32>,
      %get3A_2357 = vector.shape_cast %get3A_2356 : vector<1x16xf32> to vector<16xf32>
      %add3A_2358 = arith.addf %add3A_2334, %get3A_2357 : vector<16xf32>
      %get3A_2359 = arith.constant 44 : i32
      %get3A_2360 = arith.index_cast %get3A_2359 : i32 to index
      %get3A_2361 = arith.constant 48 : index
      %get3A_2362 = tpu.vector_load %arg7[%get3A_2360, %get3A_2361] {strides = array<i32>} : memref<50x64xf32, #tpu.memory_space<vmem>>, vector<1x16xf32>,
      %get3A_2363 = vector.shape_cast %get3A_2362 : vector<1x16xf32> to vector<16xf32>
      %add3A_2364 = arith.addf %add3A_2340, %get3A_2363 : vector<16xf32>
      %get3A_2365 = arith.constant 45 : i32
      %get3A_2366 = arith.index_cast %get3A_2365 : i32 to index
      %get3A_2367 = arith.constant 0 : index
      %get3A_2368 = tpu.vector_load %arg7[%get3A_2366, %get3A_2367] {strides = array<i32>} : memref<50x64xf32, #tpu.memory_space<vmem>>, vector<1x16xf32>,
      %get3A_2369 = vector.shape_cast %get3A_2368 : vector<1x16xf32> to vector<16xf32>
      %add3A_2370 = arith.addf %add3A_2346, %get3A_2369 : vector<16xf32>
      %get3A_2371 = arith.constant 45 : i32
      %get3A_2372 = arith.index_cast %get3A_2371 : i32 to index
      %get3A_2373 = arith.constant 16 : index
      %get3A_2374 = tpu.vector_load %arg7[%get3A_2372, %get3A_2373] {strides = array<i32>} : memref<50x64xf32, #tpu.memory_space<vmem>>, vector<1x16xf32>,
      %get3A_2375 = vector.shape_cast %get3A_2374 : vector<1x16xf32> to vector<16xf32>
      %add3A_2376 = arith.addf %add3A_2352, %get3A_2375 : vector<16xf32>
      %get3A_2377 = arith.constant 45 : i32
      %get3A_2378 = arith.index_cast %get3A_2377 : i32 to index
      %get3A_2379 = arith.constant 32 : index
      %get3A_2380 = tpu.vector_load %arg7[%get3A_2378, %get3A_2379] {strides = array<i32>} : memref<50x64xf32, #tpu.memory_space<vmem>>, vector<1x16xf32>,
      %get3A_2381 = vector.shape_cast %get3A_2380 : vector<1x16xf32> to vector<16xf32>
      %add3A_2382 = arith.addf %add3A_2358, %get3A_2381 : vector<16xf32>
      %get3A_2383 = arith.constant 45 : i32
      %get3A_2384 = arith.index_cast %get3A_2383 : i32 to index
      %get3A_2385 = arith.constant 48 : index
      %get3A_2386 = tpu.vector_load %arg7[%get3A_2384, %get3A_2385] {strides = array<i32>} : memref<50x64xf32, #tpu.memory_space<vmem>>, vector<1x16xf32>,
      %get3A_2387 = vector.shape_cast %get3A_2386 : vector<1x16xf32> to vector<16xf32>
      %add3A_2388 = arith.addf %add3A_2364, %get3A_2387 : vector<16xf32>
      %get3A_2389 = arith.constant 46 : i32
      %get3A_2390 = arith.index_cast %get3A_2389 : i32 to index
      %get3A_2391 = arith.constant 0 : index
      %get3A_2392 = tpu.vector_load %arg7[%get3A_2390, %get3A_2391] {strides = array<i32>} : memref<50x64xf32, #tpu.memory_space<vmem>>, vector<1x16xf32>,
      %get3A_2393 = vector.shape_cast %get3A_2392 : vector<1x16xf32> to vector<16xf32>
      %add3A_2394 = arith.addf %add3A_2370, %get3A_2393 : vector<16xf32>
      %get3A_2395 = arith.constant 46 : i32
      %get3A_2396 = arith.index_cast %get3A_2395 : i32 to index
      %get3A_2397 = arith.constant 16 : index
      %get3A_2398 = tpu.vector_load %arg7[%get3A_2396, %get3A_2397] {strides = array<i32>} : memref<50x64xf32, #tpu.memory_space<vmem>>, vector<1x16xf32>,
      %get3A_2399 = vector.shape_cast %get3A_2398 : vector<1x16xf32> to vector<16xf32>
      %add3A_2400 = arith.addf %add3A_2376, %get3A_2399 : vector<16xf32>
      %get3A_2401 = arith.constant 46 : i32
      %get3A_2402 = arith.index_cast %get3A_2401 : i32 to index
      %get3A_2403 = arith.constant 32 : index
      %get3A_2404 = tpu.vector_load %arg7[%get3A_2402, %get3A_2403] {strides = array<i32>} : memref<50x64xf32, #tpu.memory_space<vmem>>, vector<1x16xf32>,
      %get3A_2405 = vector.shape_cast %get3A_2404 : vector<1x16xf32> to vector<16xf32>
      %add3A_2406 = arith.addf %add3A_2382, %get3A_2405 : vector<16xf32>
      %get3A_2407 = arith.constant 46 : i32
      %get3A_2408 = arith.index_cast %get3A_2407 : i32 to index
      %get3A_2409 = arith.constant 48 : index
      %get3A_2410 = tpu.vector_load %arg7[%get3A_2408, %get3A_2409] {strides = array<i32>} : memref<50x64xf32, #tpu.memory_space<vmem>>, vector<1x16xf32>,
      %get3A_2411 = vector.shape_cast %get3A_2410 : vector<1x16xf32> to vector<16xf32>
      %add3A_2412 = arith.addf %add3A_2388, %get3A_2411 : vector<16xf32>
      %get3A_2413 = arith.constant 47 : i32
      %get3A_2414 = arith.index_cast %get3A_2413 : i32 to index
      %get3A_2415 = arith.constant 0 : index
      %get3A_2416 = tpu.vector_load %arg7[%get3A_2414, %get3A_2415] {strides = array<i32>} : memref<50x64xf32, #tpu.memory_space<vmem>>, vector<1x16xf32>,
      %get3A_2417 = vector.shape_cast %get3A_2416 : vector<1x16xf32> to vector<16xf32>
      %add3A_2418 = arith.addf %add3A_2394, %get3A_2417 : vector<16xf32>
      %get3A_2419 = arith.constant 47 : i32
      %get3A_2420 = arith.index_cast %get3A_2419 : i32 to index
      %get3A_2421 = arith.constant 16 : index
      %get3A_2422 = tpu.vector_load %arg7[%get3A_2420, %get3A_2421] {strides = array<i32>} : memref<50x64xf32, #tpu.memory_space<vmem>>, vector<1x16xf32>,
      %get3A_2423 = vector.shape_cast %get3A_2422 : vector<1x16xf32> to vector<16xf32>
      %add3A_2424 = arith.addf %add3A_2400, %get3A_2423 : vector<16xf32>
      %get3A_2425 = arith.constant 47 : i32
      %get3A_2426 = arith.index_cast %get3A_2425 : i32 to index
      %get3A_2427 = arith.constant 32 : index
      %get3A_2428 = tpu.vector_load %arg7[%get3A_2426, %get3A_2427] {strides = array<i32>} : memref<50x64xf32, #tpu.memory_space<vmem>>, vector<1x16xf32>,
      %get3A_2429 = vector.shape_cast %get3A_2428 : vector<1x16xf32> to vector<16xf32>
      %add3A_2430 = arith.addf %add3A_2406, %get3A_2429 : vector<16xf32>
      %get3A_2431 = arith.constant 47 : i32
      %get3A_2432 = arith.index_cast %get3A_2431 : i32 to index
      %get3A_2433 = arith.constant 48 : index
      %get3A_2434 = tpu.vector_load %arg7[%get3A_2432, %get3A_2433] {strides = array<i32>} : memref<50x64xf32, #tpu.memory_space<vmem>>, vector<1x16xf32>,
      %get3A_2435 = vector.shape_cast %get3A_2434 : vector<1x16xf32> to vector<16xf32>
      %add3A_2436 = arith.addf %add3A_2412, %get3A_2435 : vector<16xf32>
      %get3A_2437 = arith.constant 48 : i32
      %get3A_2438 = arith.index_cast %get3A_2437 : i32 to index
      %get3A_2439 = arith.constant 0 : index
      %get3A_2440 = tpu.vector_load %arg7[%get3A_2438, %get3A_2439] {strides = array<i32>} : memref<50x64xf32, #tpu.memory_space<vmem>>, vector<1x16xf32>,
      %get3A_2441 = vector.shape_cast %get3A_2440 : vector<1x16xf32> to vector<16xf32>
      %add3A_2442 = arith.addf %add3A_2418, %get3A_2441 : vector<16xf32>
      %get3A_2443 = arith.constant 48 : i32
      %get3A_2444 = arith.index_cast %get3A_2443 : i32 to index
      %get3A_2445 = arith.constant 16 : index
      %get3A_2446 = tpu.vector_load %arg7[%get3A_2444, %get3A_2445] {strides = array<i32>} : memref<50x64xf32, #tpu.memory_space<vmem>>, vector<1x16xf32>,
      %get3A_2447 = vector.shape_cast %get3A_2446 : vector<1x16xf32> to vector<16xf32>
      %add3A_2448 = arith.addf %add3A_2424, %get3A_2447 : vector<16xf32>
      %get3A_2449 = arith.constant 48 : i32
      %get3A_2450 = arith.index_cast %get3A_2449 : i32 to index
      %get3A_2451 = arith.constant 32 : index
      %get3A_2452 = tpu.vector_load %arg7[%get3A_2450, %get3A_2451] {strides = array<i32>} : memref<50x64xf32, #tpu.memory_space<vmem>>, vector<1x16xf32>,
      %get3A_2453 = vector.shape_cast %get3A_2452 : vector<1x16xf32> to vector<16xf32>
      %add3A_2454 = arith.addf %add3A_2430, %get3A_2453 : vector<16xf32>
      %get3A_2455 = arith.constant 48 : i32
      %get3A_2456 = arith.index_cast %get3A_2455 : i32 to index
      %get3A_2457 = arith.constant 48 : index
      %get3A_2458 = tpu.vector_load %arg7[%get3A_2456, %get3A_2457] {strides = array<i32>} : memref<50x64xf32, #tpu.memory_space<vmem>>, vector<1x16xf32>,
      %get3A_2459 = vector.shape_cast %get3A_2458 : vector<1x16xf32> to vector<16xf32>
      %add3A_2460 = arith.addf %add3A_2436, %get3A_2459 : vector<16xf32>
      %get3A_2461 = arith.constant 49 : i32
      %get3A_2462 = arith.index_cast %get3A_2461 : i32 to index
      %get3A_2463 = arith.constant 0 : index
      %get3A_2464 = tpu.vector_load %arg7[%get3A_2462, %get3A_2463] {strides = array<i32>} : memref<50x64xf32, #tpu.memory_space<vmem>>, vector<1x16xf32>,
      %get3A_2465 = vector.shape_cast %get3A_2464 : vector<1x16xf32> to vector<16xf32>
      %add3A_2466 = arith.addf %add3A_2442, %get3A_2465 : vector<16xf32>
      %get3A_2467 = arith.constant 49 : i32
      %get3A_2468 = arith.index_cast %get3A_2467 : i32 to index
      %get3A_2469 = arith.constant 16 : index
      %get3A_2470 = tpu.vector_load %arg7[%get3A_2468, %get3A_2469] {strides = array<i32>} : memref<50x64xf32, #tpu.memory_space<vmem>>, vector<1x16xf32>,
      %get3A_2471 = vector.shape_cast %get3A_2470 : vector<1x16xf32> to vector<16xf32>
      %add3A_2472 = arith.addf %add3A_2448, %get3A_2471 : vector<16xf32>
      %get3A_2473 = arith.constant 49 : i32
      %get3A_2474 = arith.index_cast %get3A_2473 : i32 to index
      %get3A_2475 = arith.constant 32 : index
      %get3A_2476 = tpu.vector_load %arg7[%get3A_2474, %get3A_2475] {strides = array<i32>} : memref<50x64xf32, #tpu.memory_space<vmem>>, vector<1x16xf32>,
      %get3A_2477 = vector.shape_cast %get3A_2476 : vector<1x16xf32> to vector<16xf32>
      %add3A_2478 = arith.addf %add3A_2454, %get3A_2477 : vector<16xf32>
      %get3A_2479 = arith.constant 49 : i32
      %get3A_2480 = arith.index_cast %get3A_2479 : i32 to index
      %get3A_2481 = arith.constant 48 : index
      %get3A_2482 = tpu.vector_load %arg7[%get3A_2480, %get3A_2481] {strides = array<i32>} : memref<50x64xf32, #tpu.memory_space<vmem>>, vector<1x16xf32>,
      %get3A_2483 = vector.shape_cast %get3A_2482 : vector<1x16xf32> to vector<16xf32>
      %add3A_2484 = arith.addf %add3A_2460, %get3A_2483 : vector<16xf32>
      %mul3A_2485 = arith.constant 2.000000e-02 : f32
      %mul3A_2486 = vector.broadcast %mul3A_2485 : f32 to vector<16xf32>
      %mul3A_2487 = arith.mulf %add3A_2466, %mul3A_2486 : vector<16xf32>
      %swap3A_2488 = arith.index_cast %add3A_1282 : i32 to index
      %swap3A_2489 = arith.constant 0 : index
      %swap3A_2490 = tpu.vector_load %arg10[%swap3A_2488, %swap3A_2489] {strides = array<i32>} : memref<512x64xf32, #tpu.memory_space<vmem>>, vector<1x16xf32>,
      %swap3A_2491 = vector.shape_cast %swap3A_2490 : vector<1x16xf32> to vector<16xf32>
      %swap3A_2492 = vector.shape_cast %mul3A_2487 : vector<16xf32> to vector<1x16xf32>
      tpu.vector_store %arg10[%swap3A_2488, %swap3A_2489], %swap3A_2492 {strides = array<i32>} : memref<512x64xf32, #tpu.memory_space<vmem>>, vector<1x16xf32>,
      %mul3A_2493 = arith.constant 2.000000e-02 : f32
      %mul3A_2494 = vector.broadcast %mul3A_2493 : f32 to vector<16xf32>
      %mul3A_2495 = arith.mulf %add3A_2472, %mul3A_2494 : vector<16xf32>
      %swap3A_2496 = arith.index_cast %add3A_1282 : i32 to index
      %swap3A_2497 = arith.constant 16 : index
      %swap3A_2498 = tpu.vector_load %arg10[%swap3A_2496, %swap3A_2497] {strides = array<i32>} : memref<512x64xf32, #tpu.memory_space<vmem>>, vector<1x16xf32>,
      %swap3A_2499 = vector.shape_cast %swap3A_2498 : vector<1x16xf32> to vector<16xf32>
      %swap3A_2500 = vector.shape_cast %mul3A_2495 : vector<16xf32> to vector<1x16xf32>
      tpu.vector_store %arg10[%swap3A_2496, %swap3A_2497], %swap3A_2500 {strides = array<i32>} : memref<512x64xf32, #tpu.memory_space<vmem>>, vector<1x16xf32>,
      %mul3A_2501 = arith.constant 2.000000e-02 : f32
      %mul3A_2502 = vector.broadcast %mul3A_2501 : f32 to vector<16xf32>
      %mul3A_2503 = arith.mulf %add3A_2478, %mul3A_2502 : vector<16xf32>
      %swap3A_2504 = arith.index_cast %add3A_1282 : i32 to index
      %swap3A_2505 = arith.constant 32 : index
      %swap3A_2506 = tpu.vector_load %arg10[%swap3A_2504, %swap3A_2505] {strides = array<i32>} : memref<512x64xf32, #tpu.memory_space<vmem>>, vector<1x16xf32>,
      %swap3A_2507 = vector.shape_cast %swap3A_2506 : vector<1x16xf32> to vector<16xf32>
      %swap3A_2508 = vector.shape_cast %mul3A_2503 : vector<16xf32> to vector<1x16xf32>
      tpu.vector_store %arg10[%swap3A_2504, %swap3A_2505], %swap3A_2508 {strides = array<i32>} : memref<512x64xf32, #tpu.memory_space<vmem>>, vector<1x16xf32>,
      %mul3A_2509 = arith.constant 2.000000e-02 : f32
      %mul3A_2510 = vector.broadcast %mul3A_2509 : f32 to vector<16xf32>
      %mul3A_2511 = arith.mulf %add3A_2484, %mul3A_2510 : vector<16xf32>
      %swap3A_2512 = arith.index_cast %add3A_1282 : i32 to index
      %swap3A_2513 = arith.constant 48 : index
      %swap3A_2514 = tpu.vector_load %arg10[%swap3A_2512, %swap3A_2513] {strides = array<i32>} : memref<512x64xf32, #tpu.memory_space<vmem>>, vector<1x16xf32>,
      %swap3A_2515 = vector.shape_cast %swap3A_2514 : vector<1x16xf32> to vector<16xf32>
      %swap3A_2516 = vector.shape_cast %mul3A_2511 : vector<16xf32> to vector<1x16xf32>
      tpu.vector_store %arg10[%swap3A_2512, %swap3A_2513], %swap3A_2516 {strides = array<i32>} : memref<512x64xf32, #tpu.memory_space<vmem>>, vector<1x16xf32>,
      %add3A_2517 = arith.constant 4 : i32
      %add3A_2518 = arith.addi %add3A_1282, %add3A_2517 : i32
      %lt3A_2519 = arith.constant 512 : i32
      %lt3A_2520 = arith.cmpi slt, %add3A_2518, %lt3A_2519 : i32
      %convert_element_type3A_2521 = arith.extui %lt3A_2520 : i1 to i32
      %cond3A_2522 = arith.constant 0 : i32
      %cond3A_2523 = arith.cmpi ne, %convert_element_type3A_2521, %cond3A_2522 : i32
      scf.if %cond3A_2523 {
        %dma_start3A_5015 = arith.constant 0 : i32
        %dma_start3A_5016 = tpu.memref_slice %arg5[%add3A_2518, %dma_start3A_5015] : memref<512x50xi32, #tpu.memory_space<vmem>> -> memref<1x50xi32, #tpu.memory_space<vmem>>
        %dma_start3A_5017 = tpu.memref_squeeze %dma_start3A_5016 : memref<1x50xi32, #tpu.memory_space<vmem>> -> memref<50xi32, #tpu.memory_space<vmem>>
        %dma_start3A_5018 = arith.constant 0 : i32
        %dma_start3A_5019 = arith.constant 0 : i32
        %dma_start3A_5020 = tpu.memref_slice %arg3[%dma_start3A_5018, %dma_start3A_5019] : memref<1000000x64xf32, #tpu.memory_space<hbm>> -> memref<1000000x64xf32, #tpu.memory_space<hbm>>
        tpu.enqueue_indirect_dma source(%dma_start3A_5020 : memref<1000000x64xf32, #tpu.memory_space<hbm>>) target(%arg7 : memref<50x64xf32, #tpu.memory_space<vmem>>) offsets(%dma_start3A_5017 : memref<50xi32, #tpu.memory_space<vmem>>) semaphore(%arg12 : memref<!tpu.dma_semaphore, #tpu.memory_space<semaphore_mem>>)
      } else {
      }
      %mul3A_2524 = arith.constant 4 : i32
      %mul3A_2525 = arith.muli %scan3A_38, %mul3A_2524 : i32
      %add3A_2526 = arith.constant 2 : i32
      %add3A_2527 = arith.addi %mul3A_2525, %add3A_2526 : i32
      %dma_wait3A_2528 = arith.constant 0 : i32
      %dma_wait3A_2529 = tpu.memref_slice %arg5[%add3A_2527, %dma_wait3A_2528] : memref<512x50xi32, #tpu.memory_space<vmem>> -> memref<1x50xi32, #tpu.memory_space<vmem>>
      %dma_wait3A_2530 = tpu.memref_squeeze %dma_wait3A_2529 : memref<1x50xi32, #tpu.memory_space<vmem>> -> memref<50xi32, #tpu.memory_space<vmem>>
      %dma_wait3A_2531 = arith.constant 0 : i32
      %dma_wait3A_2532 = arith.constant 0 : i32
      %dma_wait3A_2533 = tpu.memref_slice %arg3[%dma_wait3A_2531, %dma_wait3A_2532] : memref<1000000x64xf32, #tpu.memory_space<hbm>> -> memref<1000000x64xf32, #tpu.memory_space<hbm>>
      tpu.wait_indirect_dma semaphore(%arg13 : memref<!tpu.dma_semaphore, #tpu.memory_space<semaphore_mem>>) src(%dma_wait3A_2533 : memref<1000000x64xf32, #tpu.memory_space<hbm>>) dst(%arg8 : memref<50x64xf32, #tpu.memory_space<vmem>>)
      %get3A_2534 = arith.constant 0 : i32
      %get3A_2535 = arith.index_cast %get3A_2534 : i32 to index
      %get3A_2536 = arith.constant 0 : index
      %get3A_2537 = tpu.vector_load %arg8[%get3A_2535, %get3A_2536] {strides = array<i32>} : memref<50x64xf32, #tpu.memory_space<vmem>>, vector<1x16xf32>,
      %get3A_2538 = vector.shape_cast %get3A_2537 : vector<1x16xf32> to vector<16xf32>
      %get3A_2539 = arith.constant 0 : i32
      %get3A_2540 = arith.index_cast %get3A_2539 : i32 to index
      %get3A_2541 = arith.constant 16 : index
      %get3A_2542 = tpu.vector_load %arg8[%get3A_2540, %get3A_2541] {strides = array<i32>} : memref<50x64xf32, #tpu.memory_space<vmem>>, vector<1x16xf32>,
      %get3A_2543 = vector.shape_cast %get3A_2542 : vector<1x16xf32> to vector<16xf32>
      %get3A_2544 = arith.constant 0 : i32
      %get3A_2545 = arith.index_cast %get3A_2544 : i32 to index
      %get3A_2546 = arith.constant 32 : index
      %get3A_2547 = tpu.vector_load %arg8[%get3A_2545, %get3A_2546] {strides = array<i32>} : memref<50x64xf32, #tpu.memory_space<vmem>>, vector<1x16xf32>,
      %get3A_2548 = vector.shape_cast %get3A_2547 : vector<1x16xf32> to vector<16xf32>
      %get3A_2549 = arith.constant 0 : i32
      %get3A_2550 = arith.index_cast %get3A_2549 : i32 to index
      %get3A_2551 = arith.constant 48 : index
      %get3A_2552 = tpu.vector_load %arg8[%get3A_2550, %get3A_2551] {strides = array<i32>} : memref<50x64xf32, #tpu.memory_space<vmem>>, vector<1x16xf32>,
      %get3A_2553 = vector.shape_cast %get3A_2552 : vector<1x16xf32> to vector<16xf32>
      %get3A_2554 = arith.constant 1 : i32
      %get3A_2555 = arith.index_cast %get3A_2554 : i32 to index
      %get3A_2556 = arith.constant 0 : index
      %get3A_2557 = tpu.vector_load %arg8[%get3A_2555, %get3A_2556] {strides = array<i32>} : memref<50x64xf32, #tpu.memory_space<vmem>>, vector<1x16xf32>,
      %get3A_2558 = vector.shape_cast %get3A_2557 : vector<1x16xf32> to vector<16xf32>
      %add3A_2559 = arith.addf %get3A_2538, %get3A_2558 : vector<16xf32>
      %get3A_2560 = arith.constant 1 : i32
      %get3A_2561 = arith.index_cast %get3A_2560 : i32 to index
      %get3A_2562 = arith.constant 16 : index
      %get3A_2563 = tpu.vector_load %arg8[%get3A_2561, %get3A_2562] {strides = array<i32>} : memref<50x64xf32, #tpu.memory_space<vmem>>, vector<1x16xf32>,
      %get3A_2564 = vector.shape_cast %get3A_2563 : vector<1x16xf32> to vector<16xf32>
      %add3A_2565 = arith.addf %get3A_2543, %get3A_2564 : vector<16xf32>
      %get3A_2566 = arith.constant 1 : i32
      %get3A_2567 = arith.index_cast %get3A_2566 : i32 to index
      %get3A_2568 = arith.constant 32 : index
      %get3A_2569 = tpu.vector_load %arg8[%get3A_2567, %get3A_2568] {strides = array<i32>} : memref<50x64xf32, #tpu.memory_space<vmem>>, vector<1x16xf32>,
      %get3A_2570 = vector.shape_cast %get3A_2569 : vector<1x16xf32> to vector<16xf32>
      %add3A_2571 = arith.addf %get3A_2548, %get3A_2570 : vector<16xf32>
      %get3A_2572 = arith.constant 1 : i32
      %get3A_2573 = arith.index_cast %get3A_2572 : i32 to index
      %get3A_2574 = arith.constant 48 : index
      %get3A_2575 = tpu.vector_load %arg8[%get3A_2573, %get3A_2574] {strides = array<i32>} : memref<50x64xf32, #tpu.memory_space<vmem>>, vector<1x16xf32>,
      %get3A_2576 = vector.shape_cast %get3A_2575 : vector<1x16xf32> to vector<16xf32>
      %add3A_2577 = arith.addf %get3A_2553, %get3A_2576 : vector<16xf32>
      %get3A_2578 = arith.constant 2 : i32
      %get3A_2579 = arith.index_cast %get3A_2578 : i32 to index
      %get3A_2580 = arith.constant 0 : index
      %get3A_2581 = tpu.vector_load %arg8[%get3A_2579, %get3A_2580] {strides = array<i32>} : memref<50x64xf32, #tpu.memory_space<vmem>>, vector<1x16xf32>,
      %get3A_2582 = vector.shape_cast %get3A_2581 : vector<1x16xf32> to vector<16xf32>
      %add3A_2583 = arith.addf %add3A_2559, %get3A_2582 : vector<16xf32>
      %get3A_2584 = arith.constant 2 : i32
      %get3A_2585 = arith.index_cast %get3A_2584 : i32 to index
      %get3A_2586 = arith.constant 16 : index
      %get3A_2587 = tpu.vector_load %arg8[%get3A_2585, %get3A_2586] {strides = array<i32>} : memref<50x64xf32, #tpu.memory_space<vmem>>, vector<1x16xf32>,
      %get3A_2588 = vector.shape_cast %get3A_2587 : vector<1x16xf32> to vector<16xf32>
      %add3A_2589 = arith.addf %add3A_2565, %get3A_2588 : vector<16xf32>
      %get3A_2590 = arith.constant 2 : i32
      %get3A_2591 = arith.index_cast %get3A_2590 : i32 to index
      %get3A_2592 = arith.constant 32 : index
      %get3A_2593 = tpu.vector_load %arg8[%get3A_2591, %get3A_2592] {strides = array<i32>} : memref<50x64xf32, #tpu.memory_space<vmem>>, vector<1x16xf32>,
      %get3A_2594 = vector.shape_cast %get3A_2593 : vector<1x16xf32> to vector<16xf32>
      %add3A_2595 = arith.addf %add3A_2571, %get3A_2594 : vector<16xf32>
      %get3A_2596 = arith.constant 2 : i32
      %get3A_2597 = arith.index_cast %get3A_2596 : i32 to index
      %get3A_2598 = arith.constant 48 : index
      %get3A_2599 = tpu.vector_load %arg8[%get3A_2597, %get3A_2598] {strides = array<i32>} : memref<50x64xf32, #tpu.memory_space<vmem>>, vector<1x16xf32>,
      %get3A_2600 = vector.shape_cast %get3A_2599 : vector<1x16xf32> to vector<16xf32>
      %add3A_2601 = arith.addf %add3A_2577, %get3A_2600 : vector<16xf32>
      %get3A_2602 = arith.constant 3 : i32
      %get3A_2603 = arith.index_cast %get3A_2602 : i32 to index
      %get3A_2604 = arith.constant 0 : index
      %get3A_2605 = tpu.vector_load %arg8[%get3A_2603, %get3A_2604] {strides = array<i32>} : memref<50x64xf32, #tpu.memory_space<vmem>>, vector<1x16xf32>,
      %get3A_2606 = vector.shape_cast %get3A_2605 : vector<1x16xf32> to vector<16xf32>
      %add3A_2607 = arith.addf %add3A_2583, %get3A_2606 : vector<16xf32>
      %get3A_2608 = arith.constant 3 : i32
      %get3A_2609 = arith.index_cast %get3A_2608 : i32 to index
      %get3A_2610 = arith.constant 16 : index
      %get3A_2611 = tpu.vector_load %arg8[%get3A_2609, %get3A_2610] {strides = array<i32>} : memref<50x64xf32, #tpu.memory_space<vmem>>, vector<1x16xf32>,
      %get3A_2612 = vector.shape_cast %get3A_2611 : vector<1x16xf32> to vector<16xf32>
      %add3A_2613 = arith.addf %add3A_2589, %get3A_2612 : vector<16xf32>
      %get3A_2614 = arith.constant 3 : i32
      %get3A_2615 = arith.index_cast %get3A_2614 : i32 to index
      %get3A_2616 = arith.constant 32 : index
      %get3A_2617 = tpu.vector_load %arg8[%get3A_2615, %get3A_2616] {strides = array<i32>} : memref<50x64xf32, #tpu.memory_space<vmem>>, vector<1x16xf32>,
      %get3A_2618 = vector.shape_cast %get3A_2617 : vector<1x16xf32> to vector<16xf32>
      %add3A_2619 = arith.addf %add3A_2595, %get3A_2618 : vector<16xf32>
      %get3A_2620 = arith.constant 3 : i32
      %get3A_2621 = arith.index_cast %get3A_2620 : i32 to index
      %get3A_2622 = arith.constant 48 : index
      %get3A_2623 = tpu.vector_load %arg8[%get3A_2621, %get3A_2622] {strides = array<i32>} : memref<50x64xf32, #tpu.memory_space<vmem>>, vector<1x16xf32>,
      %get3A_2624 = vector.shape_cast %get3A_2623 : vector<1x16xf32> to vector<16xf32>
      %add3A_2625 = arith.addf %add3A_2601, %get3A_2624 : vector<16xf32>
      %get3A_2626 = arith.constant 4 : i32
      %get3A_2627 = arith.index_cast %get3A_2626 : i32 to index
      %get3A_2628 = arith.constant 0 : index
      %get3A_2629 = tpu.vector_load %arg8[%get3A_2627, %get3A_2628] {strides = array<i32>} : memref<50x64xf32, #tpu.memory_space<vmem>>, vector<1x16xf32>,
      %get3A_2630 = vector.shape_cast %get3A_2629 : vector<1x16xf32> to vector<16xf32>
      %add3A_2631 = arith.addf %add3A_2607, %get3A_2630 : vector<16xf32>
      %get3A_2632 = arith.constant 4 : i32
      %get3A_2633 = arith.index_cast %get3A_2632 : i32 to index
      %get3A_2634 = arith.constant 16 : index
      %get3A_2635 = tpu.vector_load %arg8[%get3A_2633, %get3A_2634] {strides = array<i32>} : memref<50x64xf32, #tpu.memory_space<vmem>>, vector<1x16xf32>,
      %get3A_2636 = vector.shape_cast %get3A_2635 : vector<1x16xf32> to vector<16xf32>
      %add3A_2637 = arith.addf %add3A_2613, %get3A_2636 : vector<16xf32>
      %get3A_2638 = arith.constant 4 : i32
      %get3A_2639 = arith.index_cast %get3A_2638 : i32 to index
      %get3A_2640 = arith.constant 32 : index
      %get3A_2641 = tpu.vector_load %arg8[%get3A_2639, %get3A_2640] {strides = array<i32>} : memref<50x64xf32, #tpu.memory_space<vmem>>, vector<1x16xf32>,
      %get3A_2642 = vector.shape_cast %get3A_2641 : vector<1x16xf32> to vector<16xf32>
      %add3A_2643 = arith.addf %add3A_2619, %get3A_2642 : vector<16xf32>
      %get3A_2644 = arith.constant 4 : i32
      %get3A_2645 = arith.index_cast %get3A_2644 : i32 to index
      %get3A_2646 = arith.constant 48 : index
      %get3A_2647 = tpu.vector_load %arg8[%get3A_2645, %get3A_2646] {strides = array<i32>} : memref<50x64xf32, #tpu.memory_space<vmem>>, vector<1x16xf32>,
      %get3A_2648 = vector.shape_cast %get3A_2647 : vector<1x16xf32> to vector<16xf32>
      %add3A_2649 = arith.addf %add3A_2625, %get3A_2648 : vector<16xf32>
      %get3A_2650 = arith.constant 5 : i32
      %get3A_2651 = arith.index_cast %get3A_2650 : i32 to index
      %get3A_2652 = arith.constant 0 : index
      %get3A_2653 = tpu.vector_load %arg8[%get3A_2651, %get3A_2652] {strides = array<i32>} : memref<50x64xf32, #tpu.memory_space<vmem>>, vector<1x16xf32>,
      %get3A_2654 = vector.shape_cast %get3A_2653 : vector<1x16xf32> to vector<16xf32>
      %add3A_2655 = arith.addf %add3A_2631, %get3A_2654 : vector<16xf32>
      %get3A_2656 = arith.constant 5 : i32
      %get3A_2657 = arith.index_cast %get3A_2656 : i32 to index
      %get3A_2658 = arith.constant 16 : index
      %get3A_2659 = tpu.vector_load %arg8[%get3A_2657, %get3A_2658] {strides = array<i32>} : memref<50x64xf32, #tpu.memory_space<vmem>>, vector<1x16xf32>,
      %get3A_2660 = vector.shape_cast %get3A_2659 : vector<1x16xf32> to vector<16xf32>
      %add3A_2661 = arith.addf %add3A_2637, %get3A_2660 : vector<16xf32>
      %get3A_2662 = arith.constant 5 : i32
      %get3A_2663 = arith.index_cast %get3A_2662 : i32 to index
      %get3A_2664 = arith.constant 32 : index
      %get3A_2665 = tpu.vector_load %arg8[%get3A_2663, %get3A_2664] {strides = array<i32>} : memref<50x64xf32, #tpu.memory_space<vmem>>, vector<1x16xf32>,
      %get3A_2666 = vector.shape_cast %get3A_2665 : vector<1x16xf32> to vector<16xf32>
      %add3A_2667 = arith.addf %add3A_2643, %get3A_2666 : vector<16xf32>
      %get3A_2668 = arith.constant 5 : i32
      %get3A_2669 = arith.index_cast %get3A_2668 : i32 to index
      %get3A_2670 = arith.constant 48 : index
      %get3A_2671 = tpu.vector_load %arg8[%get3A_2669, %get3A_2670] {strides = array<i32>} : memref<50x64xf32, #tpu.memory_space<vmem>>, vector<1x16xf32>,
      %get3A_2672 = vector.shape_cast %get3A_2671 : vector<1x16xf32> to vector<16xf32>
      %add3A_2673 = arith.addf %add3A_2649, %get3A_2672 : vector<16xf32>
      %get3A_2674 = arith.constant 6 : i32
      %get3A_2675 = arith.index_cast %get3A_2674 : i32 to index
      %get3A_2676 = arith.constant 0 : index
      %get3A_2677 = tpu.vector_load %arg8[%get3A_2675, %get3A_2676] {strides = array<i32>} : memref<50x64xf32, #tpu.memory_space<vmem>>, vector<1x16xf32>,
      %get3A_2678 = vector.shape_cast %get3A_2677 : vector<1x16xf32> to vector<16xf32>
      %add3A_2679 = arith.addf %add3A_2655, %get3A_2678 : vector<16xf32>
      %get3A_2680 = arith.constant 6 : i32
      %get3A_2681 = arith.index_cast %get3A_2680 : i32 to index
      %get3A_2682 = arith.constant 16 : index
      %get3A_2683 = tpu.vector_load %arg8[%get3A_2681, %get3A_2682] {strides = array<i32>} : memref<50x64xf32, #tpu.memory_space<vmem>>, vector<1x16xf32>,
      %get3A_2684 = vector.shape_cast %get3A_2683 : vector<1x16xf32> to vector<16xf32>
      %add3A_2685 = arith.addf %add3A_2661, %get3A_2684 : vector<16xf32>
      %get3A_2686 = arith.constant 6 : i32
      %get3A_2687 = arith.index_cast %get3A_2686 : i32 to index
      %get3A_2688 = arith.constant 32 : index
      %get3A_2689 = tpu.vector_load %arg8[%get3A_2687, %get3A_2688] {strides = array<i32>} : memref<50x64xf32, #tpu.memory_space<vmem>>, vector<1x16xf32>,
      %get3A_2690 = vector.shape_cast %get3A_2689 : vector<1x16xf32> to vector<16xf32>
      %add3A_2691 = arith.addf %add3A_2667, %get3A_2690 : vector<16xf32>
      %get3A_2692 = arith.constant 6 : i32
      %get3A_2693 = arith.index_cast %get3A_2692 : i32 to index
      %get3A_2694 = arith.constant 48 : index
      %get3A_2695 = tpu.vector_load %arg8[%get3A_2693, %get3A_2694] {strides = array<i32>} : memref<50x64xf32, #tpu.memory_space<vmem>>, vector<1x16xf32>,
      %get3A_2696 = vector.shape_cast %get3A_2695 : vector<1x16xf32> to vector<16xf32>
      %add3A_2697 = arith.addf %add3A_2673, %get3A_2696 : vector<16xf32>
      %get3A_2698 = arith.constant 7 : i32
      %get3A_2699 = arith.index_cast %get3A_2698 : i32 to index
      %get3A_2700 = arith.constant 0 : index
      %get3A_2701 = tpu.vector_load %arg8[%get3A_2699, %get3A_2700] {strides = array<i32>} : memref<50x64xf32, #tpu.memory_space<vmem>>, vector<1x16xf32>,
      %get3A_2702 = vector.shape_cast %get3A_2701 : vector<1x16xf32> to vector<16xf32>
      %add3A_2703 = arith.addf %add3A_2679, %get3A_2702 : vector<16xf32>
      %get3A_2704 = arith.constant 7 : i32
      %get3A_2705 = arith.index_cast %get3A_2704 : i32 to index
      %get3A_2706 = arith.constant 16 : index
      %get3A_2707 = tpu.vector_load %arg8[%get3A_2705, %get3A_2706] {strides = array<i32>} : memref<50x64xf32, #tpu.memory_space<vmem>>, vector<1x16xf32>,
      %get3A_2708 = vector.shape_cast %get3A_2707 : vector<1x16xf32> to vector<16xf32>
      %add3A_2709 = arith.addf %add3A_2685, %get3A_2708 : vector<16xf32>
      %get3A_2710 = arith.constant 7 : i32
      %get3A_2711 = arith.index_cast %get3A_2710 : i32 to index
      %get3A_2712 = arith.constant 32 : index
      %get3A_2713 = tpu.vector_load %arg8[%get3A_2711, %get3A_2712] {strides = array<i32>} : memref<50x64xf32, #tpu.memory_space<vmem>>, vector<1x16xf32>,
      %get3A_2714 = vector.shape_cast %get3A_2713 : vector<1x16xf32> to vector<16xf32>
      %add3A_2715 = arith.addf %add3A_2691, %get3A_2714 : vector<16xf32>
      %get3A_2716 = arith.constant 7 : i32
      %get3A_2717 = arith.index_cast %get3A_2716 : i32 to index
      %get3A_2718 = arith.constant 48 : index
      %get3A_2719 = tpu.vector_load %arg8[%get3A_2717, %get3A_2718] {strides = array<i32>} : memref<50x64xf32, #tpu.memory_space<vmem>>, vector<1x16xf32>,
      %get3A_2720 = vector.shape_cast %get3A_2719 : vector<1x16xf32> to vector<16xf32>
      %add3A_2721 = arith.addf %add3A_2697, %get3A_2720 : vector<16xf32>
      %get3A_2722 = arith.constant 8 : i32
      %get3A_2723 = arith.index_cast %get3A_2722 : i32 to index
      %get3A_2724 = arith.constant 0 : index
      %get3A_2725 = tpu.vector_load %arg8[%get3A_2723, %get3A_2724] {strides = array<i32>} : memref<50x64xf32, #tpu.memory_space<vmem>>, vector<1x16xf32>,
      %get3A_2726 = vector.shape_cast %get3A_2725 : vector<1x16xf32> to vector<16xf32>
      %add3A_2727 = arith.addf %add3A_2703, %get3A_2726 : vector<16xf32>
      %get3A_2728 = arith.constant 8 : i32
      %get3A_2729 = arith.index_cast %get3A_2728 : i32 to index
      %get3A_2730 = arith.constant 16 : index
      %get3A_2731 = tpu.vector_load %arg8[%get3A_2729, %get3A_2730] {strides = array<i32>} : memref<50x64xf32, #tpu.memory_space<vmem>>, vector<1x16xf32>,
      %get3A_2732 = vector.shape_cast %get3A_2731 : vector<1x16xf32> to vector<16xf32>
      %add3A_2733 = arith.addf %add3A_2709, %get3A_2732 : vector<16xf32>
      %get3A_2734 = arith.constant 8 : i32
      %get3A_2735 = arith.index_cast %get3A_2734 : i32 to index
      %get3A_2736 = arith.constant 32 : index
      %get3A_2737 = tpu.vector_load %arg8[%get3A_2735, %get3A_2736] {strides = array<i32>} : memref<50x64xf32, #tpu.memory_space<vmem>>, vector<1x16xf32>,
      %get3A_2738 = vector.shape_cast %get3A_2737 : vector<1x16xf32> to vector<16xf32>
      %add3A_2739 = arith.addf %add3A_2715, %get3A_2738 : vector<16xf32>
      %get3A_2740 = arith.constant 8 : i32
      %get3A_2741 = arith.index_cast %get3A_2740 : i32 to index
      %get3A_2742 = arith.constant 48 : index
      %get3A_2743 = tpu.vector_load %arg8[%get3A_2741, %get3A_2742] {strides = array<i32>} : memref<50x64xf32, #tpu.memory_space<vmem>>, vector<1x16xf32>,
      %get3A_2744 = vector.shape_cast %get3A_2743 : vector<1x16xf32> to vector<16xf32>
      %add3A_2745 = arith.addf %add3A_2721, %get3A_2744 : vector<16xf32>
      %get3A_2746 = arith.constant 9 : i32
      %get3A_2747 = arith.index_cast %get3A_2746 : i32 to index
      %get3A_2748 = arith.constant 0 : index
      %get3A_2749 = tpu.vector_load %arg8[%get3A_2747, %get3A_2748] {strides = array<i32>} : memref<50x64xf32, #tpu.memory_space<vmem>>, vector<1x16xf32>,
      %get3A_2750 = vector.shape_cast %get3A_2749 : vector<1x16xf32> to vector<16xf32>
      %add3A_2751 = arith.addf %add3A_2727, %get3A_2750 : vector<16xf32>
      %get3A_2752 = arith.constant 9 : i32
      %get3A_2753 = arith.index_cast %get3A_2752 : i32 to index
      %get3A_2754 = arith.constant 16 : index
      %get3A_2755 = tpu.vector_load %arg8[%get3A_2753, %get3A_2754] {strides = array<i32>} : memref<50x64xf32, #tpu.memory_space<vmem>>, vector<1x16xf32>,
      %get3A_2756 = vector.shape_cast %get3A_2755 : vector<1x16xf32> to vector<16xf32>
      %add3A_2757 = arith.addf %add3A_2733, %get3A_2756 : vector<16xf32>
      %get3A_2758 = arith.constant 9 : i32
      %get3A_2759 = arith.index_cast %get3A_2758 : i32 to index
      %get3A_2760 = arith.constant 32 : index
      %get3A_2761 = tpu.vector_load %arg8[%get3A_2759, %get3A_2760] {strides = array<i32>} : memref<50x64xf32, #tpu.memory_space<vmem>>, vector<1x16xf32>,
      %get3A_2762 = vector.shape_cast %get3A_2761 : vector<1x16xf32> to vector<16xf32>
      %add3A_2763 = arith.addf %add3A_2739, %get3A_2762 : vector<16xf32>
      %get3A_2764 = arith.constant 9 : i32
      %get3A_2765 = arith.index_cast %get3A_2764 : i32 to index
      %get3A_2766 = arith.constant 48 : index
      %get3A_2767 = tpu.vector_load %arg8[%get3A_2765, %get3A_2766] {strides = array<i32>} : memref<50x64xf32, #tpu.memory_space<vmem>>, vector<1x16xf32>,
      %get3A_2768 = vector.shape_cast %get3A_2767 : vector<1x16xf32> to vector<16xf32>
      %add3A_2769 = arith.addf %add3A_2745, %get3A_2768 : vector<16xf32>
      %get3A_2770 = arith.constant 10 : i32
      %get3A_2771 = arith.index_cast %get3A_2770 : i32 to index
      %get3A_2772 = arith.constant 0 : index
      %get3A_2773 = tpu.vector_load %arg8[%get3A_2771, %get3A_2772] {strides = array<i32>} : memref<50x64xf32, #tpu.memory_space<vmem>>, vector<1x16xf32>,
      %get3A_2774 = vector.shape_cast %get3A_2773 : vector<1x16xf32> to vector<16xf32>
      %add3A_2775 = arith.addf %add3A_2751, %get3A_2774 : vector<16xf32>
      %get3A_2776 = arith.constant 10 : i32
      %get3A_2777 = arith.index_cast %get3A_2776 : i32 to index
      %get3A_2778 = arith.constant 16 : index
      %get3A_2779 = tpu.vector_load %arg8[%get3A_2777, %get3A_2778] {strides = array<i32>} : memref<50x64xf32, #tpu.memory_space<vmem>>, vector<1x16xf32>,
      %get3A_2780 = vector.shape_cast %get3A_2779 : vector<1x16xf32> to vector<16xf32>
      %add3A_2781 = arith.addf %add3A_2757, %get3A_2780 : vector<16xf32>
      %get3A_2782 = arith.constant 10 : i32
      %get3A_2783 = arith.index_cast %get3A_2782 : i32 to index
      %get3A_2784 = arith.constant 32 : index
      %get3A_2785 = tpu.vector_load %arg8[%get3A_2783, %get3A_2784] {strides = array<i32>} : memref<50x64xf32, #tpu.memory_space<vmem>>, vector<1x16xf32>,
      %get3A_2786 = vector.shape_cast %get3A_2785 : vector<1x16xf32> to vector<16xf32>
      %add3A_2787 = arith.addf %add3A_2763, %get3A_2786 : vector<16xf32>
      %get3A_2788 = arith.constant 10 : i32
      %get3A_2789 = arith.index_cast %get3A_2788 : i32 to index
      %get3A_2790 = arith.constant 48 : index
      %get3A_2791 = tpu.vector_load %arg8[%get3A_2789, %get3A_2790] {strides = array<i32>} : memref<50x64xf32, #tpu.memory_space<vmem>>, vector<1x16xf32>,
      %get3A_2792 = vector.shape_cast %get3A_2791 : vector<1x16xf32> to vector<16xf32>
      %add3A_2793 = arith.addf %add3A_2769, %get3A_2792 : vector<16xf32>
      %get3A_2794 = arith.constant 11 : i32
      %get3A_2795 = arith.index_cast %get3A_2794 : i32 to index
      %get3A_2796 = arith.constant 0 : index
      %get3A_2797 = tpu.vector_load %arg8[%get3A_2795, %get3A_2796] {strides = array<i32>} : memref<50x64xf32, #tpu.memory_space<vmem>>, vector<1x16xf32>,
      %get3A_2798 = vector.shape_cast %get3A_2797 : vector<1x16xf32> to vector<16xf32>
      %add3A_2799 = arith.addf %add3A_2775, %get3A_2798 : vector<16xf32>
      %get3A_2800 = arith.constant 11 : i32
      %get3A_2801 = arith.index_cast %get3A_2800 : i32 to index
      %get3A_2802 = arith.constant 16 : index
      %get3A_2803 = tpu.vector_load %arg8[%get3A_2801, %get3A_2802] {strides = array<i32>} : memref<50x64xf32, #tpu.memory_space<vmem>>, vector<1x16xf32>,
      %get3A_2804 = vector.shape_cast %get3A_2803 : vector<1x16xf32> to vector<16xf32>
      %add3A_2805 = arith.addf %add3A_2781, %get3A_2804 : vector<16xf32>
      %get3A_2806 = arith.constant 11 : i32
      %get3A_2807 = arith.index_cast %get3A_2806 : i32 to index
      %get3A_2808 = arith.constant 32 : index
      %get3A_2809 = tpu.vector_load %arg8[%get3A_2807, %get3A_2808] {strides = array<i32>} : memref<50x64xf32, #tpu.memory_space<vmem>>, vector<1x16xf32>,
      %get3A_2810 = vector.shape_cast %get3A_2809 : vector<1x16xf32> to vector<16xf32>
      %add3A_2811 = arith.addf %add3A_2787, %get3A_2810 : vector<16xf32>
      %get3A_2812 = arith.constant 11 : i32
      %get3A_2813 = arith.index_cast %get3A_2812 : i32 to index
      %get3A_2814 = arith.constant 48 : index
      %get3A_2815 = tpu.vector_load %arg8[%get3A_2813, %get3A_2814] {strides = array<i32>} : memref<50x64xf32, #tpu.memory_space<vmem>>, vector<1x16xf32>,
      %get3A_2816 = vector.shape_cast %get3A_2815 : vector<1x16xf32> to vector<16xf32>
      %add3A_2817 = arith.addf %add3A_2793, %get3A_2816 : vector<16xf32>
      %get3A_2818 = arith.constant 12 : i32
      %get3A_2819 = arith.index_cast %get3A_2818 : i32 to index
      %get3A_2820 = arith.constant 0 : index
      %get3A_2821 = tpu.vector_load %arg8[%get3A_2819, %get3A_2820] {strides = array<i32>} : memref<50x64xf32, #tpu.memory_space<vmem>>, vector<1x16xf32>,
      %get3A_2822 = vector.shape_cast %get3A_2821 : vector<1x16xf32> to vector<16xf32>
      %add3A_2823 = arith.addf %add3A_2799, %get3A_2822 : vector<16xf32>
      %get3A_2824 = arith.constant 12 : i32
      %get3A_2825 = arith.index_cast %get3A_2824 : i32 to index
      %get3A_2826 = arith.constant 16 : index
      %get3A_2827 = tpu.vector_load %arg8[%get3A_2825, %get3A_2826] {strides = array<i32>} : memref<50x64xf32, #tpu.memory_space<vmem>>, vector<1x16xf32>,
      %get3A_2828 = vector.shape_cast %get3A_2827 : vector<1x16xf32> to vector<16xf32>
      %add3A_2829 = arith.addf %add3A_2805, %get3A_2828 : vector<16xf32>
      %get3A_2830 = arith.constant 12 : i32
      %get3A_2831 = arith.index_cast %get3A_2830 : i32 to index
      %get3A_2832 = arith.constant 32 : index
      %get3A_2833 = tpu.vector_load %arg8[%get3A_2831, %get3A_2832] {strides = array<i32>} : memref<50x64xf32, #tpu.memory_space<vmem>>, vector<1x16xf32>,
      %get3A_2834 = vector.shape_cast %get3A_2833 : vector<1x16xf32> to vector<16xf32>
      %add3A_2835 = arith.addf %add3A_2811, %get3A_2834 : vector<16xf32>
      %get3A_2836 = arith.constant 12 : i32
      %get3A_2837 = arith.index_cast %get3A_2836 : i32 to index
      %get3A_2838 = arith.constant 48 : index
      %get3A_2839 = tpu.vector_load %arg8[%get3A_2837, %get3A_2838] {strides = array<i32>} : memref<50x64xf32, #tpu.memory_space<vmem>>, vector<1x16xf32>,
      %get3A_2840 = vector.shape_cast %get3A_2839 : vector<1x16xf32> to vector<16xf32>
      %add3A_2841 = arith.addf %add3A_2817, %get3A_2840 : vector<16xf32>
      %get3A_2842 = arith.constant 13 : i32
      %get3A_2843 = arith.index_cast %get3A_2842 : i32 to index
      %get3A_2844 = arith.constant 0 : index
      %get3A_2845 = tpu.vector_load %arg8[%get3A_2843, %get3A_2844] {strides = array<i32>} : memref<50x64xf32, #tpu.memory_space<vmem>>, vector<1x16xf32>,
      %get3A_2846 = vector.shape_cast %get3A_2845 : vector<1x16xf32> to vector<16xf32>
      %add3A_2847 = arith.addf %add3A_2823, %get3A_2846 : vector<16xf32>
      %get3A_2848 = arith.constant 13 : i32
      %get3A_2849 = arith.index_cast %get3A_2848 : i32 to index
      %get3A_2850 = arith.constant 16 : index
      %get3A_2851 = tpu.vector_load %arg8[%get3A_2849, %get3A_2850] {strides = array<i32>} : memref<50x64xf32, #tpu.memory_space<vmem>>, vector<1x16xf32>,
      %get3A_2852 = vector.shape_cast %get3A_2851 : vector<1x16xf32> to vector<16xf32>
      %add3A_2853 = arith.addf %add3A_2829, %get3A_2852 : vector<16xf32>
      %get3A_2854 = arith.constant 13 : i32
      %get3A_2855 = arith.index_cast %get3A_2854 : i32 to index
      %get3A_2856 = arith.constant 32 : index
      %get3A_2857 = tpu.vector_load %arg8[%get3A_2855, %get3A_2856] {strides = array<i32>} : memref<50x64xf32, #tpu.memory_space<vmem>>, vector<1x16xf32>,
      %get3A_2858 = vector.shape_cast %get3A_2857 : vector<1x16xf32> to vector<16xf32>
      %add3A_2859 = arith.addf %add3A_2835, %get3A_2858 : vector<16xf32>
      %get3A_2860 = arith.constant 13 : i32
      %get3A_2861 = arith.index_cast %get3A_2860 : i32 to index
      %get3A_2862 = arith.constant 48 : index
      %get3A_2863 = tpu.vector_load %arg8[%get3A_2861, %get3A_2862] {strides = array<i32>} : memref<50x64xf32, #tpu.memory_space<vmem>>, vector<1x16xf32>,
      %get3A_2864 = vector.shape_cast %get3A_2863 : vector<1x16xf32> to vector<16xf32>
      %add3A_2865 = arith.addf %add3A_2841, %get3A_2864 : vector<16xf32>
      %get3A_2866 = arith.constant 14 : i32
      %get3A_2867 = arith.index_cast %get3A_2866 : i32 to index
      %get3A_2868 = arith.constant 0 : index
      %get3A_2869 = tpu.vector_load %arg8[%get3A_2867, %get3A_2868] {strides = array<i32>} : memref<50x64xf32, #tpu.memory_space<vmem>>, vector<1x16xf32>,
      %get3A_2870 = vector.shape_cast %get3A_2869 : vector<1x16xf32> to vector<16xf32>
      %add3A_2871 = arith.addf %add3A_2847, %get3A_2870 : vector<16xf32>
      %get3A_2872 = arith.constant 14 : i32
      %get3A_2873 = arith.index_cast %get3A_2872 : i32 to index
      %get3A_2874 = arith.constant 16 : index
      %get3A_2875 = tpu.vector_load %arg8[%get3A_2873, %get3A_2874] {strides = array<i32>} : memref<50x64xf32, #tpu.memory_space<vmem>>, vector<1x16xf32>,
      %get3A_2876 = vector.shape_cast %get3A_2875 : vector<1x16xf32> to vector<16xf32>
      %add3A_2877 = arith.addf %add3A_2853, %get3A_2876 : vector<16xf32>
      %get3A_2878 = arith.constant 14 : i32
      %get3A_2879 = arith.index_cast %get3A_2878 : i32 to index
      %get3A_2880 = arith.constant 32 : index
      %get3A_2881 = tpu.vector_load %arg8[%get3A_2879, %get3A_2880] {strides = array<i32>} : memref<50x64xf32, #tpu.memory_space<vmem>>, vector<1x16xf32>,
      %get3A_2882 = vector.shape_cast %get3A_2881 : vector<1x16xf32> to vector<16xf32>
      %add3A_2883 = arith.addf %add3A_2859, %get3A_2882 : vector<16xf32>
      %get3A_2884 = arith.constant 14 : i32
      %get3A_2885 = arith.index_cast %get3A_2884 : i32 to index
      %get3A_2886 = arith.constant 48 : index
      %get3A_2887 = tpu.vector_load %arg8[%get3A_2885, %get3A_2886] {strides = array<i32>} : memref<50x64xf32, #tpu.memory_space<vmem>>, vector<1x16xf32>,
      %get3A_2888 = vector.shape_cast %get3A_2887 : vector<1x16xf32> to vector<16xf32>
      %add3A_2889 = arith.addf %add3A_2865, %get3A_2888 : vector<16xf32>
      %get3A_2890 = arith.constant 15 : i32
      %get3A_2891 = arith.index_cast %get3A_2890 : i32 to index
      %get3A_2892 = arith.constant 0 : index
      %get3A_2893 = tpu.vector_load %arg8[%get3A_2891, %get3A_2892] {strides = array<i32>} : memref<50x64xf32, #tpu.memory_space<vmem>>, vector<1x16xf32>,
      %get3A_2894 = vector.shape_cast %get3A_2893 : vector<1x16xf32> to vector<16xf32>
      %add3A_2895 = arith.addf %add3A_2871, %get3A_2894 : vector<16xf32>
      %get3A_2896 = arith.constant 15 : i32
      %get3A_2897 = arith.index_cast %get3A_2896 : i32 to index
      %get3A_2898 = arith.constant 16 : index
      %get3A_2899 = tpu.vector_load %arg8[%get3A_2897, %get3A_2898] {strides = array<i32>} : memref<50x64xf32, #tpu.memory_space<vmem>>, vector<1x16xf32>,
      %get3A_2900 = vector.shape_cast %get3A_2899 : vector<1x16xf32> to vector<16xf32>
      %add3A_2901 = arith.addf %add3A_2877, %get3A_2900 : vector<16xf32>
      %get3A_2902 = arith.constant 15 : i32
      %get3A_2903 = arith.index_cast %get3A_2902 : i32 to index
      %get3A_2904 = arith.constant 32 : index
      %get3A_2905 = tpu.vector_load %arg8[%get3A_2903, %get3A_2904] {strides = array<i32>} : memref<50x64xf32, #tpu.memory_space<vmem>>, vector<1x16xf32>,
      %get3A_2906 = vector.shape_cast %get3A_2905 : vector<1x16xf32> to vector<16xf32>
      %add3A_2907 = arith.addf %add3A_2883, %get3A_2906 : vector<16xf32>
      %get3A_2908 = arith.constant 15 : i32
      %get3A_2909 = arith.index_cast %get3A_2908 : i32 to index
      %get3A_2910 = arith.constant 48 : index
      %get3A_2911 = tpu.vector_load %arg8[%get3A_2909, %get3A_2910] {strides = array<i32>} : memref<50x64xf32, #tpu.memory_space<vmem>>, vector<1x16xf32>,
      %get3A_2912 = vector.shape_cast %get3A_2911 : vector<1x16xf32> to vector<16xf32>
      %add3A_2913 = arith.addf %add3A_2889, %get3A_2912 : vector<16xf32>
      %get3A_2914 = arith.constant 16 : i32
      %get3A_2915 = arith.index_cast %get3A_2914 : i32 to index
      %get3A_2916 = arith.constant 0 : index
      %get3A_2917 = tpu.vector_load %arg8[%get3A_2915, %get3A_2916] {strides = array<i32>} : memref<50x64xf32, #tpu.memory_space<vmem>>, vector<1x16xf32>,
      %get3A_2918 = vector.shape_cast %get3A_2917 : vector<1x16xf32> to vector<16xf32>
      %add3A_2919 = arith.addf %add3A_2895, %get3A_2918 : vector<16xf32>
      %get3A_2920 = arith.constant 16 : i32
      %get3A_2921 = arith.index_cast %get3A_2920 : i32 to index
      %get3A_2922 = arith.constant 16 : index
      %get3A_2923 = tpu.vector_load %arg8[%get3A_2921, %get3A_2922] {strides = array<i32>} : memref<50x64xf32, #tpu.memory_space<vmem>>, vector<1x16xf32>,
      %get3A_2924 = vector.shape_cast %get3A_2923 : vector<1x16xf32> to vector<16xf32>
      %add3A_2925 = arith.addf %add3A_2901, %get3A_2924 : vector<16xf32>
      %get3A_2926 = arith.constant 16 : i32
      %get3A_2927 = arith.index_cast %get3A_2926 : i32 to index
      %get3A_2928 = arith.constant 32 : index
      %get3A_2929 = tpu.vector_load %arg8[%get3A_2927, %get3A_2928] {strides = array<i32>} : memref<50x64xf32, #tpu.memory_space<vmem>>, vector<1x16xf32>,
      %get3A_2930 = vector.shape_cast %get3A_2929 : vector<1x16xf32> to vector<16xf32>
      %add3A_2931 = arith.addf %add3A_2907, %get3A_2930 : vector<16xf32>
      %get3A_2932 = arith.constant 16 : i32
      %get3A_2933 = arith.index_cast %get3A_2932 : i32 to index
      %get3A_2934 = arith.constant 48 : index
      %get3A_2935 = tpu.vector_load %arg8[%get3A_2933, %get3A_2934] {strides = array<i32>} : memref<50x64xf32, #tpu.memory_space<vmem>>, vector<1x16xf32>,
      %get3A_2936 = vector.shape_cast %get3A_2935 : vector<1x16xf32> to vector<16xf32>
      %add3A_2937 = arith.addf %add3A_2913, %get3A_2936 : vector<16xf32>
      %get3A_2938 = arith.constant 17 : i32
      %get3A_2939 = arith.index_cast %get3A_2938 : i32 to index
      %get3A_2940 = arith.constant 0 : index
      %get3A_2941 = tpu.vector_load %arg8[%get3A_2939, %get3A_2940] {strides = array<i32>} : memref<50x64xf32, #tpu.memory_space<vmem>>, vector<1x16xf32>,
      %get3A_2942 = vector.shape_cast %get3A_2941 : vector<1x16xf32> to vector<16xf32>
      %add3A_2943 = arith.addf %add3A_2919, %get3A_2942 : vector<16xf32>
      %get3A_2944 = arith.constant 17 : i32
      %get3A_2945 = arith.index_cast %get3A_2944 : i32 to index
      %get3A_2946 = arith.constant 16 : index
      %get3A_2947 = tpu.vector_load %arg8[%get3A_2945, %get3A_2946] {strides = array<i32>} : memref<50x64xf32, #tpu.memory_space<vmem>>, vector<1x16xf32>,
      %get3A_2948 = vector.shape_cast %get3A_2947 : vector<1x16xf32> to vector<16xf32>
      %add3A_2949 = arith.addf %add3A_2925, %get3A_2948 : vector<16xf32>
      %get3A_2950 = arith.constant 17 : i32
      %get3A_2951 = arith.index_cast %get3A_2950 : i32 to index
      %get3A_2952 = arith.constant 32 : index
      %get3A_2953 = tpu.vector_load %arg8[%get3A_2951, %get3A_2952] {strides = array<i32>} : memref<50x64xf32, #tpu.memory_space<vmem>>, vector<1x16xf32>,
      %get3A_2954 = vector.shape_cast %get3A_2953 : vector<1x16xf32> to vector<16xf32>
      %add3A_2955 = arith.addf %add3A_2931, %get3A_2954 : vector<16xf32>
      %get3A_2956 = arith.constant 17 : i32
      %get3A_2957 = arith.index_cast %get3A_2956 : i32 to index
      %get3A_2958 = arith.constant 48 : index
      %get3A_2959 = tpu.vector_load %arg8[%get3A_2957, %get3A_2958] {strides = array<i32>} : memref<50x64xf32, #tpu.memory_space<vmem>>, vector<1x16xf32>,
      %get3A_2960 = vector.shape_cast %get3A_2959 : vector<1x16xf32> to vector<16xf32>
      %add3A_2961 = arith.addf %add3A_2937, %get3A_2960 : vector<16xf32>
      %get3A_2962 = arith.constant 18 : i32
      %get3A_2963 = arith.index_cast %get3A_2962 : i32 to index
      %get3A_2964 = arith.constant 0 : index
      %get3A_2965 = tpu.vector_load %arg8[%get3A_2963, %get3A_2964] {strides = array<i32>} : memref<50x64xf32, #tpu.memory_space<vmem>>, vector<1x16xf32>,
      %get3A_2966 = vector.shape_cast %get3A_2965 : vector<1x16xf32> to vector<16xf32>
      %add3A_2967 = arith.addf %add3A_2943, %get3A_2966 : vector<16xf32>
      %get3A_2968 = arith.constant 18 : i32
      %get3A_2969 = arith.index_cast %get3A_2968 : i32 to index
      %get3A_2970 = arith.constant 16 : index
      %get3A_2971 = tpu.vector_load %arg8[%get3A_2969, %get3A_2970] {strides = array<i32>} : memref<50x64xf32, #tpu.memory_space<vmem>>, vector<1x16xf32>,
      %get3A_2972 = vector.shape_cast %get3A_2971 : vector<1x16xf32> to vector<16xf32>
      %add3A_2973 = arith.addf %add3A_2949, %get3A_2972 : vector<16xf32>
      %get3A_2974 = arith.constant 18 : i32
      %get3A_2975 = arith.index_cast %get3A_2974 : i32 to index
      %get3A_2976 = arith.constant 32 : index
      %get3A_2977 = tpu.vector_load %arg8[%get3A_2975, %get3A_2976] {strides = array<i32>} : memref<50x64xf32, #tpu.memory_space<vmem>>, vector<1x16xf32>,
      %get3A_2978 = vector.shape_cast %get3A_2977 : vector<1x16xf32> to vector<16xf32>
      %add3A_2979 = arith.addf %add3A_2955, %get3A_2978 : vector<16xf32>
      %get3A_2980 = arith.constant 18 : i32
      %get3A_2981 = arith.index_cast %get3A_2980 : i32 to index
      %get3A_2982 = arith.constant 48 : index
      %get3A_2983 = tpu.vector_load %arg8[%get3A_2981, %get3A_2982] {strides = array<i32>} : memref<50x64xf32, #tpu.memory_space<vmem>>, vector<1x16xf32>,
      %get3A_2984 = vector.shape_cast %get3A_2983 : vector<1x16xf32> to vector<16xf32>
      %add3A_2985 = arith.addf %add3A_2961, %get3A_2984 : vector<16xf32>
      %get3A_2986 = arith.constant 19 : i32
      %get3A_2987 = arith.index_cast %get3A_2986 : i32 to index
      %get3A_2988 = arith.constant 0 : index
      %get3A_2989 = tpu.vector_load %arg8[%get3A_2987, %get3A_2988] {strides = array<i32>} : memref<50x64xf32, #tpu.memory_space<vmem>>, vector<1x16xf32>,
      %get3A_2990 = vector.shape_cast %get3A_2989 : vector<1x16xf32> to vector<16xf32>
      %add3A_2991 = arith.addf %add3A_2967, %get3A_2990 : vector<16xf32>
      %get3A_2992 = arith.constant 19 : i32
      %get3A_2993 = arith.index_cast %get3A_2992 : i32 to index
      %get3A_2994 = arith.constant 16 : index
      %get3A_2995 = tpu.vector_load %arg8[%get3A_2993, %get3A_2994] {strides = array<i32>} : memref<50x64xf32, #tpu.memory_space<vmem>>, vector<1x16xf32>,
      %get3A_2996 = vector.shape_cast %get3A_2995 : vector<1x16xf32> to vector<16xf32>
      %add3A_2997 = arith.addf %add3A_2973, %get3A_2996 : vector<16xf32>
      %get3A_2998 = arith.constant 19 : i32
      %get3A_2999 = arith.index_cast %get3A_2998 : i32 to index
      %get3A_3000 = arith.constant 32 : index
      %get3A_3001 = tpu.vector_load %arg8[%get3A_2999, %get3A_3000] {strides = array<i32>} : memref<50x64xf32, #tpu.memory_space<vmem>>, vector<1x16xf32>,
      %get3A_3002 = vector.shape_cast %get3A_3001 : vector<1x16xf32> to vector<16xf32>
      %add3A_3003 = arith.addf %add3A_2979, %get3A_3002 : vector<16xf32>
      %get3A_3004 = arith.constant 19 : i32
      %get3A_3005 = arith.index_cast %get3A_3004 : i32 to index
      %get3A_3006 = arith.constant 48 : index
      %get3A_3007 = tpu.vector_load %arg8[%get3A_3005, %get3A_3006] {strides = array<i32>} : memref<50x64xf32, #tpu.memory_space<vmem>>, vector<1x16xf32>,
      %get3A_3008 = vector.shape_cast %get3A_3007 : vector<1x16xf32> to vector<16xf32>
      %add3A_3009 = arith.addf %add3A_2985, %get3A_3008 : vector<16xf32>
      %get3A_3010 = arith.constant 20 : i32
      %get3A_3011 = arith.index_cast %get3A_3010 : i32 to index
      %get3A_3012 = arith.constant 0 : index
      %get3A_3013 = tpu.vector_load %arg8[%get3A_3011, %get3A_3012] {strides = array<i32>} : memref<50x64xf32, #tpu.memory_space<vmem>>, vector<1x16xf32>,
      %get3A_3014 = vector.shape_cast %get3A_3013 : vector<1x16xf32> to vector<16xf32>
      %add3A_3015 = arith.addf %add3A_2991, %get3A_3014 : vector<16xf32>
      %get3A_3016 = arith.constant 20 : i32
      %get3A_3017 = arith.index_cast %get3A_3016 : i32 to index
      %get3A_3018 = arith.constant 16 : index
      %get3A_3019 = tpu.vector_load %arg8[%get3A_3017, %get3A_3018] {strides = array<i32>} : memref<50x64xf32, #tpu.memory_space<vmem>>, vector<1x16xf32>,
      %get3A_3020 = vector.shape_cast %get3A_3019 : vector<1x16xf32> to vector<16xf32>
      %add3A_3021 = arith.addf %add3A_2997, %get3A_3020 : vector<16xf32>
      %get3A_3022 = arith.constant 20 : i32
      %get3A_3023 = arith.index_cast %get3A_3022 : i32 to index
      %get3A_3024 = arith.constant 32 : index
      %get3A_3025 = tpu.vector_load %arg8[%get3A_3023, %get3A_3024] {strides = array<i32>} : memref<50x64xf32, #tpu.memory_space<vmem>>, vector<1x16xf32>,
      %get3A_3026 = vector.shape_cast %get3A_3025 : vector<1x16xf32> to vector<16xf32>
      %add3A_3027 = arith.addf %add3A_3003, %get3A_3026 : vector<16xf32>
      %get3A_3028 = arith.constant 20 : i32
      %get3A_3029 = arith.index_cast %get3A_3028 : i32 to index
      %get3A_3030 = arith.constant 48 : index
      %get3A_3031 = tpu.vector_load %arg8[%get3A_3029, %get3A_3030] {strides = array<i32>} : memref<50x64xf32, #tpu.memory_space<vmem>>, vector<1x16xf32>,
      %get3A_3032 = vector.shape_cast %get3A_3031 : vector<1x16xf32> to vector<16xf32>
      %add3A_3033 = arith.addf %add3A_3009, %get3A_3032 : vector<16xf32>
      %get3A_3034 = arith.constant 21 : i32
      %get3A_3035 = arith.index_cast %get3A_3034 : i32 to index
      %get3A_3036 = arith.constant 0 : index
      %get3A_3037 = tpu.vector_load %arg8[%get3A_3035, %get3A_3036] {strides = array<i32>} : memref<50x64xf32, #tpu.memory_space<vmem>>, vector<1x16xf32>,
      %get3A_3038 = vector.shape_cast %get3A_3037 : vector<1x16xf32> to vector<16xf32>
      %add3A_3039 = arith.addf %add3A_3015, %get3A_3038 : vector<16xf32>
      %get3A_3040 = arith.constant 21 : i32
      %get3A_3041 = arith.index_cast %get3A_3040 : i32 to index
      %get3A_3042 = arith.constant 16 : index
      %get3A_3043 = tpu.vector_load %arg8[%get3A_3041, %get3A_3042] {strides = array<i32>} : memref<50x64xf32, #tpu.memory_space<vmem>>, vector<1x16xf32>,
      %get3A_3044 = vector.shape_cast %get3A_3043 : vector<1x16xf32> to vector<16xf32>
      %add3A_3045 = arith.addf %add3A_3021, %get3A_3044 : vector<16xf32>
      %get3A_3046 = arith.constant 21 : i32
      %get3A_3047 = arith.index_cast %get3A_3046 : i32 to index
      %get3A_3048 = arith.constant 32 : index
      %get3A_3049 = tpu.vector_load %arg8[%get3A_3047, %get3A_3048] {strides = array<i32>} : memref<50x64xf32, #tpu.memory_space<vmem>>, vector<1x16xf32>,
      %get3A_3050 = vector.shape_cast %get3A_3049 : vector<1x16xf32> to vector<16xf32>
      %add3A_3051 = arith.addf %add3A_3027, %get3A_3050 : vector<16xf32>
      %get3A_3052 = arith.constant 21 : i32
      %get3A_3053 = arith.index_cast %get3A_3052 : i32 to index
      %get3A_3054 = arith.constant 48 : index
      %get3A_3055 = tpu.vector_load %arg8[%get3A_3053, %get3A_3054] {strides = array<i32>} : memref<50x64xf32, #tpu.memory_space<vmem>>, vector<1x16xf32>,
      %get3A_3056 = vector.shape_cast %get3A_3055 : vector<1x16xf32> to vector<16xf32>
      %add3A_3057 = arith.addf %add3A_3033, %get3A_3056 : vector<16xf32>
      %get3A_3058 = arith.constant 22 : i32
      %get3A_3059 = arith.index_cast %get3A_3058 : i32 to index
      %get3A_3060 = arith.constant 0 : index
      %get3A_3061 = tpu.vector_load %arg8[%get3A_3059, %get3A_3060] {strides = array<i32>} : memref<50x64xf32, #tpu.memory_space<vmem>>, vector<1x16xf32>,
      %get3A_3062 = vector.shape_cast %get3A_3061 : vector<1x16xf32> to vector<16xf32>
      %add3A_3063 = arith.addf %add3A_3039, %get3A_3062 : vector<16xf32>
      %get3A_3064 = arith.constant 22 : i32
      %get3A_3065 = arith.index_cast %get3A_3064 : i32 to index
      %get3A_3066 = arith.constant 16 : index
      %get3A_3067 = tpu.vector_load %arg8[%get3A_3065, %get3A_3066] {strides = array<i32>} : memref<50x64xf32, #tpu.memory_space<vmem>>, vector<1x16xf32>,
      %get3A_3068 = vector.shape_cast %get3A_3067 : vector<1x16xf32> to vector<16xf32>
      %add3A_3069 = arith.addf %add3A_3045, %get3A_3068 : vector<16xf32>
      %get3A_3070 = arith.constant 22 : i32
      %get3A_3071 = arith.index_cast %get3A_3070 : i32 to index
      %get3A_3072 = arith.constant 32 : index
      %get3A_3073 = tpu.vector_load %arg8[%get3A_3071, %get3A_3072] {strides = array<i32>} : memref<50x64xf32, #tpu.memory_space<vmem>>, vector<1x16xf32>,
      %get3A_3074 = vector.shape_cast %get3A_3073 : vector<1x16xf32> to vector<16xf32>
      %add3A_3075 = arith.addf %add3A_3051, %get3A_3074 : vector<16xf32>
      %get3A_3076 = arith.constant 22 : i32
      %get3A_3077 = arith.index_cast %get3A_3076 : i32 to index
      %get3A_3078 = arith.constant 48 : index
      %get3A_3079 = tpu.vector_load %arg8[%get3A_3077, %get3A_3078] {strides = array<i32>} : memref<50x64xf32, #tpu.memory_space<vmem>>, vector<1x16xf32>,
      %get3A_3080 = vector.shape_cast %get3A_3079 : vector<1x16xf32> to vector<16xf32>
      %add3A_3081 = arith.addf %add3A_3057, %get3A_3080 : vector<16xf32>
      %get3A_3082 = arith.constant 23 : i32
      %get3A_3083 = arith.index_cast %get3A_3082 : i32 to index
      %get3A_3084 = arith.constant 0 : index
      %get3A_3085 = tpu.vector_load %arg8[%get3A_3083, %get3A_3084] {strides = array<i32>} : memref<50x64xf32, #tpu.memory_space<vmem>>, vector<1x16xf32>,
      %get3A_3086 = vector.shape_cast %get3A_3085 : vector<1x16xf32> to vector<16xf32>
      %add3A_3087 = arith.addf %add3A_3063, %get3A_3086 : vector<16xf32>
      %get3A_3088 = arith.constant 23 : i32
      %get3A_3089 = arith.index_cast %get3A_3088 : i32 to index
      %get3A_3090 = arith.constant 16 : index
      %get3A_3091 = tpu.vector_load %arg8[%get3A_3089, %get3A_3090] {strides = array<i32>} : memref<50x64xf32, #tpu.memory_space<vmem>>, vector<1x16xf32>,
      %get3A_3092 = vector.shape_cast %get3A_3091 : vector<1x16xf32> to vector<16xf32>
      %add3A_3093 = arith.addf %add3A_3069, %get3A_3092 : vector<16xf32>
      %get3A_3094 = arith.constant 23 : i32
      %get3A_3095 = arith.index_cast %get3A_3094 : i32 to index
      %get3A_3096 = arith.constant 32 : index
      %get3A_3097 = tpu.vector_load %arg8[%get3A_3095, %get3A_3096] {strides = array<i32>} : memref<50x64xf32, #tpu.memory_space<vmem>>, vector<1x16xf32>,
      %get3A_3098 = vector.shape_cast %get3A_3097 : vector<1x16xf32> to vector<16xf32>
      %add3A_3099 = arith.addf %add3A_3075, %get3A_3098 : vector<16xf32>
      %get3A_3100 = arith.constant 23 : i32
      %get3A_3101 = arith.index_cast %get3A_3100 : i32 to index
      %get3A_3102 = arith.constant 48 : index
      %get3A_3103 = tpu.vector_load %arg8[%get3A_3101, %get3A_3102] {strides = array<i32>} : memref<50x64xf32, #tpu.memory_space<vmem>>, vector<1x16xf32>,
      %get3A_3104 = vector.shape_cast %get3A_3103 : vector<1x16xf32> to vector<16xf32>
      %add3A_3105 = arith.addf %add3A_3081, %get3A_3104 : vector<16xf32>
      %get3A_3106 = arith.constant 24 : i32
      %get3A_3107 = arith.index_cast %get3A_3106 : i32 to index
      %get3A_3108 = arith.constant 0 : index
      %get3A_3109 = tpu.vector_load %arg8[%get3A_3107, %get3A_3108] {strides = array<i32>} : memref<50x64xf32, #tpu.memory_space<vmem>>, vector<1x16xf32>,
      %get3A_3110 = vector.shape_cast %get3A_3109 : vector<1x16xf32> to vector<16xf32>
      %add3A_3111 = arith.addf %add3A_3087, %get3A_3110 : vector<16xf32>
      %get3A_3112 = arith.constant 24 : i32
      %get3A_3113 = arith.index_cast %get3A_3112 : i32 to index
      %get3A_3114 = arith.constant 16 : index
      %get3A_3115 = tpu.vector_load %arg8[%get3A_3113, %get3A_3114] {strides = array<i32>} : memref<50x64xf32, #tpu.memory_space<vmem>>, vector<1x16xf32>,
      %get3A_3116 = vector.shape_cast %get3A_3115 : vector<1x16xf32> to vector<16xf32>
      %add3A_3117 = arith.addf %add3A_3093, %get3A_3116 : vector<16xf32>
      %get3A_3118 = arith.constant 24 : i32
      %get3A_3119 = arith.index_cast %get3A_3118 : i32 to index
      %get3A_3120 = arith.constant 32 : index
      %get3A_3121 = tpu.vector_load %arg8[%get3A_3119, %get3A_3120] {strides = array<i32>} : memref<50x64xf32, #tpu.memory_space<vmem>>, vector<1x16xf32>,
      %get3A_3122 = vector.shape_cast %get3A_3121 : vector<1x16xf32> to vector<16xf32>
      %add3A_3123 = arith.addf %add3A_3099, %get3A_3122 : vector<16xf32>
      %get3A_3124 = arith.constant 24 : i32
      %get3A_3125 = arith.index_cast %get3A_3124 : i32 to index
      %get3A_3126 = arith.constant 48 : index
      %get3A_3127 = tpu.vector_load %arg8[%get3A_3125, %get3A_3126] {strides = array<i32>} : memref<50x64xf32, #tpu.memory_space<vmem>>, vector<1x16xf32>,
      %get3A_3128 = vector.shape_cast %get3A_3127 : vector<1x16xf32> to vector<16xf32>
      %add3A_3129 = arith.addf %add3A_3105, %get3A_3128 : vector<16xf32>
      %get3A_3130 = arith.constant 25 : i32
      %get3A_3131 = arith.index_cast %get3A_3130 : i32 to index
      %get3A_3132 = arith.constant 0 : index
      %get3A_3133 = tpu.vector_load %arg8[%get3A_3131, %get3A_3132] {strides = array<i32>} : memref<50x64xf32, #tpu.memory_space<vmem>>, vector<1x16xf32>,
      %get3A_3134 = vector.shape_cast %get3A_3133 : vector<1x16xf32> to vector<16xf32>
      %add3A_3135 = arith.addf %add3A_3111, %get3A_3134 : vector<16xf32>
      %get3A_3136 = arith.constant 25 : i32
      %get3A_3137 = arith.index_cast %get3A_3136 : i32 to index
      %get3A_3138 = arith.constant 16 : index
      %get3A_3139 = tpu.vector_load %arg8[%get3A_3137, %get3A_3138] {strides = array<i32>} : memref<50x64xf32, #tpu.memory_space<vmem>>, vector<1x16xf32>,
      %get3A_3140 = vector.shape_cast %get3A_3139 : vector<1x16xf32> to vector<16xf32>
      %add3A_3141 = arith.addf %add3A_3117, %get3A_3140 : vector<16xf32>
      %get3A_3142 = arith.constant 25 : i32
      %get3A_3143 = arith.index_cast %get3A_3142 : i32 to index
      %get3A_3144 = arith.constant 32 : index
      %get3A_3145 = tpu.vector_load %arg8[%get3A_3143, %get3A_3144] {strides = array<i32>} : memref<50x64xf32, #tpu.memory_space<vmem>>, vector<1x16xf32>,
      %get3A_3146 = vector.shape_cast %get3A_3145 : vector<1x16xf32> to vector<16xf32>
      %add3A_3147 = arith.addf %add3A_3123, %get3A_3146 : vector<16xf32>
      %get3A_3148 = arith.constant 25 : i32
      %get3A_3149 = arith.index_cast %get3A_3148 : i32 to index
      %get3A_3150 = arith.constant 48 : index
      %get3A_3151 = tpu.vector_load %arg8[%get3A_3149, %get3A_3150] {strides = array<i32>} : memref<50x64xf32, #tpu.memory_space<vmem>>, vector<1x16xf32>,
      %get3A_3152 = vector.shape_cast %get3A_3151 : vector<1x16xf32> to vector<16xf32>
      %add3A_3153 = arith.addf %add3A_3129, %get3A_3152 : vector<16xf32>
      %get3A_3154 = arith.constant 26 : i32
      %get3A_3155 = arith.index_cast %get3A_3154 : i32 to index
      %get3A_3156 = arith.constant 0 : index
      %get3A_3157 = tpu.vector_load %arg8[%get3A_3155, %get3A_3156] {strides = array<i32>} : memref<50x64xf32, #tpu.memory_space<vmem>>, vector<1x16xf32>,
      %get3A_3158 = vector.shape_cast %get3A_3157 : vector<1x16xf32> to vector<16xf32>
      %add3A_3159 = arith.addf %add3A_3135, %get3A_3158 : vector<16xf32>
      %get3A_3160 = arith.constant 26 : i32
      %get3A_3161 = arith.index_cast %get3A_3160 : i32 to index
      %get3A_3162 = arith.constant 16 : index
      %get3A_3163 = tpu.vector_load %arg8[%get3A_3161, %get3A_3162] {strides = array<i32>} : memref<50x64xf32, #tpu.memory_space<vmem>>, vector<1x16xf32>,
      %get3A_3164 = vector.shape_cast %get3A_3163 : vector<1x16xf32> to vector<16xf32>
      %add3A_3165 = arith.addf %add3A_3141, %get3A_3164 : vector<16xf32>
      %get3A_3166 = arith.constant 26 : i32
      %get3A_3167 = arith.index_cast %get3A_3166 : i32 to index
      %get3A_3168 = arith.constant 32 : index
      %get3A_3169 = tpu.vector_load %arg8[%get3A_3167, %get3A_3168] {strides = array<i32>} : memref<50x64xf32, #tpu.memory_space<vmem>>, vector<1x16xf32>,
      %get3A_3170 = vector.shape_cast %get3A_3169 : vector<1x16xf32> to vector<16xf32>
      %add3A_3171 = arith.addf %add3A_3147, %get3A_3170 : vector<16xf32>
      %get3A_3172 = arith.constant 26 : i32
      %get3A_3173 = arith.index_cast %get3A_3172 : i32 to index
      %get3A_3174 = arith.constant 48 : index
      %get3A_3175 = tpu.vector_load %arg8[%get3A_3173, %get3A_3174] {strides = array<i32>} : memref<50x64xf32, #tpu.memory_space<vmem>>, vector<1x16xf32>,
      %get3A_3176 = vector.shape_cast %get3A_3175 : vector<1x16xf32> to vector<16xf32>
      %add3A_3177 = arith.addf %add3A_3153, %get3A_3176 : vector<16xf32>
      %get3A_3178 = arith.constant 27 : i32
      %get3A_3179 = arith.index_cast %get3A_3178 : i32 to index
      %get3A_3180 = arith.constant 0 : index
      %get3A_3181 = tpu.vector_load %arg8[%get3A_3179, %get3A_3180] {strides = array<i32>} : memref<50x64xf32, #tpu.memory_space<vmem>>, vector<1x16xf32>,
      %get3A_3182 = vector.shape_cast %get3A_3181 : vector<1x16xf32> to vector<16xf32>
      %add3A_3183 = arith.addf %add3A_3159, %get3A_3182 : vector<16xf32>
      %get3A_3184 = arith.constant 27 : i32
      %get3A_3185 = arith.index_cast %get3A_3184 : i32 to index
      %get3A_3186 = arith.constant 16 : index
      %get3A_3187 = tpu.vector_load %arg8[%get3A_3185, %get3A_3186] {strides = array<i32>} : memref<50x64xf32, #tpu.memory_space<vmem>>, vector<1x16xf32>,
      %get3A_3188 = vector.shape_cast %get3A_3187 : vector<1x16xf32> to vector<16xf32>
      %add3A_3189 = arith.addf %add3A_3165, %get3A_3188 : vector<16xf32>
      %get3A_3190 = arith.constant 27 : i32
      %get3A_3191 = arith.index_cast %get3A_3190 : i32 to index
      %get3A_3192 = arith.constant 32 : index
      %get3A_3193 = tpu.vector_load %arg8[%get3A_3191, %get3A_3192] {strides = array<i32>} : memref<50x64xf32, #tpu.memory_space<vmem>>, vector<1x16xf32>,
      %get3A_3194 = vector.shape_cast %get3A_3193 : vector<1x16xf32> to vector<16xf32>
      %add3A_3195 = arith.addf %add3A_3171, %get3A_3194 : vector<16xf32>
      %get3A_3196 = arith.constant 27 : i32
      %get3A_3197 = arith.index_cast %get3A_3196 : i32 to index
      %get3A_3198 = arith.constant 48 : index
      %get3A_3199 = tpu.vector_load %arg8[%get3A_3197, %get3A_3198] {strides = array<i32>} : memref<50x64xf32, #tpu.memory_space<vmem>>, vector<1x16xf32>,
      %get3A_3200 = vector.shape_cast %get3A_3199 : vector<1x16xf32> to vector<16xf32>
      %add3A_3201 = arith.addf %add3A_3177, %get3A_3200 : vector<16xf32>
      %get3A_3202 = arith.constant 28 : i32
      %get3A_3203 = arith.index_cast %get3A_3202 : i32 to index
      %get3A_3204 = arith.constant 0 : index
      %get3A_3205 = tpu.vector_load %arg8[%get3A_3203, %get3A_3204] {strides = array<i32>} : memref<50x64xf32, #tpu.memory_space<vmem>>, vector<1x16xf32>,
      %get3A_3206 = vector.shape_cast %get3A_3205 : vector<1x16xf32> to vector<16xf32>
      %add3A_3207 = arith.addf %add3A_3183, %get3A_3206 : vector<16xf32>
      %get3A_3208 = arith.constant 28 : i32
      %get3A_3209 = arith.index_cast %get3A_3208 : i32 to index
      %get3A_3210 = arith.constant 16 : index
      %get3A_3211 = tpu.vector_load %arg8[%get3A_3209, %get3A_3210] {strides = array<i32>} : memref<50x64xf32, #tpu.memory_space<vmem>>, vector<1x16xf32>,
      %get3A_3212 = vector.shape_cast %get3A_3211 : vector<1x16xf32> to vector<16xf32>
      %add3A_3213 = arith.addf %add3A_3189, %get3A_3212 : vector<16xf32>
      %get3A_3214 = arith.constant 28 : i32
      %get3A_3215 = arith.index_cast %get3A_3214 : i32 to index
      %get3A_3216 = arith.constant 32 : index
      %get3A_3217 = tpu.vector_load %arg8[%get3A_3215, %get3A_3216] {strides = array<i32>} : memref<50x64xf32, #tpu.memory_space<vmem>>, vector<1x16xf32>,
      %get3A_3218 = vector.shape_cast %get3A_3217 : vector<1x16xf32> to vector<16xf32>
      %add3A_3219 = arith.addf %add3A_3195, %get3A_3218 : vector<16xf32>
      %get3A_3220 = arith.constant 28 : i32
      %get3A_3221 = arith.index_cast %get3A_3220 : i32 to index
      %get3A_3222 = arith.constant 48 : index
      %get3A_3223 = tpu.vector_load %arg8[%get3A_3221, %get3A_3222] {strides = array<i32>} : memref<50x64xf32, #tpu.memory_space<vmem>>, vector<1x16xf32>,
      %get3A_3224 = vector.shape_cast %get3A_3223 : vector<1x16xf32> to vector<16xf32>
      %add3A_3225 = arith.addf %add3A_3201, %get3A_3224 : vector<16xf32>
      %get3A_3226 = arith.constant 29 : i32
      %get3A_3227 = arith.index_cast %get3A_3226 : i32 to index
      %get3A_3228 = arith.constant 0 : index
      %get3A_3229 = tpu.vector_load %arg8[%get3A_3227, %get3A_3228] {strides = array<i32>} : memref<50x64xf32, #tpu.memory_space<vmem>>, vector<1x16xf32>,
      %get3A_3230 = vector.shape_cast %get3A_3229 : vector<1x16xf32> to vector<16xf32>
      %add3A_3231 = arith.addf %add3A_3207, %get3A_3230 : vector<16xf32>
      %get3A_3232 = arith.constant 29 : i32
      %get3A_3233 = arith.index_cast %get3A_3232 : i32 to index
      %get3A_3234 = arith.constant 16 : index
      %get3A_3235 = tpu.vector_load %arg8[%get3A_3233, %get3A_3234] {strides = array<i32>} : memref<50x64xf32, #tpu.memory_space<vmem>>, vector<1x16xf32>,
      %get3A_3236 = vector.shape_cast %get3A_3235 : vector<1x16xf32> to vector<16xf32>
      %add3A_3237 = arith.addf %add3A_3213, %get3A_3236 : vector<16xf32>
      %get3A_3238 = arith.constant 29 : i32
      %get3A_3239 = arith.index_cast %get3A_3238 : i32 to index
      %get3A_3240 = arith.constant 32 : index
      %get3A_3241 = tpu.vector_load %arg8[%get3A_3239, %get3A_3240] {strides = array<i32>} : memref<50x64xf32, #tpu.memory_space<vmem>>, vector<1x16xf32>,
      %get3A_3242 = vector.shape_cast %get3A_3241 : vector<1x16xf32> to vector<16xf32>
      %add3A_3243 = arith.addf %add3A_3219, %get3A_3242 : vector<16xf32>
      %get3A_3244 = arith.constant 29 : i32
      %get3A_3245 = arith.index_cast %get3A_3244 : i32 to index
      %get3A_3246 = arith.constant 48 : index
      %get3A_3247 = tpu.vector_load %arg8[%get3A_3245, %get3A_3246] {strides = array<i32>} : memref<50x64xf32, #tpu.memory_space<vmem>>, vector<1x16xf32>,
      %get3A_3248 = vector.shape_cast %get3A_3247 : vector<1x16xf32> to vector<16xf32>
      %add3A_3249 = arith.addf %add3A_3225, %get3A_3248 : vector<16xf32>
      %get3A_3250 = arith.constant 30 : i32
      %get3A_3251 = arith.index_cast %get3A_3250 : i32 to index
      %get3A_3252 = arith.constant 0 : index
      %get3A_3253 = tpu.vector_load %arg8[%get3A_3251, %get3A_3252] {strides = array<i32>} : memref<50x64xf32, #tpu.memory_space<vmem>>, vector<1x16xf32>,
      %get3A_3254 = vector.shape_cast %get3A_3253 : vector<1x16xf32> to vector<16xf32>
      %add3A_3255 = arith.addf %add3A_3231, %get3A_3254 : vector<16xf32>
      %get3A_3256 = arith.constant 30 : i32
      %get3A_3257 = arith.index_cast %get3A_3256 : i32 to index
      %get3A_3258 = arith.constant 16 : index
      %get3A_3259 = tpu.vector_load %arg8[%get3A_3257, %get3A_3258] {strides = array<i32>} : memref<50x64xf32, #tpu.memory_space<vmem>>, vector<1x16xf32>,
      %get3A_3260 = vector.shape_cast %get3A_3259 : vector<1x16xf32> to vector<16xf32>
      %add3A_3261 = arith.addf %add3A_3237, %get3A_3260 : vector<16xf32>
      %get3A_3262 = arith.constant 30 : i32
      %get3A_3263 = arith.index_cast %get3A_3262 : i32 to index
      %get3A_3264 = arith.constant 32 : index
      %get3A_3265 = tpu.vector_load %arg8[%get3A_3263, %get3A_3264] {strides = array<i32>} : memref<50x64xf32, #tpu.memory_space<vmem>>, vector<1x16xf32>,
      %get3A_3266 = vector.shape_cast %get3A_3265 : vector<1x16xf32> to vector<16xf32>
      %add3A_3267 = arith.addf %add3A_3243, %get3A_3266 : vector<16xf32>
      %get3A_3268 = arith.constant 30 : i32
      %get3A_3269 = arith.index_cast %get3A_3268 : i32 to index
      %get3A_3270 = arith.constant 48 : index
      %get3A_3271 = tpu.vector_load %arg8[%get3A_3269, %get3A_3270] {strides = array<i32>} : memref<50x64xf32, #tpu.memory_space<vmem>>, vector<1x16xf32>,
      %get3A_3272 = vector.shape_cast %get3A_3271 : vector<1x16xf32> to vector<16xf32>
      %add3A_3273 = arith.addf %add3A_3249, %get3A_3272 : vector<16xf32>
      %get3A_3274 = arith.constant 31 : i32
      %get3A_3275 = arith.index_cast %get3A_3274 : i32 to index
      %get3A_3276 = arith.constant 0 : index
      %get3A_3277 = tpu.vector_load %arg8[%get3A_3275, %get3A_3276] {strides = array<i32>} : memref<50x64xf32, #tpu.memory_space<vmem>>, vector<1x16xf32>,
      %get3A_3278 = vector.shape_cast %get3A_3277 : vector<1x16xf32> to vector<16xf32>
      %add3A_3279 = arith.addf %add3A_3255, %get3A_3278 : vector<16xf32>
      %get3A_3280 = arith.constant 31 : i32
      %get3A_3281 = arith.index_cast %get3A_3280 : i32 to index
      %get3A_3282 = arith.constant 16 : index
      %get3A_3283 = tpu.vector_load %arg8[%get3A_3281, %get3A_3282] {strides = array<i32>} : memref<50x64xf32, #tpu.memory_space<vmem>>, vector<1x16xf32>,
      %get3A_3284 = vector.shape_cast %get3A_3283 : vector<1x16xf32> to vector<16xf32>
      %add3A_3285 = arith.addf %add3A_3261, %get3A_3284 : vector<16xf32>
      %get3A_3286 = arith.constant 31 : i32
      %get3A_3287 = arith.index_cast %get3A_3286 : i32 to index
      %get3A_3288 = arith.constant 32 : index
      %get3A_3289 = tpu.vector_load %arg8[%get3A_3287, %get3A_3288] {strides = array<i32>} : memref<50x64xf32, #tpu.memory_space<vmem>>, vector<1x16xf32>,
      %get3A_3290 = vector.shape_cast %get3A_3289 : vector<1x16xf32> to vector<16xf32>
      %add3A_3291 = arith.addf %add3A_3267, %get3A_3290 : vector<16xf32>
      %get3A_3292 = arith.constant 31 : i32
      %get3A_3293 = arith.index_cast %get3A_3292 : i32 to index
      %get3A_3294 = arith.constant 48 : index
      %get3A_3295 = tpu.vector_load %arg8[%get3A_3293, %get3A_3294] {strides = array<i32>} : memref<50x64xf32, #tpu.memory_space<vmem>>, vector<1x16xf32>,
      %get3A_3296 = vector.shape_cast %get3A_3295 : vector<1x16xf32> to vector<16xf32>
      %add3A_3297 = arith.addf %add3A_3273, %get3A_3296 : vector<16xf32>
      %get3A_3298 = arith.constant 32 : i32
      %get3A_3299 = arith.index_cast %get3A_3298 : i32 to index
      %get3A_3300 = arith.constant 0 : index
      %get3A_3301 = tpu.vector_load %arg8[%get3A_3299, %get3A_3300] {strides = array<i32>} : memref<50x64xf32, #tpu.memory_space<vmem>>, vector<1x16xf32>,
      %get3A_3302 = vector.shape_cast %get3A_3301 : vector<1x16xf32> to vector<16xf32>
      %add3A_3303 = arith.addf %add3A_3279, %get3A_3302 : vector<16xf32>
      %get3A_3304 = arith.constant 32 : i32
      %get3A_3305 = arith.index_cast %get3A_3304 : i32 to index
      %get3A_3306 = arith.constant 16 : index
      %get3A_3307 = tpu.vector_load %arg8[%get3A_3305, %get3A_3306] {strides = array<i32>} : memref<50x64xf32, #tpu.memory_space<vmem>>, vector<1x16xf32>,
      %get3A_3308 = vector.shape_cast %get3A_3307 : vector<1x16xf32> to vector<16xf32>
      %add3A_3309 = arith.addf %add3A_3285, %get3A_3308 : vector<16xf32>
      %get3A_3310 = arith.constant 32 : i32
      %get3A_3311 = arith.index_cast %get3A_3310 : i32 to index
      %get3A_3312 = arith.constant 32 : index
      %get3A_3313 = tpu.vector_load %arg8[%get3A_3311, %get3A_3312] {strides = array<i32>} : memref<50x64xf32, #tpu.memory_space<vmem>>, vector<1x16xf32>,
      %get3A_3314 = vector.shape_cast %get3A_3313 : vector<1x16xf32> to vector<16xf32>
      %add3A_3315 = arith.addf %add3A_3291, %get3A_3314 : vector<16xf32>
      %get3A_3316 = arith.constant 32 : i32
      %get3A_3317 = arith.index_cast %get3A_3316 : i32 to index
      %get3A_3318 = arith.constant 48 : index
      %get3A_3319 = tpu.vector_load %arg8[%get3A_3317, %get3A_3318] {strides = array<i32>} : memref<50x64xf32, #tpu.memory_space<vmem>>, vector<1x16xf32>,
      %get3A_3320 = vector.shape_cast %get3A_3319 : vector<1x16xf32> to vector<16xf32>
      %add3A_3321 = arith.addf %add3A_3297, %get3A_3320 : vector<16xf32>
      %get3A_3322 = arith.constant 33 : i32
      %get3A_3323 = arith.index_cast %get3A_3322 : i32 to index
      %get3A_3324 = arith.constant 0 : index
      %get3A_3325 = tpu.vector_load %arg8[%get3A_3323, %get3A_3324] {strides = array<i32>} : memref<50x64xf32, #tpu.memory_space<vmem>>, vector<1x16xf32>,
      %get3A_3326 = vector.shape_cast %get3A_3325 : vector<1x16xf32> to vector<16xf32>
      %add3A_3327 = arith.addf %add3A_3303, %get3A_3326 : vector<16xf32>
      %get3A_3328 = arith.constant 33 : i32
      %get3A_3329 = arith.index_cast %get3A_3328 : i32 to index
      %get3A_3330 = arith.constant 16 : index
      %get3A_3331 = tpu.vector_load %arg8[%get3A_3329, %get3A_3330] {strides = array<i32>} : memref<50x64xf32, #tpu.memory_space<vmem>>, vector<1x16xf32>,
      %get3A_3332 = vector.shape_cast %get3A_3331 : vector<1x16xf32> to vector<16xf32>
      %add3A_3333 = arith.addf %add3A_3309, %get3A_3332 : vector<16xf32>
      %get3A_3334 = arith.constant 33 : i32
      %get3A_3335 = arith.index_cast %get3A_3334 : i32 to index
      %get3A_3336 = arith.constant 32 : index
      %get3A_3337 = tpu.vector_load %arg8[%get3A_3335, %get3A_3336] {strides = array<i32>} : memref<50x64xf32, #tpu.memory_space<vmem>>, vector<1x16xf32>,
      %get3A_3338 = vector.shape_cast %get3A_3337 : vector<1x16xf32> to vector<16xf32>
      %add3A_3339 = arith.addf %add3A_3315, %get3A_3338 : vector<16xf32>
      %get3A_3340 = arith.constant 33 : i32
      %get3A_3341 = arith.index_cast %get3A_3340 : i32 to index
      %get3A_3342 = arith.constant 48 : index
      %get3A_3343 = tpu.vector_load %arg8[%get3A_3341, %get3A_3342] {strides = array<i32>} : memref<50x64xf32, #tpu.memory_space<vmem>>, vector<1x16xf32>,
      %get3A_3344 = vector.shape_cast %get3A_3343 : vector<1x16xf32> to vector<16xf32>
      %add3A_3345 = arith.addf %add3A_3321, %get3A_3344 : vector<16xf32>
      %get3A_3346 = arith.constant 34 : i32
      %get3A_3347 = arith.index_cast %get3A_3346 : i32 to index
      %get3A_3348 = arith.constant 0 : index
      %get3A_3349 = tpu.vector_load %arg8[%get3A_3347, %get3A_3348] {strides = array<i32>} : memref<50x64xf32, #tpu.memory_space<vmem>>, vector<1x16xf32>,
      %get3A_3350 = vector.shape_cast %get3A_3349 : vector<1x16xf32> to vector<16xf32>
      %add3A_3351 = arith.addf %add3A_3327, %get3A_3350 : vector<16xf32>
      %get3A_3352 = arith.constant 34 : i32
      %get3A_3353 = arith.index_cast %get3A_3352 : i32 to index
      %get3A_3354 = arith.constant 16 : index
      %get3A_3355 = tpu.vector_load %arg8[%get3A_3353, %get3A_3354] {strides = array<i32>} : memref<50x64xf32, #tpu.memory_space<vmem>>, vector<1x16xf32>,
      %get3A_3356 = vector.shape_cast %get3A_3355 : vector<1x16xf32> to vector<16xf32>
      %add3A_3357 = arith.addf %add3A_3333, %get3A_3356 : vector<16xf32>
      %get3A_3358 = arith.constant 34 : i32
      %get3A_3359 = arith.index_cast %get3A_3358 : i32 to index
      %get3A_3360 = arith.constant 32 : index
      %get3A_3361 = tpu.vector_load %arg8[%get3A_3359, %get3A_3360] {strides = array<i32>} : memref<50x64xf32, #tpu.memory_space<vmem>>, vector<1x16xf32>,
      %get3A_3362 = vector.shape_cast %get3A_3361 : vector<1x16xf32> to vector<16xf32>
      %add3A_3363 = arith.addf %add3A_3339, %get3A_3362 : vector<16xf32>
      %get3A_3364 = arith.constant 34 : i32
      %get3A_3365 = arith.index_cast %get3A_3364 : i32 to index
      %get3A_3366 = arith.constant 48 : index
      %get3A_3367 = tpu.vector_load %arg8[%get3A_3365, %get3A_3366] {strides = array<i32>} : memref<50x64xf32, #tpu.memory_space<vmem>>, vector<1x16xf32>,
      %get3A_3368 = vector.shape_cast %get3A_3367 : vector<1x16xf32> to vector<16xf32>
      %add3A_3369 = arith.addf %add3A_3345, %get3A_3368 : vector<16xf32>
      %get3A_3370 = arith.constant 35 : i32
      %get3A_3371 = arith.index_cast %get3A_3370 : i32 to index
      %get3A_3372 = arith.constant 0 : index
      %get3A_3373 = tpu.vector_load %arg8[%get3A_3371, %get3A_3372] {strides = array<i32>} : memref<50x64xf32, #tpu.memory_space<vmem>>, vector<1x16xf32>,
      %get3A_3374 = vector.shape_cast %get3A_3373 : vector<1x16xf32> to vector<16xf32>
      %add3A_3375 = arith.addf %add3A_3351, %get3A_3374 : vector<16xf32>
      %get3A_3376 = arith.constant 35 : i32
      %get3A_3377 = arith.index_cast %get3A_3376 : i32 to index
      %get3A_3378 = arith.constant 16 : index
      %get3A_3379 = tpu.vector_load %arg8[%get3A_3377, %get3A_3378] {strides = array<i32>} : memref<50x64xf32, #tpu.memory_space<vmem>>, vector<1x16xf32>,
      %get3A_3380 = vector.shape_cast %get3A_3379 : vector<1x16xf32> to vector<16xf32>
      %add3A_3381 = arith.addf %add3A_3357, %get3A_3380 : vector<16xf32>
      %get3A_3382 = arith.constant 35 : i32
      %get3A_3383 = arith.index_cast %get3A_3382 : i32 to index
      %get3A_3384 = arith.constant 32 : index
      %get3A_3385 = tpu.vector_load %arg8[%get3A_3383, %get3A_3384] {strides = array<i32>} : memref<50x64xf32, #tpu.memory_space<vmem>>, vector<1x16xf32>,
      %get3A_3386 = vector.shape_cast %get3A_3385 : vector<1x16xf32> to vector<16xf32>
      %add3A_3387 = arith.addf %add3A_3363, %get3A_3386 : vector<16xf32>
      %get3A_3388 = arith.constant 35 : i32
      %get3A_3389 = arith.index_cast %get3A_3388 : i32 to index
      %get3A_3390 = arith.constant 48 : index
      %get3A_3391 = tpu.vector_load %arg8[%get3A_3389, %get3A_3390] {strides = array<i32>} : memref<50x64xf32, #tpu.memory_space<vmem>>, vector<1x16xf32>,
      %get3A_3392 = vector.shape_cast %get3A_3391 : vector<1x16xf32> to vector<16xf32>
      %add3A_3393 = arith.addf %add3A_3369, %get3A_3392 : vector<16xf32>
      %get3A_3394 = arith.constant 36 : i32
      %get3A_3395 = arith.index_cast %get3A_3394 : i32 to index
      %get3A_3396 = arith.constant 0 : index
      %get3A_3397 = tpu.vector_load %arg8[%get3A_3395, %get3A_3396] {strides = array<i32>} : memref<50x64xf32, #tpu.memory_space<vmem>>, vector<1x16xf32>,
      %get3A_3398 = vector.shape_cast %get3A_3397 : vector<1x16xf32> to vector<16xf32>
      %add3A_3399 = arith.addf %add3A_3375, %get3A_3398 : vector<16xf32>
      %get3A_3400 = arith.constant 36 : i32
      %get3A_3401 = arith.index_cast %get3A_3400 : i32 to index
      %get3A_3402 = arith.constant 16 : index
      %get3A_3403 = tpu.vector_load %arg8[%get3A_3401, %get3A_3402] {strides = array<i32>} : memref<50x64xf32, #tpu.memory_space<vmem>>, vector<1x16xf32>,
      %get3A_3404 = vector.shape_cast %get3A_3403 : vector<1x16xf32> to vector<16xf32>
      %add3A_3405 = arith.addf %add3A_3381, %get3A_3404 : vector<16xf32>
      %get3A_3406 = arith.constant 36 : i32
      %get3A_3407 = arith.index_cast %get3A_3406 : i32 to index
      %get3A_3408 = arith.constant 32 : index
      %get3A_3409 = tpu.vector_load %arg8[%get3A_3407, %get3A_3408] {strides = array<i32>} : memref<50x64xf32, #tpu.memory_space<vmem>>, vector<1x16xf32>,
      %get3A_3410 = vector.shape_cast %get3A_3409 : vector<1x16xf32> to vector<16xf32>
      %add3A_3411 = arith.addf %add3A_3387, %get3A_3410 : vector<16xf32>
      %get3A_3412 = arith.constant 36 : i32
      %get3A_3413 = arith.index_cast %get3A_3412 : i32 to index
      %get3A_3414 = arith.constant 48 : index
      %get3A_3415 = tpu.vector_load %arg8[%get3A_3413, %get3A_3414] {strides = array<i32>} : memref<50x64xf32, #tpu.memory_space<vmem>>, vector<1x16xf32>,
      %get3A_3416 = vector.shape_cast %get3A_3415 : vector<1x16xf32> to vector<16xf32>
      %add3A_3417 = arith.addf %add3A_3393, %get3A_3416 : vector<16xf32>
      %get3A_3418 = arith.constant 37 : i32
      %get3A_3419 = arith.index_cast %get3A_3418 : i32 to index
      %get3A_3420 = arith.constant 0 : index
      %get3A_3421 = tpu.vector_load %arg8[%get3A_3419, %get3A_3420] {strides = array<i32>} : memref<50x64xf32, #tpu.memory_space<vmem>>, vector<1x16xf32>,
      %get3A_3422 = vector.shape_cast %get3A_3421 : vector<1x16xf32> to vector<16xf32>
      %add3A_3423 = arith.addf %add3A_3399, %get3A_3422 : vector<16xf32>
      %get3A_3424 = arith.constant 37 : i32
      %get3A_3425 = arith.index_cast %get3A_3424 : i32 to index
      %get3A_3426 = arith.constant 16 : index
      %get3A_3427 = tpu.vector_load %arg8[%get3A_3425, %get3A_3426] {strides = array<i32>} : memref<50x64xf32, #tpu.memory_space<vmem>>, vector<1x16xf32>,
      %get3A_3428 = vector.shape_cast %get3A_3427 : vector<1x16xf32> to vector<16xf32>
      %add3A_3429 = arith.addf %add3A_3405, %get3A_3428 : vector<16xf32>
      %get3A_3430 = arith.constant 37 : i32
      %get3A_3431 = arith.index_cast %get3A_3430 : i32 to index
      %get3A_3432 = arith.constant 32 : index
      %get3A_3433 = tpu.vector_load %arg8[%get3A_3431, %get3A_3432] {strides = array<i32>} : memref<50x64xf32, #tpu.memory_space<vmem>>, vector<1x16xf32>,
      %get3A_3434 = vector.shape_cast %get3A_3433 : vector<1x16xf32> to vector<16xf32>
      %add3A_3435 = arith.addf %add3A_3411, %get3A_3434 : vector<16xf32>
      %get3A_3436 = arith.constant 37 : i32
      %get3A_3437 = arith.index_cast %get3A_3436 : i32 to index
      %get3A_3438 = arith.constant 48 : index
      %get3A_3439 = tpu.vector_load %arg8[%get3A_3437, %get3A_3438] {strides = array<i32>} : memref<50x64xf32, #tpu.memory_space<vmem>>, vector<1x16xf32>,
      %get3A_3440 = vector.shape_cast %get3A_3439 : vector<1x16xf32> to vector<16xf32>
      %add3A_3441 = arith.addf %add3A_3417, %get3A_3440 : vector<16xf32>
      %get3A_3442 = arith.constant 38 : i32
      %get3A_3443 = arith.index_cast %get3A_3442 : i32 to index
      %get3A_3444 = arith.constant 0 : index
      %get3A_3445 = tpu.vector_load %arg8[%get3A_3443, %get3A_3444] {strides = array<i32>} : memref<50x64xf32, #tpu.memory_space<vmem>>, vector<1x16xf32>,
      %get3A_3446 = vector.shape_cast %get3A_3445 : vector<1x16xf32> to vector<16xf32>
      %add3A_3447 = arith.addf %add3A_3423, %get3A_3446 : vector<16xf32>
      %get3A_3448 = arith.constant 38 : i32
      %get3A_3449 = arith.index_cast %get3A_3448 : i32 to index
      %get3A_3450 = arith.constant 16 : index
      %get3A_3451 = tpu.vector_load %arg8[%get3A_3449, %get3A_3450] {strides = array<i32>} : memref<50x64xf32, #tpu.memory_space<vmem>>, vector<1x16xf32>,
      %get3A_3452 = vector.shape_cast %get3A_3451 : vector<1x16xf32> to vector<16xf32>
      %add3A_3453 = arith.addf %add3A_3429, %get3A_3452 : vector<16xf32>
      %get3A_3454 = arith.constant 38 : i32
      %get3A_3455 = arith.index_cast %get3A_3454 : i32 to index
      %get3A_3456 = arith.constant 32 : index
      %get3A_3457 = tpu.vector_load %arg8[%get3A_3455, %get3A_3456] {strides = array<i32>} : memref<50x64xf32, #tpu.memory_space<vmem>>, vector<1x16xf32>,
      %get3A_3458 = vector.shape_cast %get3A_3457 : vector<1x16xf32> to vector<16xf32>
      %add3A_3459 = arith.addf %add3A_3435, %get3A_3458 : vector<16xf32>
      %get3A_3460 = arith.constant 38 : i32
      %get3A_3461 = arith.index_cast %get3A_3460 : i32 to index
      %get3A_3462 = arith.constant 48 : index
      %get3A_3463 = tpu.vector_load %arg8[%get3A_3461, %get3A_3462] {strides = array<i32>} : memref<50x64xf32, #tpu.memory_space<vmem>>, vector<1x16xf32>,
      %get3A_3464 = vector.shape_cast %get3A_3463 : vector<1x16xf32> to vector<16xf32>
      %add3A_3465 = arith.addf %add3A_3441, %get3A_3464 : vector<16xf32>
      %get3A_3466 = arith.constant 39 : i32
      %get3A_3467 = arith.index_cast %get3A_3466 : i32 to index
      %get3A_3468 = arith.constant 0 : index
      %get3A_3469 = tpu.vector_load %arg8[%get3A_3467, %get3A_3468] {strides = array<i32>} : memref<50x64xf32, #tpu.memory_space<vmem>>, vector<1x16xf32>,
      %get3A_3470 = vector.shape_cast %get3A_3469 : vector<1x16xf32> to vector<16xf32>
      %add3A_3471 = arith.addf %add3A_3447, %get3A_3470 : vector<16xf32>
      %get3A_3472 = arith.constant 39 : i32
      %get3A_3473 = arith.index_cast %get3A_3472 : i32 to index
      %get3A_3474 = arith.constant 16 : index
      %get3A_3475 = tpu.vector_load %arg8[%get3A_3473, %get3A_3474] {strides = array<i32>} : memref<50x64xf32, #tpu.memory_space<vmem>>, vector<1x16xf32>,
      %get3A_3476 = vector.shape_cast %get3A_3475 : vector<1x16xf32> to vector<16xf32>
      %add3A_3477 = arith.addf %add3A_3453, %get3A_3476 : vector<16xf32>
      %get3A_3478 = arith.constant 39 : i32
      %get3A_3479 = arith.index_cast %get3A_3478 : i32 to index
      %get3A_3480 = arith.constant 32 : index
      %get3A_3481 = tpu.vector_load %arg8[%get3A_3479, %get3A_3480] {strides = array<i32>} : memref<50x64xf32, #tpu.memory_space<vmem>>, vector<1x16xf32>,
      %get3A_3482 = vector.shape_cast %get3A_3481 : vector<1x16xf32> to vector<16xf32>
      %add3A_3483 = arith.addf %add3A_3459, %get3A_3482 : vector<16xf32>
      %get3A_3484 = arith.constant 39 : i32
      %get3A_3485 = arith.index_cast %get3A_3484 : i32 to index
      %get3A_3486 = arith.constant 48 : index
      %get3A_3487 = tpu.vector_load %arg8[%get3A_3485, %get3A_3486] {strides = array<i32>} : memref<50x64xf32, #tpu.memory_space<vmem>>, vector<1x16xf32>,
      %get3A_3488 = vector.shape_cast %get3A_3487 : vector<1x16xf32> to vector<16xf32>
      %add3A_3489 = arith.addf %add3A_3465, %get3A_3488 : vector<16xf32>
      %get3A_3490 = arith.constant 40 : i32
      %get3A_3491 = arith.index_cast %get3A_3490 : i32 to index
      %get3A_3492 = arith.constant 0 : index
      %get3A_3493 = tpu.vector_load %arg8[%get3A_3491, %get3A_3492] {strides = array<i32>} : memref<50x64xf32, #tpu.memory_space<vmem>>, vector<1x16xf32>,
      %get3A_3494 = vector.shape_cast %get3A_3493 : vector<1x16xf32> to vector<16xf32>
      %add3A_3495 = arith.addf %add3A_3471, %get3A_3494 : vector<16xf32>
      %get3A_3496 = arith.constant 40 : i32
      %get3A_3497 = arith.index_cast %get3A_3496 : i32 to index
      %get3A_3498 = arith.constant 16 : index
      %get3A_3499 = tpu.vector_load %arg8[%get3A_3497, %get3A_3498] {strides = array<i32>} : memref<50x64xf32, #tpu.memory_space<vmem>>, vector<1x16xf32>,
      %get3A_3500 = vector.shape_cast %get3A_3499 : vector<1x16xf32> to vector<16xf32>
      %add3A_3501 = arith.addf %add3A_3477, %get3A_3500 : vector<16xf32>
      %get3A_3502 = arith.constant 40 : i32
      %get3A_3503 = arith.index_cast %get3A_3502 : i32 to index
      %get3A_3504 = arith.constant 32 : index
      %get3A_3505 = tpu.vector_load %arg8[%get3A_3503, %get3A_3504] {strides = array<i32>} : memref<50x64xf32, #tpu.memory_space<vmem>>, vector<1x16xf32>,
      %get3A_3506 = vector.shape_cast %get3A_3505 : vector<1x16xf32> to vector<16xf32>
      %add3A_3507 = arith.addf %add3A_3483, %get3A_3506 : vector<16xf32>
      %get3A_3508 = arith.constant 40 : i32
      %get3A_3509 = arith.index_cast %get3A_3508 : i32 to index
      %get3A_3510 = arith.constant 48 : index
      %get3A_3511 = tpu.vector_load %arg8[%get3A_3509, %get3A_3510] {strides = array<i32>} : memref<50x64xf32, #tpu.memory_space<vmem>>, vector<1x16xf32>,
      %get3A_3512 = vector.shape_cast %get3A_3511 : vector<1x16xf32> to vector<16xf32>
      %add3A_3513 = arith.addf %add3A_3489, %get3A_3512 : vector<16xf32>
      %get3A_3514 = arith.constant 41 : i32
      %get3A_3515 = arith.index_cast %get3A_3514 : i32 to index
      %get3A_3516 = arith.constant 0 : index
      %get3A_3517 = tpu.vector_load %arg8[%get3A_3515, %get3A_3516] {strides = array<i32>} : memref<50x64xf32, #tpu.memory_space<vmem>>, vector<1x16xf32>,
      %get3A_3518 = vector.shape_cast %get3A_3517 : vector<1x16xf32> to vector<16xf32>
      %add3A_3519 = arith.addf %add3A_3495, %get3A_3518 : vector<16xf32>
      %get3A_3520 = arith.constant 41 : i32
      %get3A_3521 = arith.index_cast %get3A_3520 : i32 to index
      %get3A_3522 = arith.constant 16 : index
      %get3A_3523 = tpu.vector_load %arg8[%get3A_3521, %get3A_3522] {strides = array<i32>} : memref<50x64xf32, #tpu.memory_space<vmem>>, vector<1x16xf32>,
      %get3A_3524 = vector.shape_cast %get3A_3523 : vector<1x16xf32> to vector<16xf32>
      %add3A_3525 = arith.addf %add3A_3501, %get3A_3524 : vector<16xf32>
      %get3A_3526 = arith.constant 41 : i32
      %get3A_3527 = arith.index_cast %get3A_3526 : i32 to index
      %get3A_3528 = arith.constant 32 : index
      %get3A_3529 = tpu.vector_load %arg8[%get3A_3527, %get3A_3528] {strides = array<i32>} : memref<50x64xf32, #tpu.memory_space<vmem>>, vector<1x16xf32>,
      %get3A_3530 = vector.shape_cast %get3A_3529 : vector<1x16xf32> to vector<16xf32>
      %add3A_3531 = arith.addf %add3A_3507, %get3A_3530 : vector<16xf32>
      %get3A_3532 = arith.constant 41 : i32
      %get3A_3533 = arith.index_cast %get3A_3532 : i32 to index
      %get3A_3534 = arith.constant 48 : index
      %get3A_3535 = tpu.vector_load %arg8[%get3A_3533, %get3A_3534] {strides = array<i32>} : memref<50x64xf32, #tpu.memory_space<vmem>>, vector<1x16xf32>,
      %get3A_3536 = vector.shape_cast %get3A_3535 : vector<1x16xf32> to vector<16xf32>
      %add3A_3537 = arith.addf %add3A_3513, %get3A_3536 : vector<16xf32>
      %get3A_3538 = arith.constant 42 : i32
      %get3A_3539 = arith.index_cast %get3A_3538 : i32 to index
      %get3A_3540 = arith.constant 0 : index
      %get3A_3541 = tpu.vector_load %arg8[%get3A_3539, %get3A_3540] {strides = array<i32>} : memref<50x64xf32, #tpu.memory_space<vmem>>, vector<1x16xf32>,
      %get3A_3542 = vector.shape_cast %get3A_3541 : vector<1x16xf32> to vector<16xf32>
      %add3A_3543 = arith.addf %add3A_3519, %get3A_3542 : vector<16xf32>
      %get3A_3544 = arith.constant 42 : i32
      %get3A_3545 = arith.index_cast %get3A_3544 : i32 to index
      %get3A_3546 = arith.constant 16 : index
      %get3A_3547 = tpu.vector_load %arg8[%get3A_3545, %get3A_3546] {strides = array<i32>} : memref<50x64xf32, #tpu.memory_space<vmem>>, vector<1x16xf32>,
      %get3A_3548 = vector.shape_cast %get3A_3547 : vector<1x16xf32> to vector<16xf32>
      %add3A_3549 = arith.addf %add3A_3525, %get3A_3548 : vector<16xf32>
      %get3A_3550 = arith.constant 42 : i32
      %get3A_3551 = arith.index_cast %get3A_3550 : i32 to index
      %get3A_3552 = arith.constant 32 : index
      %get3A_3553 = tpu.vector_load %arg8[%get3A_3551, %get3A_3552] {strides = array<i32>} : memref<50x64xf32, #tpu.memory_space<vmem>>, vector<1x16xf32>,
      %get3A_3554 = vector.shape_cast %get3A_3553 : vector<1x16xf32> to vector<16xf32>
      %add3A_3555 = arith.addf %add3A_3531, %get3A_3554 : vector<16xf32>
      %get3A_3556 = arith.constant 42 : i32
      %get3A_3557 = arith.index_cast %get3A_3556 : i32 to index
      %get3A_3558 = arith.constant 48 : index
      %get3A_3559 = tpu.vector_load %arg8[%get3A_3557, %get3A_3558] {strides = array<i32>} : memref<50x64xf32, #tpu.memory_space<vmem>>, vector<1x16xf32>,
      %get3A_3560 = vector.shape_cast %get3A_3559 : vector<1x16xf32> to vector<16xf32>
      %add3A_3561 = arith.addf %add3A_3537, %get3A_3560 : vector<16xf32>
      %get3A_3562 = arith.constant 43 : i32
      %get3A_3563 = arith.index_cast %get3A_3562 : i32 to index
      %get3A_3564 = arith.constant 0 : index
      %get3A_3565 = tpu.vector_load %arg8[%get3A_3563, %get3A_3564] {strides = array<i32>} : memref<50x64xf32, #tpu.memory_space<vmem>>, vector<1x16xf32>,
      %get3A_3566 = vector.shape_cast %get3A_3565 : vector<1x16xf32> to vector<16xf32>
      %add3A_3567 = arith.addf %add3A_3543, %get3A_3566 : vector<16xf32>
      %get3A_3568 = arith.constant 43 : i32
      %get3A_3569 = arith.index_cast %get3A_3568 : i32 to index
      %get3A_3570 = arith.constant 16 : index
      %get3A_3571 = tpu.vector_load %arg8[%get3A_3569, %get3A_3570] {strides = array<i32>} : memref<50x64xf32, #tpu.memory_space<vmem>>, vector<1x16xf32>,
      %get3A_3572 = vector.shape_cast %get3A_3571 : vector<1x16xf32> to vector<16xf32>
      %add3A_3573 = arith.addf %add3A_3549, %get3A_3572 : vector<16xf32>
      %get3A_3574 = arith.constant 43 : i32
      %get3A_3575 = arith.index_cast %get3A_3574 : i32 to index
      %get3A_3576 = arith.constant 32 : index
      %get3A_3577 = tpu.vector_load %arg8[%get3A_3575, %get3A_3576] {strides = array<i32>} : memref<50x64xf32, #tpu.memory_space<vmem>>, vector<1x16xf32>,
      %get3A_3578 = vector.shape_cast %get3A_3577 : vector<1x16xf32> to vector<16xf32>
      %add3A_3579 = arith.addf %add3A_3555, %get3A_3578 : vector<16xf32>
      %get3A_3580 = arith.constant 43 : i32
      %get3A_3581 = arith.index_cast %get3A_3580 : i32 to index
      %get3A_3582 = arith.constant 48 : index
      %get3A_3583 = tpu.vector_load %arg8[%get3A_3581, %get3A_3582] {strides = array<i32>} : memref<50x64xf32, #tpu.memory_space<vmem>>, vector<1x16xf32>,
      %get3A_3584 = vector.shape_cast %get3A_3583 : vector<1x16xf32> to vector<16xf32>
      %add3A_3585 = arith.addf %add3A_3561, %get3A_3584 : vector<16xf32>
      %get3A_3586 = arith.constant 44 : i32
      %get3A_3587 = arith.index_cast %get3A_3586 : i32 to index
      %get3A_3588 = arith.constant 0 : index
      %get3A_3589 = tpu.vector_load %arg8[%get3A_3587, %get3A_3588] {strides = array<i32>} : memref<50x64xf32, #tpu.memory_space<vmem>>, vector<1x16xf32>,
      %get3A_3590 = vector.shape_cast %get3A_3589 : vector<1x16xf32> to vector<16xf32>
      %add3A_3591 = arith.addf %add3A_3567, %get3A_3590 : vector<16xf32>
      %get3A_3592 = arith.constant 44 : i32
      %get3A_3593 = arith.index_cast %get3A_3592 : i32 to index
      %get3A_3594 = arith.constant 16 : index
      %get3A_3595 = tpu.vector_load %arg8[%get3A_3593, %get3A_3594] {strides = array<i32>} : memref<50x64xf32, #tpu.memory_space<vmem>>, vector<1x16xf32>,
      %get3A_3596 = vector.shape_cast %get3A_3595 : vector<1x16xf32> to vector<16xf32>
      %add3A_3597 = arith.addf %add3A_3573, %get3A_3596 : vector<16xf32>
      %get3A_3598 = arith.constant 44 : i32
      %get3A_3599 = arith.index_cast %get3A_3598 : i32 to index
      %get3A_3600 = arith.constant 32 : index
      %get3A_3601 = tpu.vector_load %arg8[%get3A_3599, %get3A_3600] {strides = array<i32>} : memref<50x64xf32, #tpu.memory_space<vmem>>, vector<1x16xf32>,
      %get3A_3602 = vector.shape_cast %get3A_3601 : vector<1x16xf32> to vector<16xf32>
      %add3A_3603 = arith.addf %add3A_3579, %get3A_3602 : vector<16xf32>
      %get3A_3604 = arith.constant 44 : i32
      %get3A_3605 = arith.index_cast %get3A_3604 : i32 to index
      %get3A_3606 = arith.constant 48 : index
      %get3A_3607 = tpu.vector_load %arg8[%get3A_3605, %get3A_3606] {strides = array<i32>} : memref<50x64xf32, #tpu.memory_space<vmem>>, vector<1x16xf32>,
      %get3A_3608 = vector.shape_cast %get3A_3607 : vector<1x16xf32> to vector<16xf32>
      %add3A_3609 = arith.addf %add3A_3585, %get3A_3608 : vector<16xf32>
      %get3A_3610 = arith.constant 45 : i32
      %get3A_3611 = arith.index_cast %get3A_3610 : i32 to index
      %get3A_3612 = arith.constant 0 : index
      %get3A_3613 = tpu.vector_load %arg8[%get3A_3611, %get3A_3612] {strides = array<i32>} : memref<50x64xf32, #tpu.memory_space<vmem>>, vector<1x16xf32>,
      %get3A_3614 = vector.shape_cast %get3A_3613 : vector<1x16xf32> to vector<16xf32>
      %add3A_3615 = arith.addf %add3A_3591, %get3A_3614 : vector<16xf32>
      %get3A_3616 = arith.constant 45 : i32
      %get3A_3617 = arith.index_cast %get3A_3616 : i32 to index
      %get3A_3618 = arith.constant 16 : index
      %get3A_3619 = tpu.vector_load %arg8[%get3A_3617, %get3A_3618] {strides = array<i32>} : memref<50x64xf32, #tpu.memory_space<vmem>>, vector<1x16xf32>,
      %get3A_3620 = vector.shape_cast %get3A_3619 : vector<1x16xf32> to vector<16xf32>
      %add3A_3621 = arith.addf %add3A_3597, %get3A_3620 : vector<16xf32>
      %get3A_3622 = arith.constant 45 : i32
      %get3A_3623 = arith.index_cast %get3A_3622 : i32 to index
      %get3A_3624 = arith.constant 32 : index
      %get3A_3625 = tpu.vector_load %arg8[%get3A_3623, %get3A_3624] {strides = array<i32>} : memref<50x64xf32, #tpu.memory_space<vmem>>, vector<1x16xf32>,
      %get3A_3626 = vector.shape_cast %get3A_3625 : vector<1x16xf32> to vector<16xf32>
      %add3A_3627 = arith.addf %add3A_3603, %get3A_3626 : vector<16xf32>
      %get3A_3628 = arith.constant 45 : i32
      %get3A_3629 = arith.index_cast %get3A_3628 : i32 to index
      %get3A_3630 = arith.constant 48 : index
      %get3A_3631 = tpu.vector_load %arg8[%get3A_3629, %get3A_3630] {strides = array<i32>} : memref<50x64xf32, #tpu.memory_space<vmem>>, vector<1x16xf32>,
      %get3A_3632 = vector.shape_cast %get3A_3631 : vector<1x16xf32> to vector<16xf32>
      %add3A_3633 = arith.addf %add3A_3609, %get3A_3632 : vector<16xf32>
      %get3A_3634 = arith.constant 46 : i32
      %get3A_3635 = arith.index_cast %get3A_3634 : i32 to index
      %get3A_3636 = arith.constant 0 : index
      %get3A_3637 = tpu.vector_load %arg8[%get3A_3635, %get3A_3636] {strides = array<i32>} : memref<50x64xf32, #tpu.memory_space<vmem>>, vector<1x16xf32>,
      %get3A_3638 = vector.shape_cast %get3A_3637 : vector<1x16xf32> to vector<16xf32>
      %add3A_3639 = arith.addf %add3A_3615, %get3A_3638 : vector<16xf32>
      %get3A_3640 = arith.constant 46 : i32
      %get3A_3641 = arith.index_cast %get3A_3640 : i32 to index
      %get3A_3642 = arith.constant 16 : index
      %get3A_3643 = tpu.vector_load %arg8[%get3A_3641, %get3A_3642] {strides = array<i32>} : memref<50x64xf32, #tpu.memory_space<vmem>>, vector<1x16xf32>,
      %get3A_3644 = vector.shape_cast %get3A_3643 : vector<1x16xf32> to vector<16xf32>
      %add3A_3645 = arith.addf %add3A_3621, %get3A_3644 : vector<16xf32>
      %get3A_3646 = arith.constant 46 : i32
      %get3A_3647 = arith.index_cast %get3A_3646 : i32 to index
      %get3A_3648 = arith.constant 32 : index
      %get3A_3649 = tpu.vector_load %arg8[%get3A_3647, %get3A_3648] {strides = array<i32>} : memref<50x64xf32, #tpu.memory_space<vmem>>, vector<1x16xf32>,
      %get3A_3650 = vector.shape_cast %get3A_3649 : vector<1x16xf32> to vector<16xf32>
      %add3A_3651 = arith.addf %add3A_3627, %get3A_3650 : vector<16xf32>
      %get3A_3652 = arith.constant 46 : i32
      %get3A_3653 = arith.index_cast %get3A_3652 : i32 to index
      %get3A_3654 = arith.constant 48 : index
      %get3A_3655 = tpu.vector_load %arg8[%get3A_3653, %get3A_3654] {strides = array<i32>} : memref<50x64xf32, #tpu.memory_space<vmem>>, vector<1x16xf32>,
      %get3A_3656 = vector.shape_cast %get3A_3655 : vector<1x16xf32> to vector<16xf32>
      %add3A_3657 = arith.addf %add3A_3633, %get3A_3656 : vector<16xf32>
      %get3A_3658 = arith.constant 47 : i32
      %get3A_3659 = arith.index_cast %get3A_3658 : i32 to index
      %get3A_3660 = arith.constant 0 : index
      %get3A_3661 = tpu.vector_load %arg8[%get3A_3659, %get3A_3660] {strides = array<i32>} : memref<50x64xf32, #tpu.memory_space<vmem>>, vector<1x16xf32>,
      %get3A_3662 = vector.shape_cast %get3A_3661 : vector<1x16xf32> to vector<16xf32>
      %add3A_3663 = arith.addf %add3A_3639, %get3A_3662 : vector<16xf32>
      %get3A_3664 = arith.constant 47 : i32
      %get3A_3665 = arith.index_cast %get3A_3664 : i32 to index
      %get3A_3666 = arith.constant 16 : index
      %get3A_3667 = tpu.vector_load %arg8[%get3A_3665, %get3A_3666] {strides = array<i32>} : memref<50x64xf32, #tpu.memory_space<vmem>>, vector<1x16xf32>,
      %get3A_3668 = vector.shape_cast %get3A_3667 : vector<1x16xf32> to vector<16xf32>
      %add3A_3669 = arith.addf %add3A_3645, %get3A_3668 : vector<16xf32>
      %get3A_3670 = arith.constant 47 : i32
      %get3A_3671 = arith.index_cast %get3A_3670 : i32 to index
      %get3A_3672 = arith.constant 32 : index
      %get3A_3673 = tpu.vector_load %arg8[%get3A_3671, %get3A_3672] {strides = array<i32>} : memref<50x64xf32, #tpu.memory_space<vmem>>, vector<1x16xf32>,
      %get3A_3674 = vector.shape_cast %get3A_3673 : vector<1x16xf32> to vector<16xf32>
      %add3A_3675 = arith.addf %add3A_3651, %get3A_3674 : vector<16xf32>
      %get3A_3676 = arith.constant 47 : i32
      %get3A_3677 = arith.index_cast %get3A_3676 : i32 to index
      %get3A_3678 = arith.constant 48 : index
      %get3A_3679 = tpu.vector_load %arg8[%get3A_3677, %get3A_3678] {strides = array<i32>} : memref<50x64xf32, #tpu.memory_space<vmem>>, vector<1x16xf32>,
      %get3A_3680 = vector.shape_cast %get3A_3679 : vector<1x16xf32> to vector<16xf32>
      %add3A_3681 = arith.addf %add3A_3657, %get3A_3680 : vector<16xf32>
      %get3A_3682 = arith.constant 48 : i32
      %get3A_3683 = arith.index_cast %get3A_3682 : i32 to index
      %get3A_3684 = arith.constant 0 : index
      %get3A_3685 = tpu.vector_load %arg8[%get3A_3683, %get3A_3684] {strides = array<i32>} : memref<50x64xf32, #tpu.memory_space<vmem>>, vector<1x16xf32>,
      %get3A_3686 = vector.shape_cast %get3A_3685 : vector<1x16xf32> to vector<16xf32>
      %add3A_3687 = arith.addf %add3A_3663, %get3A_3686 : vector<16xf32>
      %get3A_3688 = arith.constant 48 : i32
      %get3A_3689 = arith.index_cast %get3A_3688 : i32 to index
      %get3A_3690 = arith.constant 16 : index
      %get3A_3691 = tpu.vector_load %arg8[%get3A_3689, %get3A_3690] {strides = array<i32>} : memref<50x64xf32, #tpu.memory_space<vmem>>, vector<1x16xf32>,
      %get3A_3692 = vector.shape_cast %get3A_3691 : vector<1x16xf32> to vector<16xf32>
      %add3A_3693 = arith.addf %add3A_3669, %get3A_3692 : vector<16xf32>
      %get3A_3694 = arith.constant 48 : i32
      %get3A_3695 = arith.index_cast %get3A_3694 : i32 to index
      %get3A_3696 = arith.constant 32 : index
      %get3A_3697 = tpu.vector_load %arg8[%get3A_3695, %get3A_3696] {strides = array<i32>} : memref<50x64xf32, #tpu.memory_space<vmem>>, vector<1x16xf32>,
      %get3A_3698 = vector.shape_cast %get3A_3697 : vector<1x16xf32> to vector<16xf32>
      %add3A_3699 = arith.addf %add3A_3675, %get3A_3698 : vector<16xf32>
      %get3A_3700 = arith.constant 48 : i32
      %get3A_3701 = arith.index_cast %get3A_3700 : i32 to index
      %get3A_3702 = arith.constant 48 : index
      %get3A_3703 = tpu.vector_load %arg8[%get3A_3701, %get3A_3702] {strides = array<i32>} : memref<50x64xf32, #tpu.memory_space<vmem>>, vector<1x16xf32>,
      %get3A_3704 = vector.shape_cast %get3A_3703 : vector<1x16xf32> to vector<16xf32>
      %add3A_3705 = arith.addf %add3A_3681, %get3A_3704 : vector<16xf32>
      %get3A_3706 = arith.constant 49 : i32
      %get3A_3707 = arith.index_cast %get3A_3706 : i32 to index
      %get3A_3708 = arith.constant 0 : index
      %get3A_3709 = tpu.vector_load %arg8[%get3A_3707, %get3A_3708] {strides = array<i32>} : memref<50x64xf32, #tpu.memory_space<vmem>>, vector<1x16xf32>,
      %get3A_3710 = vector.shape_cast %get3A_3709 : vector<1x16xf32> to vector<16xf32>
      %add3A_3711 = arith.addf %add3A_3687, %get3A_3710 : vector<16xf32>
      %get3A_3712 = arith.constant 49 : i32
      %get3A_3713 = arith.index_cast %get3A_3712 : i32 to index
      %get3A_3714 = arith.constant 16 : index
      %get3A_3715 = tpu.vector_load %arg8[%get3A_3713, %get3A_3714] {strides = array<i32>} : memref<50x64xf32, #tpu.memory_space<vmem>>, vector<1x16xf32>,
      %get3A_3716 = vector.shape_cast %get3A_3715 : vector<1x16xf32> to vector<16xf32>
      %add3A_3717 = arith.addf %add3A_3693, %get3A_3716 : vector<16xf32>
      %get3A_3718 = arith.constant 49 : i32
      %get3A_3719 = arith.index_cast %get3A_3718 : i32 to index
      %get3A_3720 = arith.constant 32 : index
      %get3A_3721 = tpu.vector_load %arg8[%get3A_3719, %get3A_3720] {strides = array<i32>} : memref<50x64xf32, #tpu.memory_space<vmem>>, vector<1x16xf32>,
      %get3A_3722 = vector.shape_cast %get3A_3721 : vector<1x16xf32> to vector<16xf32>
      %add3A_3723 = arith.addf %add3A_3699, %get3A_3722 : vector<16xf32>
      %get3A_3724 = arith.constant 49 : i32
      %get3A_3725 = arith.index_cast %get3A_3724 : i32 to index
      %get3A_3726 = arith.constant 48 : index
      %get3A_3727 = tpu.vector_load %arg8[%get3A_3725, %get3A_3726] {strides = array<i32>} : memref<50x64xf32, #tpu.memory_space<vmem>>, vector<1x16xf32>,
      %get3A_3728 = vector.shape_cast %get3A_3727 : vector<1x16xf32> to vector<16xf32>
      %add3A_3729 = arith.addf %add3A_3705, %get3A_3728 : vector<16xf32>
      %mul3A_3730 = arith.constant 2.000000e-02 : f32
      %mul3A_3731 = vector.broadcast %mul3A_3730 : f32 to vector<16xf32>
      %mul3A_3732 = arith.mulf %add3A_3711, %mul3A_3731 : vector<16xf32>
      %swap3A_3733 = arith.index_cast %add3A_2527 : i32 to index
      %swap3A_3734 = arith.constant 0 : index
      %swap3A_3735 = tpu.vector_load %arg10[%swap3A_3733, %swap3A_3734] {strides = array<i32>} : memref<512x64xf32, #tpu.memory_space<vmem>>, vector<1x16xf32>,
      %swap3A_3736 = vector.shape_cast %swap3A_3735 : vector<1x16xf32> to vector<16xf32>
      %swap3A_3737 = vector.shape_cast %mul3A_3732 : vector<16xf32> to vector<1x16xf32>
      tpu.vector_store %arg10[%swap3A_3733, %swap3A_3734], %swap3A_3737 {strides = array<i32>} : memref<512x64xf32, #tpu.memory_space<vmem>>, vector<1x16xf32>,
      %mul3A_3738 = arith.constant 2.000000e-02 : f32
      %mul3A_3739 = vector.broadcast %mul3A_3738 : f32 to vector<16xf32>
      %mul3A_3740 = arith.mulf %add3A_3717, %mul3A_3739 : vector<16xf32>
      %swap3A_3741 = arith.index_cast %add3A_2527 : i32 to index
      %swap3A_3742 = arith.constant 16 : index
      %swap3A_3743 = tpu.vector_load %arg10[%swap3A_3741, %swap3A_3742] {strides = array<i32>} : memref<512x64xf32, #tpu.memory_space<vmem>>, vector<1x16xf32>,
      %swap3A_3744 = vector.shape_cast %swap3A_3743 : vector<1x16xf32> to vector<16xf32>
      %swap3A_3745 = vector.shape_cast %mul3A_3740 : vector<16xf32> to vector<1x16xf32>
      tpu.vector_store %arg10[%swap3A_3741, %swap3A_3742], %swap3A_3745 {strides = array<i32>} : memref<512x64xf32, #tpu.memory_space<vmem>>, vector<1x16xf32>,
      %mul3A_3746 = arith.constant 2.000000e-02 : f32
      %mul3A_3747 = vector.broadcast %mul3A_3746 : f32 to vector<16xf32>
      %mul3A_3748 = arith.mulf %add3A_3723, %mul3A_3747 : vector<16xf32>
      %swap3A_3749 = arith.index_cast %add3A_2527 : i32 to index
      %swap3A_3750 = arith.constant 32 : index
      %swap3A_3751 = tpu.vector_load %arg10[%swap3A_3749, %swap3A_3750] {strides = array<i32>} : memref<512x64xf32, #tpu.memory_space<vmem>>, vector<1x16xf32>,
      %swap3A_3752 = vector.shape_cast %swap3A_3751 : vector<1x16xf32> to vector<16xf32>
      %swap3A_3753 = vector.shape_cast %mul3A_3748 : vector<16xf32> to vector<1x16xf32>
      tpu.vector_store %arg10[%swap3A_3749, %swap3A_3750], %swap3A_3753 {strides = array<i32>} : memref<512x64xf32, #tpu.memory_space<vmem>>, vector<1x16xf32>,
      %mul3A_3754 = arith.constant 2.000000e-02 : f32
      %mul3A_3755 = vector.broadcast %mul3A_3754 : f32 to vector<16xf32>
      %mul3A_3756 = arith.mulf %add3A_3729, %mul3A_3755 : vector<16xf32>
      %swap3A_3757 = arith.index_cast %add3A_2527 : i32 to index
      %swap3A_3758 = arith.constant 48 : index
      %swap3A_3759 = tpu.vector_load %arg10[%swap3A_3757, %swap3A_3758] {strides = array<i32>} : memref<512x64xf32, #tpu.memory_space<vmem>>, vector<1x16xf32>,
      %swap3A_3760 = vector.shape_cast %swap3A_3759 : vector<1x16xf32> to vector<16xf32>
      %swap3A_3761 = vector.shape_cast %mul3A_3756 : vector<16xf32> to vector<1x16xf32>
      tpu.vector_store %arg10[%swap3A_3757, %swap3A_3758], %swap3A_3761 {strides = array<i32>} : memref<512x64xf32, #tpu.memory_space<vmem>>, vector<1x16xf32>,
      %add3A_3762 = arith.constant 4 : i32
      %add3A_3763 = arith.addi %add3A_2527, %add3A_3762 : i32
      %lt3A_3764 = arith.constant 512 : i32
      %lt3A_3765 = arith.cmpi slt, %add3A_3763, %lt3A_3764 : i32
      %convert_element_type3A_3766 = arith.extui %lt3A_3765 : i1 to i32
      %cond3A_3767 = arith.constant 0 : i32
      %cond3A_3768 = arith.cmpi ne, %convert_element_type3A_3766, %cond3A_3767 : i32
      scf.if %cond3A_3768 {
        %dma_start3A_5015 = arith.constant 0 : i32
        %dma_start3A_5016 = tpu.memref_slice %arg5[%add3A_3763, %dma_start3A_5015] : memref<512x50xi32, #tpu.memory_space<vmem>> -> memref<1x50xi32, #tpu.memory_space<vmem>>
        %dma_start3A_5017 = tpu.memref_squeeze %dma_start3A_5016 : memref<1x50xi32, #tpu.memory_space<vmem>> -> memref<50xi32, #tpu.memory_space<vmem>>
        %dma_start3A_5018 = arith.constant 0 : i32
        %dma_start3A_5019 = arith.constant 0 : i32
        %dma_start3A_5020 = tpu.memref_slice %arg3[%dma_start3A_5018, %dma_start3A_5019] : memref<1000000x64xf32, #tpu.memory_space<hbm>> -> memref<1000000x64xf32, #tpu.memory_space<hbm>>
        tpu.enqueue_indirect_dma source(%dma_start3A_5020 : memref<1000000x64xf32, #tpu.memory_space<hbm>>) target(%arg8 : memref<50x64xf32, #tpu.memory_space<vmem>>) offsets(%dma_start3A_5017 : memref<50xi32, #tpu.memory_space<vmem>>) semaphore(%arg13 : memref<!tpu.dma_semaphore, #tpu.memory_space<semaphore_mem>>)
      } else {
      }
      %mul3A_3769 = arith.constant 4 : i32
      %mul3A_3770 = arith.muli %scan3A_38, %mul3A_3769 : i32
      %add3A_3771 = arith.constant 3 : i32
      %add3A_3772 = arith.addi %mul3A_3770, %add3A_3771 : i32
      %dma_wait3A_3773 = arith.constant 0 : i32
      %dma_wait3A_3774 = tpu.memref_slice %arg5[%add3A_3772, %dma_wait3A_3773] : memref<512x50xi32, #tpu.memory_space<vmem>> -> memref<1x50xi32, #tpu.memory_space<vmem>>
      %dma_wait3A_3775 = tpu.memref_squeeze %dma_wait3A_3774 : memref<1x50xi32, #tpu.memory_space<vmem>> -> memref<50xi32, #tpu.memory_space<vmem>>
      %dma_wait3A_3776 = arith.constant 0 : i32
      %dma_wait3A_3777 = arith.constant 0 : i32
      %dma_wait3A_3778 = tpu.memref_slice %arg3[%dma_wait3A_3776, %dma_wait3A_3777] : memref<1000000x64xf32, #tpu.memory_space<hbm>> -> memref<1000000x64xf32, #tpu.memory_space<hbm>>
      tpu.wait_indirect_dma semaphore(%arg14 : memref<!tpu.dma_semaphore, #tpu.memory_space<semaphore_mem>>) src(%dma_wait3A_3778 : memref<1000000x64xf32, #tpu.memory_space<hbm>>) dst(%arg9 : memref<50x64xf32, #tpu.memory_space<vmem>>)
      %get3A_3779 = arith.constant 0 : i32
      %get3A_3780 = arith.index_cast %get3A_3779 : i32 to index
      %get3A_3781 = arith.constant 0 : index
      %get3A_3782 = tpu.vector_load %arg9[%get3A_3780, %get3A_3781] {strides = array<i32>} : memref<50x64xf32, #tpu.memory_space<vmem>>, vector<1x16xf32>,
      %get3A_3783 = vector.shape_cast %get3A_3782 : vector<1x16xf32> to vector<16xf32>
      %get3A_3784 = arith.constant 0 : i32
      %get3A_3785 = arith.index_cast %get3A_3784 : i32 to index
      %get3A_3786 = arith.constant 16 : index
      %get3A_3787 = tpu.vector_load %arg9[%get3A_3785, %get3A_3786] {strides = array<i32>} : memref<50x64xf32, #tpu.memory_space<vmem>>, vector<1x16xf32>,
      %get3A_3788 = vector.shape_cast %get3A_3787 : vector<1x16xf32> to vector<16xf32>
      %get3A_3789 = arith.constant 0 : i32
      %get3A_3790 = arith.index_cast %get3A_3789 : i32 to index
      %get3A_3791 = arith.constant 32 : index
      %get3A_3792 = tpu.vector_load %arg9[%get3A_3790, %get3A_3791] {strides = array<i32>} : memref<50x64xf32, #tpu.memory_space<vmem>>, vector<1x16xf32>,
      %get3A_3793 = vector.shape_cast %get3A_3792 : vector<1x16xf32> to vector<16xf32>
      %get3A_3794 = arith.constant 0 : i32
      %get3A_3795 = arith.index_cast %get3A_3794 : i32 to index
      %get3A_3796 = arith.constant 48 : index
      %get3A_3797 = tpu.vector_load %arg9[%get3A_3795, %get3A_3796] {strides = array<i32>} : memref<50x64xf32, #tpu.memory_space<vmem>>, vector<1x16xf32>,
      %get3A_3798 = vector.shape_cast %get3A_3797 : vector<1x16xf32> to vector<16xf32>
      %get3A_3799 = arith.constant 1 : i32
      %get3A_3800 = arith.index_cast %get3A_3799 : i32 to index
      %get3A_3801 = arith.constant 0 : index
      %get3A_3802 = tpu.vector_load %arg9[%get3A_3800, %get3A_3801] {strides = array<i32>} : memref<50x64xf32, #tpu.memory_space<vmem>>, vector<1x16xf32>,
      %get3A_3803 = vector.shape_cast %get3A_3802 : vector<1x16xf32> to vector<16xf32>
      %add3A_3804 = arith.addf %get3A_3783, %get3A_3803 : vector<16xf32>
      %get3A_3805 = arith.constant 1 : i32
      %get3A_3806 = arith.index_cast %get3A_3805 : i32 to index
      %get3A_3807 = arith.constant 16 : index
      %get3A_3808 = tpu.vector_load %arg9[%get3A_3806, %get3A_3807] {strides = array<i32>} : memref<50x64xf32, #tpu.memory_space<vmem>>, vector<1x16xf32>,
      %get3A_3809 = vector.shape_cast %get3A_3808 : vector<1x16xf32> to vector<16xf32>
      %add3A_3810 = arith.addf %get3A_3788, %get3A_3809 : vector<16xf32>
      %get3A_3811 = arith.constant 1 : i32
      %get3A_3812 = arith.index_cast %get3A_3811 : i32 to index
      %get3A_3813 = arith.constant 32 : index
      %get3A_3814 = tpu.vector_load %arg9[%get3A_3812, %get3A_3813] {strides = array<i32>} : memref<50x64xf32, #tpu.memory_space<vmem>>, vector<1x16xf32>,
      %get3A_3815 = vector.shape_cast %get3A_3814 : vector<1x16xf32> to vector<16xf32>
      %add3A_3816 = arith.addf %get3A_3793, %get3A_3815 : vector<16xf32>
      %get3A_3817 = arith.constant 1 : i32
      %get3A_3818 = arith.index_cast %get3A_3817 : i32 to index
      %get3A_3819 = arith.constant 48 : index
      %get3A_3820 = tpu.vector_load %arg9[%get3A_3818, %get3A_3819] {strides = array<i32>} : memref<50x64xf32, #tpu.memory_space<vmem>>, vector<1x16xf32>,
      %get3A_3821 = vector.shape_cast %get3A_3820 : vector<1x16xf32> to vector<16xf32>
      %add3A_3822 = arith.addf %get3A_3798, %get3A_3821 : vector<16xf32>
      %get3A_3823 = arith.constant 2 : i32
      %get3A_3824 = arith.index_cast %get3A_3823 : i32 to index
      %get3A_3825 = arith.constant 0 : index
      %get3A_3826 = tpu.vector_load %arg9[%get3A_3824, %get3A_3825] {strides = array<i32>} : memref<50x64xf32, #tpu.memory_space<vmem>>, vector<1x16xf32>,
      %get3A_3827 = vector.shape_cast %get3A_3826 : vector<1x16xf32> to vector<16xf32>
      %add3A_3828 = arith.addf %add3A_3804, %get3A_3827 : vector<16xf32>
      %get3A_3829 = arith.constant 2 : i32
      %get3A_3830 = arith.index_cast %get3A_3829 : i32 to index
      %get3A_3831 = arith.constant 16 : index
      %get3A_3832 = tpu.vector_load %arg9[%get3A_3830, %get3A_3831] {strides = array<i32>} : memref<50x64xf32, #tpu.memory_space<vmem>>, vector<1x16xf32>,
      %get3A_3833 = vector.shape_cast %get3A_3832 : vector<1x16xf32> to vector<16xf32>
      %add3A_3834 = arith.addf %add3A_3810, %get3A_3833 : vector<16xf32>
      %get3A_3835 = arith.constant 2 : i32
      %get3A_3836 = arith.index_cast %get3A_3835 : i32 to index
      %get3A_3837 = arith.constant 32 : index
      %get3A_3838 = tpu.vector_load %arg9[%get3A_3836, %get3A_3837] {strides = array<i32>} : memref<50x64xf32, #tpu.memory_space<vmem>>, vector<1x16xf32>,
      %get3A_3839 = vector.shape_cast %get3A_3838 : vector<1x16xf32> to vector<16xf32>
      %add3A_3840 = arith.addf %add3A_3816, %get3A_3839 : vector<16xf32>
      %get3A_3841 = arith.constant 2 : i32
      %get3A_3842 = arith.index_cast %get3A_3841 : i32 to index
      %get3A_3843 = arith.constant 48 : index
      %get3A_3844 = tpu.vector_load %arg9[%get3A_3842, %get3A_3843] {strides = array<i32>} : memref<50x64xf32, #tpu.memory_space<vmem>>, vector<1x16xf32>,
      %get3A_3845 = vector.shape_cast %get3A_3844 : vector<1x16xf32> to vector<16xf32>
      %add3A_3846 = arith.addf %add3A_3822, %get3A_3845 : vector<16xf32>
      %get3A_3847 = arith.constant 3 : i32
      %get3A_3848 = arith.index_cast %get3A_3847 : i32 to index
      %get3A_3849 = arith.constant 0 : index
      %get3A_3850 = tpu.vector_load %arg9[%get3A_3848, %get3A_3849] {strides = array<i32>} : memref<50x64xf32, #tpu.memory_space<vmem>>, vector<1x16xf32>,
      %get3A_3851 = vector.shape_cast %get3A_3850 : vector<1x16xf32> to vector<16xf32>
      %add3A_3852 = arith.addf %add3A_3828, %get3A_3851 : vector<16xf32>
      %get3A_3853 = arith.constant 3 : i32
      %get3A_3854 = arith.index_cast %get3A_3853 : i32 to index
      %get3A_3855 = arith.constant 16 : index
      %get3A_3856 = tpu.vector_load %arg9[%get3A_3854, %get3A_3855] {strides = array<i32>} : memref<50x64xf32, #tpu.memory_space<vmem>>, vector<1x16xf32>,
      %get3A_3857 = vector.shape_cast %get3A_3856 : vector<1x16xf32> to vector<16xf32>
      %add3A_3858 = arith.addf %add3A_3834, %get3A_3857 : vector<16xf32>
      %get3A_3859 = arith.constant 3 : i32
      %get3A_3860 = arith.index_cast %get3A_3859 : i32 to index
      %get3A_3861 = arith.constant 32 : index
      %get3A_3862 = tpu.vector_load %arg9[%get3A_3860, %get3A_3861] {strides = array<i32>} : memref<50x64xf32, #tpu.memory_space<vmem>>, vector<1x16xf32>,
      %get3A_3863 = vector.shape_cast %get3A_3862 : vector<1x16xf32> to vector<16xf32>
      %add3A_3864 = arith.addf %add3A_3840, %get3A_3863 : vector<16xf32>
      %get3A_3865 = arith.constant 3 : i32
      %get3A_3866 = arith.index_cast %get3A_3865 : i32 to index
      %get3A_3867 = arith.constant 48 : index
      %get3A_3868 = tpu.vector_load %arg9[%get3A_3866, %get3A_3867] {strides = array<i32>} : memref<50x64xf32, #tpu.memory_space<vmem>>, vector<1x16xf32>,
      %get3A_3869 = vector.shape_cast %get3A_3868 : vector<1x16xf32> to vector<16xf32>
      %add3A_3870 = arith.addf %add3A_3846, %get3A_3869 : vector<16xf32>
      %get3A_3871 = arith.constant 4 : i32
      %get3A_3872 = arith.index_cast %get3A_3871 : i32 to index
      %get3A_3873 = arith.constant 0 : index
      %get3A_3874 = tpu.vector_load %arg9[%get3A_3872, %get3A_3873] {strides = array<i32>} : memref<50x64xf32, #tpu.memory_space<vmem>>, vector<1x16xf32>,
      %get3A_3875 = vector.shape_cast %get3A_3874 : vector<1x16xf32> to vector<16xf32>
      %add3A_3876 = arith.addf %add3A_3852, %get3A_3875 : vector<16xf32>
      %get3A_3877 = arith.constant 4 : i32
      %get3A_3878 = arith.index_cast %get3A_3877 : i32 to index
      %get3A_3879 = arith.constant 16 : index
      %get3A_3880 = tpu.vector_load %arg9[%get3A_3878, %get3A_3879] {strides = array<i32>} : memref<50x64xf32, #tpu.memory_space<vmem>>, vector<1x16xf32>,
      %get3A_3881 = vector.shape_cast %get3A_3880 : vector<1x16xf32> to vector<16xf32>
      %add3A_3882 = arith.addf %add3A_3858, %get3A_3881 : vector<16xf32>
      %get3A_3883 = arith.constant 4 : i32
      %get3A_3884 = arith.index_cast %get3A_3883 : i32 to index
      %get3A_3885 = arith.constant 32 : index
      %get3A_3886 = tpu.vector_load %arg9[%get3A_3884, %get3A_3885] {strides = array<i32>} : memref<50x64xf32, #tpu.memory_space<vmem>>, vector<1x16xf32>,
      %get3A_3887 = vector.shape_cast %get3A_3886 : vector<1x16xf32> to vector<16xf32>
      %add3A_3888 = arith.addf %add3A_3864, %get3A_3887 : vector<16xf32>
      %get3A_3889 = arith.constant 4 : i32
      %get3A_3890 = arith.index_cast %get3A_3889 : i32 to index
      %get3A_3891 = arith.constant 48 : index
      %get3A_3892 = tpu.vector_load %arg9[%get3A_3890, %get3A_3891] {strides = array<i32>} : memref<50x64xf32, #tpu.memory_space<vmem>>, vector<1x16xf32>,
      %get3A_3893 = vector.shape_cast %get3A_3892 : vector<1x16xf32> to vector<16xf32>
      %add3A_3894 = arith.addf %add3A_3870, %get3A_3893 : vector<16xf32>
      %get3A_3895 = arith.constant 5 : i32
      %get3A_3896 = arith.index_cast %get3A_3895 : i32 to index
      %get3A_3897 = arith.constant 0 : index
      %get3A_3898 = tpu.vector_load %arg9[%get3A_3896, %get3A_3897] {strides = array<i32>} : memref<50x64xf32, #tpu.memory_space<vmem>>, vector<1x16xf32>,
      %get3A_3899 = vector.shape_cast %get3A_3898 : vector<1x16xf32> to vector<16xf32>
      %add3A_3900 = arith.addf %add3A_3876, %get3A_3899 : vector<16xf32>
      %get3A_3901 = arith.constant 5 : i32
      %get3A_3902 = arith.index_cast %get3A_3901 : i32 to index
      %get3A_3903 = arith.constant 16 : index
      %get3A_3904 = tpu.vector_load %arg9[%get3A_3902, %get3A_3903] {strides = array<i32>} : memref<50x64xf32, #tpu.memory_space<vmem>>, vector<1x16xf32>,
      %get3A_3905 = vector.shape_cast %get3A_3904 : vector<1x16xf32> to vector<16xf32>
      %add3A_3906 = arith.addf %add3A_3882, %get3A_3905 : vector<16xf32>
      %get3A_3907 = arith.constant 5 : i32
      %get3A_3908 = arith.index_cast %get3A_3907 : i32 to index
      %get3A_3909 = arith.constant 32 : index
      %get3A_3910 = tpu.vector_load %arg9[%get3A_3908, %get3A_3909] {strides = array<i32>} : memref<50x64xf32, #tpu.memory_space<vmem>>, vector<1x16xf32>,
      %get3A_3911 = vector.shape_cast %get3A_3910 : vector<1x16xf32> to vector<16xf32>
      %add3A_3912 = arith.addf %add3A_3888, %get3A_3911 : vector<16xf32>
      %get3A_3913 = arith.constant 5 : i32
      %get3A_3914 = arith.index_cast %get3A_3913 : i32 to index
      %get3A_3915 = arith.constant 48 : index
      %get3A_3916 = tpu.vector_load %arg9[%get3A_3914, %get3A_3915] {strides = array<i32>} : memref<50x64xf32, #tpu.memory_space<vmem>>, vector<1x16xf32>,
      %get3A_3917 = vector.shape_cast %get3A_3916 : vector<1x16xf32> to vector<16xf32>
      %add3A_3918 = arith.addf %add3A_3894, %get3A_3917 : vector<16xf32>
      %get3A_3919 = arith.constant 6 : i32
      %get3A_3920 = arith.index_cast %get3A_3919 : i32 to index
      %get3A_3921 = arith.constant 0 : index
      %get3A_3922 = tpu.vector_load %arg9[%get3A_3920, %get3A_3921] {strides = array<i32>} : memref<50x64xf32, #tpu.memory_space<vmem>>, vector<1x16xf32>,
      %get3A_3923 = vector.shape_cast %get3A_3922 : vector<1x16xf32> to vector<16xf32>
      %add3A_3924 = arith.addf %add3A_3900, %get3A_3923 : vector<16xf32>
      %get3A_3925 = arith.constant 6 : i32
      %get3A_3926 = arith.index_cast %get3A_3925 : i32 to index
      %get3A_3927 = arith.constant 16 : index
      %get3A_3928 = tpu.vector_load %arg9[%get3A_3926, %get3A_3927] {strides = array<i32>} : memref<50x64xf32, #tpu.memory_space<vmem>>, vector<1x16xf32>,
      %get3A_3929 = vector.shape_cast %get3A_3928 : vector<1x16xf32> to vector<16xf32>
      %add3A_3930 = arith.addf %add3A_3906, %get3A_3929 : vector<16xf32>
      %get3A_3931 = arith.constant 6 : i32
      %get3A_3932 = arith.index_cast %get3A_3931 : i32 to index
      %get3A_3933 = arith.constant 32 : index
      %get3A_3934 = tpu.vector_load %arg9[%get3A_3932, %get3A_3933] {strides = array<i32>} : memref<50x64xf32, #tpu.memory_space<vmem>>, vector<1x16xf32>,
      %get3A_3935 = vector.shape_cast %get3A_3934 : vector<1x16xf32> to vector<16xf32>
      %add3A_3936 = arith.addf %add3A_3912, %get3A_3935 : vector<16xf32>
      %get3A_3937 = arith.constant 6 : i32
      %get3A_3938 = arith.index_cast %get3A_3937 : i32 to index
      %get3A_3939 = arith.constant 48 : index
      %get3A_3940 = tpu.vector_load %arg9[%get3A_3938, %get3A_3939] {strides = array<i32>} : memref<50x64xf32, #tpu.memory_space<vmem>>, vector<1x16xf32>,
      %get3A_3941 = vector.shape_cast %get3A_3940 : vector<1x16xf32> to vector<16xf32>
      %add3A_3942 = arith.addf %add3A_3918, %get3A_3941 : vector<16xf32>
      %get3A_3943 = arith.constant 7 : i32
      %get3A_3944 = arith.index_cast %get3A_3943 : i32 to index
      %get3A_3945 = arith.constant 0 : index
      %get3A_3946 = tpu.vector_load %arg9[%get3A_3944, %get3A_3945] {strides = array<i32>} : memref<50x64xf32, #tpu.memory_space<vmem>>, vector<1x16xf32>,
      %get3A_3947 = vector.shape_cast %get3A_3946 : vector<1x16xf32> to vector<16xf32>
      %add3A_3948 = arith.addf %add3A_3924, %get3A_3947 : vector<16xf32>
      %get3A_3949 = arith.constant 7 : i32
      %get3A_3950 = arith.index_cast %get3A_3949 : i32 to index
      %get3A_3951 = arith.constant 16 : index
      %get3A_3952 = tpu.vector_load %arg9[%get3A_3950, %get3A_3951] {strides = array<i32>} : memref<50x64xf32, #tpu.memory_space<vmem>>, vector<1x16xf32>,
      %get3A_3953 = vector.shape_cast %get3A_3952 : vector<1x16xf32> to vector<16xf32>
      %add3A_3954 = arith.addf %add3A_3930, %get3A_3953 : vector<16xf32>
      %get3A_3955 = arith.constant 7 : i32
      %get3A_3956 = arith.index_cast %get3A_3955 : i32 to index
      %get3A_3957 = arith.constant 32 : index
      %get3A_3958 = tpu.vector_load %arg9[%get3A_3956, %get3A_3957] {strides = array<i32>} : memref<50x64xf32, #tpu.memory_space<vmem>>, vector<1x16xf32>,
      %get3A_3959 = vector.shape_cast %get3A_3958 : vector<1x16xf32> to vector<16xf32>
      %add3A_3960 = arith.addf %add3A_3936, %get3A_3959 : vector<16xf32>
      %get3A_3961 = arith.constant 7 : i32
      %get3A_3962 = arith.index_cast %get3A_3961 : i32 to index
      %get3A_3963 = arith.constant 48 : index
      %get3A_3964 = tpu.vector_load %arg9[%get3A_3962, %get3A_3963] {strides = array<i32>} : memref<50x64xf32, #tpu.memory_space<vmem>>, vector<1x16xf32>,
      %get3A_3965 = vector.shape_cast %get3A_3964 : vector<1x16xf32> to vector<16xf32>
      %add3A_3966 = arith.addf %add3A_3942, %get3A_3965 : vector<16xf32>
      %get3A_3967 = arith.constant 8 : i32
      %get3A_3968 = arith.index_cast %get3A_3967 : i32 to index
      %get3A_3969 = arith.constant 0 : index
      %get3A_3970 = tpu.vector_load %arg9[%get3A_3968, %get3A_3969] {strides = array<i32>} : memref<50x64xf32, #tpu.memory_space<vmem>>, vector<1x16xf32>,
      %get3A_3971 = vector.shape_cast %get3A_3970 : vector<1x16xf32> to vector<16xf32>
      %add3A_3972 = arith.addf %add3A_3948, %get3A_3971 : vector<16xf32>
      %get3A_3973 = arith.constant 8 : i32
      %get3A_3974 = arith.index_cast %get3A_3973 : i32 to index
      %get3A_3975 = arith.constant 16 : index
      %get3A_3976 = tpu.vector_load %arg9[%get3A_3974, %get3A_3975] {strides = array<i32>} : memref<50x64xf32, #tpu.memory_space<vmem>>, vector<1x16xf32>,
      %get3A_3977 = vector.shape_cast %get3A_3976 : vector<1x16xf32> to vector<16xf32>
      %add3A_3978 = arith.addf %add3A_3954, %get3A_3977 : vector<16xf32>
      %get3A_3979 = arith.constant 8 : i32
      %get3A_3980 = arith.index_cast %get3A_3979 : i32 to index
      %get3A_3981 = arith.constant 32 : index
      %get3A_3982 = tpu.vector_load %arg9[%get3A_3980, %get3A_3981] {strides = array<i32>} : memref<50x64xf32, #tpu.memory_space<vmem>>, vector<1x16xf32>,
      %get3A_3983 = vector.shape_cast %get3A_3982 : vector<1x16xf32> to vector<16xf32>
      %add3A_3984 = arith.addf %add3A_3960, %get3A_3983 : vector<16xf32>
      %get3A_3985 = arith.constant 8 : i32
      %get3A_3986 = arith.index_cast %get3A_3985 : i32 to index
      %get3A_3987 = arith.constant 48 : index
      %get3A_3988 = tpu.vector_load %arg9[%get3A_3986, %get3A_3987] {strides = array<i32>} : memref<50x64xf32, #tpu.memory_space<vmem>>, vector<1x16xf32>,
      %get3A_3989 = vector.shape_cast %get3A_3988 : vector<1x16xf32> to vector<16xf32>
      %add3A_3990 = arith.addf %add3A_3966, %get3A_3989 : vector<16xf32>
      %get3A_3991 = arith.constant 9 : i32
      %get3A_3992 = arith.index_cast %get3A_3991 : i32 to index
      %get3A_3993 = arith.constant 0 : index
      %get3A_3994 = tpu.vector_load %arg9[%get3A_3992, %get3A_3993] {strides = array<i32>} : memref<50x64xf32, #tpu.memory_space<vmem>>, vector<1x16xf32>,
      %get3A_3995 = vector.shape_cast %get3A_3994 : vector<1x16xf32> to vector<16xf32>
      %add3A_3996 = arith.addf %add3A_3972, %get3A_3995 : vector<16xf32>
      %get3A_3997 = arith.constant 9 : i32
      %get3A_3998 = arith.index_cast %get3A_3997 : i32 to index
      %get3A_3999 = arith.constant 16 : index
      %get3A_4000 = tpu.vector_load %arg9[%get3A_3998, %get3A_3999] {strides = array<i32>} : memref<50x64xf32, #tpu.memory_space<vmem>>, vector<1x16xf32>,
      %get3A_4001 = vector.shape_cast %get3A_4000 : vector<1x16xf32> to vector<16xf32>
      %add3A_4002 = arith.addf %add3A_3978, %get3A_4001 : vector<16xf32>
      %get3A_4003 = arith.constant 9 : i32
      %get3A_4004 = arith.index_cast %get3A_4003 : i32 to index
      %get3A_4005 = arith.constant 32 : index
      %get3A_4006 = tpu.vector_load %arg9[%get3A_4004, %get3A_4005] {strides = array<i32>} : memref<50x64xf32, #tpu.memory_space<vmem>>, vector<1x16xf32>,
      %get3A_4007 = vector.shape_cast %get3A_4006 : vector<1x16xf32> to vector<16xf32>
      %add3A_4008 = arith.addf %add3A_3984, %get3A_4007 : vector<16xf32>
      %get3A_4009 = arith.constant 9 : i32
      %get3A_4010 = arith.index_cast %get3A_4009 : i32 to index
      %get3A_4011 = arith.constant 48 : index
      %get3A_4012 = tpu.vector_load %arg9[%get3A_4010, %get3A_4011] {strides = array<i32>} : memref<50x64xf32, #tpu.memory_space<vmem>>, vector<1x16xf32>,
      %get3A_4013 = vector.shape_cast %get3A_4012 : vector<1x16xf32> to vector<16xf32>
      %add3A_4014 = arith.addf %add3A_3990, %get3A_4013 : vector<16xf32>
      %get3A_4015 = arith.constant 10 : i32
      %get3A_4016 = arith.index_cast %get3A_4015 : i32 to index
      %get3A_4017 = arith.constant 0 : index
      %get3A_4018 = tpu.vector_load %arg9[%get3A_4016, %get3A_4017] {strides = array<i32>} : memref<50x64xf32, #tpu.memory_space<vmem>>, vector<1x16xf32>,
      %get3A_4019 = vector.shape_cast %get3A_4018 : vector<1x16xf32> to vector<16xf32>
      %add3A_4020 = arith.addf %add3A_3996, %get3A_4019 : vector<16xf32>
      %get3A_4021 = arith.constant 10 : i32
      %get3A_4022 = arith.index_cast %get3A_4021 : i32 to index
      %get3A_4023 = arith.constant 16 : index
      %get3A_4024 = tpu.vector_load %arg9[%get3A_4022, %get3A_4023] {strides = array<i32>} : memref<50x64xf32, #tpu.memory_space<vmem>>, vector<1x16xf32>,
      %get3A_4025 = vector.shape_cast %get3A_4024 : vector<1x16xf32> to vector<16xf32>
      %add3A_4026 = arith.addf %add3A_4002, %get3A_4025 : vector<16xf32>
      %get3A_4027 = arith.constant 10 : i32
      %get3A_4028 = arith.index_cast %get3A_4027 : i32 to index
      %get3A_4029 = arith.constant 32 : index
      %get3A_4030 = tpu.vector_load %arg9[%get3A_4028, %get3A_4029] {strides = array<i32>} : memref<50x64xf32, #tpu.memory_space<vmem>>, vector<1x16xf32>,
      %get3A_4031 = vector.shape_cast %get3A_4030 : vector<1x16xf32> to vector<16xf32>
      %add3A_4032 = arith.addf %add3A_4008, %get3A_4031 : vector<16xf32>
      %get3A_4033 = arith.constant 10 : i32
      %get3A_4034 = arith.index_cast %get3A_4033 : i32 to index
      %get3A_4035 = arith.constant 48 : index
      %get3A_4036 = tpu.vector_load %arg9[%get3A_4034, %get3A_4035] {strides = array<i32>} : memref<50x64xf32, #tpu.memory_space<vmem>>, vector<1x16xf32>,
      %get3A_4037 = vector.shape_cast %get3A_4036 : vector<1x16xf32> to vector<16xf32>
      %add3A_4038 = arith.addf %add3A_4014, %get3A_4037 : vector<16xf32>
      %get3A_4039 = arith.constant 11 : i32
      %get3A_4040 = arith.index_cast %get3A_4039 : i32 to index
      %get3A_4041 = arith.constant 0 : index
      %get3A_4042 = tpu.vector_load %arg9[%get3A_4040, %get3A_4041] {strides = array<i32>} : memref<50x64xf32, #tpu.memory_space<vmem>>, vector<1x16xf32>,
      %get3A_4043 = vector.shape_cast %get3A_4042 : vector<1x16xf32> to vector<16xf32>
      %add3A_4044 = arith.addf %add3A_4020, %get3A_4043 : vector<16xf32>
      %get3A_4045 = arith.constant 11 : i32
      %get3A_4046 = arith.index_cast %get3A_4045 : i32 to index
      %get3A_4047 = arith.constant 16 : index
      %get3A_4048 = tpu.vector_load %arg9[%get3A_4046, %get3A_4047] {strides = array<i32>} : memref<50x64xf32, #tpu.memory_space<vmem>>, vector<1x16xf32>,
      %get3A_4049 = vector.shape_cast %get3A_4048 : vector<1x16xf32> to vector<16xf32>
      %add3A_4050 = arith.addf %add3A_4026, %get3A_4049 : vector<16xf32>
      %get3A_4051 = arith.constant 11 : i32
      %get3A_4052 = arith.index_cast %get3A_4051 : i32 to index
      %get3A_4053 = arith.constant 32 : index
      %get3A_4054 = tpu.vector_load %arg9[%get3A_4052, %get3A_4053] {strides = array<i32>} : memref<50x64xf32, #tpu.memory_space<vmem>>, vector<1x16xf32>,
      %get3A_4055 = vector.shape_cast %get3A_4054 : vector<1x16xf32> to vector<16xf32>
      %add3A_4056 = arith.addf %add3A_4032, %get3A_4055 : vector<16xf32>
      %get3A_4057 = arith.constant 11 : i32
      %get3A_4058 = arith.index_cast %get3A_4057 : i32 to index
      %get3A_4059 = arith.constant 48 : index
      %get3A_4060 = tpu.vector_load %arg9[%get3A_4058, %get3A_4059] {strides = array<i32>} : memref<50x64xf32, #tpu.memory_space<vmem>>, vector<1x16xf32>,
      %get3A_4061 = vector.shape_cast %get3A_4060 : vector<1x16xf32> to vector<16xf32>
      %add3A_4062 = arith.addf %add3A_4038, %get3A_4061 : vector<16xf32>
      %get3A_4063 = arith.constant 12 : i32
      %get3A_4064 = arith.index_cast %get3A_4063 : i32 to index
      %get3A_4065 = arith.constant 0 : index
      %get3A_4066 = tpu.vector_load %arg9[%get3A_4064, %get3A_4065] {strides = array<i32>} : memref<50x64xf32, #tpu.memory_space<vmem>>, vector<1x16xf32>,
      %get3A_4067 = vector.shape_cast %get3A_4066 : vector<1x16xf32> to vector<16xf32>
      %add3A_4068 = arith.addf %add3A_4044, %get3A_4067 : vector<16xf32>
      %get3A_4069 = arith.constant 12 : i32
      %get3A_4070 = arith.index_cast %get3A_4069 : i32 to index
      %get3A_4071 = arith.constant 16 : index
      %get3A_4072 = tpu.vector_load %arg9[%get3A_4070, %get3A_4071] {strides = array<i32>} : memref<50x64xf32, #tpu.memory_space<vmem>>, vector<1x16xf32>,
      %get3A_4073 = vector.shape_cast %get3A_4072 : vector<1x16xf32> to vector<16xf32>
      %add3A_4074 = arith.addf %add3A_4050, %get3A_4073 : vector<16xf32>
      %get3A_4075 = arith.constant 12 : i32
      %get3A_4076 = arith.index_cast %get3A_4075 : i32 to index
      %get3A_4077 = arith.constant 32 : index
      %get3A_4078 = tpu.vector_load %arg9[%get3A_4076, %get3A_4077] {strides = array<i32>} : memref<50x64xf32, #tpu.memory_space<vmem>>, vector<1x16xf32>,
      %get3A_4079 = vector.shape_cast %get3A_4078 : vector<1x16xf32> to vector<16xf32>
      %add3A_4080 = arith.addf %add3A_4056, %get3A_4079 : vector<16xf32>
      %get3A_4081 = arith.constant 12 : i32
      %get3A_4082 = arith.index_cast %get3A_4081 : i32 to index
      %get3A_4083 = arith.constant 48 : index
      %get3A_4084 = tpu.vector_load %arg9[%get3A_4082, %get3A_4083] {strides = array<i32>} : memref<50x64xf32, #tpu.memory_space<vmem>>, vector<1x16xf32>,
      %get3A_4085 = vector.shape_cast %get3A_4084 : vector<1x16xf32> to vector<16xf32>
      %add3A_4086 = arith.addf %add3A_4062, %get3A_4085 : vector<16xf32>
      %get3A_4087 = arith.constant 13 : i32
      %get3A_4088 = arith.index_cast %get3A_4087 : i32 to index
      %get3A_4089 = arith.constant 0 : index
      %get3A_4090 = tpu.vector_load %arg9[%get3A_4088, %get3A_4089] {strides = array<i32>} : memref<50x64xf32, #tpu.memory_space<vmem>>, vector<1x16xf32>,
      %get3A_4091 = vector.shape_cast %get3A_4090 : vector<1x16xf32> to vector<16xf32>
      %add3A_4092 = arith.addf %add3A_4068, %get3A_4091 : vector<16xf32>
      %get3A_4093 = arith.constant 13 : i32
      %get3A_4094 = arith.index_cast %get3A_4093 : i32 to index
      %get3A_4095 = arith.constant 16 : index
      %get3A_4096 = tpu.vector_load %arg9[%get3A_4094, %get3A_4095] {strides = array<i32>} : memref<50x64xf32, #tpu.memory_space<vmem>>, vector<1x16xf32>,
      %get3A_4097 = vector.shape_cast %get3A_4096 : vector<1x16xf32> to vector<16xf32>
      %add3A_4098 = arith.addf %add3A_4074, %get3A_4097 : vector<16xf32>
      %get3A_4099 = arith.constant 13 : i32
      %get3A_4100 = arith.index_cast %get3A_4099 : i32 to index
      %get3A_4101 = arith.constant 32 : index
      %get3A_4102 = tpu.vector_load %arg9[%get3A_4100, %get3A_4101] {strides = array<i32>} : memref<50x64xf32, #tpu.memory_space<vmem>>, vector<1x16xf32>,
      %get3A_4103 = vector.shape_cast %get3A_4102 : vector<1x16xf32> to vector<16xf32>
      %add3A_4104 = arith.addf %add3A_4080, %get3A_4103 : vector<16xf32>
      %get3A_4105 = arith.constant 13 : i32
      %get3A_4106 = arith.index_cast %get3A_4105 : i32 to index
      %get3A_4107 = arith.constant 48 : index
      %get3A_4108 = tpu.vector_load %arg9[%get3A_4106, %get3A_4107] {strides = array<i32>} : memref<50x64xf32, #tpu.memory_space<vmem>>, vector<1x16xf32>,
      %get3A_4109 = vector.shape_cast %get3A_4108 : vector<1x16xf32> to vector<16xf32>
      %add3A_4110 = arith.addf %add3A_4086, %get3A_4109 : vector<16xf32>
      %get3A_4111 = arith.constant 14 : i32
      %get3A_4112 = arith.index_cast %get3A_4111 : i32 to index
      %get3A_4113 = arith.constant 0 : index
      %get3A_4114 = tpu.vector_load %arg9[%get3A_4112, %get3A_4113] {strides = array<i32>} : memref<50x64xf32, #tpu.memory_space<vmem>>, vector<1x16xf32>,
      %get3A_4115 = vector.shape_cast %get3A_4114 : vector<1x16xf32> to vector<16xf32>
      %add3A_4116 = arith.addf %add3A_4092, %get3A_4115 : vector<16xf32>
      %get3A_4117 = arith.constant 14 : i32
      %get3A_4118 = arith.index_cast %get3A_4117 : i32 to index
      %get3A_4119 = arith.constant 16 : index
      %get3A_4120 = tpu.vector_load %arg9[%get3A_4118, %get3A_4119] {strides = array<i32>} : memref<50x64xf32, #tpu.memory_space<vmem>>, vector<1x16xf32>,
      %get3A_4121 = vector.shape_cast %get3A_4120 : vector<1x16xf32> to vector<16xf32>
      %add3A_4122 = arith.addf %add3A_4098, %get3A_4121 : vector<16xf32>
      %get3A_4123 = arith.constant 14 : i32
      %get3A_4124 = arith.index_cast %get3A_4123 : i32 to index
      %get3A_4125 = arith.constant 32 : index
      %get3A_4126 = tpu.vector_load %arg9[%get3A_4124, %get3A_4125] {strides = array<i32>} : memref<50x64xf32, #tpu.memory_space<vmem>>, vector<1x16xf32>,
      %get3A_4127 = vector.shape_cast %get3A_4126 : vector<1x16xf32> to vector<16xf32>
      %add3A_4128 = arith.addf %add3A_4104, %get3A_4127 : vector<16xf32>
      %get3A_4129 = arith.constant 14 : i32
      %get3A_4130 = arith.index_cast %get3A_4129 : i32 to index
      %get3A_4131 = arith.constant 48 : index
      %get3A_4132 = tpu.vector_load %arg9[%get3A_4130, %get3A_4131] {strides = array<i32>} : memref<50x64xf32, #tpu.memory_space<vmem>>, vector<1x16xf32>,
      %get3A_4133 = vector.shape_cast %get3A_4132 : vector<1x16xf32> to vector<16xf32>
      %add3A_4134 = arith.addf %add3A_4110, %get3A_4133 : vector<16xf32>
      %get3A_4135 = arith.constant 15 : i32
      %get3A_4136 = arith.index_cast %get3A_4135 : i32 to index
      %get3A_4137 = arith.constant 0 : index
      %get3A_4138 = tpu.vector_load %arg9[%get3A_4136, %get3A_4137] {strides = array<i32>} : memref<50x64xf32, #tpu.memory_space<vmem>>, vector<1x16xf32>,
      %get3A_4139 = vector.shape_cast %get3A_4138 : vector<1x16xf32> to vector<16xf32>
      %add3A_4140 = arith.addf %add3A_4116, %get3A_4139 : vector<16xf32>
      %get3A_4141 = arith.constant 15 : i32
      %get3A_4142 = arith.index_cast %get3A_4141 : i32 to index
      %get3A_4143 = arith.constant 16 : index
      %get3A_4144 = tpu.vector_load %arg9[%get3A_4142, %get3A_4143] {strides = array<i32>} : memref<50x64xf32, #tpu.memory_space<vmem>>, vector<1x16xf32>,
      %get3A_4145 = vector.shape_cast %get3A_4144 : vector<1x16xf32> to vector<16xf32>
      %add3A_4146 = arith.addf %add3A_4122, %get3A_4145 : vector<16xf32>
      %get3A_4147 = arith.constant 15 : i32
      %get3A_4148 = arith.index_cast %get3A_4147 : i32 to index
      %get3A_4149 = arith.constant 32 : index
      %get3A_4150 = tpu.vector_load %arg9[%get3A_4148, %get3A_4149] {strides = array<i32>} : memref<50x64xf32, #tpu.memory_space<vmem>>, vector<1x16xf32>,
      %get3A_4151 = vector.shape_cast %get3A_4150 : vector<1x16xf32> to vector<16xf32>
      %add3A_4152 = arith.addf %add3A_4128, %get3A_4151 : vector<16xf32>
      %get3A_4153 = arith.constant 15 : i32
      %get3A_4154 = arith.index_cast %get3A_4153 : i32 to index
      %get3A_4155 = arith.constant 48 : index
      %get3A_4156 = tpu.vector_load %arg9[%get3A_4154, %get3A_4155] {strides = array<i32>} : memref<50x64xf32, #tpu.memory_space<vmem>>, vector<1x16xf32>,
      %get3A_4157 = vector.shape_cast %get3A_4156 : vector<1x16xf32> to vector<16xf32>
      %add3A_4158 = arith.addf %add3A_4134, %get3A_4157 : vector<16xf32>
      %get3A_4159 = arith.constant 16 : i32
      %get3A_4160 = arith.index_cast %get3A_4159 : i32 to index
      %get3A_4161 = arith.constant 0 : index
      %get3A_4162 = tpu.vector_load %arg9[%get3A_4160, %get3A_4161] {strides = array<i32>} : memref<50x64xf32, #tpu.memory_space<vmem>>, vector<1x16xf32>,
      %get3A_4163 = vector.shape_cast %get3A_4162 : vector<1x16xf32> to vector<16xf32>
      %add3A_4164 = arith.addf %add3A_4140, %get3A_4163 : vector<16xf32>
      %get3A_4165 = arith.constant 16 : i32
      %get3A_4166 = arith.index_cast %get3A_4165 : i32 to index
      %get3A_4167 = arith.constant 16 : index
      %get3A_4168 = tpu.vector_load %arg9[%get3A_4166, %get3A_4167] {strides = array<i32>} : memref<50x64xf32, #tpu.memory_space<vmem>>, vector<1x16xf32>,
      %get3A_4169 = vector.shape_cast %get3A_4168 : vector<1x16xf32> to vector<16xf32>
      %add3A_4170 = arith.addf %add3A_4146, %get3A_4169 : vector<16xf32>
      %get3A_4171 = arith.constant 16 : i32
      %get3A_4172 = arith.index_cast %get3A_4171 : i32 to index
      %get3A_4173 = arith.constant 32 : index
      %get3A_4174 = tpu.vector_load %arg9[%get3A_4172, %get3A_4173] {strides = array<i32>} : memref<50x64xf32, #tpu.memory_space<vmem>>, vector<1x16xf32>,
      %get3A_4175 = vector.shape_cast %get3A_4174 : vector<1x16xf32> to vector<16xf32>
      %add3A_4176 = arith.addf %add3A_4152, %get3A_4175 : vector<16xf32>
      %get3A_4177 = arith.constant 16 : i32
      %get3A_4178 = arith.index_cast %get3A_4177 : i32 to index
      %get3A_4179 = arith.constant 48 : index
      %get3A_4180 = tpu.vector_load %arg9[%get3A_4178, %get3A_4179] {strides = array<i32>} : memref<50x64xf32, #tpu.memory_space<vmem>>, vector<1x16xf32>,
      %get3A_4181 = vector.shape_cast %get3A_4180 : vector<1x16xf32> to vector<16xf32>
      %add3A_4182 = arith.addf %add3A_4158, %get3A_4181 : vector<16xf32>
      %get3A_4183 = arith.constant 17 : i32
      %get3A_4184 = arith.index_cast %get3A_4183 : i32 to index
      %get3A_4185 = arith.constant 0 : index
      %get3A_4186 = tpu.vector_load %arg9[%get3A_4184, %get3A_4185] {strides = array<i32>} : memref<50x64xf32, #tpu.memory_space<vmem>>, vector<1x16xf32>,
      %get3A_4187 = vector.shape_cast %get3A_4186 : vector<1x16xf32> to vector<16xf32>
      %add3A_4188 = arith.addf %add3A_4164, %get3A_4187 : vector<16xf32>
      %get3A_4189 = arith.constant 17 : i32
      %get3A_4190 = arith.index_cast %get3A_4189 : i32 to index
      %get3A_4191 = arith.constant 16 : index
      %get3A_4192 = tpu.vector_load %arg9[%get3A_4190, %get3A_4191] {strides = array<i32>} : memref<50x64xf32, #tpu.memory_space<vmem>>, vector<1x16xf32>,
      %get3A_4193 = vector.shape_cast %get3A_4192 : vector<1x16xf32> to vector<16xf32>
      %add3A_4194 = arith.addf %add3A_4170, %get3A_4193 : vector<16xf32>
      %get3A_4195 = arith.constant 17 : i32
      %get3A_4196 = arith.index_cast %get3A_4195 : i32 to index
      %get3A_4197 = arith.constant 32 : index
      %get3A_4198 = tpu.vector_load %arg9[%get3A_4196, %get3A_4197] {strides = array<i32>} : memref<50x64xf32, #tpu.memory_space<vmem>>, vector<1x16xf32>,
      %get3A_4199 = vector.shape_cast %get3A_4198 : vector<1x16xf32> to vector<16xf32>
      %add3A_4200 = arith.addf %add3A_4176, %get3A_4199 : vector<16xf32>
      %get3A_4201 = arith.constant 17 : i32
      %get3A_4202 = arith.index_cast %get3A_4201 : i32 to index
      %get3A_4203 = arith.constant 48 : index
      %get3A_4204 = tpu.vector_load %arg9[%get3A_4202, %get3A_4203] {strides = array<i32>} : memref<50x64xf32, #tpu.memory_space<vmem>>, vector<1x16xf32>,
      %get3A_4205 = vector.shape_cast %get3A_4204 : vector<1x16xf32> to vector<16xf32>
      %add3A_4206 = arith.addf %add3A_4182, %get3A_4205 : vector<16xf32>
      %get3A_4207 = arith.constant 18 : i32
      %get3A_4208 = arith.index_cast %get3A_4207 : i32 to index
      %get3A_4209 = arith.constant 0 : index
      %get3A_4210 = tpu.vector_load %arg9[%get3A_4208, %get3A_4209] {strides = array<i32>} : memref<50x64xf32, #tpu.memory_space<vmem>>, vector<1x16xf32>,
      %get3A_4211 = vector.shape_cast %get3A_4210 : vector<1x16xf32> to vector<16xf32>
      %add3A_4212 = arith.addf %add3A_4188, %get3A_4211 : vector<16xf32>
      %get3A_4213 = arith.constant 18 : i32
      %get3A_4214 = arith.index_cast %get3A_4213 : i32 to index
      %get3A_4215 = arith.constant 16 : index
      %get3A_4216 = tpu.vector_load %arg9[%get3A_4214, %get3A_4215] {strides = array<i32>} : memref<50x64xf32, #tpu.memory_space<vmem>>, vector<1x16xf32>,
      %get3A_4217 = vector.shape_cast %get3A_4216 : vector<1x16xf32> to vector<16xf32>
      %add3A_4218 = arith.addf %add3A_4194, %get3A_4217 : vector<16xf32>
      %get3A_4219 = arith.constant 18 : i32
      %get3A_4220 = arith.index_cast %get3A_4219 : i32 to index
      %get3A_4221 = arith.constant 32 : index
      %get3A_4222 = tpu.vector_load %arg9[%get3A_4220, %get3A_4221] {strides = array<i32>} : memref<50x64xf32, #tpu.memory_space<vmem>>, vector<1x16xf32>,
      %get3A_4223 = vector.shape_cast %get3A_4222 : vector<1x16xf32> to vector<16xf32>
      %add3A_4224 = arith.addf %add3A_4200, %get3A_4223 : vector<16xf32>
      %get3A_4225 = arith.constant 18 : i32
      %get3A_4226 = arith.index_cast %get3A_4225 : i32 to index
      %get3A_4227 = arith.constant 48 : index
      %get3A_4228 = tpu.vector_load %arg9[%get3A_4226, %get3A_4227] {strides = array<i32>} : memref<50x64xf32, #tpu.memory_space<vmem>>, vector<1x16xf32>,
      %get3A_4229 = vector.shape_cast %get3A_4228 : vector<1x16xf32> to vector<16xf32>
      %add3A_4230 = arith.addf %add3A_4206, %get3A_4229 : vector<16xf32>
      %get3A_4231 = arith.constant 19 : i32
      %get3A_4232 = arith.index_cast %get3A_4231 : i32 to index
      %get3A_4233 = arith.constant 0 : index
      %get3A_4234 = tpu.vector_load %arg9[%get3A_4232, %get3A_4233] {strides = array<i32>} : memref<50x64xf32, #tpu.memory_space<vmem>>, vector<1x16xf32>,
      %get3A_4235 = vector.shape_cast %get3A_4234 : vector<1x16xf32> to vector<16xf32>
      %add3A_4236 = arith.addf %add3A_4212, %get3A_4235 : vector<16xf32>
      %get3A_4237 = arith.constant 19 : i32
      %get3A_4238 = arith.index_cast %get3A_4237 : i32 to index
      %get3A_4239 = arith.constant 16 : index
      %get3A_4240 = tpu.vector_load %arg9[%get3A_4238, %get3A_4239] {strides = array<i32>} : memref<50x64xf32, #tpu.memory_space<vmem>>, vector<1x16xf32>,
      %get3A_4241 = vector.shape_cast %get3A_4240 : vector<1x16xf32> to vector<16xf32>
      %add3A_4242 = arith.addf %add3A_4218, %get3A_4241 : vector<16xf32>
      %get3A_4243 = arith.constant 19 : i32
      %get3A_4244 = arith.index_cast %get3A_4243 : i32 to index
      %get3A_4245 = arith.constant 32 : index
      %get3A_4246 = tpu.vector_load %arg9[%get3A_4244, %get3A_4245] {strides = array<i32>} : memref<50x64xf32, #tpu.memory_space<vmem>>, vector<1x16xf32>,
      %get3A_4247 = vector.shape_cast %get3A_4246 : vector<1x16xf32> to vector<16xf32>
      %add3A_4248 = arith.addf %add3A_4224, %get3A_4247 : vector<16xf32>
      %get3A_4249 = arith.constant 19 : i32
      %get3A_4250 = arith.index_cast %get3A_4249 : i32 to index
      %get3A_4251 = arith.constant 48 : index
      %get3A_4252 = tpu.vector_load %arg9[%get3A_4250, %get3A_4251] {strides = array<i32>} : memref<50x64xf32, #tpu.memory_space<vmem>>, vector<1x16xf32>,
      %get3A_4253 = vector.shape_cast %get3A_4252 : vector<1x16xf32> to vector<16xf32>
      %add3A_4254 = arith.addf %add3A_4230, %get3A_4253 : vector<16xf32>
      %get3A_4255 = arith.constant 20 : i32
      %get3A_4256 = arith.index_cast %get3A_4255 : i32 to index
      %get3A_4257 = arith.constant 0 : index
      %get3A_4258 = tpu.vector_load %arg9[%get3A_4256, %get3A_4257] {strides = array<i32>} : memref<50x64xf32, #tpu.memory_space<vmem>>, vector<1x16xf32>,
      %get3A_4259 = vector.shape_cast %get3A_4258 : vector<1x16xf32> to vector<16xf32>
      %add3A_4260 = arith.addf %add3A_4236, %get3A_4259 : vector<16xf32>
      %get3A_4261 = arith.constant 20 : i32
      %get3A_4262 = arith.index_cast %get3A_4261 : i32 to index
      %get3A_4263 = arith.constant 16 : index
      %get3A_4264 = tpu.vector_load %arg9[%get3A_4262, %get3A_4263] {strides = array<i32>} : memref<50x64xf32, #tpu.memory_space<vmem>>, vector<1x16xf32>,
      %get3A_4265 = vector.shape_cast %get3A_4264 : vector<1x16xf32> to vector<16xf32>
      %add3A_4266 = arith.addf %add3A_4242, %get3A_4265 : vector<16xf32>
      %get3A_4267 = arith.constant 20 : i32
      %get3A_4268 = arith.index_cast %get3A_4267 : i32 to index
      %get3A_4269 = arith.constant 32 : index
      %get3A_4270 = tpu.vector_load %arg9[%get3A_4268, %get3A_4269] {strides = array<i32>} : memref<50x64xf32, #tpu.memory_space<vmem>>, vector<1x16xf32>,
      %get3A_4271 = vector.shape_cast %get3A_4270 : vector<1x16xf32> to vector<16xf32>
      %add3A_4272 = arith.addf %add3A_4248, %get3A_4271 : vector<16xf32>
      %get3A_4273 = arith.constant 20 : i32
      %get3A_4274 = arith.index_cast %get3A_4273 : i32 to index
      %get3A_4275 = arith.constant 48 : index
      %get3A_4276 = tpu.vector_load %arg9[%get3A_4274, %get3A_4275] {strides = array<i32>} : memref<50x64xf32, #tpu.memory_space<vmem>>, vector<1x16xf32>,
      %get3A_4277 = vector.shape_cast %get3A_4276 : vector<1x16xf32> to vector<16xf32>
      %add3A_4278 = arith.addf %add3A_4254, %get3A_4277 : vector<16xf32>
      %get3A_4279 = arith.constant 21 : i32
      %get3A_4280 = arith.index_cast %get3A_4279 : i32 to index
      %get3A_4281 = arith.constant 0 : index
      %get3A_4282 = tpu.vector_load %arg9[%get3A_4280, %get3A_4281] {strides = array<i32>} : memref<50x64xf32, #tpu.memory_space<vmem>>, vector<1x16xf32>,
      %get3A_4283 = vector.shape_cast %get3A_4282 : vector<1x16xf32> to vector<16xf32>
      %add3A_4284 = arith.addf %add3A_4260, %get3A_4283 : vector<16xf32>
      %get3A_4285 = arith.constant 21 : i32
      %get3A_4286 = arith.index_cast %get3A_4285 : i32 to index
      %get3A_4287 = arith.constant 16 : index
      %get3A_4288 = tpu.vector_load %arg9[%get3A_4286, %get3A_4287] {strides = array<i32>} : memref<50x64xf32, #tpu.memory_space<vmem>>, vector<1x16xf32>,
      %get3A_4289 = vector.shape_cast %get3A_4288 : vector<1x16xf32> to vector<16xf32>
      %add3A_4290 = arith.addf %add3A_4266, %get3A_4289 : vector<16xf32>
      %get3A_4291 = arith.constant 21 : i32
      %get3A_4292 = arith.index_cast %get3A_4291 : i32 to index
      %get3A_4293 = arith.constant 32 : index
      %get3A_4294 = tpu.vector_load %arg9[%get3A_4292, %get3A_4293] {strides = array<i32>} : memref<50x64xf32, #tpu.memory_space<vmem>>, vector<1x16xf32>,
      %get3A_4295 = vector.shape_cast %get3A_4294 : vector<1x16xf32> to vector<16xf32>
      %add3A_4296 = arith.addf %add3A_4272, %get3A_4295 : vector<16xf32>
      %get3A_4297 = arith.constant 21 : i32
      %get3A_4298 = arith.index_cast %get3A_4297 : i32 to index
      %get3A_4299 = arith.constant 48 : index
      %get3A_4300 = tpu.vector_load %arg9[%get3A_4298, %get3A_4299] {strides = array<i32>} : memref<50x64xf32, #tpu.memory_space<vmem>>, vector<1x16xf32>,
      %get3A_4301 = vector.shape_cast %get3A_4300 : vector<1x16xf32> to vector<16xf32>
      %add3A_4302 = arith.addf %add3A_4278, %get3A_4301 : vector<16xf32>
      %get3A_4303 = arith.constant 22 : i32
      %get3A_4304 = arith.index_cast %get3A_4303 : i32 to index
      %get3A_4305 = arith.constant 0 : index
      %get3A_4306 = tpu.vector_load %arg9[%get3A_4304, %get3A_4305] {strides = array<i32>} : memref<50x64xf32, #tpu.memory_space<vmem>>, vector<1x16xf32>,
      %get3A_4307 = vector.shape_cast %get3A_4306 : vector<1x16xf32> to vector<16xf32>
      %add3A_4308 = arith.addf %add3A_4284, %get3A_4307 : vector<16xf32>
      %get3A_4309 = arith.constant 22 : i32
      %get3A_4310 = arith.index_cast %get3A_4309 : i32 to index
      %get3A_4311 = arith.constant 16 : index
      %get3A_4312 = tpu.vector_load %arg9[%get3A_4310, %get3A_4311] {strides = array<i32>} : memref<50x64xf32, #tpu.memory_space<vmem>>, vector<1x16xf32>,
      %get3A_4313 = vector.shape_cast %get3A_4312 : vector<1x16xf32> to vector<16xf32>
      %add3A_4314 = arith.addf %add3A_4290, %get3A_4313 : vector<16xf32>
      %get3A_4315 = arith.constant 22 : i32
      %get3A_4316 = arith.index_cast %get3A_4315 : i32 to index
      %get3A_4317 = arith.constant 32 : index
      %get3A_4318 = tpu.vector_load %arg9[%get3A_4316, %get3A_4317] {strides = array<i32>} : memref<50x64xf32, #tpu.memory_space<vmem>>, vector<1x16xf32>,
      %get3A_4319 = vector.shape_cast %get3A_4318 : vector<1x16xf32> to vector<16xf32>
      %add3A_4320 = arith.addf %add3A_4296, %get3A_4319 : vector<16xf32>
      %get3A_4321 = arith.constant 22 : i32
      %get3A_4322 = arith.index_cast %get3A_4321 : i32 to index
      %get3A_4323 = arith.constant 48 : index
      %get3A_4324 = tpu.vector_load %arg9[%get3A_4322, %get3A_4323] {strides = array<i32>} : memref<50x64xf32, #tpu.memory_space<vmem>>, vector<1x16xf32>,
      %get3A_4325 = vector.shape_cast %get3A_4324 : vector<1x16xf32> to vector<16xf32>
      %add3A_4326 = arith.addf %add3A_4302, %get3A_4325 : vector<16xf32>
      %get3A_4327 = arith.constant 23 : i32
      %get3A_4328 = arith.index_cast %get3A_4327 : i32 to index
      %get3A_4329 = arith.constant 0 : index
      %get3A_4330 = tpu.vector_load %arg9[%get3A_4328, %get3A_4329] {strides = array<i32>} : memref<50x64xf32, #tpu.memory_space<vmem>>, vector<1x16xf32>,
      %get3A_4331 = vector.shape_cast %get3A_4330 : vector<1x16xf32> to vector<16xf32>
      %add3A_4332 = arith.addf %add3A_4308, %get3A_4331 : vector<16xf32>
      %get3A_4333 = arith.constant 23 : i32
      %get3A_4334 = arith.index_cast %get3A_4333 : i32 to index
      %get3A_4335 = arith.constant 16 : index
      %get3A_4336 = tpu.vector_load %arg9[%get3A_4334, %get3A_4335] {strides = array<i32>} : memref<50x64xf32, #tpu.memory_space<vmem>>, vector<1x16xf32>,
      %get3A_4337 = vector.shape_cast %get3A_4336 : vector<1x16xf32> to vector<16xf32>
      %add3A_4338 = arith.addf %add3A_4314, %get3A_4337 : vector<16xf32>
      %get3A_4339 = arith.constant 23 : i32
      %get3A_4340 = arith.index_cast %get3A_4339 : i32 to index
      %get3A_4341 = arith.constant 32 : index
      %get3A_4342 = tpu.vector_load %arg9[%get3A_4340, %get3A_4341] {strides = array<i32>} : memref<50x64xf32, #tpu.memory_space<vmem>>, vector<1x16xf32>,
      %get3A_4343 = vector.shape_cast %get3A_4342 : vector<1x16xf32> to vector<16xf32>
      %add3A_4344 = arith.addf %add3A_4320, %get3A_4343 : vector<16xf32>
      %get3A_4345 = arith.constant 23 : i32
      %get3A_4346 = arith.index_cast %get3A_4345 : i32 to index
      %get3A_4347 = arith.constant 48 : index
      %get3A_4348 = tpu.vector_load %arg9[%get3A_4346, %get3A_4347] {strides = array<i32>} : memref<50x64xf32, #tpu.memory_space<vmem>>, vector<1x16xf32>,
      %get3A_4349 = vector.shape_cast %get3A_4348 : vector<1x16xf32> to vector<16xf32>
      %add3A_4350 = arith.addf %add3A_4326, %get3A_4349 : vector<16xf32>
      %get3A_4351 = arith.constant 24 : i32
      %get3A_4352 = arith.index_cast %get3A_4351 : i32 to index
      %get3A_4353 = arith.constant 0 : index
      %get3A_4354 = tpu.vector_load %arg9[%get3A_4352, %get3A_4353] {strides = array<i32>} : memref<50x64xf32, #tpu.memory_space<vmem>>, vector<1x16xf32>,
      %get3A_4355 = vector.shape_cast %get3A_4354 : vector<1x16xf32> to vector<16xf32>
      %add3A_4356 = arith.addf %add3A_4332, %get3A_4355 : vector<16xf32>
      %get3A_4357 = arith.constant 24 : i32
      %get3A_4358 = arith.index_cast %get3A_4357 : i32 to index
      %get3A_4359 = arith.constant 16 : index
      %get3A_4360 = tpu.vector_load %arg9[%get3A_4358, %get3A_4359] {strides = array<i32>} : memref<50x64xf32, #tpu.memory_space<vmem>>, vector<1x16xf32>,
      %get3A_4361 = vector.shape_cast %get3A_4360 : vector<1x16xf32> to vector<16xf32>
      %add3A_4362 = arith.addf %add3A_4338, %get3A_4361 : vector<16xf32>
      %get3A_4363 = arith.constant 24 : i32
      %get3A_4364 = arith.index_cast %get3A_4363 : i32 to index
      %get3A_4365 = arith.constant 32 : index
      %get3A_4366 = tpu.vector_load %arg9[%get3A_4364, %get3A_4365] {strides = array<i32>} : memref<50x64xf32, #tpu.memory_space<vmem>>, vector<1x16xf32>,
      %get3A_4367 = vector.shape_cast %get3A_4366 : vector<1x16xf32> to vector<16xf32>
      %add3A_4368 = arith.addf %add3A_4344, %get3A_4367 : vector<16xf32>
      %get3A_4369 = arith.constant 24 : i32
      %get3A_4370 = arith.index_cast %get3A_4369 : i32 to index
      %get3A_4371 = arith.constant 48 : index
      %get3A_4372 = tpu.vector_load %arg9[%get3A_4370, %get3A_4371] {strides = array<i32>} : memref<50x64xf32, #tpu.memory_space<vmem>>, vector<1x16xf32>,
      %get3A_4373 = vector.shape_cast %get3A_4372 : vector<1x16xf32> to vector<16xf32>
      %add3A_4374 = arith.addf %add3A_4350, %get3A_4373 : vector<16xf32>
      %get3A_4375 = arith.constant 25 : i32
      %get3A_4376 = arith.index_cast %get3A_4375 : i32 to index
      %get3A_4377 = arith.constant 0 : index
      %get3A_4378 = tpu.vector_load %arg9[%get3A_4376, %get3A_4377] {strides = array<i32>} : memref<50x64xf32, #tpu.memory_space<vmem>>, vector<1x16xf32>,
      %get3A_4379 = vector.shape_cast %get3A_4378 : vector<1x16xf32> to vector<16xf32>
      %add3A_4380 = arith.addf %add3A_4356, %get3A_4379 : vector<16xf32>
      %get3A_4381 = arith.constant 25 : i32
      %get3A_4382 = arith.index_cast %get3A_4381 : i32 to index
      %get3A_4383 = arith.constant 16 : index
      %get3A_4384 = tpu.vector_load %arg9[%get3A_4382, %get3A_4383] {strides = array<i32>} : memref<50x64xf32, #tpu.memory_space<vmem>>, vector<1x16xf32>,
      %get3A_4385 = vector.shape_cast %get3A_4384 : vector<1x16xf32> to vector<16xf32>
      %add3A_4386 = arith.addf %add3A_4362, %get3A_4385 : vector<16xf32>
      %get3A_4387 = arith.constant 25 : i32
      %get3A_4388 = arith.index_cast %get3A_4387 : i32 to index
      %get3A_4389 = arith.constant 32 : index
      %get3A_4390 = tpu.vector_load %arg9[%get3A_4388, %get3A_4389] {strides = array<i32>} : memref<50x64xf32, #tpu.memory_space<vmem>>, vector<1x16xf32>,
      %get3A_4391 = vector.shape_cast %get3A_4390 : vector<1x16xf32> to vector<16xf32>
      %add3A_4392 = arith.addf %add3A_4368, %get3A_4391 : vector<16xf32>
      %get3A_4393 = arith.constant 25 : i32
      %get3A_4394 = arith.index_cast %get3A_4393 : i32 to index
      %get3A_4395 = arith.constant 48 : index
      %get3A_4396 = tpu.vector_load %arg9[%get3A_4394, %get3A_4395] {strides = array<i32>} : memref<50x64xf32, #tpu.memory_space<vmem>>, vector<1x16xf32>,
      %get3A_4397 = vector.shape_cast %get3A_4396 : vector<1x16xf32> to vector<16xf32>
      %add3A_4398 = arith.addf %add3A_4374, %get3A_4397 : vector<16xf32>
      %get3A_4399 = arith.constant 26 : i32
      %get3A_4400 = arith.index_cast %get3A_4399 : i32 to index
      %get3A_4401 = arith.constant 0 : index
      %get3A_4402 = tpu.vector_load %arg9[%get3A_4400, %get3A_4401] {strides = array<i32>} : memref<50x64xf32, #tpu.memory_space<vmem>>, vector<1x16xf32>,
      %get3A_4403 = vector.shape_cast %get3A_4402 : vector<1x16xf32> to vector<16xf32>
      %add3A_4404 = arith.addf %add3A_4380, %get3A_4403 : vector<16xf32>
      %get3A_4405 = arith.constant 26 : i32
      %get3A_4406 = arith.index_cast %get3A_4405 : i32 to index
      %get3A_4407 = arith.constant 16 : index
      %get3A_4408 = tpu.vector_load %arg9[%get3A_4406, %get3A_4407] {strides = array<i32>} : memref<50x64xf32, #tpu.memory_space<vmem>>, vector<1x16xf32>,
      %get3A_4409 = vector.shape_cast %get3A_4408 : vector<1x16xf32> to vector<16xf32>
      %add3A_4410 = arith.addf %add3A_4386, %get3A_4409 : vector<16xf32>
      %get3A_4411 = arith.constant 26 : i32
      %get3A_4412 = arith.index_cast %get3A_4411 : i32 to index
      %get3A_4413 = arith.constant 32 : index
      %get3A_4414 = tpu.vector_load %arg9[%get3A_4412, %get3A_4413] {strides = array<i32>} : memref<50x64xf32, #tpu.memory_space<vmem>>, vector<1x16xf32>,
      %get3A_4415 = vector.shape_cast %get3A_4414 : vector<1x16xf32> to vector<16xf32>
      %add3A_4416 = arith.addf %add3A_4392, %get3A_4415 : vector<16xf32>
      %get3A_4417 = arith.constant 26 : i32
      %get3A_4418 = arith.index_cast %get3A_4417 : i32 to index
      %get3A_4419 = arith.constant 48 : index
      %get3A_4420 = tpu.vector_load %arg9[%get3A_4418, %get3A_4419] {strides = array<i32>} : memref<50x64xf32, #tpu.memory_space<vmem>>, vector<1x16xf32>,
      %get3A_4421 = vector.shape_cast %get3A_4420 : vector<1x16xf32> to vector<16xf32>
      %add3A_4422 = arith.addf %add3A_4398, %get3A_4421 : vector<16xf32>
      %get3A_4423 = arith.constant 27 : i32
      %get3A_4424 = arith.index_cast %get3A_4423 : i32 to index
      %get3A_4425 = arith.constant 0 : index
      %get3A_4426 = tpu.vector_load %arg9[%get3A_4424, %get3A_4425] {strides = array<i32>} : memref<50x64xf32, #tpu.memory_space<vmem>>, vector<1x16xf32>,
      %get3A_4427 = vector.shape_cast %get3A_4426 : vector<1x16xf32> to vector<16xf32>
      %add3A_4428 = arith.addf %add3A_4404, %get3A_4427 : vector<16xf32>
      %get3A_4429 = arith.constant 27 : i32
      %get3A_4430 = arith.index_cast %get3A_4429 : i32 to index
      %get3A_4431 = arith.constant 16 : index
      %get3A_4432 = tpu.vector_load %arg9[%get3A_4430, %get3A_4431] {strides = array<i32>} : memref<50x64xf32, #tpu.memory_space<vmem>>, vector<1x16xf32>,
      %get3A_4433 = vector.shape_cast %get3A_4432 : vector<1x16xf32> to vector<16xf32>
      %add3A_4434 = arith.addf %add3A_4410, %get3A_4433 : vector<16xf32>
      %get3A_4435 = arith.constant 27 : i32
      %get3A_4436 = arith.index_cast %get3A_4435 : i32 to index
      %get3A_4437 = arith.constant 32 : index
      %get3A_4438 = tpu.vector_load %arg9[%get3A_4436, %get3A_4437] {strides = array<i32>} : memref<50x64xf32, #tpu.memory_space<vmem>>, vector<1x16xf32>,
      %get3A_4439 = vector.shape_cast %get3A_4438 : vector<1x16xf32> to vector<16xf32>
      %add3A_4440 = arith.addf %add3A_4416, %get3A_4439 : vector<16xf32>
      %get3A_4441 = arith.constant 27 : i32
      %get3A_4442 = arith.index_cast %get3A_4441 : i32 to index
      %get3A_4443 = arith.constant 48 : index
      %get3A_4444 = tpu.vector_load %arg9[%get3A_4442, %get3A_4443] {strides = array<i32>} : memref<50x64xf32, #tpu.memory_space<vmem>>, vector<1x16xf32>,
      %get3A_4445 = vector.shape_cast %get3A_4444 : vector<1x16xf32> to vector<16xf32>
      %add3A_4446 = arith.addf %add3A_4422, %get3A_4445 : vector<16xf32>
      %get3A_4447 = arith.constant 28 : i32
      %get3A_4448 = arith.index_cast %get3A_4447 : i32 to index
      %get3A_4449 = arith.constant 0 : index
      %get3A_4450 = tpu.vector_load %arg9[%get3A_4448, %get3A_4449] {strides = array<i32>} : memref<50x64xf32, #tpu.memory_space<vmem>>, vector<1x16xf32>,
      %get3A_4451 = vector.shape_cast %get3A_4450 : vector<1x16xf32> to vector<16xf32>
      %add3A_4452 = arith.addf %add3A_4428, %get3A_4451 : vector<16xf32>
      %get3A_4453 = arith.constant 28 : i32
      %get3A_4454 = arith.index_cast %get3A_4453 : i32 to index
      %get3A_4455 = arith.constant 16 : index
      %get3A_4456 = tpu.vector_load %arg9[%get3A_4454, %get3A_4455] {strides = array<i32>} : memref<50x64xf32, #tpu.memory_space<vmem>>, vector<1x16xf32>,
      %get3A_4457 = vector.shape_cast %get3A_4456 : vector<1x16xf32> to vector<16xf32>
      %add3A_4458 = arith.addf %add3A_4434, %get3A_4457 : vector<16xf32>
      %get3A_4459 = arith.constant 28 : i32
      %get3A_4460 = arith.index_cast %get3A_4459 : i32 to index
      %get3A_4461 = arith.constant 32 : index
      %get3A_4462 = tpu.vector_load %arg9[%get3A_4460, %get3A_4461] {strides = array<i32>} : memref<50x64xf32, #tpu.memory_space<vmem>>, vector<1x16xf32>,
      %get3A_4463 = vector.shape_cast %get3A_4462 : vector<1x16xf32> to vector<16xf32>
      %add3A_4464 = arith.addf %add3A_4440, %get3A_4463 : vector<16xf32>
      %get3A_4465 = arith.constant 28 : i32
      %get3A_4466 = arith.index_cast %get3A_4465 : i32 to index
      %get3A_4467 = arith.constant 48 : index
      %get3A_4468 = tpu.vector_load %arg9[%get3A_4466, %get3A_4467] {strides = array<i32>} : memref<50x64xf32, #tpu.memory_space<vmem>>, vector<1x16xf32>,
      %get3A_4469 = vector.shape_cast %get3A_4468 : vector<1x16xf32> to vector<16xf32>
      %add3A_4470 = arith.addf %add3A_4446, %get3A_4469 : vector<16xf32>
      %get3A_4471 = arith.constant 29 : i32
      %get3A_4472 = arith.index_cast %get3A_4471 : i32 to index
      %get3A_4473 = arith.constant 0 : index
      %get3A_4474 = tpu.vector_load %arg9[%get3A_4472, %get3A_4473] {strides = array<i32>} : memref<50x64xf32, #tpu.memory_space<vmem>>, vector<1x16xf32>,
      %get3A_4475 = vector.shape_cast %get3A_4474 : vector<1x16xf32> to vector<16xf32>
      %add3A_4476 = arith.addf %add3A_4452, %get3A_4475 : vector<16xf32>
      %get3A_4477 = arith.constant 29 : i32
      %get3A_4478 = arith.index_cast %get3A_4477 : i32 to index
      %get3A_4479 = arith.constant 16 : index
      %get3A_4480 = tpu.vector_load %arg9[%get3A_4478, %get3A_4479] {strides = array<i32>} : memref<50x64xf32, #tpu.memory_space<vmem>>, vector<1x16xf32>,
      %get3A_4481 = vector.shape_cast %get3A_4480 : vector<1x16xf32> to vector<16xf32>
      %add3A_4482 = arith.addf %add3A_4458, %get3A_4481 : vector<16xf32>
      %get3A_4483 = arith.constant 29 : i32
      %get3A_4484 = arith.index_cast %get3A_4483 : i32 to index
      %get3A_4485 = arith.constant 32 : index
      %get3A_4486 = tpu.vector_load %arg9[%get3A_4484, %get3A_4485] {strides = array<i32>} : memref<50x64xf32, #tpu.memory_space<vmem>>, vector<1x16xf32>,
      %get3A_4487 = vector.shape_cast %get3A_4486 : vector<1x16xf32> to vector<16xf32>
      %add3A_4488 = arith.addf %add3A_4464, %get3A_4487 : vector<16xf32>
      %get3A_4489 = arith.constant 29 : i32
      %get3A_4490 = arith.index_cast %get3A_4489 : i32 to index
      %get3A_4491 = arith.constant 48 : index
      %get3A_4492 = tpu.vector_load %arg9[%get3A_4490, %get3A_4491] {strides = array<i32>} : memref<50x64xf32, #tpu.memory_space<vmem>>, vector<1x16xf32>,
      %get3A_4493 = vector.shape_cast %get3A_4492 : vector<1x16xf32> to vector<16xf32>
      %add3A_4494 = arith.addf %add3A_4470, %get3A_4493 : vector<16xf32>
      %get3A_4495 = arith.constant 30 : i32
      %get3A_4496 = arith.index_cast %get3A_4495 : i32 to index
      %get3A_4497 = arith.constant 0 : index
      %get3A_4498 = tpu.vector_load %arg9[%get3A_4496, %get3A_4497] {strides = array<i32>} : memref<50x64xf32, #tpu.memory_space<vmem>>, vector<1x16xf32>,
      %get3A_4499 = vector.shape_cast %get3A_4498 : vector<1x16xf32> to vector<16xf32>
      %add3A_4500 = arith.addf %add3A_4476, %get3A_4499 : vector<16xf32>
      %get3A_4501 = arith.constant 30 : i32
      %get3A_4502 = arith.index_cast %get3A_4501 : i32 to index
      %get3A_4503 = arith.constant 16 : index
      %get3A_4504 = tpu.vector_load %arg9[%get3A_4502, %get3A_4503] {strides = array<i32>} : memref<50x64xf32, #tpu.memory_space<vmem>>, vector<1x16xf32>,
      %get3A_4505 = vector.shape_cast %get3A_4504 : vector<1x16xf32> to vector<16xf32>
      %add3A_4506 = arith.addf %add3A_4482, %get3A_4505 : vector<16xf32>
      %get3A_4507 = arith.constant 30 : i32
      %get3A_4508 = arith.index_cast %get3A_4507 : i32 to index
      %get3A_4509 = arith.constant 32 : index
      %get3A_4510 = tpu.vector_load %arg9[%get3A_4508, %get3A_4509] {strides = array<i32>} : memref<50x64xf32, #tpu.memory_space<vmem>>, vector<1x16xf32>,
      %get3A_4511 = vector.shape_cast %get3A_4510 : vector<1x16xf32> to vector<16xf32>
      %add3A_4512 = arith.addf %add3A_4488, %get3A_4511 : vector<16xf32>
      %get3A_4513 = arith.constant 30 : i32
      %get3A_4514 = arith.index_cast %get3A_4513 : i32 to index
      %get3A_4515 = arith.constant 48 : index
      %get3A_4516 = tpu.vector_load %arg9[%get3A_4514, %get3A_4515] {strides = array<i32>} : memref<50x64xf32, #tpu.memory_space<vmem>>, vector<1x16xf32>,
      %get3A_4517 = vector.shape_cast %get3A_4516 : vector<1x16xf32> to vector<16xf32>
      %add3A_4518 = arith.addf %add3A_4494, %get3A_4517 : vector<16xf32>
      %get3A_4519 = arith.constant 31 : i32
      %get3A_4520 = arith.index_cast %get3A_4519 : i32 to index
      %get3A_4521 = arith.constant 0 : index
      %get3A_4522 = tpu.vector_load %arg9[%get3A_4520, %get3A_4521] {strides = array<i32>} : memref<50x64xf32, #tpu.memory_space<vmem>>, vector<1x16xf32>,
      %get3A_4523 = vector.shape_cast %get3A_4522 : vector<1x16xf32> to vector<16xf32>
      %add3A_4524 = arith.addf %add3A_4500, %get3A_4523 : vector<16xf32>
      %get3A_4525 = arith.constant 31 : i32
      %get3A_4526 = arith.index_cast %get3A_4525 : i32 to index
      %get3A_4527 = arith.constant 16 : index
      %get3A_4528 = tpu.vector_load %arg9[%get3A_4526, %get3A_4527] {strides = array<i32>} : memref<50x64xf32, #tpu.memory_space<vmem>>, vector<1x16xf32>,
      %get3A_4529 = vector.shape_cast %get3A_4528 : vector<1x16xf32> to vector<16xf32>
      %add3A_4530 = arith.addf %add3A_4506, %get3A_4529 : vector<16xf32>
      %get3A_4531 = arith.constant 31 : i32
      %get3A_4532 = arith.index_cast %get3A_4531 : i32 to index
      %get3A_4533 = arith.constant 32 : index
      %get3A_4534 = tpu.vector_load %arg9[%get3A_4532, %get3A_4533] {strides = array<i32>} : memref<50x64xf32, #tpu.memory_space<vmem>>, vector<1x16xf32>,
      %get3A_4535 = vector.shape_cast %get3A_4534 : vector<1x16xf32> to vector<16xf32>
      %add3A_4536 = arith.addf %add3A_4512, %get3A_4535 : vector<16xf32>
      %get3A_4537 = arith.constant 31 : i32
      %get3A_4538 = arith.index_cast %get3A_4537 : i32 to index
      %get3A_4539 = arith.constant 48 : index
      %get3A_4540 = tpu.vector_load %arg9[%get3A_4538, %get3A_4539] {strides = array<i32>} : memref<50x64xf32, #tpu.memory_space<vmem>>, vector<1x16xf32>,
      %get3A_4541 = vector.shape_cast %get3A_4540 : vector<1x16xf32> to vector<16xf32>
      %add3A_4542 = arith.addf %add3A_4518, %get3A_4541 : vector<16xf32>
      %get3A_4543 = arith.constant 32 : i32
      %get3A_4544 = arith.index_cast %get3A_4543 : i32 to index
      %get3A_4545 = arith.constant 0 : index
      %get3A_4546 = tpu.vector_load %arg9[%get3A_4544, %get3A_4545] {strides = array<i32>} : memref<50x64xf32, #tpu.memory_space<vmem>>, vector<1x16xf32>,
      %get3A_4547 = vector.shape_cast %get3A_4546 : vector<1x16xf32> to vector<16xf32>
      %add3A_4548 = arith.addf %add3A_4524, %get3A_4547 : vector<16xf32>
      %get3A_4549 = arith.constant 32 : i32
      %get3A_4550 = arith.index_cast %get3A_4549 : i32 to index
      %get3A_4551 = arith.constant 16 : index
      %get3A_4552 = tpu.vector_load %arg9[%get3A_4550, %get3A_4551] {strides = array<i32>} : memref<50x64xf32, #tpu.memory_space<vmem>>, vector<1x16xf32>,
      %get3A_4553 = vector.shape_cast %get3A_4552 : vector<1x16xf32> to vector<16xf32>
      %add3A_4554 = arith.addf %add3A_4530, %get3A_4553 : vector<16xf32>
      %get3A_4555 = arith.constant 32 : i32
      %get3A_4556 = arith.index_cast %get3A_4555 : i32 to index
      %get3A_4557 = arith.constant 32 : index
      %get3A_4558 = tpu.vector_load %arg9[%get3A_4556, %get3A_4557] {strides = array<i32>} : memref<50x64xf32, #tpu.memory_space<vmem>>, vector<1x16xf32>,
      %get3A_4559 = vector.shape_cast %get3A_4558 : vector<1x16xf32> to vector<16xf32>
      %add3A_4560 = arith.addf %add3A_4536, %get3A_4559 : vector<16xf32>
      %get3A_4561 = arith.constant 32 : i32
      %get3A_4562 = arith.index_cast %get3A_4561 : i32 to index
      %get3A_4563 = arith.constant 48 : index
      %get3A_4564 = tpu.vector_load %arg9[%get3A_4562, %get3A_4563] {strides = array<i32>} : memref<50x64xf32, #tpu.memory_space<vmem>>, vector<1x16xf32>,
      %get3A_4565 = vector.shape_cast %get3A_4564 : vector<1x16xf32> to vector<16xf32>
      %add3A_4566 = arith.addf %add3A_4542, %get3A_4565 : vector<16xf32>
      %get3A_4567 = arith.constant 33 : i32
      %get3A_4568 = arith.index_cast %get3A_4567 : i32 to index
      %get3A_4569 = arith.constant 0 : index
      %get3A_4570 = tpu.vector_load %arg9[%get3A_4568, %get3A_4569] {strides = array<i32>} : memref<50x64xf32, #tpu.memory_space<vmem>>, vector<1x16xf32>,
      %get3A_4571 = vector.shape_cast %get3A_4570 : vector<1x16xf32> to vector<16xf32>
      %add3A_4572 = arith.addf %add3A_4548, %get3A_4571 : vector<16xf32>
      %get3A_4573 = arith.constant 33 : i32
      %get3A_4574 = arith.index_cast %get3A_4573 : i32 to index
      %get3A_4575 = arith.constant 16 : index
      %get3A_4576 = tpu.vector_load %arg9[%get3A_4574, %get3A_4575] {strides = array<i32>} : memref<50x64xf32, #tpu.memory_space<vmem>>, vector<1x16xf32>,
      %get3A_4577 = vector.shape_cast %get3A_4576 : vector<1x16xf32> to vector<16xf32>
      %add3A_4578 = arith.addf %add3A_4554, %get3A_4577 : vector<16xf32>
      %get3A_4579 = arith.constant 33 : i32
      %get3A_4580 = arith.index_cast %get3A_4579 : i32 to index
      %get3A_4581 = arith.constant 32 : index
      %get3A_4582 = tpu.vector_load %arg9[%get3A_4580, %get3A_4581] {strides = array<i32>} : memref<50x64xf32, #tpu.memory_space<vmem>>, vector<1x16xf32>,
      %get3A_4583 = vector.shape_cast %get3A_4582 : vector<1x16xf32> to vector<16xf32>
      %add3A_4584 = arith.addf %add3A_4560, %get3A_4583 : vector<16xf32>
      %get3A_4585 = arith.constant 33 : i32
      %get3A_4586 = arith.index_cast %get3A_4585 : i32 to index
      %get3A_4587 = arith.constant 48 : index
      %get3A_4588 = tpu.vector_load %arg9[%get3A_4586, %get3A_4587] {strides = array<i32>} : memref<50x64xf32, #tpu.memory_space<vmem>>, vector<1x16xf32>,
      %get3A_4589 = vector.shape_cast %get3A_4588 : vector<1x16xf32> to vector<16xf32>
      %add3A_4590 = arith.addf %add3A_4566, %get3A_4589 : vector<16xf32>
      %get3A_4591 = arith.constant 34 : i32
      %get3A_4592 = arith.index_cast %get3A_4591 : i32 to index
      %get3A_4593 = arith.constant 0 : index
      %get3A_4594 = tpu.vector_load %arg9[%get3A_4592, %get3A_4593] {strides = array<i32>} : memref<50x64xf32, #tpu.memory_space<vmem>>, vector<1x16xf32>,
      %get3A_4595 = vector.shape_cast %get3A_4594 : vector<1x16xf32> to vector<16xf32>
      %add3A_4596 = arith.addf %add3A_4572, %get3A_4595 : vector<16xf32>
      %get3A_4597 = arith.constant 34 : i32
      %get3A_4598 = arith.index_cast %get3A_4597 : i32 to index
      %get3A_4599 = arith.constant 16 : index
      %get3A_4600 = tpu.vector_load %arg9[%get3A_4598, %get3A_4599] {strides = array<i32>} : memref<50x64xf32, #tpu.memory_space<vmem>>, vector<1x16xf32>,
      %get3A_4601 = vector.shape_cast %get3A_4600 : vector<1x16xf32> to vector<16xf32>
      %add3A_4602 = arith.addf %add3A_4578, %get3A_4601 : vector<16xf32>
      %get3A_4603 = arith.constant 34 : i32
      %get3A_4604 = arith.index_cast %get3A_4603 : i32 to index
      %get3A_4605 = arith.constant 32 : index
      %get3A_4606 = tpu.vector_load %arg9[%get3A_4604, %get3A_4605] {strides = array<i32>} : memref<50x64xf32, #tpu.memory_space<vmem>>, vector<1x16xf32>,
      %get3A_4607 = vector.shape_cast %get3A_4606 : vector<1x16xf32> to vector<16xf32>
      %add3A_4608 = arith.addf %add3A_4584, %get3A_4607 : vector<16xf32>
      %get3A_4609 = arith.constant 34 : i32
      %get3A_4610 = arith.index_cast %get3A_4609 : i32 to index
      %get3A_4611 = arith.constant 48 : index
      %get3A_4612 = tpu.vector_load %arg9[%get3A_4610, %get3A_4611] {strides = array<i32>} : memref<50x64xf32, #tpu.memory_space<vmem>>, vector<1x16xf32>,
      %get3A_4613 = vector.shape_cast %get3A_4612 : vector<1x16xf32> to vector<16xf32>
      %add3A_4614 = arith.addf %add3A_4590, %get3A_4613 : vector<16xf32>
      %get3A_4615 = arith.constant 35 : i32
      %get3A_4616 = arith.index_cast %get3A_4615 : i32 to index
      %get3A_4617 = arith.constant 0 : index
      %get3A_4618 = tpu.vector_load %arg9[%get3A_4616, %get3A_4617] {strides = array<i32>} : memref<50x64xf32, #tpu.memory_space<vmem>>, vector<1x16xf32>,
      %get3A_4619 = vector.shape_cast %get3A_4618 : vector<1x16xf32> to vector<16xf32>
      %add3A_4620 = arith.addf %add3A_4596, %get3A_4619 : vector<16xf32>
      %get3A_4621 = arith.constant 35 : i32
      %get3A_4622 = arith.index_cast %get3A_4621 : i32 to index
      %get3A_4623 = arith.constant 16 : index
      %get3A_4624 = tpu.vector_load %arg9[%get3A_4622, %get3A_4623] {strides = array<i32>} : memref<50x64xf32, #tpu.memory_space<vmem>>, vector<1x16xf32>,
      %get3A_4625 = vector.shape_cast %get3A_4624 : vector<1x16xf32> to vector<16xf32>
      %add3A_4626 = arith.addf %add3A_4602, %get3A_4625 : vector<16xf32>
      %get3A_4627 = arith.constant 35 : i32
      %get3A_4628 = arith.index_cast %get3A_4627 : i32 to index
      %get3A_4629 = arith.constant 32 : index
      %get3A_4630 = tpu.vector_load %arg9[%get3A_4628, %get3A_4629] {strides = array<i32>} : memref<50x64xf32, #tpu.memory_space<vmem>>, vector<1x16xf32>,
      %get3A_4631 = vector.shape_cast %get3A_4630 : vector<1x16xf32> to vector<16xf32>
      %add3A_4632 = arith.addf %add3A_4608, %get3A_4631 : vector<16xf32>
      %get3A_4633 = arith.constant 35 : i32
      %get3A_4634 = arith.index_cast %get3A_4633 : i32 to index
      %get3A_4635 = arith.constant 48 : index
      %get3A_4636 = tpu.vector_load %arg9[%get3A_4634, %get3A_4635] {strides = array<i32>} : memref<50x64xf32, #tpu.memory_space<vmem>>, vector<1x16xf32>,
      %get3A_4637 = vector.shape_cast %get3A_4636 : vector<1x16xf32> to vector<16xf32>
      %add3A_4638 = arith.addf %add3A_4614, %get3A_4637 : vector<16xf32>
      %get3A_4639 = arith.constant 36 : i32
      %get3A_4640 = arith.index_cast %get3A_4639 : i32 to index
      %get3A_4641 = arith.constant 0 : index
      %get3A_4642 = tpu.vector_load %arg9[%get3A_4640, %get3A_4641] {strides = array<i32>} : memref<50x64xf32, #tpu.memory_space<vmem>>, vector<1x16xf32>,
      %get3A_4643 = vector.shape_cast %get3A_4642 : vector<1x16xf32> to vector<16xf32>
      %add3A_4644 = arith.addf %add3A_4620, %get3A_4643 : vector<16xf32>
      %get3A_4645 = arith.constant 36 : i32
      %get3A_4646 = arith.index_cast %get3A_4645 : i32 to index
      %get3A_4647 = arith.constant 16 : index
      %get3A_4648 = tpu.vector_load %arg9[%get3A_4646, %get3A_4647] {strides = array<i32>} : memref<50x64xf32, #tpu.memory_space<vmem>>, vector<1x16xf32>,
      %get3A_4649 = vector.shape_cast %get3A_4648 : vector<1x16xf32> to vector<16xf32>
      %add3A_4650 = arith.addf %add3A_4626, %get3A_4649 : vector<16xf32>
      %get3A_4651 = arith.constant 36 : i32
      %get3A_4652 = arith.index_cast %get3A_4651 : i32 to index
      %get3A_4653 = arith.constant 32 : index
      %get3A_4654 = tpu.vector_load %arg9[%get3A_4652, %get3A_4653] {strides = array<i32>} : memref<50x64xf32, #tpu.memory_space<vmem>>, vector<1x16xf32>,
      %get3A_4655 = vector.shape_cast %get3A_4654 : vector<1x16xf32> to vector<16xf32>
      %add3A_4656 = arith.addf %add3A_4632, %get3A_4655 : vector<16xf32>
      %get3A_4657 = arith.constant 36 : i32
      %get3A_4658 = arith.index_cast %get3A_4657 : i32 to index
      %get3A_4659 = arith.constant 48 : index
      %get3A_4660 = tpu.vector_load %arg9[%get3A_4658, %get3A_4659] {strides = array<i32>} : memref<50x64xf32, #tpu.memory_space<vmem>>, vector<1x16xf32>,
      %get3A_4661 = vector.shape_cast %get3A_4660 : vector<1x16xf32> to vector<16xf32>
      %add3A_4662 = arith.addf %add3A_4638, %get3A_4661 : vector<16xf32>
      %get3A_4663 = arith.constant 37 : i32
      %get3A_4664 = arith.index_cast %get3A_4663 : i32 to index
      %get3A_4665 = arith.constant 0 : index
      %get3A_4666 = tpu.vector_load %arg9[%get3A_4664, %get3A_4665] {strides = array<i32>} : memref<50x64xf32, #tpu.memory_space<vmem>>, vector<1x16xf32>,
      %get3A_4667 = vector.shape_cast %get3A_4666 : vector<1x16xf32> to vector<16xf32>
      %add3A_4668 = arith.addf %add3A_4644, %get3A_4667 : vector<16xf32>
      %get3A_4669 = arith.constant 37 : i32
      %get3A_4670 = arith.index_cast %get3A_4669 : i32 to index
      %get3A_4671 = arith.constant 16 : index
      %get3A_4672 = tpu.vector_load %arg9[%get3A_4670, %get3A_4671] {strides = array<i32>} : memref<50x64xf32, #tpu.memory_space<vmem>>, vector<1x16xf32>,
      %get3A_4673 = vector.shape_cast %get3A_4672 : vector<1x16xf32> to vector<16xf32>
      %add3A_4674 = arith.addf %add3A_4650, %get3A_4673 : vector<16xf32>
      %get3A_4675 = arith.constant 37 : i32
      %get3A_4676 = arith.index_cast %get3A_4675 : i32 to index
      %get3A_4677 = arith.constant 32 : index
      %get3A_4678 = tpu.vector_load %arg9[%get3A_4676, %get3A_4677] {strides = array<i32>} : memref<50x64xf32, #tpu.memory_space<vmem>>, vector<1x16xf32>,
      %get3A_4679 = vector.shape_cast %get3A_4678 : vector<1x16xf32> to vector<16xf32>
      %add3A_4680 = arith.addf %add3A_4656, %get3A_4679 : vector<16xf32>
      %get3A_4681 = arith.constant 37 : i32
      %get3A_4682 = arith.index_cast %get3A_4681 : i32 to index
      %get3A_4683 = arith.constant 48 : index
      %get3A_4684 = tpu.vector_load %arg9[%get3A_4682, %get3A_4683] {strides = array<i32>} : memref<50x64xf32, #tpu.memory_space<vmem>>, vector<1x16xf32>,
      %get3A_4685 = vector.shape_cast %get3A_4684 : vector<1x16xf32> to vector<16xf32>
      %add3A_4686 = arith.addf %add3A_4662, %get3A_4685 : vector<16xf32>
      %get3A_4687 = arith.constant 38 : i32
      %get3A_4688 = arith.index_cast %get3A_4687 : i32 to index
      %get3A_4689 = arith.constant 0 : index
      %get3A_4690 = tpu.vector_load %arg9[%get3A_4688, %get3A_4689] {strides = array<i32>} : memref<50x64xf32, #tpu.memory_space<vmem>>, vector<1x16xf32>,
      %get3A_4691 = vector.shape_cast %get3A_4690 : vector<1x16xf32> to vector<16xf32>
      %add3A_4692 = arith.addf %add3A_4668, %get3A_4691 : vector<16xf32>
      %get3A_4693 = arith.constant 38 : i32
      %get3A_4694 = arith.index_cast %get3A_4693 : i32 to index
      %get3A_4695 = arith.constant 16 : index
      %get3A_4696 = tpu.vector_load %arg9[%get3A_4694, %get3A_4695] {strides = array<i32>} : memref<50x64xf32, #tpu.memory_space<vmem>>, vector<1x16xf32>,
      %get3A_4697 = vector.shape_cast %get3A_4696 : vector<1x16xf32> to vector<16xf32>
      %add3A_4698 = arith.addf %add3A_4674, %get3A_4697 : vector<16xf32>
      %get3A_4699 = arith.constant 38 : i32
      %get3A_4700 = arith.index_cast %get3A_4699 : i32 to index
      %get3A_4701 = arith.constant 32 : index
      %get3A_4702 = tpu.vector_load %arg9[%get3A_4700, %get3A_4701] {strides = array<i32>} : memref<50x64xf32, #tpu.memory_space<vmem>>, vector<1x16xf32>,
      %get3A_4703 = vector.shape_cast %get3A_4702 : vector<1x16xf32> to vector<16xf32>
      %add3A_4704 = arith.addf %add3A_4680, %get3A_4703 : vector<16xf32>
      %get3A_4705 = arith.constant 38 : i32
      %get3A_4706 = arith.index_cast %get3A_4705 : i32 to index
      %get3A_4707 = arith.constant 48 : index
      %get3A_4708 = tpu.vector_load %arg9[%get3A_4706, %get3A_4707] {strides = array<i32>} : memref<50x64xf32, #tpu.memory_space<vmem>>, vector<1x16xf32>,
      %get3A_4709 = vector.shape_cast %get3A_4708 : vector<1x16xf32> to vector<16xf32>
      %add3A_4710 = arith.addf %add3A_4686, %get3A_4709 : vector<16xf32>
      %get3A_4711 = arith.constant 39 : i32
      %get3A_4712 = arith.index_cast %get3A_4711 : i32 to index
      %get3A_4713 = arith.constant 0 : index
      %get3A_4714 = tpu.vector_load %arg9[%get3A_4712, %get3A_4713] {strides = array<i32>} : memref<50x64xf32, #tpu.memory_space<vmem>>, vector<1x16xf32>,
      %get3A_4715 = vector.shape_cast %get3A_4714 : vector<1x16xf32> to vector<16xf32>
      %add3A_4716 = arith.addf %add3A_4692, %get3A_4715 : vector<16xf32>
      %get3A_4717 = arith.constant 39 : i32
      %get3A_4718 = arith.index_cast %get3A_4717 : i32 to index
      %get3A_4719 = arith.constant 16 : index
      %get3A_4720 = tpu.vector_load %arg9[%get3A_4718, %get3A_4719] {strides = array<i32>} : memref<50x64xf32, #tpu.memory_space<vmem>>, vector<1x16xf32>,
      %get3A_4721 = vector.shape_cast %get3A_4720 : vector<1x16xf32> to vector<16xf32>
      %add3A_4722 = arith.addf %add3A_4698, %get3A_4721 : vector<16xf32>
      %get3A_4723 = arith.constant 39 : i32
      %get3A_4724 = arith.index_cast %get3A_4723 : i32 to index
      %get3A_4725 = arith.constant 32 : index
      %get3A_4726 = tpu.vector_load %arg9[%get3A_4724, %get3A_4725] {strides = array<i32>} : memref<50x64xf32, #tpu.memory_space<vmem>>, vector<1x16xf32>,
      %get3A_4727 = vector.shape_cast %get3A_4726 : vector<1x16xf32> to vector<16xf32>
      %add3A_4728 = arith.addf %add3A_4704, %get3A_4727 : vector<16xf32>
      %get3A_4729 = arith.constant 39 : i32
      %get3A_4730 = arith.index_cast %get3A_4729 : i32 to index
      %get3A_4731 = arith.constant 48 : index
      %get3A_4732 = tpu.vector_load %arg9[%get3A_4730, %get3A_4731] {strides = array<i32>} : memref<50x64xf32, #tpu.memory_space<vmem>>, vector<1x16xf32>,
      %get3A_4733 = vector.shape_cast %get3A_4732 : vector<1x16xf32> to vector<16xf32>
      %add3A_4734 = arith.addf %add3A_4710, %get3A_4733 : vector<16xf32>
      %get3A_4735 = arith.constant 40 : i32
      %get3A_4736 = arith.index_cast %get3A_4735 : i32 to index
      %get3A_4737 = arith.constant 0 : index
      %get3A_4738 = tpu.vector_load %arg9[%get3A_4736, %get3A_4737] {strides = array<i32>} : memref<50x64xf32, #tpu.memory_space<vmem>>, vector<1x16xf32>,
      %get3A_4739 = vector.shape_cast %get3A_4738 : vector<1x16xf32> to vector<16xf32>
      %add3A_4740 = arith.addf %add3A_4716, %get3A_4739 : vector<16xf32>
      %get3A_4741 = arith.constant 40 : i32
      %get3A_4742 = arith.index_cast %get3A_4741 : i32 to index
      %get3A_4743 = arith.constant 16 : index
      %get3A_4744 = tpu.vector_load %arg9[%get3A_4742, %get3A_4743] {strides = array<i32>} : memref<50x64xf32, #tpu.memory_space<vmem>>, vector<1x16xf32>,
      %get3A_4745 = vector.shape_cast %get3A_4744 : vector<1x16xf32> to vector<16xf32>
      %add3A_4746 = arith.addf %add3A_4722, %get3A_4745 : vector<16xf32>
      %get3A_4747 = arith.constant 40 : i32
      %get3A_4748 = arith.index_cast %get3A_4747 : i32 to index
      %get3A_4749 = arith.constant 32 : index
      %get3A_4750 = tpu.vector_load %arg9[%get3A_4748, %get3A_4749] {strides = array<i32>} : memref<50x64xf32, #tpu.memory_space<vmem>>, vector<1x16xf32>,
      %get3A_4751 = vector.shape_cast %get3A_4750 : vector<1x16xf32> to vector<16xf32>
      %add3A_4752 = arith.addf %add3A_4728, %get3A_4751 : vector<16xf32>
      %get3A_4753 = arith.constant 40 : i32
      %get3A_4754 = arith.index_cast %get3A_4753 : i32 to index
      %get3A_4755 = arith.constant 48 : index
      %get3A_4756 = tpu.vector_load %arg9[%get3A_4754, %get3A_4755] {strides = array<i32>} : memref<50x64xf32, #tpu.memory_space<vmem>>, vector<1x16xf32>,
      %get3A_4757 = vector.shape_cast %get3A_4756 : vector<1x16xf32> to vector<16xf32>
      %add3A_4758 = arith.addf %add3A_4734, %get3A_4757 : vector<16xf32>
      %get3A_4759 = arith.constant 41 : i32
      %get3A_4760 = arith.index_cast %get3A_4759 : i32 to index
      %get3A_4761 = arith.constant 0 : index
      %get3A_4762 = tpu.vector_load %arg9[%get3A_4760, %get3A_4761] {strides = array<i32>} : memref<50x64xf32, #tpu.memory_space<vmem>>, vector<1x16xf32>,
      %get3A_4763 = vector.shape_cast %get3A_4762 : vector<1x16xf32> to vector<16xf32>
      %add3A_4764 = arith.addf %add3A_4740, %get3A_4763 : vector<16xf32>
      %get3A_4765 = arith.constant 41 : i32
      %get3A_4766 = arith.index_cast %get3A_4765 : i32 to index
      %get3A_4767 = arith.constant 16 : index
      %get3A_4768 = tpu.vector_load %arg9[%get3A_4766, %get3A_4767] {strides = array<i32>} : memref<50x64xf32, #tpu.memory_space<vmem>>, vector<1x16xf32>,
      %get3A_4769 = vector.shape_cast %get3A_4768 : vector<1x16xf32> to vector<16xf32>
      %add3A_4770 = arith.addf %add3A_4746, %get3A_4769 : vector<16xf32>
      %get3A_4771 = arith.constant 41 : i32
      %get3A_4772 = arith.index_cast %get3A_4771 : i32 to index
      %get3A_4773 = arith.constant 32 : index
      %get3A_4774 = tpu.vector_load %arg9[%get3A_4772, %get3A_4773] {strides = array<i32>} : memref<50x64xf32, #tpu.memory_space<vmem>>, vector<1x16xf32>,
      %get3A_4775 = vector.shape_cast %get3A_4774 : vector<1x16xf32> to vector<16xf32>
      %add3A_4776 = arith.addf %add3A_4752, %get3A_4775 : vector<16xf32>
      %get3A_4777 = arith.constant 41 : i32
      %get3A_4778 = arith.index_cast %get3A_4777 : i32 to index
      %get3A_4779 = arith.constant 48 : index
      %get3A_4780 = tpu.vector_load %arg9[%get3A_4778, %get3A_4779] {strides = array<i32>} : memref<50x64xf32, #tpu.memory_space<vmem>>, vector<1x16xf32>,
      %get3A_4781 = vector.shape_cast %get3A_4780 : vector<1x16xf32> to vector<16xf32>
      %add3A_4782 = arith.addf %add3A_4758, %get3A_4781 : vector<16xf32>
      %get3A_4783 = arith.constant 42 : i32
      %get3A_4784 = arith.index_cast %get3A_4783 : i32 to index
      %get3A_4785 = arith.constant 0 : index
      %get3A_4786 = tpu.vector_load %arg9[%get3A_4784, %get3A_4785] {strides = array<i32>} : memref<50x64xf32, #tpu.memory_space<vmem>>, vector<1x16xf32>,
      %get3A_4787 = vector.shape_cast %get3A_4786 : vector<1x16xf32> to vector<16xf32>
      %add3A_4788 = arith.addf %add3A_4764, %get3A_4787 : vector<16xf32>
      %get3A_4789 = arith.constant 42 : i32
      %get3A_4790 = arith.index_cast %get3A_4789 : i32 to index
      %get3A_4791 = arith.constant 16 : index
      %get3A_4792 = tpu.vector_load %arg9[%get3A_4790, %get3A_4791] {strides = array<i32>} : memref<50x64xf32, #tpu.memory_space<vmem>>, vector<1x16xf32>,
      %get3A_4793 = vector.shape_cast %get3A_4792 : vector<1x16xf32> to vector<16xf32>
      %add3A_4794 = arith.addf %add3A_4770, %get3A_4793 : vector<16xf32>
      %get3A_4795 = arith.constant 42 : i32
      %get3A_4796 = arith.index_cast %get3A_4795 : i32 to index
      %get3A_4797 = arith.constant 32 : index
      %get3A_4798 = tpu.vector_load %arg9[%get3A_4796, %get3A_4797] {strides = array<i32>} : memref<50x64xf32, #tpu.memory_space<vmem>>, vector<1x16xf32>,
      %get3A_4799 = vector.shape_cast %get3A_4798 : vector<1x16xf32> to vector<16xf32>
      %add3A_4800 = arith.addf %add3A_4776, %get3A_4799 : vector<16xf32>
      %get3A_4801 = arith.constant 42 : i32
      %get3A_4802 = arith.index_cast %get3A_4801 : i32 to index
      %get3A_4803 = arith.constant 48 : index
      %get3A_4804 = tpu.vector_load %arg9[%get3A_4802, %get3A_4803] {strides = array<i32>} : memref<50x64xf32, #tpu.memory_space<vmem>>, vector<1x16xf32>,
      %get3A_4805 = vector.shape_cast %get3A_4804 : vector<1x16xf32> to vector<16xf32>
      %add3A_4806 = arith.addf %add3A_4782, %get3A_4805 : vector<16xf32>
      %get3A_4807 = arith.constant 43 : i32
      %get3A_4808 = arith.index_cast %get3A_4807 : i32 to index
      %get3A_4809 = arith.constant 0 : index
      %get3A_4810 = tpu.vector_load %arg9[%get3A_4808, %get3A_4809] {strides = array<i32>} : memref<50x64xf32, #tpu.memory_space<vmem>>, vector<1x16xf32>,
      %get3A_4811 = vector.shape_cast %get3A_4810 : vector<1x16xf32> to vector<16xf32>
      %add3A_4812 = arith.addf %add3A_4788, %get3A_4811 : vector<16xf32>
      %get3A_4813 = arith.constant 43 : i32
      %get3A_4814 = arith.index_cast %get3A_4813 : i32 to index
      %get3A_4815 = arith.constant 16 : index
      %get3A_4816 = tpu.vector_load %arg9[%get3A_4814, %get3A_4815] {strides = array<i32>} : memref<50x64xf32, #tpu.memory_space<vmem>>, vector<1x16xf32>,
      %get3A_4817 = vector.shape_cast %get3A_4816 : vector<1x16xf32> to vector<16xf32>
      %add3A_4818 = arith.addf %add3A_4794, %get3A_4817 : vector<16xf32>
      %get3A_4819 = arith.constant 43 : i32
      %get3A_4820 = arith.index_cast %get3A_4819 : i32 to index
      %get3A_4821 = arith.constant 32 : index
      %get3A_4822 = tpu.vector_load %arg9[%get3A_4820, %get3A_4821] {strides = array<i32>} : memref<50x64xf32, #tpu.memory_space<vmem>>, vector<1x16xf32>,
      %get3A_4823 = vector.shape_cast %get3A_4822 : vector<1x16xf32> to vector<16xf32>
      %add3A_4824 = arith.addf %add3A_4800, %get3A_4823 : vector<16xf32>
      %get3A_4825 = arith.constant 43 : i32
      %get3A_4826 = arith.index_cast %get3A_4825 : i32 to index
      %get3A_4827 = arith.constant 48 : index
      %get3A_4828 = tpu.vector_load %arg9[%get3A_4826, %get3A_4827] {strides = array<i32>} : memref<50x64xf32, #tpu.memory_space<vmem>>, vector<1x16xf32>,
      %get3A_4829 = vector.shape_cast %get3A_4828 : vector<1x16xf32> to vector<16xf32>
      %add3A_4830 = arith.addf %add3A_4806, %get3A_4829 : vector<16xf32>
      %get3A_4831 = arith.constant 44 : i32
      %get3A_4832 = arith.index_cast %get3A_4831 : i32 to index
      %get3A_4833 = arith.constant 0 : index
      %get3A_4834 = tpu.vector_load %arg9[%get3A_4832, %get3A_4833] {strides = array<i32>} : memref<50x64xf32, #tpu.memory_space<vmem>>, vector<1x16xf32>,
      %get3A_4835 = vector.shape_cast %get3A_4834 : vector<1x16xf32> to vector<16xf32>
      %add3A_4836 = arith.addf %add3A_4812, %get3A_4835 : vector<16xf32>
      %get3A_4837 = arith.constant 44 : i32
      %get3A_4838 = arith.index_cast %get3A_4837 : i32 to index
      %get3A_4839 = arith.constant 16 : index
      %get3A_4840 = tpu.vector_load %arg9[%get3A_4838, %get3A_4839] {strides = array<i32>} : memref<50x64xf32, #tpu.memory_space<vmem>>, vector<1x16xf32>,
      %get3A_4841 = vector.shape_cast %get3A_4840 : vector<1x16xf32> to vector<16xf32>
      %add3A_4842 = arith.addf %add3A_4818, %get3A_4841 : vector<16xf32>
      %get3A_4843 = arith.constant 44 : i32
      %get3A_4844 = arith.index_cast %get3A_4843 : i32 to index
      %get3A_4845 = arith.constant 32 : index
      %get3A_4846 = tpu.vector_load %arg9[%get3A_4844, %get3A_4845] {strides = array<i32>} : memref<50x64xf32, #tpu.memory_space<vmem>>, vector<1x16xf32>,
      %get3A_4847 = vector.shape_cast %get3A_4846 : vector<1x16xf32> to vector<16xf32>
      %add3A_4848 = arith.addf %add3A_4824, %get3A_4847 : vector<16xf32>
      %get3A_4849 = arith.constant 44 : i32
      %get3A_4850 = arith.index_cast %get3A_4849 : i32 to index
      %get3A_4851 = arith.constant 48 : index
      %get3A_4852 = tpu.vector_load %arg9[%get3A_4850, %get3A_4851] {strides = array<i32>} : memref<50x64xf32, #tpu.memory_space<vmem>>, vector<1x16xf32>,
      %get3A_4853 = vector.shape_cast %get3A_4852 : vector<1x16xf32> to vector<16xf32>
      %add3A_4854 = arith.addf %add3A_4830, %get3A_4853 : vector<16xf32>
      %get3A_4855 = arith.constant 45 : i32
      %get3A_4856 = arith.index_cast %get3A_4855 : i32 to index
      %get3A_4857 = arith.constant 0 : index
      %get3A_4858 = tpu.vector_load %arg9[%get3A_4856, %get3A_4857] {strides = array<i32>} : memref<50x64xf32, #tpu.memory_space<vmem>>, vector<1x16xf32>,
      %get3A_4859 = vector.shape_cast %get3A_4858 : vector<1x16xf32> to vector<16xf32>
      %add3A_4860 = arith.addf %add3A_4836, %get3A_4859 : vector<16xf32>
      %get3A_4861 = arith.constant 45 : i32
      %get3A_4862 = arith.index_cast %get3A_4861 : i32 to index
      %get3A_4863 = arith.constant 16 : index
      %get3A_4864 = tpu.vector_load %arg9[%get3A_4862, %get3A_4863] {strides = array<i32>} : memref<50x64xf32, #tpu.memory_space<vmem>>, vector<1x16xf32>,
      %get3A_4865 = vector.shape_cast %get3A_4864 : vector<1x16xf32> to vector<16xf32>
      %add3A_4866 = arith.addf %add3A_4842, %get3A_4865 : vector<16xf32>
      %get3A_4867 = arith.constant 45 : i32
      %get3A_4868 = arith.index_cast %get3A_4867 : i32 to index
      %get3A_4869 = arith.constant 32 : index
      %get3A_4870 = tpu.vector_load %arg9[%get3A_4868, %get3A_4869] {strides = array<i32>} : memref<50x64xf32, #tpu.memory_space<vmem>>, vector<1x16xf32>,
      %get3A_4871 = vector.shape_cast %get3A_4870 : vector<1x16xf32> to vector<16xf32>
      %add3A_4872 = arith.addf %add3A_4848, %get3A_4871 : vector<16xf32>
      %get3A_4873 = arith.constant 45 : i32
      %get3A_4874 = arith.index_cast %get3A_4873 : i32 to index
      %get3A_4875 = arith.constant 48 : index
      %get3A_4876 = tpu.vector_load %arg9[%get3A_4874, %get3A_4875] {strides = array<i32>} : memref<50x64xf32, #tpu.memory_space<vmem>>, vector<1x16xf32>,
      %get3A_4877 = vector.shape_cast %get3A_4876 : vector<1x16xf32> to vector<16xf32>
      %add3A_4878 = arith.addf %add3A_4854, %get3A_4877 : vector<16xf32>
      %get3A_4879 = arith.constant 46 : i32
      %get3A_4880 = arith.index_cast %get3A_4879 : i32 to index
      %get3A_4881 = arith.constant 0 : index
      %get3A_4882 = tpu.vector_load %arg9[%get3A_4880, %get3A_4881] {strides = array<i32>} : memref<50x64xf32, #tpu.memory_space<vmem>>, vector<1x16xf32>,
      %get3A_4883 = vector.shape_cast %get3A_4882 : vector<1x16xf32> to vector<16xf32>
      %add3A_4884 = arith.addf %add3A_4860, %get3A_4883 : vector<16xf32>
      %get3A_4885 = arith.constant 46 : i32
      %get3A_4886 = arith.index_cast %get3A_4885 : i32 to index
      %get3A_4887 = arith.constant 16 : index
      %get3A_4888 = tpu.vector_load %arg9[%get3A_4886, %get3A_4887] {strides = array<i32>} : memref<50x64xf32, #tpu.memory_space<vmem>>, vector<1x16xf32>,
      %get3A_4889 = vector.shape_cast %get3A_4888 : vector<1x16xf32> to vector<16xf32>
      %add3A_4890 = arith.addf %add3A_4866, %get3A_4889 : vector<16xf32>
      %get3A_4891 = arith.constant 46 : i32
      %get3A_4892 = arith.index_cast %get3A_4891 : i32 to index
      %get3A_4893 = arith.constant 32 : index
      %get3A_4894 = tpu.vector_load %arg9[%get3A_4892, %get3A_4893] {strides = array<i32>} : memref<50x64xf32, #tpu.memory_space<vmem>>, vector<1x16xf32>,
      %get3A_4895 = vector.shape_cast %get3A_4894 : vector<1x16xf32> to vector<16xf32>
      %add3A_4896 = arith.addf %add3A_4872, %get3A_4895 : vector<16xf32>
      %get3A_4897 = arith.constant 46 : i32
      %get3A_4898 = arith.index_cast %get3A_4897 : i32 to index
      %get3A_4899 = arith.constant 48 : index
      %get3A_4900 = tpu.vector_load %arg9[%get3A_4898, %get3A_4899] {strides = array<i32>} : memref<50x64xf32, #tpu.memory_space<vmem>>, vector<1x16xf32>,
      %get3A_4901 = vector.shape_cast %get3A_4900 : vector<1x16xf32> to vector<16xf32>
      %add3A_4902 = arith.addf %add3A_4878, %get3A_4901 : vector<16xf32>
      %get3A_4903 = arith.constant 47 : i32
      %get3A_4904 = arith.index_cast %get3A_4903 : i32 to index
      %get3A_4905 = arith.constant 0 : index
      %get3A_4906 = tpu.vector_load %arg9[%get3A_4904, %get3A_4905] {strides = array<i32>} : memref<50x64xf32, #tpu.memory_space<vmem>>, vector<1x16xf32>,
      %get3A_4907 = vector.shape_cast %get3A_4906 : vector<1x16xf32> to vector<16xf32>
      %add3A_4908 = arith.addf %add3A_4884, %get3A_4907 : vector<16xf32>
      %get3A_4909 = arith.constant 47 : i32
      %get3A_4910 = arith.index_cast %get3A_4909 : i32 to index
      %get3A_4911 = arith.constant 16 : index
      %get3A_4912 = tpu.vector_load %arg9[%get3A_4910, %get3A_4911] {strides = array<i32>} : memref<50x64xf32, #tpu.memory_space<vmem>>, vector<1x16xf32>,
      %get3A_4913 = vector.shape_cast %get3A_4912 : vector<1x16xf32> to vector<16xf32>
      %add3A_4914 = arith.addf %add3A_4890, %get3A_4913 : vector<16xf32>
      %get3A_4915 = arith.constant 47 : i32
      %get3A_4916 = arith.index_cast %get3A_4915 : i32 to index
      %get3A_4917 = arith.constant 32 : index
      %get3A_4918 = tpu.vector_load %arg9[%get3A_4916, %get3A_4917] {strides = array<i32>} : memref<50x64xf32, #tpu.memory_space<vmem>>, vector<1x16xf32>,
      %get3A_4919 = vector.shape_cast %get3A_4918 : vector<1x16xf32> to vector<16xf32>
      %add3A_4920 = arith.addf %add3A_4896, %get3A_4919 : vector<16xf32>
      %get3A_4921 = arith.constant 47 : i32
      %get3A_4922 = arith.index_cast %get3A_4921 : i32 to index
      %get3A_4923 = arith.constant 48 : index
      %get3A_4924 = tpu.vector_load %arg9[%get3A_4922, %get3A_4923] {strides = array<i32>} : memref<50x64xf32, #tpu.memory_space<vmem>>, vector<1x16xf32>,
      %get3A_4925 = vector.shape_cast %get3A_4924 : vector<1x16xf32> to vector<16xf32>
      %add3A_4926 = arith.addf %add3A_4902, %get3A_4925 : vector<16xf32>
      %get3A_4927 = arith.constant 48 : i32
      %get3A_4928 = arith.index_cast %get3A_4927 : i32 to index
      %get3A_4929 = arith.constant 0 : index
      %get3A_4930 = tpu.vector_load %arg9[%get3A_4928, %get3A_4929] {strides = array<i32>} : memref<50x64xf32, #tpu.memory_space<vmem>>, vector<1x16xf32>,
      %get3A_4931 = vector.shape_cast %get3A_4930 : vector<1x16xf32> to vector<16xf32>
      %add3A_4932 = arith.addf %add3A_4908, %get3A_4931 : vector<16xf32>
      %get3A_4933 = arith.constant 48 : i32
      %get3A_4934 = arith.index_cast %get3A_4933 : i32 to index
      %get3A_4935 = arith.constant 16 : index
      %get3A_4936 = tpu.vector_load %arg9[%get3A_4934, %get3A_4935] {strides = array<i32>} : memref<50x64xf32, #tpu.memory_space<vmem>>, vector<1x16xf32>,
      %get3A_4937 = vector.shape_cast %get3A_4936 : vector<1x16xf32> to vector<16xf32>
      %add3A_4938 = arith.addf %add3A_4914, %get3A_4937 : vector<16xf32>
      %get3A_4939 = arith.constant 48 : i32
      %get3A_4940 = arith.index_cast %get3A_4939 : i32 to index
      %get3A_4941 = arith.constant 32 : index
      %get3A_4942 = tpu.vector_load %arg9[%get3A_4940, %get3A_4941] {strides = array<i32>} : memref<50x64xf32, #tpu.memory_space<vmem>>, vector<1x16xf32>,
      %get3A_4943 = vector.shape_cast %get3A_4942 : vector<1x16xf32> to vector<16xf32>
      %add3A_4944 = arith.addf %add3A_4920, %get3A_4943 : vector<16xf32>
      %get3A_4945 = arith.constant 48 : i32
      %get3A_4946 = arith.index_cast %get3A_4945 : i32 to index
      %get3A_4947 = arith.constant 48 : index
      %get3A_4948 = tpu.vector_load %arg9[%get3A_4946, %get3A_4947] {strides = array<i32>} : memref<50x64xf32, #tpu.memory_space<vmem>>, vector<1x16xf32>,
      %get3A_4949 = vector.shape_cast %get3A_4948 : vector<1x16xf32> to vector<16xf32>
      %add3A_4950 = arith.addf %add3A_4926, %get3A_4949 : vector<16xf32>
      %get3A_4951 = arith.constant 49 : i32
      %get3A_4952 = arith.index_cast %get3A_4951 : i32 to index
      %get3A_4953 = arith.constant 0 : index
      %get3A_4954 = tpu.vector_load %arg9[%get3A_4952, %get3A_4953] {strides = array<i32>} : memref<50x64xf32, #tpu.memory_space<vmem>>, vector<1x16xf32>,
      %get3A_4955 = vector.shape_cast %get3A_4954 : vector<1x16xf32> to vector<16xf32>
      %add3A_4956 = arith.addf %add3A_4932, %get3A_4955 : vector<16xf32>
      %get3A_4957 = arith.constant 49 : i32
      %get3A_4958 = arith.index_cast %get3A_4957 : i32 to index
      %get3A_4959 = arith.constant 16 : index
      %get3A_4960 = tpu.vector_load %arg9[%get3A_4958, %get3A_4959] {strides = array<i32>} : memref<50x64xf32, #tpu.memory_space<vmem>>, vector<1x16xf32>,
      %get3A_4961 = vector.shape_cast %get3A_4960 : vector<1x16xf32> to vector<16xf32>
      %add3A_4962 = arith.addf %add3A_4938, %get3A_4961 : vector<16xf32>
      %get3A_4963 = arith.constant 49 : i32
      %get3A_4964 = arith.index_cast %get3A_4963 : i32 to index
      %get3A_4965 = arith.constant 32 : index
      %get3A_4966 = tpu.vector_load %arg9[%get3A_4964, %get3A_4965] {strides = array<i32>} : memref<50x64xf32, #tpu.memory_space<vmem>>, vector<1x16xf32>,
      %get3A_4967 = vector.shape_cast %get3A_4966 : vector<1x16xf32> to vector<16xf32>
      %add3A_4968 = arith.addf %add3A_4944, %get3A_4967 : vector<16xf32>
      %get3A_4969 = arith.constant 49 : i32
      %get3A_4970 = arith.index_cast %get3A_4969 : i32 to index
      %get3A_4971 = arith.constant 48 : index
      %get3A_4972 = tpu.vector_load %arg9[%get3A_4970, %get3A_4971] {strides = array<i32>} : memref<50x64xf32, #tpu.memory_space<vmem>>, vector<1x16xf32>,
      %get3A_4973 = vector.shape_cast %get3A_4972 : vector<1x16xf32> to vector<16xf32>
      %add3A_4974 = arith.addf %add3A_4950, %get3A_4973 : vector<16xf32>
      %mul3A_4975 = arith.constant 2.000000e-02 : f32
      %mul3A_4976 = vector.broadcast %mul3A_4975 : f32 to vector<16xf32>
      %mul3A_4977 = arith.mulf %add3A_4956, %mul3A_4976 : vector<16xf32>
      %swap3A_4978 = arith.index_cast %add3A_3772 : i32 to index
      %swap3A_4979 = arith.constant 0 : index
      %swap3A_4980 = tpu.vector_load %arg10[%swap3A_4978, %swap3A_4979] {strides = array<i32>} : memref<512x64xf32, #tpu.memory_space<vmem>>, vector<1x16xf32>,
      %swap3A_4981 = vector.shape_cast %swap3A_4980 : vector<1x16xf32> to vector<16xf32>
      %swap3A_4982 = vector.shape_cast %mul3A_4977 : vector<16xf32> to vector<1x16xf32>
      tpu.vector_store %arg10[%swap3A_4978, %swap3A_4979], %swap3A_4982 {strides = array<i32>} : memref<512x64xf32, #tpu.memory_space<vmem>>, vector<1x16xf32>,
      %mul3A_4983 = arith.constant 2.000000e-02 : f32
      %mul3A_4984 = vector.broadcast %mul3A_4983 : f32 to vector<16xf32>
      %mul3A_4985 = arith.mulf %add3A_4962, %mul3A_4984 : vector<16xf32>
      %swap3A_4986 = arith.index_cast %add3A_3772 : i32 to index
      %swap3A_4987 = arith.constant 16 : index
      %swap3A_4988 = tpu.vector_load %arg10[%swap3A_4986, %swap3A_4987] {strides = array<i32>} : memref<512x64xf32, #tpu.memory_space<vmem>>, vector<1x16xf32>,
      %swap3A_4989 = vector.shape_cast %swap3A_4988 : vector<1x16xf32> to vector<16xf32>
      %swap3A_4990 = vector.shape_cast %mul3A_4985 : vector<16xf32> to vector<1x16xf32>
      tpu.vector_store %arg10[%swap3A_4986, %swap3A_4987], %swap3A_4990 {strides = array<i32>} : memref<512x64xf32, #tpu.memory_space<vmem>>, vector<1x16xf32>,
      %mul3A_4991 = arith.constant 2.000000e-02 : f32
      %mul3A_4992 = vector.broadcast %mul3A_4991 : f32 to vector<16xf32>
      %mul3A_4993 = arith.mulf %add3A_4968, %mul3A_4992 : vector<16xf32>
      %swap3A_4994 = arith.index_cast %add3A_3772 : i32 to index
      %swap3A_4995 = arith.constant 32 : index
      %swap3A_4996 = tpu.vector_load %arg10[%swap3A_4994, %swap3A_4995] {strides = array<i32>} : memref<512x64xf32, #tpu.memory_space<vmem>>, vector<1x16xf32>,
      %swap3A_4997 = vector.shape_cast %swap3A_4996 : vector<1x16xf32> to vector<16xf32>
      %swap3A_4998 = vector.shape_cast %mul3A_4993 : vector<16xf32> to vector<1x16xf32>
      tpu.vector_store %arg10[%swap3A_4994, %swap3A_4995], %swap3A_4998 {strides = array<i32>} : memref<512x64xf32, #tpu.memory_space<vmem>>, vector<1x16xf32>,
      %mul3A_4999 = arith.constant 2.000000e-02 : f32
      %mul3A_5000 = vector.broadcast %mul3A_4999 : f32 to vector<16xf32>
      %mul3A_5001 = arith.mulf %add3A_4974, %mul3A_5000 : vector<16xf32>
      %swap3A_5002 = arith.index_cast %add3A_3772 : i32 to index
      %swap3A_5003 = arith.constant 48 : index
      %swap3A_5004 = tpu.vector_load %arg10[%swap3A_5002, %swap3A_5003] {strides = array<i32>} : memref<512x64xf32, #tpu.memory_space<vmem>>, vector<1x16xf32>,
      %swap3A_5005 = vector.shape_cast %swap3A_5004 : vector<1x16xf32> to vector<16xf32>
      %swap3A_5006 = vector.shape_cast %mul3A_5001 : vector<16xf32> to vector<1x16xf32>
      tpu.vector_store %arg10[%swap3A_5002, %swap3A_5003], %swap3A_5006 {strides = array<i32>} : memref<512x64xf32, #tpu.memory_space<vmem>>, vector<1x16xf32>,
      %add3A_5007 = arith.constant 4 : i32
      %add3A_5008 = arith.addi %add3A_3772, %add3A_5007 : i32
      %lt3A_5009 = arith.constant 512 : i32
      %lt3A_5010 = arith.cmpi slt, %add3A_5008, %lt3A_5009 : i32
      %convert_element_type3A_5011 = arith.extui %lt3A_5010 : i1 to i32
      %cond3A_5012 = arith.constant 0 : i32
      %cond3A_5013 = arith.cmpi ne, %convert_element_type3A_5011, %cond3A_5012 : i32
      scf.if %cond3A_5013 {
        %dma_start3A_5015 = arith.constant 0 : i32
        %dma_start3A_5016 = tpu.memref_slice %arg5[%add3A_5008, %dma_start3A_5015] : memref<512x50xi32, #tpu.memory_space<vmem>> -> memref<1x50xi32, #tpu.memory_space<vmem>>
        %dma_start3A_5017 = tpu.memref_squeeze %dma_start3A_5016 : memref<1x50xi32, #tpu.memory_space<vmem>> -> memref<50xi32, #tpu.memory_space<vmem>>
        %dma_start3A_5018 = arith.constant 0 : i32
        %dma_start3A_5019 = arith.constant 0 : i32
        %dma_start3A_5020 = tpu.memref_slice %arg3[%dma_start3A_5018, %dma_start3A_5019] : memref<1000000x64xf32, #tpu.memory_space<hbm>> -> memref<1000000x64xf32, #tpu.memory_space<hbm>>
        tpu.enqueue_indirect_dma source(%dma_start3A_5020 : memref<1000000x64xf32, #tpu.memory_space<hbm>>) target(%arg9 : memref<50x64xf32, #tpu.memory_space<vmem>>) offsets(%dma_start3A_5017 : memref<50xi32, #tpu.memory_space<vmem>>) semaphore(%arg14 : memref<!tpu.dma_semaphore, #tpu.memory_space<semaphore_mem>>)
      } else {
      }
      %scan3A_5014 = arith.constant 0 : i32
      scf.yield %scan3A_5014 : i32
    }
    %scan3A_35 = arith.constant 128 : i32
    %mul3A_36 = arith.constant 512 : i32
    %mul3A_37 = arith.muli %add3A, %mul3A_36 : i32
    "tpu.region"() ({
      %run_scoped3A = tpu.sem_alloc : memref<!tpu.dma_semaphore, #tpu.memory_space<semaphore_mem>>
      %dma_start3A_38 = arith.constant 0 : i32
      %dma_start3A_39 = tpu.memref_slice %arg4[%mul3A_37, %dma_start3A_38] : memref<16384x64xf32, #tpu.memory_space<hbm>> -> memref<512x64xf32, #tpu.memory_space<hbm>>
      %dma_start3A_40 = arith.constant 0 : i32
      %dma_start3A_41 = tpu.memref_slice %arg4[%mul3A_37, %dma_start3A_40] : memref<16384x64xf32, #tpu.memory_space<hbm>> -> memref<512x64xf32, #tpu.memory_space<hbm>>
      tpu.enqueue_dma source(%arg10 : memref<512x64xf32, #tpu.memory_space<vmem>>) target(%dma_start3A_41 : memref<512x64xf32, #tpu.memory_space<hbm>>) target_semaphore(%run_scoped3A : memref<!tpu.dma_semaphore, #tpu.memory_space<semaphore_mem>>)
      %dma_wait3A = arith.constant 0 : i32
      %dma_wait3A_42 = tpu.memref_slice %arg4[%mul3A_37, %dma_wait3A] : memref<16384x64xf32, #tpu.memory_space<hbm>> -> memref<512x64xf32, #tpu.memory_space<hbm>>
      %dma_wait3A_43 = arith.constant 0 : i32
      %dma_wait3A_44 = tpu.memref_slice %arg4[%mul3A_37, %dma_wait3A_43] : memref<16384x64xf32, #tpu.memory_space<hbm>> -> memref<512x64xf32, #tpu.memory_space<hbm>>
      tpu.wait_dma2 semaphore(%run_scoped3A : memref<!tpu.dma_semaphore, #tpu.memory_space<semaphore_mem>>) src(%arg10 : memref<512x64xf32, #tpu.memory_space<vmem>>) dst(%dma_wait3A_44 : memref<512x64xf32, #tpu.memory_space<hbm>>)
      tpu.yield
    }) : () -> ()
    return
  }
}

module attributes {stable_mosaic.version = 14 : i64} {
  func.func @_mlp_body(%arg0: memref<16384x64xf32, #tpu.memory_space<vmem>>, %arg1: memref<16384x1xf32, #tpu.memory_space<vmem>>, %arg2: memref<65x50xf32, #tpu.memory_space<vmem>>, %arg3: memref<1x50xf32, #tpu.memory_space<vmem>>, %arg4: memref<50x2xf32, #tpu.memory_space<vmem>>, %arg5: memref<1x2xf32, #tpu.memory_space<vmem>>, %arg6: memref<16384x2xf32, #tpu.memory_space<vmem>>) attributes {dimension_semantics = [], scalar_prefetch = 0 : i64, scratch_operands = 0 : i64, tpu.core_type = #tpu.core_type<tc>} {
    %get3A = arith.constant 0 : index
    %get3A_0 = arith.constant 0 : index
    %get3A_1 = vector.load %arg0[%get3A, %get3A_0] : memref<16384x64xf32, #tpu.memory_space<vmem>>, vector<16384x64xf32>
    %get3A_2 = arith.constant 0 : index
    %get3A_3 = arith.constant 0 : index
    %get3A_4 = vector.load %arg1[%get3A_2, %get3A_3] : memref<16384x1xf32, #tpu.memory_space<vmem>>, vector<16384x1xf32>
    %concatenate3A = tpu.concatenate %get3A_1, %get3A_4 in 1 : vector<16384x64xf32>, vector<16384x1xf32> -> vector<16384x65xf32>
    %get3A_5 = arith.constant 0 : index
    %get3A_6 = arith.constant 0 : index
    %get3A_7 = vector.load %arg2[%get3A_5, %get3A_6] : memref<65x50xf32, #tpu.memory_space<vmem>>, vector<65x50xf32>
    %dot_general3A = arith.constant dense<0.000000e+00> : vector<16384x50xf32>
    %dot_general3A_8 = tpu.matmul %concatenate3A, %get3A_7, %dot_general3A {dimension_numbers = #tpu.dot_dimension_numbers<[1], [0], [0], [1], [0, 0, 1, 1], [], []>, transpose_lhs_hint = false} : vector<16384x65xf32>, vector<65x50xf32>, vector<16384x50xf32> -> vector<16384x50xf32>
    %get3A_9 = arith.constant 0 : index
    %get3A_10 = arith.constant 0 : index
    %get3A_11 = vector.load %arg3[%get3A_9, %get3A_10] : memref<1x50xf32, #tpu.memory_space<vmem>>, vector<1x50xf32>
    %add3A = vector.broadcast %get3A_11 : vector<1x50xf32> to vector<16384x50xf32>
    %add3A_12 = arith.addf %dot_general3A_8, %add3A : vector<16384x50xf32>
    %max3A = arith.constant 0.000000e+00 : f32
    %max3A_13 = vector.broadcast %max3A : f32 to vector<16384x50xf32>
    %max3A_14 = arith.maximumf %add3A_12, %max3A_13 : vector<16384x50xf32>
    %get3A_15 = arith.constant 0 : index
    %get3A_16 = arith.constant 0 : index
    %get3A_17 = vector.load %arg4[%get3A_15, %get3A_16] : memref<50x2xf32, #tpu.memory_space<vmem>>, vector<50x2xf32>
    %dot_general3A_18 = arith.constant dense<0.000000e+00> : vector<16384x2xf32>
    %dot_general3A_19 = tpu.matmul %max3A_14, %get3A_17, %dot_general3A_18 {dimension_numbers = #tpu.dot_dimension_numbers<[1], [0], [0], [1], [0, 0, 1, 1], [], []>, transpose_lhs_hint = false} : vector<16384x50xf32>, vector<50x2xf32>, vector<16384x2xf32> -> vector<16384x2xf32>
    %get3A_20 = arith.constant 0 : index
    %get3A_21 = arith.constant 0 : index
    %get3A_22 = vector.load %arg5[%get3A_20, %get3A_21] : memref<1x2xf32, #tpu.memory_space<vmem>>, vector<1x2xf32>
    %add3A_23 = vector.broadcast %get3A_22 : vector<1x2xf32> to vector<16384x2xf32>
    %add3A_24 = arith.addf %dot_general3A_19, %add3A_23 : vector<16384x2xf32>
    %swap3A = arith.constant 0 : index
    %swap3A_25 = arith.constant 0 : index
    %swap3A_26 = vector.load %arg6[%swap3A, %swap3A_25] : memref<16384x2xf32, #tpu.memory_space<vmem>>, vector<16384x2xf32>
    tpu.vector_store %arg6[%swap3A, %swap3A_25], %add3A_24 {strides = array<i32>} : memref<16384x2xf32, #tpu.memory_space<vmem>>, vector<16384x2xf32>,
    return
  }
}

</mosaic_0001>

<sc_bundles>
// kernel: kernel.4.cloned.1.call-start
scs
__scs_entry_jumppad:
0x0: {  	(pc) =	sbr.rel $0x88, $3  }
0x1: {  	(tag) =	ssettag $0x0;
	lr =	simm.s32 $0x1  }
0x2: {  	[smem:$0x3F9A] =	sst lr;
	_ =	strace $0xD0000000  }
0x3: {  	_ = 	snop  }
0x4: {  	_ = 	snop  }
0x5: {  	_ = 	snop  }
0x6: {  	_ = 	snop  }
0x7: {  	_ = 	snop  }
__scs_overlays_trampoline_lowered:
0x8: {  	[smem:$0x3FA9] =	sst s0  }
0x9: {  	[smem:$0x3FAA] =	sst s1  }
0xa: {  	[smem:$0x3FAB] =	sst s2  }
0xb: {  	[smem:$0x3FAC] =	sst s3  }
0xc: {  	[smem:$0x3FAD] =	sst s4  }
0xd: {  	[smem:$0x3FAE] =	sst s5  }
0xe: {  	[smem:$0x3FAF] =	sst s6  }
0xf: {  	[smem:$0x3FB0] =	sst s7  }
0x10: {  	[smem:$0x3FB1] =	sst s8  }
0x11: {  	[smem:$0x3FB2] =	sst s9;
	s0 =	simm.s32 @!p0 $0x0  }
0x12: {  	s1 =	sld [smem:$0x3F98];
	s0 =	simm.s32 @p0 $0x1  }
0x13: {  	[smem:$0x3FB3] =	sst s0;
	s0 =	simm.s32 @!p1 $0x0  }
0x14: {  	s2 =	sld [smem:$0x3F97];
	s0 =	simm.s32 @p1 $0x1  }
0x15: {  	[smem:$0x3FB4] =	sst s0;
	s0 =	simm.s32 @!p2 $0x0  }
0x16: {  	s3 =	sld [smem:$0x3FDB];
	s0 =	simm.s32 @p2 $0x1  }
0x17: {  	s4 =	simm.s32 $0x1BF5;
	[smem:$0x3FB6] =	sst s0  }
0x18: {  	s0 =	sld [smem:$0x3F99];
	_ =	swait.ge [sflag:s4], $0x0  }
0x19: {  	s7 =	sld [smem:$0x3F9A]  }
0x1a: {  	s8 =	sadd.s32 $0xFFFFE003, lr  }
0x1b: {  	s9 =	sadd.s32 $0xFFFFFEF7, lr;
	s5 =	simm.s32 $0xFFFFFFFF;
	p2 =	slt.u32 s8, $0xFFFFF086  }
0x1c: {  	p1 =	slt.u32 s9, $0xF7A;
	s5 =	simm.s32 @!p2 $0x0  }
0x1d: {  	s5 =	simm.s32 @p1 $0x1;
	p0 =	seq.s32 s7, s2  }
0x1e: {  	s7 =	smul.u32 @!p0 $0xF7A, s2;
	p2 =	seq.s32 @!p0 s5, $0x0  }
0x1f: {  	s9 =	smul.u32 $0xF7A, s1;
	s8 =	simm.s32 @!p0 $0x1BF5;
	p2 =	por !p2, p0  }
0x20: {  	[sflag:s8] =	ssyncset.s32 @!p0 $0xFFFFF086;
	s6 =	sadd.s32 @!p0 s3, s7;
	s7 =	simm.s32 @!p0 $0x108  }
0x21: {  	s3 =	sadd.s32 s3, s9;
	s6 =	sadd.s32 @!p0 $0x88, s6;
	s7 =	simm.s32 @p2 $0x1082  }
0x22: {  	[simem:s7], [sflag:s8] =	dma.local @!p0 [hbm:s6], $0xF7A  }
0x23: {  	s9 =	sor.u32 $0xD0000000, s2;
	s6 =	simm.s32 $0x108;
	_ =	swait.ge @!p0 [sflag:s8], $0x0  }
0x24: {  	s3 =	sadd.s32 $0x88, s3;
	s6 =	simm.s32 @!p1 $0x1082;
	[sflag:s4] =	ssyncset.s32 $0xFFFFF086  }
0x25: {  	[simem:s6], [sflag:s4] =	dma.local [hbm:s3], $0xF7A  }
0x26: {  	[smem:$0x3F9A] =	sst s1;
	(tag) =	ssettag s2;
	_ =	strace s9  }
0x27: {  	s1 =	sld [smem:$0x3FAA]  }
0x28: {  	s2 =	sld [smem:$0x3FAB]  }
0x29: {  	s4 =	sld [smem:$0x3FAD]  }
0x2a: {  	p0 =	seq.s32 s5, $0x0;
	s5 =	sld [smem:$0x3FAE]  }
0x2b: {  	s6 =	sld [smem:$0x3FAF]  }
0x2c: {  	s7 =	sld [smem:$0x3FB0]  }
0x2d: {  	s3 =	simm.s32 $0x108;
	s8 =	sld [smem:$0x3FB1]  }
0x2e: {  	s3 =	simm.s32 @!p0 $0x1082;
	s9 =	sld [smem:$0x3FB2]  }
0x2f: {  	lr =	sadd.s32 s0, s3;
	s0 =	sld [smem:$0x3FA9]  }
0x30: {  	s3 =	sld [smem:$0x3FAC]  }
0x31: {  	[smem:$0x3FB5] =	sst s10  }
0x32: {  	s10 =	sld [smem:$0x3FB3];
	_ =	sdelay $0x3  }
0x33: {  	p0 =	seq.s32 s10, $0x1;
	s10 =	sld [smem:$0x3FB5];
	_ =	sdelay $0x3  }
0x34: {  	[smem:$0x3FB5] =	sst s10  }
0x35: {  	s10 =	sld [smem:$0x3FB4];
	_ =	sdelay $0x3  }
0x36: {  	p1 =	seq.s32 s10, $0x1;
	s10 =	sld [smem:$0x3FB5];
	_ =	sdelay $0x3  }
0x37: {  	[smem:$0x3FB5] =	sst s10  }
0x38: {  	s10 =	sld [smem:$0x3FB6]  }
0x39: {  	_ = 	snop;
	(pc) =	sbr.ind lr, $3  }
0x3a: {  	_ = 	snop  }
0x3b: {  	_ = 	snop  }
0x3c: {  	p2 =	seq.s32 s10, $0x1;
	s10 =	sld [smem:$0x3FB5]  }
0x3d: {  	_ =	shalt  }
0x3e: {  	_ =	shalt  }
0x3f: {  	_ =	shalt  }
0x40: {  	_ =	shalt  }
0x41: {  	_ =	shalt  }
0x42: {  	_ =	shalt  }
0x43: {  	_ =	shalt  }
0x44: {  	_ =	shalt  }
0x45: {  	_ =	shalt  }
0x46: {  	_ =	shalt  }
0x47: {  	_ =	shalt  }
0x48: {  	_ =	shalt  }
0x49: {  	_ =	shalt  }
0x4a: {  	_ =	shalt  }
0x4b: {  	_ =	shalt  }
0x4c: {  	_ =	shalt  }
0x4d: {  	_ =	shalt  }
0x4e: {  	_ =	shalt  }
0x4f: {  	_ =	shalt  }
0x50: {  	_ =	shalt  }
0x51: {  	_ =	shalt  }
0x52: {  	_ =	shalt  }
0x53: {  	_ =	shalt  }
0x54: {  	_ =	shalt  }
0x55: {  	_ =	shalt  }
0x56: {  	_ =	shalt  }
0x57: {  	_ =	shalt  }
0x58: {  	_ =	shalt  }
0x59: {  	_ =	shalt  }
0x5a: {  	_ =	shalt  }
0x5b: {  	_ =	shalt  }
0x5c: {  	_ =	shalt  }
0x5d: {  	_ =	shalt  }
0x5e: {  	_ =	shalt  }
0x5f: {  	_ =	shalt  }
0x60: {  	_ =	shalt  }
0x61: {  	_ =	shalt  }
0x62: {  	_ =	shalt  }
0x63: {  	_ =	shalt  }
0x64: {  	_ =	shalt  }
0x65: {  	_ =	shalt  }
0x66: {  	_ =	shalt  }
0x67: {  	_ =	shalt  }
0x68: {  	_ =	shalt  }
0x69: {  	_ =	shalt  }
0x6a: {  	_ =	shalt  }
0x6b: {  	_ =	shalt  }
0x6c: {  	_ =	shalt  }
0x6d: {  	_ =	shalt  }
0x6e: {  	_ =	shalt  }
0x6f: {  	_ =	shalt  }
0x70: {  	_ =	shalt  }
0x71: {  	_ =	shalt  }
0x72: {  	_ =	shalt  }
0x73: {  	_ =	shalt  }
0x74: {  	_ =	shalt  }
0x75: {  	_ =	shalt  }
0x76: {  	_ =	shalt  }
0x77: {  	_ =	shalt  }
0x78: {  	_ =	shalt  }
0x79: {  	_ =	shalt  }
0x7a: {  	_ =	shalt  }
0x7b: {  	_ =	shalt  }
0x7c: {  	_ =	shalt  }
0x7d: {  	_ =	shalt  }
0x7e: {  	_ =	shalt  }
0x7f: {  	_ =	shalt  }
0x80: {  	_ =	shalt  }
0x81: {  	_ =	shalt  }
0x82: {  	_ =	shalt  }
0x83: {  	_ =	shalt  }
0x84: {  	_ =	shalt  }
0x85: {  	_ =	shalt  }
0x86: {  	_ =	shalt  }
0x87: {  	_ =	shalt  }
.Lfunc_end0:
.L_simem_size_0:
called_computation_lowered:
.L_overlay_start_0:
0x88: {  	s2 =	sld [smem:$0x3FD9]  }
0x89: {  	s3 =	sld [smem:$0x3FFE];
	_ =	sdelay $0x1  }
0x8a: {  	s1 =	srdreg.scid  }
0x8b: {  	s0 =	sand.u32 $0x1, s1  }
0x8c: {  	s16 =	sshll.u32 s0, $0xA;
	s2 =	sadd.s32 s3, s2  }
0x8d: {  	s2 =	sadd.s32 s2, s16  }
0x8e: {  	[smem:$0x3FC1] =	sst s2  }
0x8f: {  	_ = 	snop  }
0x90: {  	(tm) =	ssettm $0x1  }
0x91: {  	s17 =	sld [smem:$0x3FFB];
	_ =	sdelay $0x3  }
0x92: {  	_ =	strace s17  }
0x93: {  	s2 =	sld [smem:$0x3FFC];
	_ =	sdelay $0x3  }
0x94: {  	_ =	strace s2  }
0x95: {  	s2 =	sld [smem:$0x3FFD];
	_ =	sdelay $0x3  }
0x96: {  	_ =	strace s2  }
0x97: {  	_ =	strace $0x8FFFFFFF  }
0x98: {  	s18 =	sld [smem:$0x3FDB];
	_ =	sdelay $0x1  }
0x99: {  	s19 =	simm.s32 $_scs_section_size  }
0x9a: {  	s4 =	simm.s32 $_size__tile_overlayer_lowered;
	s5 =	simm.s32 $_tile_overlayer_lowered  }
0x9b: {  	s22 =	simm.s32 $0x1BFF;
	s21 =	sshll.u32 s5, $0x1;
	s2 =	sadd.s32 s19, s18  }
0x9c: {  	s6 =	simm.s32 $0x0;
	s20 =	sshll.u32 s4, $0x1;
	s4 =	sadd.s32 s21, s2  }
0x9d: {  	[timem:s6], [sflag:s22] =	dma.local [hbm:s4], s20  }
0x9e: {  	_ =	swait.ge [sflag:s22], s20  }
0x9f: {  	s3 =	ssub.s32 $0x0, s20;
	[sflag:s22] =	ssyncset.done $0x0  }
0xa0: {  	[sflag:s22] =	ssyncadd.s32 s3;
	_ =	sdelay $0x1  }
0xa1: {  	s23 =	simm.s32 $0x1B8B  }
0xa2: {  	_ =	swait.ge [sflag:s23], $0x1  }
0xa3: {  	[sflag:s23] =	ssyncset.done $0x0  }
0xa4: {  	s25 =	simm.s32 $0x1B8E;
	s24 =	sld [smem:$0x3FFE];
	[sflag:s23] =	ssyncadd.s32 $0xFFFFFFFF  }
0xa5: {  	s26 =	simm.s32 $execute0_lowered;
	[smem:$0x3FD2] =	sst s25  }
0xa6: {  	s4 =	sshll.u32 s26, $0x1;
	_ =	strace $0x80000046;
	[dreg:$0x1] =	wrdreg $0xFFFFFFFF  }
0xa7: {  	s28 =	simm.s32 $_size_execute0_lowered;
	s2 =	sadd.s32 s2, s4;
	[dreg:$0x0] =	wrdreg $0x0  }
0xa8: {  	s4 =	sshll.u32 s28, $0x1;
	[dreg:$0x2] =	wrdreg s2  }
0xa9: {  	[dreg:$0x3] =	wrdreg s4  }
0xaa: {  	[dreg:$0x4] =	wrdreg $0xC0  }
0xab: {  	_ =	task [dreg:s6], $0x5FFFF  }
0xac: {  	[dreg:$0x1] =	wrdreg $0xFFFFFFFF  }
0xad: {  	[dreg:$0x0] =	wrdreg $0x60  }
0xae: {  	[dreg:$0x2] =	wrdreg s24  }
0xaf: {  	[dreg:$0x3] =	wrdreg $0x9  }
0xb0: {  	_ =	task.clear_ibuf [dreg:s6], $0x4FFFF;
	_ =	strace $0x90000046  }
0xb1: {  	s29 =	simm.s32 $0x9;
	_ =	strace $0x80000048  }
0xb2: {  	_ =	swait.ge [sflag:s29], $0x1  }
0xb3: {  	[sflag:s29] =	ssyncadd.s32 $0xFFFFFFFF  }
0xb4: {  	_ =	strace $0x90000048  }
0xb5: {  	_ =	sfence  }
0xb6: {  	s30 =	sld [smem:$0x0];
	_ =	sdelay $0x2  }
0xb7: {  	s31 =	sshll.u32 s1, $0xD;
	s1 =	sshrl.u32 s1, $0x2  }
0xb8: {  	s3 =	sand.u32 $0x4000, s31;
	s1 =	sadd.s32 s1, s30  }
0xb9: {  	s0 =	sor.u32 s3, s0;
	s1 =	sshll.u32 s1, $0x11  }
0xba: {  	s0 =	sor.u32 s1, s0  }
0xbb: {  	s0 =	sadd.s32 $0x8F2B, s0  }
0xbc: {  	[sflag:s0] =	ssyncadd.remote.s32 $0x1  }
0xbd: {  	_ =	sfence.sel $0xFFFF  }
0xbe: {  	[dreg:$0x0] =	wrdreg $0xFFFFFFFF;
	(pc) =	sbr.abs _section_cstart, $3  }
0xbf: {  	[dreg:$0x1] =	wrdreg $0xFFFFFFFF  }
0xc0: {  	_ =	task.clear_ibuf [dreg:s6], $0x2FFFF;
	_ =	strace $0x9FFFFFFF  }
0xc1: {  	(tm) =	ssettm $0x7FFFFFFF  }
tec
execute0_lowered:
.L_overlay_start_1:
0x0: {  	(tag) =	ssettag $0x1  }
0x1: {  	s1 =	srdreg.scid;
	s0 =	stileid.u32  }
0x2: {  	s4 =	rddreg [dreg:$0x0];
	s2 =	simm.s32 $0x0;
	s9 =	simm.s32 $0x7000  }
0x3: {  	s10 =	simm.s32 $0x38;
	s11 =	simm.s32 $0x7C80;
	s12 =	simm.s32 $0x70  }
0x4: {  	s13 =	simm.s32 $0x8900;
	s14 =	simm.s32 $0xA8;
	s15 =	simm.s32 $0x9580  }
0x5: {  	s16 =	simm.s32 $0x1;
	s17 =	simm.s32 $0x2;
	s18 =	simm.s32 $0x3  }
0x6: {  	s19 =	simm.s32 $0x4;
	s20 =	simm.s32 $0xA200;
	s21 =	simm.s32 $0x0  }
0x7: {  	s3 =	sand.u32 $0x1, s1;
	s5 =	sshll.u32 s0, $0xA;
	[smem:$0x7FF] =	sst s2  }
0x8: {  	s1 =	rddreg [dreg:$0x1];
	s6 =	sshll.u32 s3, $0x9;
	_ =	strace $0x80000047  }
.Ltmp0:
0x9: {  	s7 =	ssub.s32 $0x2, s3;
	s5 =	sor.u32 s6, s5;
	(pc) =	sbr.rel .LBB2_1-.Ltmp0, $4  }
0xa: {  	s8 =	sshrl.u32 s7, $0x1;
	s6 =	smul.u32 $0x7, s5;
	s5 =	sshll.u32 s5, $0x3  }
0xb: {  	s3 =	sadd.s32 $0xF43400, s4;
	s7 =	ssub.s32 s7, s8;
	s5 =	sadd.s32 s5, s4  }
0xc: {  	s8 =	simm.s32 $0x32;
	s6 =	sadd.s32 s6, s4;
	s5 =	sadd.s32 $0x1D000, s5  }
0xd: {  	s4 =	sadd.s32 $0x1000, s6;
	s6 =	smax.u32 s7, $0x1;
	s7 =	simm.s32 $0x5  }
.LBB2_4:
0xe: {  	s21 =	sadd.s32 $0x1, s21  }
0xf: {  	p0 =	sne.s32 s21, s6  }
.Ltmp1:
0x10: {  	_ = 	snop;
	(pc) =	sbr.rel @!p0 .LBB2_5-.Ltmp1, $4  }
0x11: {  	[hbm4b:s5+s2] =	stream.linear.scatter [tilespmem:s20], [sflag:$0x5], $0x8000, $0x38;
	[tilespmem:$0x12200] =	vst v63  }
0x12: {  	_ =	swait.ge [sflag:s7], $0x8000  }
0x13: {  	[sflag:s7] =	ssyncset.done $0x0  }
0x14: {  	[sflag:s7] =	ssyncadd.s32 $0xFFFF8000  }
.LBB2_1:
0x15: {  	[tilespmem:s2], [sflag:$0x5] =	stream.linear.gather [hbm4b:s4+s2], $0x7000, $0x38;
	[tilespmem:$0x12200] =	vst v63  }
0x16: {  	_ =	swait.ge [sflag:s7], $0x7000  }
0x17: {  	[sflag:s7] =	ssyncset.done $0x0  }
0x18: {  	[sflag:s7] =	ssyncadd.s32 $0xFFFF9000  }
0x19: {  	[tilespmem:s9], [sflag:$0x1] =	stream.indirect.gather [hbm4b:s3+s8], $0x40, s2, s8, $0xb8;
	[tilespmem:$0x12200] =	vst v63  }
0x1a: {  	_ = 	snop  }
0x1b: {  	[tilespmem:s11], [sflag:$0x2] =	stream.indirect.gather [hbm4b:s3+s8], $0x40, s10, s8, $0xb8;
	[tilespmem:$0x12200] =	vst v63  }
0x1c: {  	_ = 	snop  }
0x1d: {  	[tilespmem:s13], [sflag:$0x3] =	stream.indirect.gather [hbm4b:s3+s8], $0x40, s12, s8, $0xb8;
	[tilespmem:$0x12200] =	vst v63  }
0x1e: {  	s22 =	simm.s32 $0xFFFE4380;
	s23 =	simm.s32 $0xA280  }
0x1f: {  	[tilespmem:s15], [sflag:$0x4] =	stream.indirect.gather [hbm4b:s3+s8], $0x40, s14, s8, $0xb8;
	[tilespmem:$0x12200] =	vst v63  }
.LBB2_2:
0x20: {  	_ =	swait.ge [sflag:s16], $0xC80  }
0x21: {  	[sflag:s16] =	ssyncset.done $0x0  }
0x22: {  	[sflag:s16] =	ssyncadd.s32 $0xFFFFF380  }
0x23: {  	v56 =	vld [tilespmem:$0x73F0];
	_ =	sdelay $0x4  }
0x24: {  	[tilespmem:$0x1F5D0] =	vst v56;
	v56 =	vld [tilespmem:$0x7410];
	_ =	sdelay $0x4  }
0x25: {  	[tilespmem:$0x1F5E0] =	vst v56;
	v56 =	vld [tilespmem:$0x7420];
	_ =	sdelay $0x4  }
0x26: {  	[tilespmem:$0x1F5F0] =	vst v56;
	v56 =	vld [tilespmem:$0x7430];
	_ =	sdelay $0x4  }
0x27: {  	[tilespmem:$0x1F610] =	vst v56;
	v56 =	vld [tilespmem:$0x7440];
	_ =	sdelay $0x4  }
0x28: {  	[tilespmem:$0x1F600] =	vst v56;
	v56 =	vld [tilespmem:$0x7450];
	_ =	sdelay $0x4  }
0x29: {  	[tilespmem:$0x1F620] =	vst v56;
	v56 =	vld [tilespmem:$0x7460];
	_ =	sdelay $0x4  }
0x2a: {  	[tilespmem:$0x1F630] =	vst v56;
	v56 =	vld [tilespmem:$0x7470];
	_ =	sdelay $0x4  }
0x2b: {  	[tilespmem:$0x1F650] =	vst v56;
	v56 =	vld [tilespmem:$0x7480];
	_ =	sdelay $0x4  }
0x2c: {  	[tilespmem:$0x1F640] =	vst v56;
	v56 =	vld [tilespmem:$0x7490];
	_ =	sdelay $0x4  }
0x2d: {  	[tilespmem:$0x1F660] =	vst v56;
	v56 =	vld [tilespmem:$0x74A0];
	_ =	sdelay $0x4  }
0x2e: {  	[tilespmem:$0x1F670] =	vst v56;
	v56 =	vld [tilespmem:$0x74B0];
	_ =	sdelay $0x4  }
0x2f: {  	[tilespmem:$0x1F690] =	vst v56;
	v56 =	vld [tilespmem:$0x74C0];
	_ =	sdelay $0x4  }
0x30: {  	[tilespmem:$0x1F680] =	vst v56;
	v56 =	vld [tilespmem:$0x74D0];
	_ =	sdelay $0x4  }
0x31: {  	[tilespmem:$0x1F6A0] =	vst v56;
	v56 =	vld [tilespmem:$0x74E0];
	_ =	sdelay $0x4  }
0x32: {  	[tilespmem:$0x1F6B0] =	vst v56;
	v56 =	vld [tilespmem:$0x74F0];
	_ =	sdelay $0x4  }
0x33: {  	[tilespmem:$0x1F6D0] =	vst v56;
	v56 =	vld [tilespmem:$0x7500];
	_ =	sdelay $0x4  }
0x34: {  	[tilespmem:$0x1F6C0] =	vst v56;
	v56 =	vld [tilespmem:$0x7510];
	_ =	sdelay $0x4  }
0x35: {  	[tilespmem:$0x1F6E0] =	vst v56;
	v56 =	vld [tilespmem:$0x7520];
	_ =	sdelay $0x4  }
0x36: {  	[tilespmem:$0x1F6F0] =	vst v56;
	v56 =	vld [tilespmem:$0x7530];
	_ =	sdelay $0x4  }
0x37: {  	[tilespmem:$0x1F710] =	vst v56;
	v56 =	vld [tilespmem:$0x7540];
	_ =	sdelay $0x4  }
0x38: {  	[tilespmem:$0x1F700] =	vst v56;
	v56 =	vld [tilespmem:$0x7550];
	_ =	sdelay $0x4  }
0x39: {  	[tilespmem:$0x1F720] =	vst v56;
	v56 =	vld [tilespmem:$0x7560];
	_ =	sdelay $0x1  }
0x3a: {  	v3 =	vld [tilespmem:$0x7000]  }
0x3b: {  	v4 =	vld [tilespmem:$0x7010]  }
0x3c: {  	v5 =	vld [tilespmem:$0x7020]  }
0x3d: {  	[tilespmem:$0x1F730] =	vst v56;
	v56 =	vld [tilespmem:$0x7570]  }
0x3e: {  	v16 =	vld [tilespmem:$0x7030]  }
0x3f: {  	v17 =	vld [tilespmem:$0x7040]  }
0x40: {  	v20 =	vld [tilespmem:$0x7050]  }
0x41: {  	v21 =	vld [tilespmem:$0x7060]  }
0x42: {  	[tilespmem:$0x1F750] =	vst v56;
	v56 =	vld [tilespmem:$0x7580]  }
0x43: {  	v32 =	vld [tilespmem:$0x7070]  }
0x44: {  	v33 =	vld [tilespmem:$0x7080]  }
0x45: {  	v36 =	vld [tilespmem:$0x7090]  }
0x46: {  	v37 =	vld [tilespmem:$0x70A0]  }
0x47: {  	[tilespmem:$0x1F740] =	vst v56;
	v56 =	vld [tilespmem:$0x7590]  }
0x48: {  	v48 =	vld [tilespmem:$0x70B0]  }
0x49: {  	v49 =	vld [tilespmem:$0x70C0]  }
0x4a: {  	v52 =	vld [tilespmem:$0x70D0]  }
0x4b: {  	v53 =	vld [tilespmem:$0x70E0]  }
0x4c: {  	[tilespmem:$0x1F760] =	vst v56;
	v56 =	vld [tilespmem:$0x75A0]  }
0x4d: {  	v62 =	vld [tilespmem:$0x70F0]  }
0x4e: {  	v63 =	vld [tilespmem:$0x7100]  }
0x4f: {  	v0 =	vld [tilespmem:$0x7110]  }
0x50: {  	v2 =	vld [tilespmem:$0x7120]  }
0x51: {  	[tilespmem:$0x1F770] =	vst v56;
	v56 =	vld [tilespmem:$0x75B0]  }
0x52: {  	v9 =	vld [tilespmem:$0x7130]  }
0x53: {  	v1 =	vld [tilespmem:$0x7140]  }
0x54: {  	v6 =	vld [tilespmem:$0x7150]  }
0x55: {  	v8 =	vld [tilespmem:$0x7160]  }
0x56: {  	[tilespmem:$0x1F790] =	vst v56;
	v56 =	vld [tilespmem:$0x75C0]  }
0x57: {  	v13 =	vld [tilespmem:$0x7170]  }
0x58: {  	v7 =	vld [tilespmem:$0x7180]  }
0x59: {  	v10 =	vld [tilespmem:$0x7190]  }
0x5a: {  	v12 =	vld [tilespmem:$0x71A0]  }
0x5b: {  	[tilespmem:$0x1F780] =	vst v56;
	v56 =	vld [tilespmem:$0x75D0]  }
0x5c: {  	v19 =	vld [tilespmem:$0x71B0]  }
0x5d: {  	v11 =	vld [tilespmem:$0x71C0]  }
0x5e: {  	v14 =	vld [tilespmem:$0x71D0]  }
0x5f: {  	v18 =	vld [tilespmem:$0x71E0]  }
0x60: {  	[tilespmem:$0x1F7A0] =	vst v56;
	v56 =	vld [tilespmem:$0x75E0]  }
0x61: {  	v25 =	vld [tilespmem:$0x71F0]  }
0x62: {  	v15 =	vld [tilespmem:$0x7200]  }
0x63: {  	v22 =	vld [tilespmem:$0x7210]  }
0x64: {  	v24 =	vld [tilespmem:$0x7220]  }
0x65: {  	[tilespmem:$0x1F7B0] =	vst v56;
	v56 =	vld [tilespmem:$0x75F0]  }
0x66: {  	v29 =	vld [tilespmem:$0x7230]  }
0x67: {  	v23 =	vld [tilespmem:$0x7240]  }
0x68: {  	v26 =	vld [tilespmem:$0x7250]  }
0x69: {  	v28 =	vld [tilespmem:$0x7260]  }
0x6a: {  	[tilespmem:$0x1F7D0] =	vst v56;
	v56 =	vld [tilespmem:$0x7600]  }
0x6b: {  	v35 =	vld [tilespmem:$0x7270]  }
0x6c: {  	v27 =	vld [tilespmem:$0x7280]  }
0x6d: {  	v30 =	vld [tilespmem:$0x7290]  }
0x6e: {  	v34 =	vld [tilespmem:$0x72A0]  }
0x6f: {  	[tilespmem:$0x1F7C0] =	vst v56;
	v56 =	vld [tilespmem:$0x7610]  }
0x70: {  	v41 =	vld [tilespmem:$0x72B0]  }
0x71: {  	v31 =	vld [tilespmem:$0x72C0]  }
0x72: {  	v38 =	vld [tilespmem:$0x72D0]  }
0x73: {  	v40 =	vld [tilespmem:$0x72E0]  }
0x74: {  	[tilespmem:$0x1F7E0] =	vst v56;
	v56 =	vld [tilespmem:$0x7620]  }
0x75: {  	v45 =	vld [tilespmem:$0x72F0]  }
0x76: {  	v39 =	vld [tilespmem:$0x7300]  }
0x77: {  	v42 =	vld [tilespmem:$0x7310]  }
0x78: {  	v44 =	vld [tilespmem:$0x7320]  }
0x79: {  	[tilespmem:$0x1F7F0] =	vst v56;
	v56 =	vld [tilespmem:$0x7630]  }
0x7a: {  	v51 =	vld [tilespmem:$0x7330]  }
0x7b: {  	v43 =	vld [tilespmem:$0x7340]  }
0x7c: {  	v46 =	vld [tilespmem:$0x7350]  }
0x7d: {  	v50 =	vld [tilespmem:$0x7360]  }
0x7e: {  	[tilespmem:$0x1F810] =	vst v56;
	v56 =	vld [tilespmem:$0x7640]  }
0x7f: {  	v60 =	vld [tilespmem:$0x7370]  }
0x80: {  	v47 =	vld [tilespmem:$0x7380]  }
0x81: {  	v54 =	vld [tilespmem:$0x7390]  }
0x82: {  	v61 =	vld [tilespmem:$0x73A0]  }
0x83: {  	[tilespmem:$0x1F800] =	vst v56;
	v56 =	vld [tilespmem:$0x7650]  }
0x84: {  	v55 =	vld [tilespmem:$0x73B0]  }
0x85: {  	v58 =	vld [tilespmem:$0x73D0]  }
0x86: {  	v57 =	vld [tilespmem:$0x73E0]  }
0x87: {  	v59 =	vld [tilespmem:$0x7400]  }
0x88: {  	[tilespmem:$0x1F820] =	vst v56;
	v56 =	vld [tilespmem:$0x7660]  }
0x89: {  	[tilespmem:$0x1F5C0] =	vst v55;
	v55 =	vld [tilespmem:$0x73C0]  }
0x8a: {  	v17 =	vadd.f32 v17, v3;
	v3 =	vld [tilespmem:$0x7690]  }
0x8b: {  	v20 =	vadd.f32 v20, v4;
	v4 =	vld [tilespmem:$0x76A0]  }
0x8c: {  	v21 =	vadd.f32 v21, v5;
	v5 =	vld [tilespmem:$0x76B0]  }
0x8d: {  	v17 =	vadd.f32 v33, v17;
	[tilespmem:$0x1F830] =	vst v56;
	v56 =	vld [tilespmem:$0x7670]  }
0x8e: {  	v32 =	vadd.f32 v32, v16;
	v16 =	vld [tilespmem:$0x76C0];
	v20 =	vadd.f32 v36, v20  }
0x8f: {  	v21 =	vadd.f32 v37, v21;
	v33 =	vadd.f32 v49, v17;
	v17 =	vld [tilespmem:$0x76D0]  }
0x90: {  	v36 =	vadd.f32 v52, v20;
	v20 =	vld [tilespmem:$0x76E0]  }
0x91: {  	v32 =	vadd.f32 v48, v32;
	v37 =	vadd.f32 v53, v21;
	v21 =	vld [tilespmem:$0x76F0]  }
0x92: {  	v33 =	vadd.f32 v63, v33;
	[tilespmem:$0x1F840] =	vst v56;
	v56 =	vld [tilespmem:$0x7680]  }
0x93: {  	v48 =	vadd.f32 v62, v32;
	v32 =	vld [tilespmem:$0x7700]  }
0x94: {  	v1 =	vadd.f32 v1, v33;
	v33 =	vld [tilespmem:$0x7710]  }
0x95: {  	v0 =	vadd.f32 v0, v36;
	v36 =	vld [tilespmem:$0x7720]  }
0x96: {  	v2 =	vadd.f32 v2, v37;
	v9 =	vadd.f32 v9, v48;
	v37 =	vld [tilespmem:$0x7730]  }
0x97: {  	v1 =	vadd.f32 v7, v1;
	v48 =	vld [tilespmem:$0x7740]  }
0x98: {  	v0 =	vadd.f32 v6, v0;
	v53 =	vadd.f32 v13, v9;
	v49 =	vld [tilespmem:$0x7750]  }
0x99: {  	v1 =	vadd.f32 v11, v1;
	v52 =	vld [tilespmem:$0x7760]  }
0x9a: {  	v0 =	vadd.f32 v10, v0;
	v6 =	vadd.f32 v19, v53;
	v53 =	vld [tilespmem:$0x7770]  }
0x9b: {  	v1 =	vadd.f32 v15, v1;
	v7 =	vld [tilespmem:$0x7780]  }
0x9c: {  	v2 =	vadd.f32 v8, v2;
	v0 =	vadd.f32 v14, v0;
	v8 =	vld [tilespmem:$0x7790]  }
0x9d: {  	v1 =	vadd.f32 v23, v1;
	v9 =	vld [tilespmem:$0x77A0]  }
0x9e: {  	v0 =	vadd.f32 v22, v0;
	v10 =	vld [tilespmem:$0x77B0]  }
0x9f: {  	v1 =	vadd.f32 v27, v1;
	v11 =	vld [tilespmem:$0x77C0]  }
0xa0: {  	v2 =	vadd.f32 v12, v2;
	v0 =	vadd.f32 v26, v0;
	v12 =	vld [tilespmem:$0x77D0]  }
0xa1: {  	v1 =	vadd.f32 v31, v1;
	v13 =	vld [tilespmem:$0x77E0]  }
0xa2: {  	v2 =	vadd.f32 v18, v2;
	v0 =	vadd.f32 v30, v0;
	v14 =	vld [tilespmem:$0x77F0]  }
0xa3: {  	v6 =	vadd.f32 v25, v6;
	v1 =	vadd.f32 v39, v1;
	v15 =	vld [tilespmem:$0x7800]  }
0xa4: {  	v2 =	vadd.f32 v24, v2;
	v0 =	vadd.f32 v38, v0;
	v18 =	vld [tilespmem:$0x7810]  }
0xa5: {  	v6 =	vadd.f32 v29, v6;
	v1 =	vadd.f32 v43, v1;
	v19 =	vld [tilespmem:$0x7820]  }
0xa6: {  	v2 =	vadd.f32 v28, v2;
	v0 =	vadd.f32 v42, v0;
	v22 =	vld [tilespmem:$0x7830]  }
0xa7: {  	v6 =	vadd.f32 v35, v6;
	v1 =	vadd.f32 v47, v1;
	v23 =	vld [tilespmem:$0x7840]  }
0xa8: {  	v2 =	vadd.f32 v34, v2;
	v0 =	vadd.f32 v46, v0;
	v24 =	vld [tilespmem:$0x7850]  }
0xa9: {  	v6 =	vadd.f32 v41, v6;
	v1 =	vadd.f32 v55, v1;
	v55 =	vld [tilespmem:$0x1F5C0]  }
0xaa: {  	v2 =	vadd.f32 v40, v2;
	v0 =	vadd.f32 v54, v0;
	v25 =	vld [tilespmem:$0x7860]  }
0xab: {  	v6 =	vadd.f32 v45, v6;
	v26 =	vld [tilespmem:$0x7870]  }
0xac: {  	v2 =	vadd.f32 v44, v2;
	v0 =	vadd.f32 v58, v0;
	v58 =	vld [tilespmem:$0x1F5D0]  }
0xad: {  	v6 =	vadd.f32 v51, v6;
	v1 =	vadd.f32 v59, v1;
	v59 =	vld [tilespmem:$0x1F5E0]  }
0xae: {  	v2 =	vadd.f32 v50, v2;
	v27 =	vld [tilespmem:$0x7880]  }
0xaf: {  	v6 =	vadd.f32 v60, v6;
	v60 =	vld [tilespmem:$0x1F5F0]  }
0xb0: {  	v2 =	vadd.f32 v61, v2;
	v61 =	vld [tilespmem:$0x1F600]  }
0xb1: {  	v28 =	vld [tilespmem:$0x7890]  }
0xb2: {  	v62 =	vld [tilespmem:$0x1F610]  }
0xb3: {  	v63 =	vld [tilespmem:$0x1F620]  }
0xb4: {  	v29 =	vld [tilespmem:$0x78A0]  }
0xb5: {  	v34 =	vld [tilespmem:$0x1F630]  }
0xb6: {  	v35 =	vld [tilespmem:$0x1F640]  }
0xb7: {  	v30 =	vld [tilespmem:$0x78B0]  }
0xb8: {  	v38 =	vld [tilespmem:$0x1F650]  }
0xb9: {  	v39 =	vld [tilespmem:$0x1F660]  }
0xba: {  	v31 =	vld [tilespmem:$0x78C0]  }
0xbb: {  	v40 =	vld [tilespmem:$0x1F670]  }
0xbc: {  	v41 =	vld [tilespmem:$0x1F680]  }
0xbd: {  	v42 =	vld [tilespmem:$0x1F690]  }
0xbe: {  	v43 =	vld [tilespmem:$0x1F6A0]  }
0xbf: {  	v44 =	vld [tilespmem:$0x1F6B0]  }
0xc0: {  	v45 =	vld [tilespmem:$0x1F6C0]  }
0xc1: {  	v46 =	vld [tilespmem:$0x1F6D0]  }
0xc2: {  	v47 =	vld [tilespmem:$0x1F6E0]  }
0xc3: {  	v50 =	vld [tilespmem:$0x1F6F0]  }
0xc4: {  	v51 =	vld [tilespmem:$0x1F700]  }
0xc5: {  	v54 =	vld [tilespmem:$0x1F710]  }
0xc6: {  	v2 =	vadd.f32 v57, v2;
	v57 =	vld [tilespmem:$0x1F730]  }
0xc7: {  	v6 =	vadd.f32 v55, v6;
	v55 =	vld [tilespmem:$0x1F720]  }
0xc8: {  	v0 =	vadd.f32 v59, v0;
	v59 =	vld [tilespmem:$0x1F750]  }
0xc9: {  	v2 =	vadd.f32 v60, v2;
	v60 =	vld [tilespmem:$0x1F760]  }
0xca: {  	v1 =	vadd.f32 v61, v1;
	v61 =	vld [tilespmem:$0x1F770]  }
0xcb: {  	v2 =	vadd.f32 v34, v2;
	v34 =	vld [tilespmem:$0x78D0]  }
0xcc: {  	v1 =	vadd.f32 v35, v1;
	v35 =	vld [tilespmem:$0x78E0]  }
0xcd: {  	v6 =	vadd.f32 v58, v6;
	v0 =	vadd.f32 v63, v0;
	v58 =	vld [tilespmem:$0x1F740]  }
0xce: {  	v63 =	vld [tilespmem:$0x1F790]  }
0xcf: {  	v0 =	vadd.f32 v39, v0;
	v39 =	vld [tilespmem:$0x7900]  }
0xd0: {  	v2 =	vadd.f32 v40, v2;
	v40 =	vld [tilespmem:$0x7910]  }
0xd1: {  	v6 =	vadd.f32 v62, v6;
	v1 =	vadd.f32 v41, v1;
	v41 =	vld [tilespmem:$0x7920]  }
0xd2: {  	v62 =	vld [tilespmem:$0x1F780]  }
0xd3: {  	v6 =	vadd.f32 v38, v6;
	v38 =	vld [tilespmem:$0x78F0]  }
0xd4: {  	v0 =	vadd.f32 v43, v0;
	v43 =	vld [tilespmem:$0x7940]  }
0xd5: {  	v2 =	vadd.f32 v44, v2;
	v44 =	vld [tilespmem:$0x7950]  }
0xd6: {  	v1 =	vadd.f32 v45, v1;
	v45 =	vld [tilespmem:$0x7960]  }
0xd7: {  	v6 =	vadd.f32 v42, v6;
	v42 =	vld [tilespmem:$0x7930]  }
0xd8: {  	v2 =	vadd.f32 v50, v2;
	v50 =	vld [tilespmem:$0x1F7A0]  }
0xd9: {  	v0 =	vadd.f32 v47, v0;
	v1 =	vadd.f32 v51, v1;
	v51 =	vld [tilespmem:$0x1F7B0]  }
0xda: {  	v47 =	vld [tilespmem:$0x7980]  }
0xdb: {  	v0 =	vadd.f32 v55, v0;
	v55 =	vld [tilespmem:$0x1F7D0]  }
0xdc: {  	v6 =	vadd.f32 v46, v6;
	v2 =	vadd.f32 v57, v2;
	v57 =	vld [tilespmem:$0x1F7E0]  }
0xdd: {  	v1 =	vadd.f32 v58, v1;
	v58 =	vld [tilespmem:$0x1F7F0]  }
0xde: {  	v6 =	vadd.f32 v54, v6;
	v54 =	vld [tilespmem:$0x1F7C0]  }
0xdf: {  	v0 =	vadd.f32 v60, v0;
	v60 =	vld [tilespmem:$0x1F810]  }
0xe0: {  	v2 =	vadd.f32 v61, v2;
	v61 =	vld [tilespmem:$0x1F820];
	v6 =	vadd.f32 v59, v6  }
0xe1: {  	v1 =	vadd.f32 v62, v1;
	v62 =	vld [tilespmem:$0x1F830];
	v0 =	vadd.f32 v50, v0  }
0xe2: {  	v2 =	vadd.f32 v51, v2;
	v59 =	vld [tilespmem:$0x1F800];
	v6 =	vadd.f32 v63, v6  }
0xe3: {  	v0 =	vadd.f32 v57, v0;
	v63 =	vld [tilespmem:$0x1F840]  }
0xe4: {  	v46 =	vld [tilespmem:$0x7970];
	v2 =	vadd.f32 v58, v2;
	v6 =	vadd.f32 v55, v6  }
0xe5: {  	v50 =	vld [tilespmem:$0x7990];
	v1 =	vadd.f32 v54, v1;
	v0 =	vadd.f32 v61, v0  }
0xe6: {  	v51 =	vld [tilespmem:$0x79A0];
	v2 =	vadd.f32 v62, v2;
	v6 =	vadd.f32 v60, v6  }
0xe7: {  	v57 =	vld [tilespmem:$0x7A90];
	v1 =	vadd.f32 v59, v1;
	v0 =	vadd.f32 v3, v0  }
0xe8: {  	v58 =	vld [tilespmem:$0x7AA0];
	v2 =	vadd.f32 v4, v2;
	v6 =	vadd.f32 v63, v6  }
0xe9: {  	v54 =	vld [tilespmem:$0x79B0];
	v1 =	vadd.f32 v56, v1;
	v0 =	vadd.f32 v17, v0  }
0xea: {  	v55 =	vld [tilespmem:$0x7A70];
	v2 =	vadd.f32 v20, v2;
	v5 =	vadd.f32 v5, v6  }
0xeb: {  	v61 =	vld [tilespmem:$0x7AD0];
	v1 =	vadd.f32 v16, v1;
	v0 =	vadd.f32 v33, v0  }
0xec: {  	v62 =	vld [tilespmem:$0x7AE0];
	v2 =	vadd.f32 v36, v2;
	v5 =	vadd.f32 v21, v5  }
0xed: {  	v59 =	vld [tilespmem:$0x7AB0];
	v1 =	vadd.f32 v32, v1;
	v0 =	vadd.f32 v49, v0  }
0xee: {  	v3 =	vld [tilespmem:$0x79C0];
	v2 =	vadd.f32 v52, v2;
	v5 =	vadd.f32 v37, v5  }
0xef: {  	v4 =	vld [tilespmem:$0x79D0];
	v1 =	vadd.f32 v48, v1;
	v0 =	vadd.f32 v8, v0  }
0xf0: {  	v60 =	vld [tilespmem:$0x7AC0];
	v2 =	vadd.f32 v9, v2;
	v5 =	vadd.f32 v53, v5  }
0xf1: {  	v56 =	vld [tilespmem:$0x7A80];
	v1 =	vadd.f32 v7, v1;
	v0 =	vadd.f32 v12, v0  }
0xf2: {  	v17 =	vld [tilespmem:$0x7A00];
	v2 =	vadd.f32 v13, v2;
	v5 =	vadd.f32 v10, v5  }
0xf3: {  	v20 =	vld [tilespmem:$0x7A10];
	v1 =	vadd.f32 v11, v1;
	v0 =	vadd.f32 v18, v0  }
0xf4: {  	v63 =	vld [tilespmem:$0x7AF0];
	v2 =	vadd.f32 v19, v2;
	v5 =	vadd.f32 v14, v5  }
0xf5: {  	v16 =	vld [tilespmem:$0x79F0];
	v1 =	vadd.f32 v15, v1;
	v0 =	vadd.f32 v24, v0  }
0xf6: {  	v6 =	vld [tilespmem:$0x79E0];
	v2 =	vadd.f32 v25, v2;
	v5 =	vadd.f32 v22, v5  }
0xf7: {  	v33 =	vld [tilespmem:$0x7B10];
	v1 =	vadd.f32 v23, v1;
	v0 =	vadd.f32 v28, v0  }
0xf8: {  	v36 =	vld [tilespmem:$0x7B40];
	v2 =	vadd.f32 v29, v2;
	v5 =	vadd.f32 v26, v5  }
0xf9: {  	v32 =	vld [tilespmem:$0x7B00];
	v1 =	vadd.f32 v27, v1;
	v0 =	vadd.f32 v34, v0  }
0xfa: {  	v21 =	vld [tilespmem:$0x7A20];
	v2 =	vadd.f32 v35, v2;
	v5 =	vadd.f32 v30, v5  }
0xfb: {  	v49 =	vld [tilespmem:$0x7A40];
	v1 =	vadd.f32 v31, v1;
	v0 =	vadd.f32 v40, v0  }
0xfc: {  	v52 =	vld [tilespmem:$0x7A50];
	v2 =	vadd.f32 v41, v2;
	v5 =	vadd.f32 v38, v5  }
0xfd: {  	v48 =	vld [tilespmem:$0x7A30];
	v1 =	vadd.f32 v39, v1;
	v0 =	vadd.f32 v44, v0  }
0xfe: {  	v37 =	vld [tilespmem:$0x7B50];
	v2 =	vadd.f32 v45, v2;
	v5 =	vadd.f32 v42, v5  }
0xff: {  	v53 =	vld [tilespmem:$0x7A60];
	v1 =	vadd.f32 v43, v1;
	v0 =	vadd.f32 v50, v0  }
0x100: {  	v34 =	vld [tilespmem:$0x7B20];
	v2 =	vadd.f32 v51, v2;
	v5 =	vadd.f32 v46, v5  }
0x101: {  	v35 =	vld [tilespmem:$0x7B30];
	v1 =	vadd.f32 v47, v1;
	v0 =	vadd.f32 v4, v0  }
0x102: {  	v40 =	vld [tilespmem:$0x7B80];
	v2 =	vadd.f32 v6, v2;
	v5 =	vadd.f32 v54, v5  }
0x103: {  	v41 =	vld [tilespmem:$0x7B90];
	v1 =	vadd.f32 v3, v1;
	v0 =	vadd.f32 v20, v0  }
0x104: {  	v39 =	vld [tilespmem:$0x7B70];
	v2 =	vadd.f32 v21, v2;
	v5 =	vadd.f32 v16, v5  }
0x105: {  	v38 =	vld [tilespmem:$0x7B60];
	v1 =	vadd.f32 v17, v1;
	v0 =	vadd.f32 v52, v0  }
0x106: {  	v44 =	vld [tilespmem:$0x7BC0];
	v2 =	vadd.f32 v53, v2;
	v5 =	vadd.f32 v48, v5  }
0x107: {  	v45 =	vld [tilespmem:$0x7BD0];
	v1 =	vadd.f32 v49, v1;
	v0 =	vadd.f32 v57, v0  }
0x108: {  	v43 =	vld [tilespmem:$0x7BB0];
	v2 =	vadd.f32 v58, v2;
	v5 =	vadd.f32 v55, v5  }
0x109: {  	v42 =	vld [tilespmem:$0x7BA0];
	v1 =	vadd.f32 v56, v1;
	v0 =	vadd.f32 v61, v0  }
0x10a: {  	v50 =	vld [tilespmem:$0x7C20];
	v2 =	vadd.f32 v62, v2;
	v5 =	vadd.f32 v59, v5  }
0x10b: {  	v51 =	vld [tilespmem:$0x7C30];
	v1 =	vadd.f32 v60, v1;
	v0 =	vadd.f32 v33, v0  }
0x10c: {  	v47 =	vld [tilespmem:$0x7BF0];
	v2 =	vadd.f32 v34, v2;
	v5 =	vadd.f32 v63, v5  }
0x10d: {  	v46 =	vld [tilespmem:$0x7BE0];
	v1 =	vadd.f32 v32, v1;
	v0 =	vadd.f32 v37, v0  }
0x10e: {  	v49 =	vld [tilespmem:$0x7C10];
	v2 =	vadd.f32 v38, v2;
	v5 =	vadd.f32 v35, v5  }
0x10f: {  	v53 =	vld [tilespmem:$0x7C50];
	v1 =	vadd.f32 v36, v1;
	v0 =	vadd.f32 v41, v0  }
0x110: {  	v48 =	vld [tilespmem:$0x7C00];
	v2 =	vadd.f32 v42, v2;
	v5 =	vadd.f32 v39, v5  }
0x111: {  	v54 =	vld [tilespmem:$0x7C60];
	v1 =	vadd.f32 v40, v1;
	v0 =	vadd.f32 v45, v0  }
0x112: {  	v52 =	vld [tilespmem:$0x7C40];
	v2 =	vadd.f32 v46, v2;
	v5 =	vadd.f32 v43, v5  }
0x113: {  	v55 =	vld [tilespmem:$0x7C70];
	v1 =	vadd.f32 v44, v1;
	v0 =	vadd.f32 v49, v0  }
0x114: {  	v2 =	vadd.f32 v50, v2;
	v5 =	vadd.f32 v47, v5  }
0x115: {  	v1 =	vadd.f32 v48, v1;
	v0 =	vadd.f32 v53, v0  }
0x116: {  	v2 =	vadd.f32 v54, v2;
	v56 =	vadd.f32 v51, v5  }
0x117: {  	v1 =	vadd.f32 v52, v1;
	v0 =	vmul.f32 $1.999999960e-02, v0  }
0x118: {  	v57 =	vmul.f32 $1.999999960e-02, v2;
	v3 =	vadd.f32 v55, v56  }
0x119: {  	v1 =	vmul.f32 $1.999999960e-02, v1;
	[tilespmem:s23+$0xFFFFFF90] =	vst v0  }
0x11a: {  	p0 =	seq.s32 s22, $0x0;
	[tilespmem:s23+$0xFFFFFFA0] =	vst v57;
	v58 =	vmul.f32 $1.999999960e-02, v3  }
0x11b: {  	s24 =	sshra.s32 @!p0 s22, $0x2;
	[tilespmem:s23+$0xFFFFFF80] =	vst v1  }
0x11c: {  	s25 =	simm.s32 @!p0 $0x32;
	s28 =	simm.s32 @!p0 $0x7000;
	s26 =	sadd.s32 @!p0 $0x7000, s24;
	[tilespmem:s23+$0xFFFFFFB0] =	vst v58  }
0x11d: {  	[tilespmem:s28], [sflag:$0x1] =	stream.indirect.gather @!p0 [hbm4b:s3+s25], $0x40, s26, s25, $0xb8;
	[tilespmem:$0x12200] =	vst v63  }
0x11e: {  	_ =	swait.ge [sflag:s17], $0xC80  }
0x11f: {  	[sflag:s17] =	ssyncset.done $0x0  }
0x120: {  	[sflag:s17] =	ssyncadd.s32 $0xFFFFF380  }
0x121: {  	v56 =	vld [tilespmem:$0x8070];
	_ =	sdelay $0x4  }
0x122: {  	[tilespmem:$0x1F860] =	vst v56;
	v56 =	vld [tilespmem:$0x8090];
	_ =	sdelay $0x4  }
0x123: {  	[tilespmem:$0x1F870] =	vst v56;
	v56 =	vld [tilespmem:$0x80A0];
	_ =	sdelay $0x1  }
0x124: {  	v3 =	vld [tilespmem:$0x7C80]  }
0x125: {  	v4 =	vld [tilespmem:$0x7C90]  }
0x126: {  	v5 =	vld [tilespmem:$0x7CA0]  }
0x127: {  	[tilespmem:$0x1F880] =	vst v56;
	v56 =	vld [tilespmem:$0x80B0]  }
0x128: {  	v16 =	vld [tilespmem:$0x7CB0]  }
0x129: {  	v17 =	vld [tilespmem:$0x7CC0]  }
0x12a: {  	v20 =	vld [tilespmem:$0x7CD0]  }
0x12b: {  	v21 =	vld [tilespmem:$0x7CE0]  }
0x12c: {  	[tilespmem:$0x1F8A0] =	vst v56;
	v56 =	vld [tilespmem:$0x80C0]  }
0x12d: {  	v32 =	vld [tilespmem:$0x7CF0]  }
0x12e: {  	v33 =	vld [tilespmem:$0x7D00]  }
0x12f: {  	v36 =	vld [tilespmem:$0x7D10]  }
0x130: {  	v37 =	vld [tilespmem:$0x7D20]  }
0x131: {  	[tilespmem:$0x1F890] =	vst v56;
	v56 =	vld [tilespmem:$0x80D0]  }
0x132: {  	v48 =	vld [tilespmem:$0x7D30]  }
0x133: {  	v49 =	vld [tilespmem:$0x7D40]  }
0x134: {  	v52 =	vld [tilespmem:$0x7D50]  }
0x135: {  	v53 =	vld [tilespmem:$0x7D60]  }
0x136: {  	[tilespmem:$0x1F8B0] =	vst v56;
	v56 =	vld [tilespmem:$0x80E0]  }
0x137: {  	v62 =	vld [tilespmem:$0x7D70]  }
0x138: {  	v63 =	vld [tilespmem:$0x7D80]  }
0x139: {  	v0 =	vld [tilespmem:$0x7D90]  }
0x13a: {  	v2 =	vld [tilespmem:$0x7DA0]  }
0x13b: {  	[tilespmem:$0x1F8C0] =	vst v56;
	v56 =	vld [tilespmem:$0x80F0]  }
0x13c: {  	v9 =	vld [tilespmem:$0x7DB0]  }
0x13d: {  	v1 =	vld [tilespmem:$0x7DC0]  }
0x13e: {  	v6 =	vld [tilespmem:$0x7DD0]  }
0x13f: {  	v8 =	vld [tilespmem:$0x7DE0]  }
0x140: {  	[tilespmem:$0x1F8E0] =	vst v56;
	v56 =	vld [tilespmem:$0x8100]  }
0x141: {  	v13 =	vld [tilespmem:$0x7DF0]  }
0x142: {  	v7 =	vld [tilespmem:$0x7E00]  }
0x143: {  	v10 =	vld [tilespmem:$0x7E10]  }
0x144: {  	v12 =	vld [tilespmem:$0x7E20]  }
0x145: {  	[tilespmem:$0x1F8D0] =	vst v56;
	v56 =	vld [tilespmem:$0x8110]  }
0x146: {  	v19 =	vld [tilespmem:$0x7E30]  }
0x147: {  	v11 =	vld [tilespmem:$0x7E40]  }
0x148: {  	v14 =	vld [tilespmem:$0x7E50]  }
0x149: {  	v18 =	vld [tilespmem:$0x7E60]  }
0x14a: {  	[tilespmem:$0x1F8F0] =	vst v56;
	v56 =	vld [tilespmem:$0x8120]  }
0x14b: {  	v25 =	vld [tilespmem:$0x7E70]  }
0x14c: {  	v15 =	vld [tilespmem:$0x7E80]  }
0x14d: {  	v22 =	vld [tilespmem:$0x7E90]  }
0x14e: {  	v24 =	vld [tilespmem:$0x7EA0]  }
0x14f: {  	[tilespmem:$0x1F900] =	vst v56;
	v56 =	vld [tilespmem:$0x8130]  }
0x150: {  	v29 =	vld [tilespmem:$0x7EB0]  }
0x151: {  	v23 =	vld [tilespmem:$0x7EC0]  }
0x152: {  	v26 =	vld [tilespmem:$0x7ED0]  }
0x153: {  	v28 =	vld [tilespmem:$0x7EE0]  }
0x154: {  	[tilespmem:$0x1F920] =	vst v56;
	v56 =	vld [tilespmem:$0x8140]  }
0x155: {  	v35 =	vld [tilespmem:$0x7EF0]  }
0x156: {  	v27 =	vld [tilespmem:$0x7F00]  }
0x157: {  	v30 =	vld [tilespmem:$0x7F10]  }
0x158: {  	v34 =	vld [tilespmem:$0x7F20]  }
0x159: {  	[tilespmem:$0x1F910] =	vst v56;
	v56 =	vld [tilespmem:$0x8150]  }
0x15a: {  	v41 =	vld [tilespmem:$0x7F30]  }
0x15b: {  	v31 =	vld [tilespmem:$0x7F40]  }
0x15c: {  	v38 =	vld [tilespmem:$0x7F50]  }
0x15d: {  	v40 =	vld [tilespmem:$0x7F60]  }
0x15e: {  	[tilespmem:$0x1F930] =	vst v56;
	v56 =	vld [tilespmem:$0x8160]  }
0x15f: {  	v45 =	vld [tilespmem:$0x7F70]  }
0x160: {  	v39 =	vld [tilespmem:$0x7F80]  }
0x161: {  	v42 =	vld [tilespmem:$0x7F90]  }
0x162: {  	v44 =	vld [tilespmem:$0x7FA0]  }
0x163: {  	[tilespmem:$0x1F940] =	vst v56;
	v56 =	vld [tilespmem:$0x8170]  }
0x164: {  	v51 =	vld [tilespmem:$0x7FB0]  }
0x165: {  	v43 =	vld [tilespmem:$0x7FC0]  }
0x166: {  	v46 =	vld [tilespmem:$0x7FD0]  }
0x167: {  	v50 =	vld [tilespmem:$0x7FE0]  }
0x168: {  	[tilespmem:$0x1F960] =	vst v56;
	v56 =	vld [tilespmem:$0x8180]  }
0x169: {  	v60 =	vld [tilespmem:$0x7FF0]  }
0x16a: {  	v47 =	vld [tilespmem:$0x8000]  }
0x16b: {  	v54 =	vld [tilespmem:$0x8010]  }
0x16c: {  	v61 =	vld [tilespmem:$0x8020]  }
0x16d: {  	[tilespmem:$0x1F950] =	vst v56;
	v56 =	vld [tilespmem:$0x8190]  }
0x16e: {  	v59 =	vld [tilespmem:$0x8030]  }
0x16f: {  	v55 =	vld [tilespmem:$0x8040]  }
0x170: {  	v58 =	vld [tilespmem:$0x8050]  }
0x171: {  	v57 =	vld [tilespmem:$0x8060]  }
0x172: {  	[tilespmem:$0x1F970] =	vst v56;
	v56 =	vld [tilespmem:$0x81A0]  }
0x173: {  	[tilespmem:$0x1F850] =	vst v59;
	v59 =	vld [tilespmem:$0x8080]  }
0x174: {  	v17 =	vadd.f32 v17, v3;
	v3 =	vld [tilespmem:$0x8310]  }
0x175: {  	v20 =	vadd.f32 v20, v4;
	v4 =	vld [tilespmem:$0x8320]  }
0x176: {  	v21 =	vadd.f32 v21, v5;
	v5 =	vld [tilespmem:$0x8330]  }
0x177: {  	v17 =	vadd.f32 v33, v17;
	[tilespmem:$0x1F980] =	vst v56;
	v56 =	vld [tilespmem:$0x81B0]  }
0x178: {  	v32 =	vadd.f32 v32, v16;
	v16 =	vld [tilespmem:$0x8340];
	v20 =	vadd.f32 v36, v20  }
0x179: {  	v21 =	vadd.f32 v37, v21;
	v33 =	vadd.f32 v49, v17;
	v17 =	vld [tilespmem:$0x8350]  }
0x17a: {  	v36 =	vadd.f32 v52, v20;
	v20 =	vld [tilespmem:$0x8360]  }
0x17b: {  	v32 =	vadd.f32 v48, v32;
	v37 =	vadd.f32 v53, v21;
	v21 =	vld [tilespmem:$0x8370]  }
0x17c: {  	[tilespmem:$0x1F9A0] =	vst v56;
	v56 =	vld [tilespmem:$0x81C0]  }
0x17d: {  	v48 =	vadd.f32 v62, v32;
	v32 =	vld [tilespmem:$0x8380]  }
0x17e: {  	v49 =	vld [tilespmem:$0x83D0]  }
0x17f: {  	v52 =	vld [tilespmem:$0x83E0]  }
0x180: {  	v0 =	vadd.f32 v0, v36;
	v36 =	vld [tilespmem:$0x83A0]  }
0x181: {  	[tilespmem:$0x1F990] =	vst v56;
	v56 =	vld [tilespmem:$0x81D0]  }
0x182: {  	v33 =	vadd.f32 v63, v33;
	v2 =	vadd.f32 v2, v37;
	v37 =	vld [tilespmem:$0x83B0]  }
0x183: {  	v9 =	vadd.f32 v9, v48;
	v48 =	vld [tilespmem:$0x83C0]  }
0x184: {  	v1 =	vadd.f32 v1, v33;
	v33 =	vld [tilespmem:$0x8390]  }
0x185: {  	v2 =	vadd.f32 v8, v2;
	v8 =	vld [tilespmem:$0x8410]  }
0x186: {  	[tilespmem:$0x1F9B0] =	vst v56;
	v56 =	vld [tilespmem:$0x81E0]  }
0x187: {  	v53 =	vadd.f32 v13, v9;
	v9 =	vld [tilespmem:$0x8420]  }
0x188: {  	v13 =	vld [tilespmem:$0x8460]  }
0x189: {  	v0 =	vadd.f32 v6, v0;
	v6 =	vadd.f32 v19, v53;
	v53 =	vld [tilespmem:$0x83F0]  }
0x18a: {  	v1 =	vadd.f32 v7, v1;
	v7 =	vld [tilespmem:$0x8400]  }
0x18b: {  	[tilespmem:$0x1F9C0] =	vst v56;
	v56 =	vld [tilespmem:$0x81F0]  }
0x18c: {  	v0 =	vadd.f32 v10, v0;
	v10 =	vld [tilespmem:$0x8430]  }
0x18d: {  	v2 =	vadd.f32 v12, v2;
	v12 =	vld [tilespmem:$0x8450]  }
0x18e: {  	v19 =	vld [tilespmem:$0x84A0]  }
0x18f: {  	v1 =	vadd.f32 v11, v1;
	v11 =	vld [tilespmem:$0x8440]  }
0x190: {  	[tilespmem:$0x1F9E0] =	vst v56;
	v56 =	vld [tilespmem:$0x8200]  }
0x191: {  	v0 =	vadd.f32 v14, v0;
	v14 =	vld [tilespmem:$0x8470]  }
0x192: {  	v2 =	vadd.f32 v18, v2;
	v18 =	vld [tilespmem:$0x8490]  }
0x193: {  	v6 =	vadd.f32 v25, v6;
	v25 =	vld [tilespmem:$0x84E0]  }
0x194: {  	v1 =	vadd.f32 v15, v1;
	v15 =	vld [tilespmem:$0x8480]  }
0x195: {  	[tilespmem:$0x1F9D0] =	vst v56;
	v56 =	vld [tilespmem:$0x8210]  }
0x196: {  	v0 =	vadd.f32 v22, v0;
	v22 =	vld [tilespmem:$0x84B0]  }
0x197: {  	v2 =	vadd.f32 v24, v2;
	v24 =	vld [tilespmem:$0x84D0]  }
0x198: {  	v6 =	vadd.f32 v29, v6;
	v29 =	vld [tilespmem:$0x8520]  }
0x199: {  	v1 =	vadd.f32 v23, v1;
	v2 =	vadd.f32 v28, v2;
	v23 =	vld [tilespmem:$0x84C0]  }
0x19a: {  	v0 =	vadd.f32 v26, v0;
	v6 =	vadd.f32 v35, v6;
	[tilespmem:$0x1F9F0] =	vst v56;
	v56 =	vld [tilespmem:$0x8220]  }
0x19b: {  	v26 =	vld [tilespmem:$0x84F0];
	v1 =	vadd.f32 v27, v1;
	v2 =	vadd.f32 v34, v2  }
0x19c: {  	v28 =	vld [tilespmem:$0x8510];
	v0 =	vadd.f32 v30, v0;
	v6 =	vadd.f32 v41, v6  }
0x19d: {  	v62 =	vld [tilespmem:$0x1F8A0];
	v1 =	vadd.f32 v31, v1;
	v2 =	vadd.f32 v40, v2  }
0x19e: {  	v27 =	vld [tilespmem:$0x8500];
	v0 =	vadd.f32 v38, v0;
	v6 =	vadd.f32 v45, v6  }
0x19f: {  	v1 =	vadd.f32 v39, v1;
	v2 =	vadd.f32 v44, v2;
	[tilespmem:$0x1FA00] =	vst v56;
	v56 =	vld [tilespmem:$0x8230]  }
0x1a0: {  	v30 =	vld [tilespmem:$0x8530];
	v0 =	vadd.f32 v42, v0;
	v6 =	vadd.f32 v51, v6  }
0x1a1: {  	v31 =	vld [tilespmem:$0x8540];
	v1 =	vadd.f32 v43, v1;
	v2 =	vadd.f32 v50, v2  }
0x1a2: {  	v0 =	vadd.f32 v46, v0;
	v6 =	vadd.f32 v60, v6;
	v60 =	vld [tilespmem:$0x1F880]  }
0x1a3: {  	v1 =	vadd.f32 v47, v1;
	v2 =	vadd.f32 v61, v2;
	v61 =	vld [tilespmem:$0x1F890]  }
0x1a4: {  	[tilespmem:$0x1FA20] =	vst v56;
	v56 =	vld [tilespmem:$0x8240]  }
0x1a5: {  	v0 =	vadd.f32 v54, v0;
	v1 =	vadd.f32 v55, v1;
	v55 =	vld [tilespmem:$0x1F850]  }
0x1a6: {  	v63 =	vld [tilespmem:$0x1F8B0]  }
0x1a7: {  	v0 =	vadd.f32 v58, v0;
	v58 =	vld [tilespmem:$0x1F860]  }
0x1a8: {  	v34 =	vld [tilespmem:$0x1F8C0]  }
0x1a9: {  	v2 =	vadd.f32 v57, v2;
	[tilespmem:$0x1FA10] =	vst v56;
	v56 =	vld [tilespmem:$0x8250]  }
0x1aa: {  	v1 =	vadd.f32 v59, v1;
	v59 =	vld [tilespmem:$0x1F870];
	v6 =	vadd.f32 v55, v6  }
0x1ab: {  	v2 =	vadd.f32 v60, v2;
	v38 =	vld [tilespmem:$0x1F8E0]  }
0x1ac: {  	v6 =	vadd.f32 v58, v6;
	v35 =	vld [tilespmem:$0x1F8D0]  }
0x1ad: {  	v2 =	vadd.f32 v34, v2;
	v34 =	vld [tilespmem:$0x8550]  }
0x1ae: {  	v6 =	vadd.f32 v62, v6;
	[tilespmem:$0x1FA30] =	vst v56;
	v56 =	vld [tilespmem:$0x8260]  }
0x1af: {  	v1 =	vadd.f32 v61, v1;
	v39 =	vld [tilespmem:$0x1F8F0]  }
0x1b0: {  	v0 =	vadd.f32 v59, v0;
	v6 =	vadd.f32 v38, v6;
	v38 =	vld [tilespmem:$0x8570]  }
0x1b1: {  	v1 =	vadd.f32 v35, v1;
	v35 =	vld [tilespmem:$0x8560]  }
0x1b2: {  	v0 =	vadd.f32 v63, v0;
	v40 =	vld [tilespmem:$0x1F900]  }
0x1b3: {  	[tilespmem:$0x1FA40] =	vst v56;
	v56 =	vld [tilespmem:$0x8270]  }
0x1b4: {  	v0 =	vadd.f32 v39, v0;
	v39 =	vld [tilespmem:$0x8580]  }
0x1b5: {  	v42 =	vld [tilespmem:$0x1F920]  }
0x1b6: {  	v41 =	vld [tilespmem:$0x1F910]  }
0x1b7: {  	v2 =	vadd.f32 v40, v2;
	v40 =	vld [tilespmem:$0x8590]  }
0x1b8: {  	[tilespmem:$0x1FA60] =	vst v56;
	v56 =	vld [tilespmem:$0x8280]  }
0x1b9: {  	v43 =	vld [tilespmem:$0x1F930]  }
0x1ba: {  	v6 =	vadd.f32 v42, v6;
	v42 =	vld [tilespmem:$0x85B0]  }
0x1bb: {  	v1 =	vadd.f32 v41, v1;
	v41 =	vld [tilespmem:$0x85A0]  }
0x1bc: {  	v44 =	vld [tilespmem:$0x1F940]  }
0x1bd: {  	[tilespmem:$0x1FA50] =	vst v56;
	v56 =	vld [tilespmem:$0x8290]  }
0x1be: {  	v0 =	vadd.f32 v43, v0;
	v43 =	vld [tilespmem:$0x85C0]  }
0x1bf: {  	v46 =	vld [tilespmem:$0x1F960]  }
0x1c0: {  	v45 =	vld [tilespmem:$0x1F950]  }
0x1c1: {  	v2 =	vadd.f32 v44, v2;
	v44 =	vld [tilespmem:$0x85D0]  }
0x1c2: {  	[tilespmem:$0x1FA70] =	vst v56;
	v56 =	vld [tilespmem:$0x82A0]  }
0x1c3: {  	v47 =	vld [tilespmem:$0x1F970]  }
0x1c4: {  	v6 =	vadd.f32 v46, v6;
	v46 =	vld [tilespmem:$0x85F0]  }
0x1c5: {  	v1 =	vadd.f32 v45, v1;
	v45 =	vld [tilespmem:$0x85E0]  }
0x1c6: {  	v50 =	vld [tilespmem:$0x1F980]  }
0x1c7: {  	[tilespmem:$0x1FA80] =	vst v56;
	v56 =	vld [tilespmem:$0x82B0]  }
0x1c8: {  	v0 =	vadd.f32 v47, v0;
	v47 =	vld [tilespmem:$0x8600]  }
0x1c9: {  	v54 =	vld [tilespmem:$0x1F9A0]  }
0x1ca: {  	v51 =	vld [tilespmem:$0x1F990]  }
0x1cb: {  	v55 =	vld [tilespmem:$0x1F9B0]  }
0x1cc: {  	[tilespmem:$0x1FAA0] =	vst v56;
	v56 =	vld [tilespmem:$0x82C0]  }
0x1cd: {  	v57 =	vld [tilespmem:$0x1F9C0]  }
0x1ce: {  	v59 =	vld [tilespmem:$0x1F9E0]  }
0x1cf: {  	v58 =	vld [tilespmem:$0x1F9D0]  }
0x1d0: {  	v60 =	vld [tilespmem:$0x1F9F0]  }
0x1d1: {  	[tilespmem:$0x1FA90] =	vst v56;
	v56 =	vld [tilespmem:$0x82D0]  }
0x1d2: {  	v61 =	vld [tilespmem:$0x1FA00]  }
0x1d3: {  	v63 =	vld [tilespmem:$0x1FA20]  }
0x1d4: {  	v62 =	vld [tilespmem:$0x1FA10]  }
0x1d5: {  	v2 =	vadd.f32 v50, v2;
	v50 =	vld [tilespmem:$0x1FA30]  }
0x1d6: {  	[tilespmem:$0x1FAB0] =	vst v56;
	v56 =	vld [tilespmem:$0x82E0]  }
0x1d7: {  	v1 =	vadd.f32 v51, v1;
	v51 =	vld [tilespmem:$0x1FA40]  }
0x1d8: {  	v0 =	vadd.f32 v55, v0;
	v55 =	vld [tilespmem:$0x1FA60]  }
0x1d9: {  	v6 =	vadd.f32 v54, v6;
	v54 =	vld [tilespmem:$0x1FA50]  }
0x1da: {  	v2 =	vadd.f32 v57, v2;
	v57 =	vld [tilespmem:$0x1FA70]  }
0x1db: {  	[tilespmem:$0x1FAC0] =	vst v56;
	v56 =	vld [tilespmem:$0x82F0]  }
0x1dc: {  	v1 =	vadd.f32 v58, v1;
	v58 =	vld [tilespmem:$0x1FA80]  }
0x1dd: {  	v0 =	vadd.f32 v60, v0;
	v60 =	vld [tilespmem:$0x1FAA0]  }
0x1de: {  	v6 =	vadd.f32 v59, v6;
	v2 =	vadd.f32 v61, v2;
	v61 =	vld [tilespmem:$0x1FAB0]  }
0x1df: {  	v1 =	vadd.f32 v62, v1;
	v0 =	vadd.f32 v50, v0;
	v62 =	vld [tilespmem:$0x1FAC0]  }
0x1e0: {  	v6 =	vadd.f32 v63, v6;
	v2 =	vadd.f32 v51, v2;
	v59 =	vld [tilespmem:$0x1FA90];
	[tilespmem:$0x1FAD0] =	vst v56  }
0x1e1: {  	v0 =	vadd.f32 v57, v0;
	v63 =	vld [tilespmem:$0x1FAD0]  }
0x1e2: {  	v6 =	vadd.f32 v55, v6;
	v2 =	vadd.f32 v58, v2;
	v56 =	vld [tilespmem:$0x8300]  }
0x1e3: {  	v50 =	vld [tilespmem:$0x8610];
	v1 =	vadd.f32 v54, v1;
	v0 =	vadd.f32 v61, v0  }
0x1e4: {  	v51 =	vld [tilespmem:$0x8620];
	v6 =	vadd.f32 v60, v6;
	v2 =	vadd.f32 v62, v2  }
0x1e5: {  	v55 =	vld [tilespmem:$0x86F0];
	v1 =	vadd.f32 v59, v1;
	v0 =	vadd.f32 v3, v0  }
0x1e6: {  	v54 =	vld [tilespmem:$0x8630];
	v2 =	vadd.f32 v4, v2;
	v6 =	vadd.f32 v63, v6  }
0x1e7: {  	v57 =	vld [tilespmem:$0x8710];
	v0 =	vadd.f32 v17, v0;
	v1 =	vadd.f32 v56, v1  }
0x1e8: {  	v58 =	vld [tilespmem:$0x8720];
	v2 =	vadd.f32 v20, v2;
	v5 =	vadd.f32 v5, v6  }
0x1e9: {  	v60 =	vld [tilespmem:$0x8740];
	v0 =	vadd.f32 v33, v0;
	v1 =	vadd.f32 v16, v1  }
0x1ea: {  	v59 =	vld [tilespmem:$0x8730];
	v2 =	vadd.f32 v36, v2;
	v5 =	vadd.f32 v21, v5  }
0x1eb: {  	v61 =	vld [tilespmem:$0x8750];
	v0 =	vadd.f32 v49, v0;
	v1 =	vadd.f32 v32, v1  }
0x1ec: {  	v3 =	vld [tilespmem:$0x8640];
	v2 =	vadd.f32 v52, v2;
	v5 =	vadd.f32 v37, v5  }
0x1ed: {  	v17 =	vld [tilespmem:$0x8680];
	v0 =	vadd.f32 v8, v0;
	v1 =	vadd.f32 v48, v1  }
0x1ee: {  	v62 =	vld [tilespmem:$0x8760];
	v2 =	vadd.f32 v9, v2;
	v5 =	vadd.f32 v53, v5  }
0x1ef: {  	v33 =	vld [tilespmem:$0x8790];
	v0 =	vadd.f32 v12, v0;
	v1 =	vadd.f32 v7, v1  }
0x1f0: {  	v4 =	vld [tilespmem:$0x8650];
	v2 =	vadd.f32 v13, v2;
	v5 =	vadd.f32 v10, v5  }
0x1f1: {  	v49 =	vld [tilespmem:$0x86C0];
	v0 =	vadd.f32 v18, v0;
	v1 =	vadd.f32 v11, v1  }
0x1f2: {  	v20 =	vld [tilespmem:$0x8690];
	v2 =	vadd.f32 v19, v2;
	v5 =	vadd.f32 v14, v5  }
0x1f3: {  	v56 =	vld [tilespmem:$0x8700];
	v0 =	vadd.f32 v24, v0;
	v1 =	vadd.f32 v15, v1  }
0x1f4: {  	v63 =	vld [tilespmem:$0x8770];
	v2 =	vadd.f32 v25, v2;
	v5 =	vadd.f32 v22, v5  }
0x1f5: {  	v16 =	vld [tilespmem:$0x8670];
	v0 =	vadd.f32 v28, v0;
	v1 =	vadd.f32 v23, v1  }
0x1f6: {  	v36 =	vld [tilespmem:$0x87C0];
	v2 =	vadd.f32 v29, v2;
	v5 =	vadd.f32 v26, v5  }
0x1f7: {  	v6 =	vld [tilespmem:$0x8660];
	v0 =	vadd.f32 v34, v0;
	v1 =	vadd.f32 v27, v1  }
0x1f8: {  	v52 =	vld [tilespmem:$0x86D0];
	v2 =	vadd.f32 v35, v2;
	v5 =	vadd.f32 v30, v5  }
0x1f9: {  	v32 =	vld [tilespmem:$0x8780];
	v0 =	vadd.f32 v40, v0;
	v1 =	vadd.f32 v31, v1  }
0x1fa: {  	v21 =	vld [tilespmem:$0x86A0];
	v2 =	vadd.f32 v41, v2;
	v5 =	vadd.f32 v38, v5  }
0x1fb: {  	v48 =	vld [tilespmem:$0x86B0];
	v0 =	vadd.f32 v44, v0;
	v1 =	vadd.f32 v39, v1  }
0x1fc: {  	v37 =	vld [tilespmem:$0x87D0];
	v2 =	vadd.f32 v45, v2;
	v5 =	vadd.f32 v42, v5  }
0x1fd: {  	v53 =	vld [tilespmem:$0x86E0];
	v0 =	vadd.f32 v50, v0;
	v1 =	vadd.f32 v43, v1  }
0x1fe: {  	v34 =	vld [tilespmem:$0x87A0];
	v2 =	vadd.f32 v51, v2;
	v5 =	vadd.f32 v46, v5  }
0x1ff: {  	v40 =	vld [tilespmem:$0x8800];
	v0 =	vadd.f32 v4, v0;
	v1 =	vadd.f32 v47, v1  }
0x200: {  	v44 =	vld [tilespmem:$0x8840];
	v2 =	vadd.f32 v6, v2;
	v5 =	vadd.f32 v54, v5  }
0x201: {  	v35 =	vld [tilespmem:$0x87B0];
	v0 =	vadd.f32 v20, v0;
	v1 =	vadd.f32 v3, v1  }
0x202: {  	v50 =	vld [tilespmem:$0x88A0];
	v2 =	vadd.f32 v21, v2;
	v5 =	vadd.f32 v16, v5  }
0x203: {  	v41 =	vld [tilespmem:$0x8810];
	v0 =	vadd.f32 v52, v0;
	v1 =	vadd.f32 v17, v1  }
0x204: {  	v39 =	vld [tilespmem:$0x87F0];
	v2 =	vadd.f32 v53, v2;
	v5 =	vadd.f32 v48, v5  }
0x205: {  	v45 =	vld [tilespmem:$0x8850];
	v0 =	vadd.f32 v57, v0;
	v1 =	vadd.f32 v49, v1  }
0x206: {  	v38 =	vld [tilespmem:$0x87E0];
	v2 =	vadd.f32 v58, v2;
	v5 =	vadd.f32 v55, v5  }
0x207: {  	v43 =	vld [tilespmem:$0x8830];
	v0 =	vadd.f32 v61, v0;
	v1 =	vadd.f32 v56, v1  }
0x208: {  	v51 =	vld [tilespmem:$0x88B0];
	v2 =	vadd.f32 v62, v2;
	v5 =	vadd.f32 v59, v5  }
0x209: {  	v42 =	vld [tilespmem:$0x8820];
	v0 =	vadd.f32 v33, v0;
	v1 =	vadd.f32 v60, v1  }
0x20a: {  	v47 =	vld [tilespmem:$0x8870];
	v2 =	vadd.f32 v34, v2;
	v5 =	vadd.f32 v63, v5  }
0x20b: {  	v46 =	vld [tilespmem:$0x8860];
	v0 =	vadd.f32 v37, v0;
	v1 =	vadd.f32 v32, v1  }
0x20c: {  	v49 =	vld [tilespmem:$0x8890];
	v2 =	vadd.f32 v38, v2;
	v5 =	vadd.f32 v35, v5  }
0x20d: {  	v53 =	vld [tilespmem:$0x88D0];
	v0 =	vadd.f32 v41, v0;
	v1 =	vadd.f32 v36, v1  }
0x20e: {  	v48 =	vld [tilespmem:$0x8880];
	v2 =	vadd.f32 v42, v2;
	v5 =	vadd.f32 v39, v5  }
0x20f: {  	v54 =	vld [tilespmem:$0x88E0];
	v0 =	vadd.f32 v45, v0;
	v1 =	vadd.f32 v40, v1  }
0x210: {  	v52 =	vld [tilespmem:$0x88C0];
	v2 =	vadd.f32 v46, v2;
	v5 =	vadd.f32 v43, v5  }
0x211: {  	v55 =	vld [tilespmem:$0x88F0];
	v0 =	vadd.f32 v49, v0;
	v1 =	vadd.f32 v44, v1  }
0x212: {  	v2 =	vadd.f32 v50, v2;
	v5 =	vadd.f32 v47, v5  }
0x213: {  	v0 =	vadd.f32 v53, v0;
	v1 =	vadd.f32 v48, v1  }
0x214: {  	v2 =	vadd.f32 v54, v2;
	v56 =	vadd.f32 v51, v5  }
0x215: {  	v0 =	vmul.f32 $1.999999960e-02, v0;
	v1 =	vadd.f32 v52, v1  }
0x216: {  	v57 =	vmul.f32 $1.999999960e-02, v2;
	v3 =	vadd.f32 v55, v56  }
0x217: {  	[tilespmem:s23+$0xFFFFFFD0] =	vst v0;
	v1 =	vmul.f32 $1.999999960e-02, v1  }
0x218: {  	[tilespmem:s23+$0xFFFFFFE0] =	vst v57;
	v58 =	vmul.f32 $1.999999960e-02, v3  }
0x219: {  	[tilespmem:s23+$0xFFFFFFC0] =	vst v1  }
0x21a: {  	s26 =	sadd.s32 @!p0 $0x7038, s24;
	s28 =	simm.s32 @!p0 $0x7C80;
	[tilespmem:s23+$0xFFFFFFF0] =	vst v58  }
0x21b: {  	[tilespmem:s28], [sflag:$0x2] =	stream.indirect.gather @!p0 [hbm4b:s3+s25], $0x40, s26, s25, $0xb8;
	[tilespmem:$0x12200] =	vst v63  }
0x21c: {  	_ =	swait.ge [sflag:s18], $0xC80  }
0x21d: {  	[sflag:s18] =	ssyncset.done $0x0  }
0x21e: {  	[sflag:s18] =	ssyncadd.s32 $0xFFFFF380  }
0x21f: {  	v3 =	vld [tilespmem:$0x8900]  }
0x220: {  	v4 =	vld [tilespmem:$0x8910]  }
0x221: {  	v5 =	vld [tilespmem:$0x8920]  }
0x222: {  	v16 =	vld [tilespmem:$0x8930]  }
0x223: {  	v17 =	vld [tilespmem:$0x8940]  }
0x224: {  	v20 =	vld [tilespmem:$0x8950]  }
0x225: {  	v21 =	vld [tilespmem:$0x8960]  }
0x226: {  	v32 =	vld [tilespmem:$0x8970]  }
0x227: {  	v33 =	vld [tilespmem:$0x8980]  }
0x228: {  	v36 =	vld [tilespmem:$0x8990]  }
0x229: {  	v37 =	vld [tilespmem:$0x89A0]  }
0x22a: {  	v48 =	vld [tilespmem:$0x89B0]  }
0x22b: {  	v49 =	vld [tilespmem:$0x89C0]  }
0x22c: {  	v52 =	vld [tilespmem:$0x89D0]  }
0x22d: {  	v53 =	vld [tilespmem:$0x89E0]  }
0x22e: {  	v62 =	vld [tilespmem:$0x89F0]  }
0x22f: {  	v63 =	vld [tilespmem:$0x8A00]  }
0x230: {  	v0 =	vld [tilespmem:$0x8A10]  }
0x231: {  	v2 =	vld [tilespmem:$0x8A20]  }
0x232: {  	v9 =	vld [tilespmem:$0x8A30]  }
0x233: {  	v1 =	vld [tilespmem:$0x8A40]  }
0x234: {  	v6 =	vld [tilespmem:$0x8A50]  }
0x235: {  	v8 =	vld [tilespmem:$0x8A60]  }
0x236: {  	v13 =	vld [tilespmem:$0x8A70]  }
0x237: {  	v7 =	vld [tilespmem:$0x8A80]  }
0x238: {  	v10 =	vld [tilespmem:$0x8A90]  }
0x239: {  	v12 =	vld [tilespmem:$0x8AA0]  }
0x23a: {  	v19 =	vld [tilespmem:$0x8AB0]  }
0x23b: {  	v11 =	vld [tilespmem:$0x8AC0]  }
0x23c: {  	v14 =	vld [tilespmem:$0x8AD0]  }
0x23d: {  	v18 =	vld [tilespmem:$0x8AE0]  }
0x23e: {  	v25 =	vld [tilespmem:$0x8AF0]  }
0x23f: {  	v15 =	vld [tilespmem:$0x8B00]  }
0x240: {  	v22 =	vld [tilespmem:$0x8B10]  }
0x241: {  	v24 =	vld [tilespmem:$0x8B20]  }
0x242: {  	v29 =	vld [tilespmem:$0x8B30]  }
0x243: {  	v23 =	vld [tilespmem:$0x8B40]  }
0x244: {  	v26 =	vld [tilespmem:$0x8B50]  }
0x245: {  	v28 =	vld [tilespmem:$0x8B60]  }
0x246: {  	v35 =	vld [tilespmem:$0x8B70]  }
0x247: {  	v27 =	vld [tilespmem:$0x8B80]  }
0x248: {  	v30 =	vld [tilespmem:$0x8B90]  }
0x249: {  	v34 =	vld [tilespmem:$0x8BA0]  }
0x24a: {  	v56 =	vld [tilespmem:$0x8CF0]  }
0x24b: {  	v41 =	vld [tilespmem:$0x8BB0]  }
0x24c: {  	v31 =	vld [tilespmem:$0x8BC0]  }
0x24d: {  	v38 =	vld [tilespmem:$0x8BD0]  }
0x24e: {  	v40 =	vld [tilespmem:$0x8BE0]  }
0x24f: {  	[tilespmem:$0x1FAF0] =	vst v56;
	v56 =	vld [tilespmem:$0x8D10]  }
0x250: {  	v45 =	vld [tilespmem:$0x8BF0]  }
0x251: {  	v39 =	vld [tilespmem:$0x8C00]  }
0x252: {  	v42 =	vld [tilespmem:$0x8C10]  }
0x253: {  	v44 =	vld [tilespmem:$0x8C20]  }
0x254: {  	[tilespmem:$0x1FB00] =	vst v56;
	v56 =	vld [tilespmem:$0x8D20]  }
0x255: {  	v51 =	vld [tilespmem:$0x8C30]  }
0x256: {  	v43 =	vld [tilespmem:$0x8C40]  }
0x257: {  	v46 =	vld [tilespmem:$0x8C50]  }
0x258: {  	v50 =	vld [tilespmem:$0x8C60]  }
0x259: {  	[tilespmem:$0x1FB10] =	vst v56;
	v56 =	vld [tilespmem:$0x8D30]  }
0x25a: {  	v60 =	vld [tilespmem:$0x8C70]  }
0x25b: {  	v47 =	vld [tilespmem:$0x8C80]  }
0x25c: {  	v54 =	vld [tilespmem:$0x8C90]  }
0x25d: {  	v59 =	vld [tilespmem:$0x8CB0]  }
0x25e: {  	[tilespmem:$0x1FB30] =	vst v56;
	v56 =	vld [tilespmem:$0x8D40]  }
0x25f: {  	v61 =	vld [tilespmem:$0x8CA0]  }
0x260: {  	v55 =	vld [tilespmem:$0x8CC0]  }
0x261: {  	v58 =	vld [tilespmem:$0x8CD0]  }
0x262: {  	v57 =	vld [tilespmem:$0x8CE0];
	[tilespmem:$0x1FAE0] =	vst v59  }
0x263: {  	v59 =	vld [tilespmem:$0x8D00];
	[tilespmem:$0x1FB20] =	vst v56  }
0x264: {  	v56 =	vld [tilespmem:$0x8D50];
	_ =	sdelay $0x4  }
0x265: {  	[tilespmem:$0x1FB40] =	vst v56;
	v56 =	vld [tilespmem:$0x8D60];
	_ =	sdelay $0x4  }
0x266: {  	[tilespmem:$0x1FB50] =	vst v56;
	v56 =	vld [tilespmem:$0x8D70];
	_ =	sdelay $0x4  }
0x267: {  	[tilespmem:$0x1FB70] =	vst v56;
	v56 =	vld [tilespmem:$0x8D80];
	_ =	sdelay $0x4  }
0x268: {  	[tilespmem:$0x1FB60] =	vst v56;
	v56 =	vld [tilespmem:$0x8D90];
	_ =	sdelay $0x4  }
0x269: {  	[tilespmem:$0x1FB80] =	vst v56;
	v56 =	vld [tilespmem:$0x8DA0];
	_ =	sdelay $0x4  }
0x26a: {  	[tilespmem:$0x1FB90] =	vst v56;
	v56 =	vld [tilespmem:$0x8DB0];
	_ =	sdelay $0x4  }
0x26b: {  	[tilespmem:$0x1FBB0] =	vst v56;
	v56 =	vld [tilespmem:$0x8DC0];
	_ =	sdelay $0x4  }
0x26c: {  	[tilespmem:$0x1FBA0] =	vst v56;
	v56 =	vld [tilespmem:$0x8DD0];
	_ =	sdelay $0x4  }
0x26d: {  	[tilespmem:$0x1FBC0] =	vst v56;
	v56 =	vld [tilespmem:$0x8DE0];
	_ =	sdelay $0x4  }
0x26e: {  	[tilespmem:$0x1FBD0] =	vst v56;
	v56 =	vld [tilespmem:$0x8DF0];
	_ =	sdelay $0x4  }
0x26f: {  	[tilespmem:$0x1FBF0] =	vst v56;
	v56 =	vld [tilespmem:$0x8E00];
	_ =	sdelay $0x4  }
0x270: {  	[tilespmem:$0x1FBE0] =	vst v56;
	v56 =	vld [tilespmem:$0x8E10];
	_ =	sdelay $0x4  }
0x271: {  	[tilespmem:$0x1FC00] =	vst v56;
	v56 =	vld [tilespmem:$0x8E20];
	_ =	sdelay $0x1  }
0x272: {  	v17 =	vadd.f32 v17, v3;
	v3 =	vld [tilespmem:$0x8F90]  }
0x273: {  	v20 =	vadd.f32 v20, v4;
	v4 =	vld [tilespmem:$0x8FA0]  }
0x274: {  	v21 =	vadd.f32 v21, v5;
	v5 =	vld [tilespmem:$0x8FB0]  }
0x275: {  	v17 =	vadd.f32 v33, v17;
	[tilespmem:$0x1FC10] =	vst v56;
	v56 =	vld [tilespmem:$0x8E30]  }
0x276: {  	v32 =	vadd.f32 v32, v16;
	v20 =	vadd.f32 v36, v20;
	v16 =	vld [tilespmem:$0x8FC0]  }
0x277: {  	v21 =	vadd.f32 v37, v21;
	v33 =	vadd.f32 v49, v17;
	v17 =	vld [tilespmem:$0x8FD0]  }
0x278: {  	v36 =	vadd.f32 v52, v20;
	v20 =	vld [tilespmem:$0x8FE0]  }
0x279: {  	v32 =	vadd.f32 v48, v32;
	v37 =	vadd.f32 v53, v21;
	v21 =	vld [tilespmem:$0x8FF0]  }
0x27a: {  	v33 =	vadd.f32 v63, v33;
	[tilespmem:$0x1FC30] =	vst v56;
	v56 =	vld [tilespmem:$0x8E40]  }
0x27b: {  	v48 =	vadd.f32 v62, v32;
	v32 =	vld [tilespmem:$0x9000]  }
0x27c: {  	v1 =	vadd.f32 v1, v33;
	v33 =	vld [tilespmem:$0x9010]  }
0x27d: {  	v0 =	vadd.f32 v0, v36;
	v36 =	vld [tilespmem:$0x9020]  }
0x27e: {  	v2 =	vadd.f32 v2, v37;
	v37 =	vld [tilespmem:$0x9030]  }
0x27f: {  	v9 =	vadd.f32 v9, v48;
	[tilespmem:$0x1FC20] =	vst v56;
	v56 =	vld [tilespmem:$0x8E50]  }
0x280: {  	v48 =	vld [tilespmem:$0x9040]  }
0x281: {  	v53 =	vadd.f32 v13, v9;
	v49 =	vld [tilespmem:$0x9050]  }
0x282: {  	v52 =	vld [tilespmem:$0x9060]  }
0x283: {  	v0 =	vadd.f32 v6, v0;
	v6 =	vadd.f32 v19, v53;
	v53 =	vld [tilespmem:$0x9070]  }
0x284: {  	[tilespmem:$0x1FC40] =	vst v56;
	v56 =	vld [tilespmem:$0x8E60]  }
0x285: {  	v1 =	vadd.f32 v7, v1;
	v7 =	vld [tilespmem:$0x9080]  }
0x286: {  	v2 =	vadd.f32 v8, v2;
	v8 =	vld [tilespmem:$0x9090]  }
0x287: {  	v9 =	vld [tilespmem:$0x90A0]  }
0x288: {  	v0 =	vadd.f32 v10, v0;
	v10 =	vld [tilespmem:$0x90B0]  }
0x289: {  	[tilespmem:$0x1FC50] =	vst v56;
	v56 =	vld [tilespmem:$0x8E70]  }
0x28a: {  	v1 =	vadd.f32 v11, v1;
	v11 =	vld [tilespmem:$0x90C0]  }
0x28b: {  	v2 =	vadd.f32 v12, v2;
	v12 =	vld [tilespmem:$0x90D0]  }
0x28c: {  	v13 =	vld [tilespmem:$0x90E0]  }
0x28d: {  	v0 =	vadd.f32 v14, v0;
	v14 =	vld [tilespmem:$0x90F0]  }
0x28e: {  	[tilespmem:$0x1FC70] =	vst v56;
	v56 =	vld [tilespmem:$0x8E80]  }
0x28f: {  	v1 =	vadd.f32 v15, v1;
	v15 =	vld [tilespmem:$0x9100]  }
0x290: {  	v2 =	vadd.f32 v18, v2;
	v18 =	vld [tilespmem:$0x9110]  }
0x291: {  	v19 =	vld [tilespmem:$0x9120]  }
0x292: {  	v0 =	vadd.f32 v22, v0;
	v22 =	vld [tilespmem:$0x9130]  }
0x293: {  	[tilespmem:$0x1FC60] =	vst v56;
	v56 =	vld [tilespmem:$0x8E90]  }
0x294: {  	v6 =	vadd.f32 v25, v6;
	v1 =	vadd.f32 v23, v1;
	v23 =	vld [tilespmem:$0x9140]  }
0x295: {  	v2 =	vadd.f32 v24, v2;
	v24 =	vld [tilespmem:$0x9150]  }
0x296: {  	v6 =	vadd.f32 v29, v6;
	v25 =	vld [tilespmem:$0x9160]  }
0x297: {  	v0 =	vadd.f32 v26, v0;
	v2 =	vadd.f32 v28, v2;
	v26 =	vld [tilespmem:$0x9170]  }
0x298: {  	v6 =	vadd.f32 v35, v6;
	[tilespmem:$0x1FC80] =	vst v56;
	v56 =	vld [tilespmem:$0x8EA0]  }
0x299: {  	v1 =	vadd.f32 v27, v1;
	v2 =	vadd.f32 v34, v2;
	v27 =	vld [tilespmem:$0x9180]  }
0x29a: {  	v0 =	vadd.f32 v30, v0;
	v6 =	vadd.f32 v41, v6;
	v28 =	vld [tilespmem:$0x9190]  }
0x29b: {  	v1 =	vadd.f32 v31, v1;
	v2 =	vadd.f32 v40, v2;
	v62 =	vld [tilespmem:$0x1FB30]  }
0x29c: {  	v0 =	vadd.f32 v38, v0;
	v6 =	vadd.f32 v45, v6;
	v29 =	vld [tilespmem:$0x91A0]  }
0x29d: {  	v1 =	vadd.f32 v39, v1;
	v2 =	vadd.f32 v44, v2;
	[tilespmem:$0x1FC90] =	vst v56;
	v56 =	vld [tilespmem:$0x8EB0]  }
0x29e: {  	v30 =	vld [tilespmem:$0x91B0];
	v0 =	vadd.f32 v42, v0;
	v6 =	vadd.f32 v51, v6  }
0x29f: {  	v31 =	vld [tilespmem:$0x91C0];
	v1 =	vadd.f32 v43, v1;
	v2 =	vadd.f32 v50, v2  }
0x2a0: {  	v0 =	vadd.f32 v46, v0;
	v6 =	vadd.f32 v60, v6;
	v60 =	vld [tilespmem:$0x1FB10]  }
0x2a1: {  	v1 =	vadd.f32 v47, v1;
	v2 =	vadd.f32 v61, v2;
	v61 =	vld [tilespmem:$0x1FB20]  }
0x2a2: {  	[tilespmem:$0x1FCB0] =	vst v56;
	v56 =	vld [tilespmem:$0x8EC0]  }
0x2a3: {  	v0 =	vadd.f32 v54, v0;
	v1 =	vadd.f32 v55, v1;
	v55 =	vld [tilespmem:$0x1FAE0]  }
0x2a4: {  	v63 =	vld [tilespmem:$0x1FB40]  }
0x2a5: {  	v0 =	vadd.f32 v58, v0;
	v58 =	vld [tilespmem:$0x1FAF0]  }
0x2a6: {  	v34 =	vld [tilespmem:$0x1FB50]  }
0x2a7: {  	v2 =	vadd.f32 v57, v2;
	[tilespmem:$0x1FCA0] =	vst v56;
	v56 =	vld [tilespmem:$0x8ED0]  }
0x2a8: {  	v1 =	vadd.f32 v59, v1;
	v59 =	vld [tilespmem:$0x1FB00];
	v6 =	vadd.f32 v55, v6  }
0x2a9: {  	v2 =	vadd.f32 v60, v2;
	v38 =	vld [tilespmem:$0x1FB70]  }
0x2aa: {  	v6 =	vadd.f32 v58, v6;
	v35 =	vld [tilespmem:$0x1FB60]  }
0x2ab: {  	v2 =	vadd.f32 v34, v2;
	v34 =	vld [tilespmem:$0x91D0]  }
0x2ac: {  	v6 =	vadd.f32 v62, v6;
	[tilespmem:$0x1FCC0] =	vst v56;
	v56 =	vld [tilespmem:$0x8EE0]  }
0x2ad: {  	v1 =	vadd.f32 v61, v1;
	v39 =	vld [tilespmem:$0x1FB80]  }
0x2ae: {  	v0 =	vadd.f32 v59, v0;
	v6 =	vadd.f32 v38, v6;
	v38 =	vld [tilespmem:$0x91F0]  }
0x2af: {  	v1 =	vadd.f32 v35, v1;
	v35 =	vld [tilespmem:$0x91E0]  }
0x2b0: {  	v0 =	vadd.f32 v63, v0;
	v40 =	vld [tilespmem:$0x1FB90]  }
0x2b1: {  	[tilespmem:$0x1FCD0] =	vst v56;
	v56 =	vld [tilespmem:$0x8EF0]  }
0x2b2: {  	v0 =	vadd.f32 v39, v0;
	v39 =	vld [tilespmem:$0x9200]  }
0x2b3: {  	v42 =	vld [tilespmem:$0x1FBB0]  }
0x2b4: {  	v41 =	vld [tilespmem:$0x1FBA0]  }
0x2b5: {  	v2 =	vadd.f32 v40, v2;
	v40 =	vld [tilespmem:$0x9210]  }
0x2b6: {  	[tilespmem:$0x1FCF0] =	vst v56;
	v56 =	vld [tilespmem:$0x8F00]  }
0x2b7: {  	v43 =	vld [tilespmem:$0x1FBC0]  }
0x2b8: {  	v6 =	vadd.f32 v42, v6;
	v42 =	vld [tilespmem:$0x9230]  }
0x2b9: {  	v1 =	vadd.f32 v41, v1;
	v41 =	vld [tilespmem:$0x9220]  }
0x2ba: {  	v44 =	vld [tilespmem:$0x1FBD0]  }
0x2bb: {  	[tilespmem:$0x1FCE0] =	vst v56;
	v56 =	vld [tilespmem:$0x8F10]  }
0x2bc: {  	v0 =	vadd.f32 v43, v0;
	v43 =	vld [tilespmem:$0x9240]  }
0x2bd: {  	v46 =	vld [tilespmem:$0x1FBF0]  }
0x2be: {  	v45 =	vld [tilespmem:$0x1FBE0]  }
0x2bf: {  	v2 =	vadd.f32 v44, v2;
	v44 =	vld [tilespmem:$0x9250]  }
0x2c0: {  	[tilespmem:$0x1FD00] =	vst v56;
	v56 =	vld [tilespmem:$0x8F20]  }
0x2c1: {  	v47 =	vld [tilespmem:$0x1FC00]  }
0x2c2: {  	v6 =	vadd.f32 v46, v6;
	v46 =	vld [tilespmem:$0x9270]  }
0x2c3: {  	v1 =	vadd.f32 v45, v1;
	v45 =	vld [tilespmem:$0x9260]  }
0x2c4: {  	v50 =	vld [tilespmem:$0x1FC10]  }
0x2c5: {  	[tilespmem:$0x1FD10] =	vst v56;
	v56 =	vld [tilespmem:$0x8F30]  }
0x2c6: {  	v0 =	vadd.f32 v47, v0;
	v47 =	vld [tilespmem:$0x9280]  }
0x2c7: {  	v54 =	vld [tilespmem:$0x1FC30]  }
0x2c8: {  	v51 =	vld [tilespmem:$0x1FC20]  }
0x2c9: {  	v55 =	vld [tilespmem:$0x1FC40]  }
0x2ca: {  	[tilespmem:$0x1FD30] =	vst v56;
	v56 =	vld [tilespmem:$0x8F40]  }
0x2cb: {  	v57 =	vld [tilespmem:$0x1FC50]  }
0x2cc: {  	v59 =	vld [tilespmem:$0x1FC70]  }
0x2cd: {  	v58 =	vld [tilespmem:$0x1FC60]  }
0x2ce: {  	v60 =	vld [tilespmem:$0x1FC80]  }
0x2cf: {  	[tilespmem:$0x1FD20] =	vst v56;
	v56 =	vld [tilespmem:$0x8F50]  }
0x2d0: {  	v61 =	vld [tilespmem:$0x1FC90]  }
0x2d1: {  	v63 =	vld [tilespmem:$0x1FCB0]  }
0x2d2: {  	v62 =	vld [tilespmem:$0x1FCA0]  }
0x2d3: {  	v2 =	vadd.f32 v50, v2;
	v50 =	vld [tilespmem:$0x1FCC0]  }
0x2d4: {  	[tilespmem:$0x1FD40] =	vst v56;
	v56 =	vld [tilespmem:$0x8F60]  }
0x2d5: {  	v1 =	vadd.f32 v51, v1;
	v51 =	vld [tilespmem:$0x1FCD0]  }
0x2d6: {  	v0 =	vadd.f32 v55, v0;
	v55 =	vld [tilespmem:$0x1FCF0]  }
0x2d7: {  	v6 =	vadd.f32 v54, v6;
	v54 =	vld [tilespmem:$0x1FCE0]  }
0x2d8: {  	v2 =	vadd.f32 v57, v2;
	v57 =	vld [tilespmem:$0x1FD00]  }
0x2d9: {  	[tilespmem:$0x1FD50] =	vst v56;
	v56 =	vld [tilespmem:$0x8F70]  }
0x2da: {  	v1 =	vadd.f32 v58, v1;
	v58 =	vld [tilespmem:$0x1FD10]  }
0x2db: {  	v0 =	vadd.f32 v60, v0;
	v60 =	vld [tilespmem:$0x1FD30]  }
0x2dc: {  	v6 =	vadd.f32 v59, v6;
	v2 =	vadd.f32 v61, v2;
	v61 =	vld [tilespmem:$0x1FD40]  }
0x2dd: {  	v1 =	vadd.f32 v62, v1;
	v0 =	vadd.f32 v50, v0;
	v62 =	vld [tilespmem:$0x1FD50]  }
0x2de: {  	v6 =	vadd.f32 v63, v6;
	v2 =	vadd.f32 v51, v2;
	v59 =	vld [tilespmem:$0x1FD20];
	[tilespmem:$0x1FD60] =	vst v56  }
0x2df: {  	v0 =	vadd.f32 v57, v0;
	v63 =	vld [tilespmem:$0x1FD60]  }
0x2e0: {  	v6 =	vadd.f32 v55, v6;
	v2 =	vadd.f32 v58, v2;
	v56 =	vld [tilespmem:$0x8F80]  }
0x2e1: {  	v50 =	vld [tilespmem:$0x9290];
	v1 =	vadd.f32 v54, v1;
	v0 =	vadd.f32 v61, v0  }
0x2e2: {  	v51 =	vld [tilespmem:$0x92A0];
	v6 =	vadd.f32 v60, v6;
	v2 =	vadd.f32 v62, v2  }
0x2e3: {  	v55 =	vld [tilespmem:$0x9370];
	v1 =	vadd.f32 v59, v1;
	v0 =	vadd.f32 v3, v0  }
0x2e4: {  	v54 =	vld [tilespmem:$0x92B0];
	v2 =	vadd.f32 v4, v2;
	v6 =	vadd.f32 v63, v6  }
0x2e5: {  	v57 =	vld [tilespmem:$0x9390];
	v0 =	vadd.f32 v17, v0;
	v1 =	vadd.f32 v56, v1  }
0x2e6: {  	v58 =	vld [tilespmem:$0x93A0];
	v2 =	vadd.f32 v20, v2;
	v5 =	vadd.f32 v5, v6  }
0x2e7: {  	v60 =	vld [tilespmem:$0x93C0];
	v0 =	vadd.f32 v33, v0;
	v1 =	vadd.f32 v16, v1  }
0x2e8: {  	v59 =	vld [tilespmem:$0x93B0];
	v2 =	vadd.f32 v36, v2;
	v5 =	vadd.f32 v21, v5  }
0x2e9: {  	v61 =	vld [tilespmem:$0x93D0];
	v0 =	vadd.f32 v49, v0;
	v1 =	vadd.f32 v32, v1  }
0x2ea: {  	v3 =	vld [tilespmem:$0x92C0];
	v2 =	vadd.f32 v52, v2;
	v5 =	vadd.f32 v37, v5  }
0x2eb: {  	v17 =	vld [tilespmem:$0x9300];
	v0 =	vadd.f32 v8, v0;
	v1 =	vadd.f32 v48, v1  }
0x2ec: {  	v62 =	vld [tilespmem:$0x93E0];
	v2 =	vadd.f32 v9, v2;
	v5 =	vadd.f32 v53, v5  }
0x2ed: {  	v33 =	vld [tilespmem:$0x9410];
	v0 =	vadd.f32 v12, v0;
	v1 =	vadd.f32 v7, v1  }
0x2ee: {  	v4 =	vld [tilespmem:$0x92D0];
	v2 =	vadd.f32 v13, v2;
	v5 =	vadd.f32 v10, v5  }
0x2ef: {  	v49 =	vld [tilespmem:$0x9340];
	v0 =	vadd.f32 v18, v0;
	v1 =	vadd.f32 v11, v1  }
0x2f0: {  	v20 =	vld [tilespmem:$0x9310];
	v2 =	vadd.f32 v19, v2;
	v5 =	vadd.f32 v14, v5  }
0x2f1: {  	v56 =	vld [tilespmem:$0x9380];
	v0 =	vadd.f32 v24, v0;
	v1 =	vadd.f32 v15, v1  }
0x2f2: {  	v63 =	vld [tilespmem:$0x93F0];
	v2 =	vadd.f32 v25, v2;
	v5 =	vadd.f32 v22, v5  }
0x2f3: {  	v16 =	vld [tilespmem:$0x92F0];
	v0 =	vadd.f32 v28, v0;
	v1 =	vadd.f32 v23, v1  }
0x2f4: {  	v36 =	vld [tilespmem:$0x9440];
	v2 =	vadd.f32 v29, v2;
	v5 =	vadd.f32 v26, v5  }
0x2f5: {  	v6 =	vld [tilespmem:$0x92E0];
	v0 =	vadd.f32 v34, v0;
	v1 =	vadd.f32 v27, v1  }
0x2f6: {  	v52 =	vld [tilespmem:$0x9350];
	v2 =	vadd.f32 v35, v2;
	v5 =	vadd.f32 v30, v5  }
0x2f7: {  	v32 =	vld [tilespmem:$0x9400];
	v0 =	vadd.f32 v40, v0;
	v1 =	vadd.f32 v31, v1  }
0x2f8: {  	v21 =	vld [tilespmem:$0x9320];
	v2 =	vadd.f32 v41, v2;
	v5 =	vadd.f32 v38, v5  }
0x2f9: {  	v48 =	vld [tilespmem:$0x9330];
	v0 =	vadd.f32 v44, v0;
	v1 =	vadd.f32 v39, v1  }
0x2fa: {  	v37 =	vld [tilespmem:$0x9450];
	v2 =	vadd.f32 v45, v2;
	v5 =	vadd.f32 v42, v5  }
0x2fb: {  	v53 =	vld [tilespmem:$0x9360];
	v0 =	vadd.f32 v50, v0;
	v1 =	vadd.f32 v43, v1  }
0x2fc: {  	v34 =	vld [tilespmem:$0x9420];
	v2 =	vadd.f32 v51, v2;
	v5 =	vadd.f32 v46, v5  }
0x2fd: {  	v40 =	vld [tilespmem:$0x9480];
	v0 =	vadd.f32 v4, v0;
	v1 =	vadd.f32 v47, v1  }
0x2fe: {  	v44 =	vld [tilespmem:$0x94C0];
	v2 =	vadd.f32 v6, v2;
	v5 =	vadd.f32 v54, v5  }
0x2ff: {  	v35 =	vld [tilespmem:$0x9430];
	v0 =	vadd.f32 v20, v0;
	v1 =	vadd.f32 v3, v1  }
0x300: {  	v50 =	vld [tilespmem:$0x9520];
	v2 =	vadd.f32 v21, v2;
	v5 =	vadd.f32 v16, v5  }
0x301: {  	v41 =	vld [tilespmem:$0x9490];
	v0 =	vadd.f32 v52, v0;
	v1 =	vadd.f32 v17, v1  }
0x302: {  	v39 =	vld [tilespmem:$0x9470];
	v2 =	vadd.f32 v53, v2;
	v5 =	vadd.f32 v48, v5  }
0x303: {  	v45 =	vld [tilespmem:$0x94D0];
	v0 =	vadd.f32 v57, v0;
	v1 =	vadd.f32 v49, v1  }
0x304: {  	v38 =	vld [tilespmem:$0x9460];
	v2 =	vadd.f32 v58, v2;
	v5 =	vadd.f32 v55, v5  }
0x305: {  	v43 =	vld [tilespmem:$0x94B0];
	v0 =	vadd.f32 v61, v0;
	v1 =	vadd.f32 v56, v1  }
0x306: {  	v51 =	vld [tilespmem:$0x9530];
	v2 =	vadd.f32 v62, v2;
	v5 =	vadd.f32 v59, v5  }
0x307: {  	v42 =	vld [tilespmem:$0x94A0];
	v0 =	vadd.f32 v33, v0;
	v1 =	vadd.f32 v60, v1  }
0x308: {  	v47 =	vld [tilespmem:$0x94F0];
	v2 =	vadd.f32 v34, v2;
	v5 =	vadd.f32 v63, v5  }
0x309: {  	v46 =	vld [tilespmem:$0x94E0];
	v0 =	vadd.f32 v37, v0;
	v1 =	vadd.f32 v32, v1  }
0x30a: {  	v49 =	vld [tilespmem:$0x9510];
	v2 =	vadd.f32 v38, v2;
	v5 =	vadd.f32 v35, v5  }
0x30b: {  	v53 =	vld [tilespmem:$0x9550];
	v0 =	vadd.f32 v41, v0;
	v1 =	vadd.f32 v36, v1  }
0x30c: {  	v48 =	vld [tilespmem:$0x9500];
	v2 =	vadd.f32 v42, v2;
	v5 =	vadd.f32 v39, v5  }
0x30d: {  	v54 =	vld [tilespmem:$0x9560];
	v0 =	vadd.f32 v45, v0;
	v1 =	vadd.f32 v40, v1  }
0x30e: {  	v52 =	vld [tilespmem:$0x9540];
	v2 =	vadd.f32 v46, v2;
	v5 =	vadd.f32 v43, v5  }
0x30f: {  	v55 =	vld [tilespmem:$0x9570];
	v0 =	vadd.f32 v49, v0;
	v1 =	vadd.f32 v44, v1  }
0x310: {  	v2 =	vadd.f32 v50, v2;
	v5 =	vadd.f32 v47, v5  }
0x311: {  	v0 =	vadd.f32 v53, v0;
	v1 =	vadd.f32 v48, v1  }
0x312: {  	v2 =	vadd.f32 v54, v2;
	v56 =	vadd.f32 v51, v5  }
0x313: {  	v0 =	vmul.f32 $1.999999960e-02, v0;
	v1 =	vadd.f32 v52, v1  }
0x314: {  	v57 =	vmul.f32 $1.999999960e-02, v2;
	v3 =	vadd.f32 v55, v56  }
0x315: {  	[tilespmem:s23+$0x10] =	vst v0;
	v1 =	vmul.f32 $1.999999960e-02, v1  }
0x316: {  	[tilespmem:s23+$0x20] =	vst v57;
	v58 =	vmul.f32 $1.999999960e-02, v3  }
0x317: {  	[tilespmem:s23+$0x0] =	vst v1  }
0x318: {  	s24 =	sadd.s32 @!p0 $0x7070, s24;
	s26 =	simm.s32 @!p0 $0x8900;
	[tilespmem:s23+$0x30] =	vst v58  }
0x319: {  	[tilespmem:s26], [sflag:$0x3] =	stream.indirect.gather @!p0 [hbm4b:s3+s25], $0x40, s24, s25, $0xb8;
	[tilespmem:$0x12200] =	vst v63  }
0x31a: {  	_ =	swait.ge [sflag:s19], $0xC80  }
0x31b: {  	[sflag:s19] =	ssyncset.done $0x0  }
0x31c: {  	[sflag:s19] =	ssyncadd.s32 $0xFFFFF380  }
0x31d: {  	v56 =	vld [tilespmem:$0x9970];
	_ =	sdelay $0x4  }
0x31e: {  	[tilespmem:$0x1FD80] =	vst v56;
	v56 =	vld [tilespmem:$0x9990];
	_ =	sdelay $0x4  }
0x31f: {  	[tilespmem:$0x1FD90] =	vst v56;
	v56 =	vld [tilespmem:$0x99A0];
	_ =	sdelay $0x1  }
0x320: {  	v3 =	vld [tilespmem:$0x9580]  }
0x321: {  	v4 =	vld [tilespmem:$0x9590]  }
0x322: {  	v5 =	vld [tilespmem:$0x95A0]  }
0x323: {  	[tilespmem:$0x1FDA0] =	vst v56;
	v56 =	vld [tilespmem:$0x99B0]  }
0x324: {  	v16 =	vld [tilespmem:$0x95B0]  }
0x325: {  	v17 =	vld [tilespmem:$0x95C0]  }
0x326: {  	v20 =	vld [tilespmem:$0x95D0]  }
0x327: {  	v21 =	vld [tilespmem:$0x95E0]  }
0x328: {  	[tilespmem:$0x1FDC0] =	vst v56;
	v56 =	vld [tilespmem:$0x99C0]  }
0x329: {  	v32 =	vld [tilespmem:$0x95F0]  }
0x32a: {  	v33 =	vld [tilespmem:$0x9600]  }
0x32b: {  	v36 =	vld [tilespmem:$0x9610]  }
0x32c: {  	v37 =	vld [tilespmem:$0x9620]  }
0x32d: {  	[tilespmem:$0x1FDB0] =	vst v56;
	v56 =	vld [tilespmem:$0x99D0]  }
0x32e: {  	v48 =	vld [tilespmem:$0x9630]  }
0x32f: {  	v49 =	vld [tilespmem:$0x9640]  }
0x330: {  	v52 =	vld [tilespmem:$0x9650]  }
0x331: {  	v53 =	vld [tilespmem:$0x9660]  }
0x332: {  	[tilespmem:$0x1FDD0] =	vst v56;
	v56 =	vld [tilespmem:$0x99E0]  }
0x333: {  	v62 =	vld [tilespmem:$0x9670]  }
0x334: {  	v63 =	vld [tilespmem:$0x9680]  }
0x335: {  	v0 =	vld [tilespmem:$0x9690]  }
0x336: {  	v2 =	vld [tilespmem:$0x96A0]  }
0x337: {  	[tilespmem:$0x1FDE0] =	vst v56;
	v56 =	vld [tilespmem:$0x99F0]  }
0x338: {  	v9 =	vld [tilespmem:$0x96B0]  }
0x339: {  	v1 =	vld [tilespmem:$0x96C0]  }
0x33a: {  	v6 =	vld [tilespmem:$0x96D0]  }
0x33b: {  	v8 =	vld [tilespmem:$0x96E0]  }
0x33c: {  	[tilespmem:$0x1FE00] =	vst v56;
	v56 =	vld [tilespmem:$0x9A00]  }
0x33d: {  	v13 =	vld [tilespmem:$0x96F0]  }
0x33e: {  	v7 =	vld [tilespmem:$0x9700]  }
0x33f: {  	v10 =	vld [tilespmem:$0x9710]  }
0x340: {  	v12 =	vld [tilespmem:$0x9720]  }
0x341: {  	[tilespmem:$0x1FDF0] =	vst v56;
	v56 =	vld [tilespmem:$0x9A10]  }
0x342: {  	v19 =	vld [tilespmem:$0x9730]  }
0x343: {  	v11 =	vld [tilespmem:$0x9740]  }
0x344: {  	v14 =	vld [tilespmem:$0x9750]  }
0x345: {  	v18 =	vld [tilespmem:$0x9760]  }
0x346: {  	[tilespmem:$0x1FE10] =	vst v56;
	v56 =	vld [tilespmem:$0x9A20]  }
0x347: {  	v25 =	vld [tilespmem:$0x9770]  }
0x348: {  	v15 =	vld [tilespmem:$0x9780]  }
0x349: {  	v22 =	vld [tilespmem:$0x9790]  }
0x34a: {  	v24 =	vld [tilespmem:$0x97A0]  }
0x34b: {  	[tilespmem:$0x1FE20] =	vst v56;
	v56 =	vld [tilespmem:$0x9A30]  }
0x34c: {  	v29 =	vld [tilespmem:$0x97B0]  }
0x34d: {  	v23 =	vld [tilespmem:$0x97C0]  }
0x34e: {  	v26 =	vld [tilespmem:$0x97D0]  }
0x34f: {  	v28 =	vld [tilespmem:$0x97E0]  }
0x350: {  	[tilespmem:$0x1FE40] =	vst v56;
	v56 =	vld [tilespmem:$0x9A40]  }
0x351: {  	v35 =	vld [tilespmem:$0x97F0]  }
0x352: {  	v27 =	vld [tilespmem:$0x9800]  }
0x353: {  	v30 =	vld [tilespmem:$0x9810]  }
0x354: {  	v34 =	vld [tilespmem:$0x9820]  }
0x355: {  	[tilespmem:$0x1FE30] =	vst v56;
	v56 =	vld [tilespmem:$0x9A50]  }
0x356: {  	v41 =	vld [tilespmem:$0x9830]  }
0x357: {  	v31 =	vld [tilespmem:$0x9840]  }
0x358: {  	v38 =	vld [tilespmem:$0x9850]  }
0x359: {  	v40 =	vld [tilespmem:$0x9860]  }
0x35a: {  	[tilespmem:$0x1FE50] =	vst v56;
	v56 =	vld [tilespmem:$0x9A60]  }
0x35b: {  	v45 =	vld [tilespmem:$0x9870]  }
0x35c: {  	v39 =	vld [tilespmem:$0x9880]  }
0x35d: {  	v42 =	vld [tilespmem:$0x9890]  }
0x35e: {  	v44 =	vld [tilespmem:$0x98A0]  }
0x35f: {  	[tilespmem:$0x1FE60] =	vst v56;
	v56 =	vld [tilespmem:$0x9A70]  }
0x360: {  	v51 =	vld [tilespmem:$0x98B0]  }
0x361: {  	v43 =	vld [tilespmem:$0x98C0]  }
0x362: {  	v46 =	vld [tilespmem:$0x98D0]  }
0x363: {  	v50 =	vld [tilespmem:$0x98E0]  }
0x364: {  	[tilespmem:$0x1FE80] =	vst v56;
	v56 =	vld [tilespmem:$0x9A80]  }
0x365: {  	v60 =	vld [tilespmem:$0x98F0]  }
0x366: {  	v47 =	vld [tilespmem:$0x9900]  }
0x367: {  	v54 =	vld [tilespmem:$0x9910]  }
0x368: {  	v61 =	vld [tilespmem:$0x9920]  }
0x369: {  	[tilespmem:$0x1FE70] =	vst v56;
	v56 =	vld [tilespmem:$0x9A90]  }
0x36a: {  	v59 =	vld [tilespmem:$0x9930]  }
0x36b: {  	v55 =	vld [tilespmem:$0x9940]  }
0x36c: {  	v58 =	vld [tilespmem:$0x9950]  }
0x36d: {  	v57 =	vld [tilespmem:$0x9960]  }
0x36e: {  	[tilespmem:$0x1FE90] =	vst v56;
	v56 =	vld [tilespmem:$0x9AA0]  }
0x36f: {  	[tilespmem:$0x1FD70] =	vst v59;
	v59 =	vld [tilespmem:$0x9980]  }
0x370: {  	v17 =	vadd.f32 v17, v3;
	v3 =	vld [tilespmem:$0x9C10]  }
0x371: {  	v20 =	vadd.f32 v20, v4;
	v4 =	vld [tilespmem:$0x9C20]  }
0x372: {  	v21 =	vadd.f32 v21, v5;
	v5 =	vld [tilespmem:$0x9C30]  }
0x373: {  	v17 =	vadd.f32 v33, v17;
	[tilespmem:$0x1FEA0] =	vst v56;
	v56 =	vld [tilespmem:$0x9AB0]  }
0x374: {  	v32 =	vadd.f32 v32, v16;
	v16 =	vld [tilespmem:$0x9C40];
	v20 =	vadd.f32 v36, v20  }
0x375: {  	v21 =	vadd.f32 v37, v21;
	v33 =	vadd.f32 v49, v17;
	v17 =	vld [tilespmem:$0x9C50]  }
0x376: {  	v36 =	vadd.f32 v52, v20;
	v20 =	vld [tilespmem:$0x9C60]  }
0x377: {  	v32 =	vadd.f32 v48, v32;
	v37 =	vadd.f32 v53, v21;
	v21 =	vld [tilespmem:$0x9C70]  }
0x378: {  	[tilespmem:$0x1FEC0] =	vst v56;
	v56 =	vld [tilespmem:$0x9AC0]  }
0x379: {  	v48 =	vadd.f32 v62, v32;
	v32 =	vld [tilespmem:$0x9C80]  }
0x37a: {  	v49 =	vld [tilespmem:$0x9CD0]  }
0x37b: {  	v52 =	vld [tilespmem:$0x9CE0]  }
0x37c: {  	v0 =	vadd.f32 v0, v36;
	v36 =	vld [tilespmem:$0x9CA0]  }
0x37d: {  	[tilespmem:$0x1FEB0] =	vst v56;
	v56 =	vld [tilespmem:$0x9AD0]  }
0x37e: {  	v33 =	vadd.f32 v63, v33;
	v2 =	vadd.f32 v2, v37;
	v37 =	vld [tilespmem:$0x9CB0]  }
0x37f: {  	v9 =	vadd.f32 v9, v48;
	v48 =	vld [tilespmem:$0x9CC0]  }
0x380: {  	v1 =	vadd.f32 v1, v33;
	v33 =	vld [tilespmem:$0x9C90]  }
0x381: {  	v2 =	vadd.f32 v8, v2;
	v8 =	vld [tilespmem:$0x9D10]  }
0x382: {  	[tilespmem:$0x1FED0] =	vst v56;
	v56 =	vld [tilespmem:$0x9AE0]  }
0x383: {  	v53 =	vadd.f32 v13, v9;
	v9 =	vld [tilespmem:$0x9D20]  }
0x384: {  	v13 =	vld [tilespmem:$0x9D60]  }
0x385: {  	v0 =	vadd.f32 v6, v0;
	v6 =	vadd.f32 v19, v53;
	v53 =	vld [tilespmem:$0x9CF0]  }
0x386: {  	v1 =	vadd.f32 v7, v1;
	v7 =	vld [tilespmem:$0x9D00]  }
0x387: {  	[tilespmem:$0x1FEE0] =	vst v56;
	v56 =	vld [tilespmem:$0x9AF0]  }
0x388: {  	v0 =	vadd.f32 v10, v0;
	v10 =	vld [tilespmem:$0x9D30]  }
0x389: {  	v2 =	vadd.f32 v12, v2;
	v12 =	vld [tilespmem:$0x9D50]  }
0x38a: {  	v19 =	vld [tilespmem:$0x9DA0]  }
0x38b: {  	v1 =	vadd.f32 v11, v1;
	v11 =	vld [tilespmem:$0x9D40]  }
0x38c: {  	[tilespmem:$0x1FF00] =	vst v56;
	v56 =	vld [tilespmem:$0x9B00]  }
0x38d: {  	v0 =	vadd.f32 v14, v0;
	v14 =	vld [tilespmem:$0x9D70]  }
0x38e: {  	v2 =	vadd.f32 v18, v2;
	v18 =	vld [tilespmem:$0x9D90]  }
0x38f: {  	v6 =	vadd.f32 v25, v6;
	v25 =	vld [tilespmem:$0x9DE0]  }
0x390: {  	v1 =	vadd.f32 v15, v1;
	v15 =	vld [tilespmem:$0x9D80]  }
0x391: {  	[tilespmem:$0x1FEF0] =	vst v56;
	v56 =	vld [tilespmem:$0x9B10]  }
0x392: {  	v0 =	vadd.f32 v22, v0;
	v22 =	vld [tilespmem:$0x9DB0]  }
0x393: {  	v2 =	vadd.f32 v24, v2;
	v24 =	vld [tilespmem:$0x9DD0]  }
0x394: {  	v6 =	vadd.f32 v29, v6;
	v29 =	vld [tilespmem:$0x9E20]  }
0x395: {  	v1 =	vadd.f32 v23, v1;
	v2 =	vadd.f32 v28, v2;
	v23 =	vld [tilespmem:$0x9DC0]  }
0x396: {  	v0 =	vadd.f32 v26, v0;
	v6 =	vadd.f32 v35, v6;
	[tilespmem:$0x1FF10] =	vst v56;
	v56 =	vld [tilespmem:$0x9B20]  }
0x397: {  	v26 =	vld [tilespmem:$0x9DF0];
	v1 =	vadd.f32 v27, v1;
	v2 =	vadd.f32 v34, v2  }
0x398: {  	v28 =	vld [tilespmem:$0x9E10];
	v0 =	vadd.f32 v30, v0;
	v6 =	vadd.f32 v41, v6  }
0x399: {  	v62 =	vld [tilespmem:$0x1FDC0];
	v1 =	vadd.f32 v31, v1;
	v2 =	vadd.f32 v40, v2  }
0x39a: {  	v27 =	vld [tilespmem:$0x9E00];
	v0 =	vadd.f32 v38, v0;
	v6 =	vadd.f32 v45, v6  }
0x39b: {  	v1 =	vadd.f32 v39, v1;
	v2 =	vadd.f32 v44, v2;
	[tilespmem:$0x1FF20] =	vst v56;
	v56 =	vld [tilespmem:$0x9B30]  }
0x39c: {  	v30 =	vld [tilespmem:$0x9E30];
	v0 =	vadd.f32 v42, v0;
	v6 =	vadd.f32 v51, v6  }
0x39d: {  	v31 =	vld [tilespmem:$0x9E40];
	v1 =	vadd.f32 v43, v1;
	v2 =	vadd.f32 v50, v2  }
0x39e: {  	v0 =	vadd.f32 v46, v0;
	v6 =	vadd.f32 v60, v6;
	v60 =	vld [tilespmem:$0x1FDA0]  }
0x39f: {  	v1 =	vadd.f32 v47, v1;
	v2 =	vadd.f32 v61, v2;
	v61 =	vld [tilespmem:$0x1FDB0]  }
0x3a0: {  	[tilespmem:$0x1FF40] =	vst v56;
	v56 =	vld [tilespmem:$0x9B40]  }
0x3a1: {  	v0 =	vadd.f32 v54, v0;
	v1 =	vadd.f32 v55, v1;
	v55 =	vld [tilespmem:$0x1FD70]  }
0x3a2: {  	v63 =	vld [tilespmem:$0x1FDD0]  }
0x3a3: {  	v0 =	vadd.f32 v58, v0;
	v58 =	vld [tilespmem:$0x1FD80]  }
0x3a4: {  	v34 =	vld [tilespmem:$0x1FDE0]  }
0x3a5: {  	v2 =	vadd.f32 v57, v2;
	[tilespmem:$0x1FF30] =	vst v56;
	v56 =	vld [tilespmem:$0x9B50]  }
0x3a6: {  	v1 =	vadd.f32 v59, v1;
	v59 =	vld [tilespmem:$0x1FD90];
	v6 =	vadd.f32 v55, v6  }
0x3a7: {  	v2 =	vadd.f32 v60, v2;
	v38 =	vld [tilespmem:$0x1FE00]  }
0x3a8: {  	v6 =	vadd.f32 v58, v6;
	v35 =	vld [tilespmem:$0x1FDF0]  }
0x3a9: {  	v2 =	vadd.f32 v34, v2;
	v34 =	vld [tilespmem:$0x9E50]  }
0x3aa: {  	v6 =	vadd.f32 v62, v6;
	[tilespmem:$0x1FF50] =	vst v56;
	v56 =	vld [tilespmem:$0x9B60]  }
0x3ab: {  	v1 =	vadd.f32 v61, v1;
	v39 =	vld [tilespmem:$0x1FE10]  }
0x3ac: {  	v0 =	vadd.f32 v59, v0;
	v6 =	vadd.f32 v38, v6;
	v38 =	vld [tilespmem:$0x9E70]  }
0x3ad: {  	v1 =	vadd.f32 v35, v1;
	v35 =	vld [tilespmem:$0x9E60]  }
0x3ae: {  	v0 =	vadd.f32 v63, v0;
	v40 =	vld [tilespmem:$0x1FE20]  }
0x3af: {  	[tilespmem:$0x1FF60] =	vst v56;
	v56 =	vld [tilespmem:$0x9B70]  }
0x3b0: {  	v0 =	vadd.f32 v39, v0;
	v39 =	vld [tilespmem:$0x9E80]  }
0x3b1: {  	v42 =	vld [tilespmem:$0x1FE40]  }
0x3b2: {  	v41 =	vld [tilespmem:$0x1FE30]  }
0x3b3: {  	v2 =	vadd.f32 v40, v2;
	v40 =	vld [tilespmem:$0x9E90]  }
0x3b4: {  	[tilespmem:$0x1FF80] =	vst v56;
	v56 =	vld [tilespmem:$0x9B80]  }
0x3b5: {  	v43 =	vld [tilespmem:$0x1FE50]  }
0x3b6: {  	v6 =	vadd.f32 v42, v6;
	v42 =	vld [tilespmem:$0x9EB0]  }
0x3b7: {  	v1 =	vadd.f32 v41, v1;
	v41 =	vld [tilespmem:$0x9EA0]  }
0x3b8: {  	v44 =	vld [tilespmem:$0x1FE60]  }
0x3b9: {  	[tilespmem:$0x1FF70] =	vst v56;
	v56 =	vld [tilespmem:$0x9B90]  }
0x3ba: {  	v0 =	vadd.f32 v43, v0;
	v43 =	vld [tilespmem:$0x9EC0]  }
0x3bb: {  	v46 =	vld [tilespmem:$0x1FE80]  }
0x3bc: {  	v45 =	vld [tilespmem:$0x1FE70]  }
0x3bd: {  	v2 =	vadd.f32 v44, v2;
	v44 =	vld [tilespmem:$0x9ED0]  }
0x3be: {  	[tilespmem:$0x1FF90] =	vst v56;
	v56 =	vld [tilespmem:$0x9BA0]  }
0x3bf: {  	v47 =	vld [tilespmem:$0x1FE90]  }
0x3c0: {  	v6 =	vadd.f32 v46, v6;
	v46 =	vld [tilespmem:$0x9EF0]  }
0x3c1: {  	v1 =	vadd.f32 v45, v1;
	v45 =	vld [tilespmem:$0x9EE0]  }
0x3c2: {  	v50 =	vld [tilespmem:$0x1FEA0]  }
0x3c3: {  	[tilespmem:$0x1FFA0] =	vst v56;
	v56 =	vld [tilespmem:$0x9BB0]  }
0x3c4: {  	v0 =	vadd.f32 v47, v0;
	v47 =	vld [tilespmem:$0x9F00]  }
0x3c5: {  	v54 =	vld [tilespmem:$0x1FEC0]  }
0x3c6: {  	v51 =	vld [tilespmem:$0x1FEB0]  }
0x3c7: {  	v55 =	vld [tilespmem:$0x1FED0]  }
0x3c8: {  	[tilespmem:$0x1FFC0] =	vst v56;
	v56 =	vld [tilespmem:$0x9BC0]  }
0x3c9: {  	v57 =	vld [tilespmem:$0x1FEE0]  }
0x3ca: {  	v59 =	vld [tilespmem:$0x1FF00]  }
0x3cb: {  	v58 =	vld [tilespmem:$0x1FEF0]  }
0x3cc: {  	v60 =	vld [tilespmem:$0x1FF10]  }
0x3cd: {  	[tilespmem:$0x1FFB0] =	vst v56;
	v56 =	vld [tilespmem:$0x9BD0]  }
0x3ce: {  	v61 =	vld [tilespmem:$0x1FF20]  }
0x3cf: {  	v63 =	vld [tilespmem:$0x1FF40]  }
0x3d0: {  	v62 =	vld [tilespmem:$0x1FF30]  }
0x3d1: {  	v2 =	vadd.f32 v50, v2;
	v50 =	vld [tilespmem:$0x1FF50]  }
0x3d2: {  	[tilespmem:$0x1FFD0] =	vst v56;
	v56 =	vld [tilespmem:$0x9BE0]  }
0x3d3: {  	v1 =	vadd.f32 v51, v1;
	v51 =	vld [tilespmem:$0x1FF60]  }
0x3d4: {  	v0 =	vadd.f32 v55, v0;
	v55 =	vld [tilespmem:$0x1FF80]  }
0x3d5: {  	v6 =	vadd.f32 v54, v6;
	v54 =	vld [tilespmem:$0x1FF70]  }
0x3d6: {  	v2 =	vadd.f32 v57, v2;
	v57 =	vld [tilespmem:$0x1FF90]  }
0x3d7: {  	[tilespmem:$0x1FFE0] =	vst v56;
	v56 =	vld [tilespmem:$0x9BF0]  }
0x3d8: {  	v1 =	vadd.f32 v58, v1;
	v58 =	vld [tilespmem:$0x1FFA0]  }
0x3d9: {  	v0 =	vadd.f32 v60, v0;
	v60 =	vld [tilespmem:$0x1FFC0]  }
0x3da: {  	v6 =	vadd.f32 v59, v6;
	v2 =	vadd.f32 v61, v2;
	v61 =	vld [tilespmem:$0x1FFD0]  }
0x3db: {  	v1 =	vadd.f32 v62, v1;
	v0 =	vadd.f32 v50, v0;
	v62 =	vld [tilespmem:$0x1FFE0]  }
0x3dc: {  	v6 =	vadd.f32 v63, v6;
	v2 =	vadd.f32 v51, v2;
	v59 =	vld [tilespmem:$0x1FFB0];
	[tilespmem:$0x1FFF0] =	vst v56  }
0x3dd: {  	v0 =	vadd.f32 v57, v0;
	v63 =	vld [tilespmem:$0x1FFF0]  }
0x3de: {  	v6 =	vadd.f32 v55, v6;
	v2 =	vadd.f32 v58, v2;
	v56 =	vld [tilespmem:$0x9C00]  }
0x3df: {  	v50 =	vld [tilespmem:$0x9F10];
	v1 =	vadd.f32 v54, v1;
	v0 =	vadd.f32 v61, v0  }
0x3e0: {  	v51 =	vld [tilespmem:$0x9F20];
	v6 =	vadd.f32 v60, v6;
	v2 =	vadd.f32 v62, v2  }
0x3e1: {  	v55 =	vld [tilespmem:$0x9FB0];
	v1 =	vadd.f32 v59, v1;
	v0 =	vadd.f32 v3, v0  }
0x3e2: {  	v54 =	vld [tilespmem:$0x9F30];
	v2 =	vadd.f32 v4, v2;
	v6 =	vadd.f32 v63, v6  }
0x3e3: {  	v57 =	vld [tilespmem:$0x9FD0];
	v0 =	vadd.f32 v17, v0;
	v1 =	vadd.f32 v56, v1  }
0x3e4: {  	v58 =	vld [tilespmem:$0x9FE0];
	v2 =	vadd.f32 v20, v2;
	v5 =	vadd.f32 v5, v6  }
0x3e5: {  	v60 =	vld [tilespmem:$0xA000];
	v0 =	vadd.f32 v33, v0;
	v1 =	vadd.f32 v16, v1  }
0x3e6: {  	v59 =	vld [tilespmem:$0x9FF0];
	v2 =	vadd.f32 v36, v2;
	v5 =	vadd.f32 v21, v5  }
0x3e7: {  	v61 =	vld [tilespmem:$0xA010];
	v0 =	vadd.f32 v49, v0;
	v1 =	vadd.f32 v32, v1  }
0x3e8: {  	v3 =	vld [tilespmem:$0x9F40];
	v2 =	vadd.f32 v52, v2;
	v5 =	vadd.f32 v37, v5  }
0x3e9: {  	v17 =	vld [tilespmem:$0x9F80];
	v0 =	vadd.f32 v8, v0;
	v1 =	vadd.f32 v48, v1  }
0x3ea: {  	v62 =	vld [tilespmem:$0xA020];
	v2 =	vadd.f32 v9, v2;
	v5 =	vadd.f32 v53, v5  }
0x3eb: {  	v33 =	vld [tilespmem:$0xA050];
	v0 =	vadd.f32 v12, v0;
	v1 =	vadd.f32 v7, v1  }
0x3ec: {  	v4 =	vld [tilespmem:$0x9F50];
	v2 =	vadd.f32 v13, v2;
	v5 =	vadd.f32 v10, v5  }
0x3ed: {  	v49 =	vld [tilespmem:$0x9FA0];
	v0 =	vadd.f32 v18, v0;
	v1 =	vadd.f32 v11, v1  }
0x3ee: {  	v56 =	vld [tilespmem:$0x9FC0];
	v2 =	vadd.f32 v19, v2;
	v5 =	vadd.f32 v14, v5  }
0x3ef: {  	v63 =	vld [tilespmem:$0xA030];
	v0 =	vadd.f32 v24, v0;
	v1 =	vadd.f32 v15, v1  }
0x3f0: {  	v16 =	vld [tilespmem:$0x9F70];
	v2 =	vadd.f32 v25, v2;
	v5 =	vadd.f32 v22, v5  }
0x3f1: {  	v36 =	vld [tilespmem:$0xA070];
	v0 =	vadd.f32 v28, v0;
	v1 =	vadd.f32 v23, v1  }
0x3f2: {  	v6 =	vld [tilespmem:$0x9F60];
	v2 =	vadd.f32 v29, v2;
	v5 =	vadd.f32 v26, v5  }
0x3f3: {  	v32 =	vld [tilespmem:$0xA040];
	v0 =	vadd.f32 v34, v0;
	v1 =	vadd.f32 v27, v1  }
0x3f4: {  	v52 =	vld [tilespmem:$0xA170];
	v2 =	vadd.f32 v35, v2;
	v5 =	vadd.f32 v30, v5  }
0x3f5: {  	v48 =	vld [tilespmem:$0x9F90];
	v0 =	vadd.f32 v40, v0;
	v1 =	vadd.f32 v31, v1  }
0x3f6: {  	v37 =	vld [tilespmem:$0xA080];
	v2 =	vadd.f32 v41, v2;
	v5 =	vadd.f32 v38, v5  }
0x3f7: {  	v53 =	vld [tilespmem:$0xA180];
	v0 =	vadd.f32 v44, v0;
	v1 =	vadd.f32 v39, v1  }
0x3f8: {  	v34 =	vld [tilespmem:$0xA060];
	v2 =	vadd.f32 v45, v2;
	v5 =	vadd.f32 v42, v5  }
0x3f9: {  	v40 =	vld [tilespmem:$0xA0B0];
	v0 =	vadd.f32 v50, v0;
	v1 =	vadd.f32 v43, v1  }
0x3fa: {  	v44 =	vld [tilespmem:$0xA0F0];
	v2 =	vadd.f32 v51, v2;
	v5 =	vadd.f32 v46, v5  }
0x3fb: {  	v50 =	vld [tilespmem:$0xA150];
	v0 =	vadd.f32 v4, v0;
	v1 =	vadd.f32 v47, v1  }
0x3fc: {  	v41 =	vld [tilespmem:$0xA0C0];
	v2 =	vadd.f32 v6, v2;
	v5 =	vadd.f32 v54, v5  }
0x3fd: {  	v39 =	vld [tilespmem:$0xA0A0];
	v0 =	vadd.f32 v48, v0;
	v1 =	vadd.f32 v3, v1  }
0x3fe: {  	v45 =	vld [tilespmem:$0xA100];
	v2 =	vadd.f32 v49, v2;
	v5 =	vadd.f32 v16, v5  }
0x3ff: {  	v38 =	vld [tilespmem:$0xA090];
	v0 =	vadd.f32 v57, v0;
	v1 =	vadd.f32 v17, v1  }
0x400: {  	v48 =	vld [tilespmem:$0xA130];
	v2 =	vadd.f32 v58, v2;
	v5 =	vadd.f32 v55, v5  }
0x401: {  	v43 =	vld [tilespmem:$0xA0E0];
	v0 =	vadd.f32 v61, v0;
	v1 =	vadd.f32 v56, v1  }
0x402: {  	v42 =	vld [tilespmem:$0xA0D0];
	v2 =	vadd.f32 v62, v2;
	v5 =	vadd.f32 v59, v5  }
0x403: {  	v51 =	vld [tilespmem:$0xA160];
	v0 =	vadd.f32 v33, v0;
	v1 =	vadd.f32 v60, v1  }
0x404: {  	v46 =	vld [tilespmem:$0xA110];
	v2 =	vadd.f32 v34, v2;
	v5 =	vadd.f32 v63, v5  }
0x405: {  	v47 =	vld [tilespmem:$0xA120];
	v0 =	vadd.f32 v38, v0;
	v1 =	vadd.f32 v32, v1  }
0x406: {  	v49 =	vld [tilespmem:$0xA140];
	v2 =	vadd.f32 v39, v2;
	v5 =	vadd.f32 v36, v5  }
0x407: {  	v54 =	vld [tilespmem:$0xA190];
	v0 =	vadd.f32 v42, v0;
	v1 =	vadd.f32 v37, v1  }
0x408: {  	v58 =	vld [tilespmem:$0xA1D0];
	v2 =	vadd.f32 v43, v2;
	v5 =	vadd.f32 v40, v5  }
0x409: {  	v55 =	vld [tilespmem:$0xA1A0];
	v0 =	vadd.f32 v46, v0;
	v1 =	vadd.f32 v41, v1  }
0x40a: {  	v56 =	vld [tilespmem:$0xA1B0];
	v2 =	vadd.f32 v47, v2;
	v5 =	vadd.f32 v44, v5  }
0x40b: {  	v59 =	vld [tilespmem:$0xA1E0];
	v0 =	vadd.f32 v50, v0;
	v1 =	vadd.f32 v45, v1  }
0x40c: {  	v57 =	vld [tilespmem:$0xA1C0];
	v2 =	vadd.f32 v51, v2;
	v5 =	vadd.f32 v48, v5  }
0x40d: {  	v60 =	vld [tilespmem:$0xA1F0];
	v0 =	vadd.f32 v54, v0;
	v1 =	vadd.f32 v49, v1  }
0x40e: {  	v2 =	vadd.f32 v55, v2;
	v5 =	vadd.f32 v52, v5  }
0x40f: {  	v0 =	vadd.f32 v58, v0;
	v1 =	vadd.f32 v53, v1  }
0x410: {  	v2 =	vadd.f32 v59, v2;
	v61 =	vadd.f32 v56, v5  }
0x411: {  	v0 =	vmul.f32 $1.999999960e-02, v0;
	v1 =	vadd.f32 v57, v1  }
.Ltmp2:
0x412: {  	v62 =	vmul.f32 $1.999999960e-02, v2;
	v3 =	vadd.f32 v60, v61;
	(pc) =	sbr.rel @p0 .LBB2_4-.Ltmp2, $4  }
0x413: {  	[tilespmem:s23+$0x50] =	vst v0;
	v1 =	vmul.f32 $1.999999960e-02, v1  }
0x414: {  	[tilespmem:s23+$0x60] =	vst v62;
	v63 =	vmul.f32 $1.999999960e-02, v3  }
0x415: {  	[tilespmem:s23+$0x40] =	vst v1  }
0x416: {  	[tilespmem:s23+$0x70] =	vst v63  }
.Ltmp3:
0x417: {  	(pc) =	sbr.rel .LBB2_2-.Ltmp3, $4  }
0x418: {  	_ = 	snop  }
0x419: {  	s24 =	sshra.s32 s22, $0x2  }
0x41a: {  	s22 =	sadd.s32 $0x380, s22;
	s23 =	sadd.s32 $0x100, s23;
	s24 =	sadd.s32 $0x70A8, s24  }
0x41b: {  	[tilespmem:s15], [sflag:$0x4] =	stream.indirect.gather [hbm4b:s3+s8], $0x40, s24, s8, $0xb8;
	[tilespmem:$0x12200] =	vst v63  }
.LBB2_5:
0x41c: {  	_ =	sfence.sel $0x180000  }
0x41d: {  	[bflag:$0x0] =	sbarrier.arrive $0xFFFF  }
0x41e: {  	p0 =	sne.s32 s0, $0x0;
	_ =	strace $0x90000047  }
0x41f: {  	s0 =	sadd.s32 @!p0 $0x100000, s1;
	[bflag:$0x2] =	sbarrier.arrive $0xFFFF  }
0x420: {  	[sflag:s0] =	ssyncadd.tile.s32 @!p0 $0x1;
	_ =	shalt  }
.Lfunc_end2:
_tile_overlayer_lowered:
.L_overlay_start_2:
0x421: {  	(tag) =	ssettag $0x2  }
0x422: {  	s0 =	rddreg [dreg:$0x0];
	s2 =	stileid.u32  }
0x423: {  	s1 =	rddreg [dreg:$0x1];
	p0 =	sne.s32 s2, $0x0  }
0x424: {  	s3 =	rddreg [dreg:$0x2];
	[bflag:$0x3] =	sbarrier.arrive $0xFFFF;
	s2 =	simm.s32 @!p0 $0x1C05  }
0x425: {  	[timem:s3], [sflag:s2] =	dma.local @!p0 [hbm:s0], s1  }
0x426: {  	s0 =	simm.s32 @!p0 $0x5  }
0x427: {  	_ =	swait.ge @!p0 [sflag:s0], s1  }
0x428: {  	s1 =	ssub.s32 @!p0 $0x0, s1;
	[sflag:s0] =	ssyncset.done @!p0 $0x0  }
0x429: {  	[sflag:s0] =	ssyncadd.s32 @!p0 s1  }
0x42a: {  	[bflag:$0x3] =	sbarrier.arrive $0xFFFF  }
0x42b: {  	_ =	shalt  }

</sc_bundles>
